<compile_context>
chip_gen: v7x
topology: tpu7x:2x2x1
jax: 0.10.2.dev20260603
libtpu: 0.0.44.dev20260713+nightly
codegen_flags: <defaults>
</compile_context>

<pallas_src>
import functools

import jax
import jax.numpy as jnp
from jax import lax
from jax.experimental import pallas as pl
from jax.experimental.pallas import tpu as pltpu
from jax.experimental.pallas import tpu_sc as plsc

DIM = 64
CHUNK = 128


@functools.partial(jax.jit, static_argnums=(3, 4))
def _embed_sc(weight_pad, scale, flat_ids3, n_chunks, n_workers):
    mesh = plsc.VectorSubcoreMesh(core_axis_name="c", subcore_axis_name="s")
    n_per_w = n_chunks * CHUNK
    total = n_per_w * n_workers
    assert n_chunks % 2 == 0

    @functools.partial(
        pl.kernel,
        mesh=mesh,
        compiler_params=pltpu.CompilerParams(
            needs_layout_passes=False, use_tc_tiling_on_sc=True
        ),
        out_type=jax.ShapeDtypeStruct((total // 2, 2 * DIM), jnp.float32),
        scratch_types=[
            pltpu.VMEM((n_chunks, CHUNK), jnp.int32),
            pltpu.VMEM((n_chunks, CHUNK), jnp.int32),
            pltpu.VMEM((n_chunks, CHUNK), jnp.int32),
            pltpu.VMEM((CHUNK, 2 * DIM), jnp.int32),
            pltpu.VMEM((CHUNK, 2 * DIM), jnp.int32),
            pltpu.VMEM((CHUNK,), jnp.float32),
            pltpu.VMEM((CHUNK,), jnp.float32),
            pltpu.VMEM((CHUNK // 2, 2 * DIM), jnp.float32),
            pltpu.VMEM((CHUNK // 2, 2 * DIM), jnp.float32),
            pltpu.SemaphoreType.DMA,
            pltpu.SemaphoreType.DMA,
            pltpu.SemaphoreType.DMA,
            pltpu.SemaphoreType.DMA,
            pltpu.SemaphoreType.DMA,
            pltpu.SemaphoreType.DMA,
        ],
    )
    def k(w_hbm, s_hbm, ids_hbm, out_hbm, idx_v, idg_v, byp_v, rows0_v, rows1_v,
          sc0_v, sc1_v, outb0_v, outb1_v, sem_r0, sem_r1, sem_s0, sem_s1,
          sem_w0, sem_w1):
        wid = lax.axis_index("s") * 2 + lax.axis_index("c")
        base = wid * n_per_w
        pltpu.sync_copy(ids_hbm.at[wid], idx_v)

        w32_hbm = w_hbm.bitcast(jnp.int32)

        def pre_body(i, carry):
            c = i // (CHUNK // 16)
            off = (i % (CHUNK // 16)) * 16
            v = idx_v[c, pl.ds(off, 16)]
            idg_v[c, pl.ds(off, 16)] = v >> 2
            byp_v[c, pl.ds(off, 16)] = (v & 3) * 8
            return carry

        lax.fori_loop(0, n_chunks * (CHUNK // 16), pre_body, 0, unroll=4)

        def gather(c, rows_v, sc_v, sem_r, sem_s):
            cp_r = pltpu.async_copy(w32_hbm.at[idg_v.at[c]], rows_v, sem_r)
            cp_s = pltpu.async_copy(s_hbm.at[idx_v.at[c]], sc_v, sem_s)
            return cp_r, cp_s

        def dequant(c, rows_v, sc_v, outb_v):
            def row_body(r, carry2):
                rfull = jnp.full((16,), r, dtype=jnp.int32)
                s_bc = plsc.load_gather(sc_v, [rfull])
                cfull = jnp.full((16,), c, dtype=jnp.int32)
                sh_bc = plsc.load_gather(byp_v, [cfull, rfull])
                srow = r >> 1
                colb = (r & 1) * DIM
                for j in range(4):
                    w = rows_v[r, pl.ds(16 * j, 16)]
                    b = ((w >> sh_bc) << 24) >> 24
                    outb_v[srow, pl.ds(colb + 16 * j, 16)] = b.astype(jnp.float32) * s_bc
                return carry2

            lax.fori_loop(0, CHUNK, row_body, 0, unroll=8)

        def store(c, outb_v, sem_w):
            srow0 = pl.multiple_of((base + c * CHUNK) // 2, CHUNK // 2)
            return pltpu.async_copy(outb_v, out_hbm.at[pl.ds(srow0, CHUNK // 2)], sem_w)

        def wait_gather(c, rows_v, sc_v, sem_r, sem_s):
            pltpu.make_async_copy(w32_hbm.at[idg_v.at[c]], rows_v, sem_r).wait()
            pltpu.make_async_copy(s_hbm.at[idx_v.at[c]], sc_v, sem_s).wait()

        def wait_store(outb_v, sem_w):
            pltpu.make_async_copy(outb_v, out_hbm.at[pl.ds(0, CHUNK // 2)], sem_w).wait()

        gather(0, rows0_v, sc0_v, sem_r0, sem_s0)
        gather(1, rows1_v, sc1_v, sem_r1, sem_s1)
        wait_gather(0, rows0_v, sc0_v, sem_r0, sem_s0)
        dequant(0, rows0_v, sc0_v, outb0_v)
        store(0, outb0_v, sem_w0)
        gather(2, rows0_v, sc0_v, sem_r0, sem_s0)
        wait_gather(1, rows1_v, sc1_v, sem_r1, sem_s1)
        dequant(1, rows1_v, sc1_v, outb1_v)
        store(1, outb1_v, sem_w1)
        gather(3, rows1_v, sc1_v, sem_r1, sem_s1)

        def pair_body(c2, carry):
            c0 = c2 * 2
            c1 = c0 + 1
            wait_gather(c0, rows0_v, sc0_v, sem_r0, sem_s0)
            wait_store(outb0_v, sem_w0)
            dequant(c0, rows0_v, sc0_v, outb0_v)
            store(c0, outb0_v, sem_w0)
            gather(lax.rem(c0 + 2, n_chunks), rows0_v, sc0_v, sem_r0, sem_s0)
            wait_gather(c1, rows1_v, sc1_v, sem_r1, sem_s1)
            wait_store(outb1_v, sem_w1)
            dequant(c1, rows1_v, sc1_v, outb1_v)
            store(c1, outb1_v, sem_w1)
            gather(lax.rem(c1 + 2, n_chunks), rows1_v, sc1_v, sem_r1, sem_s1)
            return carry

        lax.fori_loop(1, n_chunks // 2, pair_body, 0)
        wait_gather(0, rows0_v, sc0_v, sem_r0, sem_s0)
        wait_gather(1, rows1_v, sc1_v, sem_r1, sem_s1)
        wait_store(outb0_v, sem_w0)
        wait_store(outb1_v, sem_w1)

    return k(weight_pad, scale, flat_ids3)


def kernel(weight_int8, scale, input_ids):
    B, T = input_ids.shape
    n = B * T
    n_workers = 32
    assert n % (n_workers * CHUNK) == 0
    n_chunks = n // (n_workers * CHUNK)
    flat3 = input_ids.reshape(n_workers, n_chunks, CHUNK)
    w_pad = jnp.pad(weight_int8, ((0, 0), (0, 2 * DIM - weight_int8.shape[1])))
    out = _embed_sc(w_pad, scale, flat3, n_chunks, n_workers)
    return out.reshape(B, T, DIM)

# --- scband reference (transcript-rebuilt; emitter-appended) ---
"""Pipeline reference for scband-quantized-embedding-int8-68461778698497 (READ-ONLY COPY).

The authoritative reference and input builder live on the scoring server;
editing this copy changes nothing except your own understanding.
"""

import jax, jax.numpy as jnp
import numpy as np

VOCAB = 1000000
DIM = 64
B = 4096
T = 50


def setup_inputs(seed: int = 0) -> dict:
    key = jax.random.key(seed)
    k1, k2, k3 = jax.random.split(key, 3)
    # Learned (quantized) parameters sized per init_kwargs
    weight_int8 = jax.random.randint(k1, (VOCAB, DIM), -127, 128, dtype=jnp.int8)
    scale = jax.random.uniform(k2, (VOCAB,), dtype=jnp.float32, minval=1e-4, maxval=0.05)
    # Forward arg
    input_ids = jax.random.randint(k3, (B, T), 0, VOCAB, dtype=jnp.int32)
    return {"weight_int8": weight_int8, "scale": scale, "input_ids": input_ids}


def reference(weight_int8, scale, input_ids):
    # Faithful translation of QuantizedEmbeddingINT8.forward
    flat = input_ids.reshape(-1)
    rows = jnp.take(weight_int8, flat, axis=0).astype(jnp.float32)  # gather int8 rows -> float
    s = jnp.take(scale, flat, axis=0)[:, None]                       # gather per-row scales
    rows = rows * s                                                   # dequantize only used rows
    Bq, Tq = input_ids.shape
    D = rows.shape[-1]
    return rows.reshape(Bq, Tq, D)

if __name__ == "__main__":
    import jax
    _d = setup_inputs()
    print(jax.jit(kernel)(*tuple(_d.values())))

</pallas_src>

<mosaic_0001>
#map = affine_map<(d0, d1) -> (0, 0)>
#map1 = affine_map<(d0, d1) -> (0)>
#map2 = affine_map<(d0, d1) -> (0, 0, 0)>
module attributes {stable_mosaic.version = 14 : i64} {
  func.func @k(%arg0: i32, %arg1: i32, %arg2: memref<1000000x128xi8, #tpu.memory_space<hbm>>, %arg3: memref<1000000xf32, #tpu.memory_space<hbm>>, %arg4: memref<32x50x128xi32, #tpu.memory_space<hbm>>, %arg5: memref<102400x128xf32, #tpu.memory_space<hbm>>, %arg6: memref<50x128xi32, #tpu.memory_space<vmem>>, %arg7: memref<50x128xi32, #tpu.memory_space<vmem>>, %arg8: memref<50x128xi32, #tpu.memory_space<vmem>>, %arg9: memref<128x128xi32, #tpu.memory_space<vmem>>, %arg10: memref<128x128xi32, #tpu.memory_space<vmem>>, %arg11: memref<128xf32, #tpu.memory_space<vmem>>, %arg12: memref<128xf32, #tpu.memory_space<vmem>>, %arg13: memref<64x128xf32, #tpu.memory_space<vmem>>, %arg14: memref<64x128xf32, #tpu.memory_space<vmem>>, %arg15: memref<!tpu.dma_semaphore, #tpu.memory_space<semaphore_mem>>, %arg16: memref<!tpu.dma_semaphore, #tpu.memory_space<semaphore_mem>>, %arg17: memref<!tpu.dma_semaphore, #tpu.memory_space<semaphore_mem>>, %arg18: memref<!tpu.dma_semaphore, #tpu.memory_space<semaphore_mem>>, %arg19: memref<!tpu.dma_semaphore, #tpu.memory_space<semaphore_mem>>, %arg20: memref<!tpu.dma_semaphore, #tpu.memory_space<semaphore_mem>>) attributes {dimension_semantics = [#tpu.dimension_semantics<core_parallel>, #tpu.dimension_semantics<subcore_parallel>], iteration_bounds = array<i64: 2, 16>, scalar_prefetch = 0 : i64, scratch_operands = 15 : i64, tpu.core_type = #tpu.core_type<sc_vector_subcore>, window_params = [{transform_indices = #map}, {transform_indices = #map1}, {transform_indices = #map2}, {transform_indices = #map}]} {
    %mul3A = arith.constant 2 : i32
    %mul3A_0 = arith.muli %arg1, %mul3A : i32
    %add3A = arith.addi %mul3A_0, %arg0 : i32
    %mul3A_1 = arith.constant 6400 : i32
    %mul3A_2 = arith.muli %add3A, %mul3A_1 : i32
    "tpu.region"() ({
      %run_scoped3A = tpu.sem_alloc : memref<!tpu.dma_semaphore, #tpu.memory_space<semaphore_mem>>
      %dma_start3A_201 = arith.constant 0 : i32
      %dma_start3A_202 = arith.constant 0 : i32
      %dma_start3A_203 = tpu.memref_slice %arg4[%add3A, %dma_start3A_201, %dma_start3A_202] : memref<32x50x128xi32, #tpu.memory_space<hbm>> -> memref<1x50x128xi32, #tpu.memory_space<hbm>>
      %dma_start3A_204 = tpu.memref_squeeze %dma_start3A_203 : memref<1x50x128xi32, #tpu.memory_space<hbm>> -> memref<50x128xi32, #tpu.memory_space<hbm>>
      %dma_start3A_205 = arith.constant 0 : i32
      %dma_start3A_206 = arith.constant 0 : i32
      %dma_start3A_207 = tpu.memref_slice %arg4[%add3A, %dma_start3A_205, %dma_start3A_206] : memref<32x50x128xi32, #tpu.memory_space<hbm>> -> memref<1x50x128xi32, #tpu.memory_space<hbm>>
      %dma_start3A_208 = tpu.memref_squeeze %dma_start3A_207 : memref<1x50x128xi32, #tpu.memory_space<hbm>> -> memref<50x128xi32, #tpu.memory_space<hbm>>
      tpu.enqueue_dma source(%dma_start3A_208 : memref<50x128xi32, #tpu.memory_space<hbm>>) target(%arg6 : memref<50x128xi32, #tpu.memory_space<vmem>>) target_semaphore(%run_scoped3A : memref<!tpu.dma_semaphore, #tpu.memory_space<semaphore_mem>>)
      %dma_wait3A_209 = arith.constant 0 : i32
      %dma_wait3A_210 = arith.constant 0 : i32
      %dma_wait3A_211 = tpu.memref_slice %arg4[%add3A, %dma_wait3A_209, %dma_wait3A_210] : memref<32x50x128xi32, #tpu.memory_space<hbm>> -> memref<1x50x128xi32, #tpu.memory_space<hbm>>
      %dma_wait3A_212 = tpu.memref_squeeze %dma_wait3A_211 : memref<1x50x128xi32, #tpu.memory_space<hbm>> -> memref<50x128xi32, #tpu.memory_space<hbm>>
      %dma_wait3A_213 = arith.constant 0 : i32
      %dma_wait3A_214 = arith.constant 0 : i32
      %dma_wait3A_215 = tpu.memref_slice %arg4[%add3A, %dma_wait3A_213, %dma_wait3A_214] : memref<32x50x128xi32, #tpu.memory_space<hbm>> -> memref<1x50x128xi32, #tpu.memory_space<hbm>>
      %dma_wait3A_216 = tpu.memref_squeeze %dma_wait3A_215 : memref<1x50x128xi32, #tpu.memory_space<hbm>> -> memref<50x128xi32, #tpu.memory_space<hbm>>
      tpu.wait_dma2 semaphore(%run_scoped3A : memref<!tpu.dma_semaphore, #tpu.memory_space<semaphore_mem>>) src(%dma_wait3A_216 : memref<50x128xi32, #tpu.memory_space<hbm>>) dst(%arg6 : memref<50x128xi32, #tpu.memory_space<vmem>>)
      tpu.yield
    }) : () -> ()
    %scan3A = arith.constant 0 : i32
    %scan3A_3 = arith.constant 0 : i32
    %scan3A_4 = arith.constant 400 : i32
    %scan3A_5 = arith.addi %scan3A_3, %scan3A_4 : i32
    %scan3A_6 = arith.constant 4 : i32
    scf.for %scan3A_201 = %scan3A_3 to %scan3A_5 step %scan3A_6  : i32 {
      %jit3A_202 = arith.constant 8 : i32
      %div3A_203 = arith.divsi %scan3A_201, %jit3A_202 : i32
      %sign3A_204 = arith.constant 0 : i32
      %sign3A_205 = arith.cmpi sgt, %scan3A_201, %sign3A_204 : i32
      %sign3A_206 = arith.extui %sign3A_205 : i1 to i32
      %sign3A_207 = arith.constant 0 : i32
      %sign3A_208 = arith.cmpi slt, %scan3A_201, %sign3A_207 : i32
      %sign3A_209 = arith.extui %sign3A_208 : i1 to i32
      %sign3A_210 = arith.subi %sign3A_206, %sign3A_209 : i32
      %sign3A_211 = arith.constant 0 : i32
      %sign3A_212 = arith.cmpi sgt, %jit3A_202, %sign3A_211 : i32
      %sign3A_213 = arith.extui %sign3A_212 : i1 to i32
      %sign3A_214 = arith.constant 0 : i32
      %sign3A_215 = arith.cmpi slt, %jit3A_202, %sign3A_214 : i32
      %sign3A_216 = arith.extui %sign3A_215 : i1 to i32
      %sign3A_217 = arith.subi %sign3A_213, %sign3A_216 : i32
      %ne3A_218 = arith.cmpi ne, %sign3A_210, %sign3A_217 : i32
      %rem3A_219 = arith.remsi %scan3A_201, %jit3A_202 : i32
      %ne3A_220 = arith.constant 0 : i32
      %ne3A_221 = arith.cmpi ne, %rem3A_219, %ne3A_220 : i32
      %and3A_222 = arith.andi %ne3A_218, %ne3A_221 : i1
      %sub3A_223 = arith.constant 1 : i32
      %sub3A_224 = arith.subi %div3A_203, %sub3A_223 : i32
      %select_n3A_225 = arith.select %and3A_222, %sub3A_224, %div3A_203 : i32
      %jit3A_226 = arith.constant 8 : i32
      %eq3A = arith.constant 0 : i32
      %eq3A_227 = arith.cmpi eq, %jit3A_226, %eq3A : i32
      %jit3A_228 = arith.constant 1 : i32
      %select_n3A_229 = arith.select %eq3A_227, %jit3A_228, %jit3A_226 : i32
      %rem3A_230 = arith.remsi %scan3A_201, %select_n3A_229 : i32
      %ne3A_231 = arith.constant 0 : i32
      %ne3A_232 = arith.cmpi ne, %rem3A_230, %ne3A_231 : i32
      %lt3A = arith.constant 0 : i32
      %lt3A_233 = arith.cmpi slt, %rem3A_230, %lt3A : i32
      %lt3A_234 = arith.constant 0 : i32
      %lt3A_235 = arith.cmpi slt, %select_n3A_229, %lt3A_234 : i32
      %ne3A_236 = arith.xori %lt3A_233, %lt3A_235 : i1
      %and3A_237 = arith.andi %ne3A_236, %ne3A_232 : i1
      %add3A_238 = arith.addi %rem3A_230, %select_n3A_229 : i32
      %select_n3A_239 = arith.select %and3A_237, %add3A_238, %rem3A_230 : i32
      %mul3A_240 = arith.constant 16 : i32
      %mul3A_241 = arith.muli %select_n3A_239, %mul3A_240 : i32
      %get3A = arith.index_cast %select_n3A_225 : i32 to index
      %get3A_242 = arith.index_cast %mul3A_241 : i32 to index
      %get3A_243 = tpu.vector_load %arg6[%get3A, %get3A_242] {strides = array<i32>} : memref<50x128xi32, #tpu.memory_space<vmem>>, vector<16xi32>,
      %shift_right_arithmetic3A = arith.constant 2 : i32
      %shift_right_arithmetic3A_244 = vector.broadcast %shift_right_arithmetic3A : i32 to vector<16xi32>
      %shift_right_arithmetic3A_245 = arith.shrsi %get3A_243, %shift_right_arithmetic3A_244 : vector<16xi32>
      %swap3A = arith.index_cast %select_n3A_225 : i32 to index
      %swap3A_246 = arith.index_cast %mul3A_241 : i32 to index
      %swap3A_247 = tpu.vector_load %arg7[%swap3A, %swap3A_246] {strides = array<i32>} : memref<50x128xi32, #tpu.memory_space<vmem>>, vector<16xi32>,
      tpu.vector_store %arg7[%swap3A, %swap3A_246], %shift_right_arithmetic3A_245 {strides = array<i32>} : memref<50x128xi32, #tpu.memory_space<vmem>>, vector<16xi32>,
      %and3A_248 = arith.constant 3 : i32
      %and3A_249 = vector.broadcast %and3A_248 : i32 to vector<16xi32>
      %and3A_250 = arith.andi %get3A_243, %and3A_249 : vector<16xi32>
      %mul3A_251 = arith.constant 8 : i32
      %mul3A_252 = vector.broadcast %mul3A_251 : i32 to vector<16xi32>
      %mul3A_253 = arith.muli %and3A_250, %mul3A_252 : vector<16xi32>
      %swap3A_254 = arith.index_cast %select_n3A_225 : i32 to index
      %swap3A_255 = arith.index_cast %mul3A_241 : i32 to index
      %swap3A_256 = tpu.vector_load %arg8[%swap3A_254, %swap3A_255] {strides = array<i32>} : memref<50x128xi32, #tpu.memory_space<vmem>>, vector<16xi32>,
      tpu.vector_store %arg8[%swap3A_254, %swap3A_255], %mul3A_253 {strides = array<i32>} : memref<50x128xi32, #tpu.memory_space<vmem>>, vector<16xi32>,
      %scan3A_257 = arith.constant 1 : i32
      %scan3A_258 = arith.addi %scan3A_201, %scan3A_257 : i32
      %jit3A_259 = arith.constant 8 : i32
      %div3A_260 = arith.divsi %scan3A_258, %jit3A_259 : i32
      %sign3A_261 = arith.constant 0 : i32
      %sign3A_262 = arith.cmpi sgt, %scan3A_258, %sign3A_261 : i32
      %sign3A_263 = arith.extui %sign3A_262 : i1 to i32
      %sign3A_264 = arith.constant 0 : i32
      %sign3A_265 = arith.cmpi slt, %scan3A_258, %sign3A_264 : i32
      %sign3A_266 = arith.extui %sign3A_265 : i1 to i32
      %sign3A_267 = arith.subi %sign3A_263, %sign3A_266 : i32
      %sign3A_268 = arith.constant 0 : i32
      %sign3A_269 = arith.cmpi sgt, %jit3A_259, %sign3A_268 : i32
      %sign3A_270 = arith.extui %sign3A_269 : i1 to i32
      %sign3A_271 = arith.constant 0 : i32
      %sign3A_272 = arith.cmpi slt, %jit3A_259, %sign3A_271 : i32
      %sign3A_273 = arith.extui %sign3A_272 : i1 to i32
      %sign3A_274 = arith.subi %sign3A_270, %sign3A_273 : i32
      %ne3A_275 = arith.cmpi ne, %sign3A_267, %sign3A_274 : i32
      %rem3A_276 = arith.remsi %scan3A_258, %jit3A_259 : i32
      %ne3A_277 = arith.constant 0 : i32
      %ne3A_278 = arith.cmpi ne, %rem3A_276, %ne3A_277 : i32
      %and3A_279 = arith.andi %ne3A_275, %ne3A_278 : i1
      %sub3A_280 = arith.constant 1 : i32
      %sub3A_281 = arith.subi %div3A_260, %sub3A_280 : i32
      %select_n3A_282 = arith.select %and3A_279, %sub3A_281, %div3A_260 : i32
      %jit3A_283 = arith.constant 8 : i32
      %eq3A_284 = arith.constant 0 : i32
      %eq3A_285 = arith.cmpi eq, %jit3A_283, %eq3A_284 : i32
      %jit3A_286 = arith.constant 1 : i32
      %select_n3A_287 = arith.select %eq3A_285, %jit3A_286, %jit3A_283 : i32
      %rem3A_288 = arith.remsi %scan3A_258, %select_n3A_287 : i32
      %ne3A_289 = arith.constant 0 : i32
      %ne3A_290 = arith.cmpi ne, %rem3A_288, %ne3A_289 : i32
      %lt3A_291 = arith.constant 0 : i32
      %lt3A_292 = arith.cmpi slt, %rem3A_288, %lt3A_291 : i32
      %lt3A_293 = arith.constant 0 : i32
      %lt3A_294 = arith.cmpi slt, %select_n3A_287, %lt3A_293 : i32
      %ne3A_295 = arith.xori %lt3A_292, %lt3A_294 : i1
      %and3A_296 = arith.andi %ne3A_295, %ne3A_290 : i1
      %add3A_297 = arith.addi %rem3A_288, %select_n3A_287 : i32
      %select_n3A_298 = arith.select %and3A_296, %add3A_297, %rem3A_288 : i32
      %mul3A_299 = arith.constant 16 : i32
      %mul3A_300 = arith.muli %select_n3A_298, %mul3A_299 : i32
      %get3A_301 = arith.index_cast %select_n3A_282 : i32 to index
      %get3A_302 = arith.index_cast %mul3A_300 : i32 to index
      %get3A_303 = tpu.vector_load %arg6[%get3A_301, %get3A_302] {strides = array<i32>} : memref<50x128xi32, #tpu.memory_space<vmem>>, vector<16xi32>,
      %shift_right_arithmetic3A_304 = arith.constant 2 : i32
      %shift_right_arithmetic3A_305 = vector.broadcast %shift_right_arithmetic3A_304 : i32 to vector<16xi32>
      %shift_right_arithmetic3A_306 = arith.shrsi %get3A_303, %shift_right_arithmetic3A_305 : vector<16xi32>
      %swap3A_307 = arith.index_cast %select_n3A_282 : i32 to index
      %swap3A_308 = arith.index_cast %mul3A_300 : i32 to index
      %swap3A_309 = tpu.vector_load %arg7[%swap3A_307, %swap3A_308] {strides = array<i32>} : memref<50x128xi32, #tpu.memory_space<vmem>>, vector<16xi32>,
      tpu.vector_store %arg7[%swap3A_307, %swap3A_308], %shift_right_arithmetic3A_306 {strides = array<i32>} : memref<50x128xi32, #tpu.memory_space<vmem>>, vector<16xi32>,
      %and3A_310 = arith.constant 3 : i32
      %and3A_311 = vector.broadcast %and3A_310 : i32 to vector<16xi32>
      %and3A_312 = arith.andi %get3A_303, %and3A_311 : vector<16xi32>
      %mul3A_313 = arith.constant 8 : i32
      %mul3A_314 = vector.broadcast %mul3A_313 : i32 to vector<16xi32>
      %mul3A_315 = arith.muli %and3A_312, %mul3A_314 : vector<16xi32>
      %swap3A_316 = arith.index_cast %select_n3A_282 : i32 to index
      %swap3A_317 = arith.index_cast %mul3A_300 : i32 to index
      %swap3A_318 = tpu.vector_load %arg8[%swap3A_316, %swap3A_317] {strides = array<i32>} : memref<50x128xi32, #tpu.memory_space<vmem>>, vector<16xi32>,
      tpu.vector_store %arg8[%swap3A_316, %swap3A_317], %mul3A_315 {strides = array<i32>} : memref<50x128xi32, #tpu.memory_space<vmem>>, vector<16xi32>,
      %scan3A_319 = arith.constant 2 : i32
      %scan3A_320 = arith.addi %scan3A_201, %scan3A_319 : i32
      %jit3A_321 = arith.constant 8 : i32
      %div3A_322 = arith.divsi %scan3A_320, %jit3A_321 : i32
      %sign3A_323 = arith.constant 0 : i32
      %sign3A_324 = arith.cmpi sgt, %scan3A_320, %sign3A_323 : i32
      %sign3A_325 = arith.extui %sign3A_324 : i1 to i32
      %sign3A_326 = arith.constant 0 : i32
      %sign3A_327 = arith.cmpi slt, %scan3A_320, %sign3A_326 : i32
      %sign3A_328 = arith.extui %sign3A_327 : i1 to i32
      %sign3A_329 = arith.subi %sign3A_325, %sign3A_328 : i32
      %sign3A_330 = arith.constant 0 : i32
      %sign3A_331 = arith.cmpi sgt, %jit3A_321, %sign3A_330 : i32
      %sign3A_332 = arith.extui %sign3A_331 : i1 to i32
      %sign3A_333 = arith.constant 0 : i32
      %sign3A_334 = arith.cmpi slt, %jit3A_321, %sign3A_333 : i32
      %sign3A_335 = arith.extui %sign3A_334 : i1 to i32
      %sign3A_336 = arith.subi %sign3A_332, %sign3A_335 : i32
      %ne3A_337 = arith.cmpi ne, %sign3A_329, %sign3A_336 : i32
      %rem3A_338 = arith.remsi %scan3A_320, %jit3A_321 : i32
      %ne3A_339 = arith.constant 0 : i32
      %ne3A_340 = arith.cmpi ne, %rem3A_338, %ne3A_339 : i32
      %and3A_341 = arith.andi %ne3A_337, %ne3A_340 : i1
      %sub3A_342 = arith.constant 1 : i32
      %sub3A_343 = arith.subi %div3A_322, %sub3A_342 : i32
      %select_n3A_344 = arith.select %and3A_341, %sub3A_343, %div3A_322 : i32
      %jit3A_345 = arith.constant 8 : i32
      %eq3A_346 = arith.constant 0 : i32
      %eq3A_347 = arith.cmpi eq, %jit3A_345, %eq3A_346 : i32
      %jit3A_348 = arith.constant 1 : i32
      %select_n3A_349 = arith.select %eq3A_347, %jit3A_348, %jit3A_345 : i32
      %rem3A_350 = arith.remsi %scan3A_320, %select_n3A_349 : i32
      %ne3A_351 = arith.constant 0 : i32
      %ne3A_352 = arith.cmpi ne, %rem3A_350, %ne3A_351 : i32
      %lt3A_353 = arith.constant 0 : i32
      %lt3A_354 = arith.cmpi slt, %rem3A_350, %lt3A_353 : i32
      %lt3A_355 = arith.constant 0 : i32
      %lt3A_356 = arith.cmpi slt, %select_n3A_349, %lt3A_355 : i32
      %ne3A_357 = arith.xori %lt3A_354, %lt3A_356 : i1
      %and3A_358 = arith.andi %ne3A_357, %ne3A_352 : i1
      %add3A_359 = arith.addi %rem3A_350, %select_n3A_349 : i32
      %select_n3A_360 = arith.select %and3A_358, %add3A_359, %rem3A_350 : i32
      %mul3A_361 = arith.constant 16 : i32
      %mul3A_362 = arith.muli %select_n3A_360, %mul3A_361 : i32
      %get3A_363 = arith.index_cast %select_n3A_344 : i32 to index
      %get3A_364 = arith.index_cast %mul3A_362 : i32 to index
      %get3A_365 = tpu.vector_load %arg6[%get3A_363, %get3A_364] {strides = array<i32>} : memref<50x128xi32, #tpu.memory_space<vmem>>, vector<16xi32>,
      %shift_right_arithmetic3A_366 = arith.constant 2 : i32
      %shift_right_arithmetic3A_367 = vector.broadcast %shift_right_arithmetic3A_366 : i32 to vector<16xi32>
      %shift_right_arithmetic3A_368 = arith.shrsi %get3A_365, %shift_right_arithmetic3A_367 : vector<16xi32>
      %swap3A_369 = arith.index_cast %select_n3A_344 : i32 to index
      %swap3A_370 = arith.index_cast %mul3A_362 : i32 to index
      %swap3A_371 = tpu.vector_load %arg7[%swap3A_369, %swap3A_370] {strides = array<i32>} : memref<50x128xi32, #tpu.memory_space<vmem>>, vector<16xi32>,
      tpu.vector_store %arg7[%swap3A_369, %swap3A_370], %shift_right_arithmetic3A_368 {strides = array<i32>} : memref<50x128xi32, #tpu.memory_space<vmem>>, vector<16xi32>,
      %and3A_372 = arith.constant 3 : i32
      %and3A_373 = vector.broadcast %and3A_372 : i32 to vector<16xi32>
      %and3A_374 = arith.andi %get3A_365, %and3A_373 : vector<16xi32>
      %mul3A_375 = arith.constant 8 : i32
      %mul3A_376 = vector.broadcast %mul3A_375 : i32 to vector<16xi32>
      %mul3A_377 = arith.muli %and3A_374, %mul3A_376 : vector<16xi32>
      %swap3A_378 = arith.index_cast %select_n3A_344 : i32 to index
      %swap3A_379 = arith.index_cast %mul3A_362 : i32 to index
      %swap3A_380 = tpu.vector_load %arg8[%swap3A_378, %swap3A_379] {strides = array<i32>} : memref<50x128xi32, #tpu.memory_space<vmem>>, vector<16xi32>,
      tpu.vector_store %arg8[%swap3A_378, %swap3A_379], %mul3A_377 {strides = array<i32>} : memref<50x128xi32, #tpu.memory_space<vmem>>, vector<16xi32>,
      %scan3A_381 = arith.constant 3 : i32
      %scan3A_382 = arith.addi %scan3A_201, %scan3A_381 : i32
      %jit3A_383 = arith.constant 8 : i32
      %div3A_384 = arith.divsi %scan3A_382, %jit3A_383 : i32
      %sign3A_385 = arith.constant 0 : i32
      %sign3A_386 = arith.cmpi sgt, %scan3A_382, %sign3A_385 : i32
      %sign3A_387 = arith.extui %sign3A_386 : i1 to i32
      %sign3A_388 = arith.constant 0 : i32
      %sign3A_389 = arith.cmpi slt, %scan3A_382, %sign3A_388 : i32
      %sign3A_390 = arith.extui %sign3A_389 : i1 to i32
      %sign3A_391 = arith.subi %sign3A_387, %sign3A_390 : i32
      %sign3A_392 = arith.constant 0 : i32
      %sign3A_393 = arith.cmpi sgt, %jit3A_383, %sign3A_392 : i32
      %sign3A_394 = arith.extui %sign3A_393 : i1 to i32
      %sign3A_395 = arith.constant 0 : i32
      %sign3A_396 = arith.cmpi slt, %jit3A_383, %sign3A_395 : i32
      %sign3A_397 = arith.extui %sign3A_396 : i1 to i32
      %sign3A_398 = arith.subi %sign3A_394, %sign3A_397 : i32
      %ne3A_399 = arith.cmpi ne, %sign3A_391, %sign3A_398 : i32
      %rem3A_400 = arith.remsi %scan3A_382, %jit3A_383 : i32
      %ne3A_401 = arith.constant 0 : i32
      %ne3A_402 = arith.cmpi ne, %rem3A_400, %ne3A_401 : i32
      %and3A_403 = arith.andi %ne3A_399, %ne3A_402 : i1
      %sub3A_404 = arith.constant 1 : i32
      %sub3A_405 = arith.subi %div3A_384, %sub3A_404 : i32
      %select_n3A_406 = arith.select %and3A_403, %sub3A_405, %div3A_384 : i32
      %jit3A_407 = arith.constant 8 : i32
      %eq3A_408 = arith.constant 0 : i32
      %eq3A_409 = arith.cmpi eq, %jit3A_407, %eq3A_408 : i32
      %jit3A_410 = arith.constant 1 : i32
      %select_n3A_411 = arith.select %eq3A_409, %jit3A_410, %jit3A_407 : i32
      %rem3A_412 = arith.remsi %scan3A_382, %select_n3A_411 : i32
      %ne3A_413 = arith.constant 0 : i32
      %ne3A_414 = arith.cmpi ne, %rem3A_412, %ne3A_413 : i32
      %lt3A_415 = arith.constant 0 : i32
      %lt3A_416 = arith.cmpi slt, %rem3A_412, %lt3A_415 : i32
      %lt3A_417 = arith.constant 0 : i32
      %lt3A_418 = arith.cmpi slt, %select_n3A_411, %lt3A_417 : i32
      %ne3A_419 = arith.xori %lt3A_416, %lt3A_418 : i1
      %and3A_420 = arith.andi %ne3A_419, %ne3A_414 : i1
      %add3A_421 = arith.addi %rem3A_412, %select_n3A_411 : i32
      %select_n3A_422 = arith.select %and3A_420, %add3A_421, %rem3A_412 : i32
      %mul3A_423 = arith.constant 16 : i32
      %mul3A_424 = arith.muli %select_n3A_422, %mul3A_423 : i32
      %get3A_425 = arith.index_cast %select_n3A_406 : i32 to index
      %get3A_426 = arith.index_cast %mul3A_424 : i32 to index
      %get3A_427 = tpu.vector_load %arg6[%get3A_425, %get3A_426] {strides = array<i32>} : memref<50x128xi32, #tpu.memory_space<vmem>>, vector<16xi32>,
      %shift_right_arithmetic3A_428 = arith.constant 2 : i32
      %shift_right_arithmetic3A_429 = vector.broadcast %shift_right_arithmetic3A_428 : i32 to vector<16xi32>
      %shift_right_arithmetic3A_430 = arith.shrsi %get3A_427, %shift_right_arithmetic3A_429 : vector<16xi32>
      %swap3A_431 = arith.index_cast %select_n3A_406 : i32 to index
      %swap3A_432 = arith.index_cast %mul3A_424 : i32 to index
      %swap3A_433 = tpu.vector_load %arg7[%swap3A_431, %swap3A_432] {strides = array<i32>} : memref<50x128xi32, #tpu.memory_space<vmem>>, vector<16xi32>,
      tpu.vector_store %arg7[%swap3A_431, %swap3A_432], %shift_right_arithmetic3A_430 {strides = array<i32>} : memref<50x128xi32, #tpu.memory_space<vmem>>, vector<16xi32>,
      %and3A_434 = arith.constant 3 : i32
      %and3A_435 = vector.broadcast %and3A_434 : i32 to vector<16xi32>
      %and3A_436 = arith.andi %get3A_427, %and3A_435 : vector<16xi32>
      %mul3A_437 = arith.constant 8 : i32
      %mul3A_438 = vector.broadcast %mul3A_437 : i32 to vector<16xi32>
      %mul3A_439 = arith.muli %and3A_436, %mul3A_438 : vector<16xi32>
      %swap3A_440 = arith.index_cast %select_n3A_406 : i32 to index
      %swap3A_441 = arith.index_cast %mul3A_424 : i32 to index
      %swap3A_442 = tpu.vector_load %arg8[%swap3A_440, %swap3A_441] {strides = array<i32>} : memref<50x128xi32, #tpu.memory_space<vmem>>, vector<16xi32>,
      tpu.vector_store %arg8[%swap3A_440, %swap3A_441], %mul3A_439 {strides = array<i32>} : memref<50x128xi32, #tpu.memory_space<vmem>>, vector<16xi32>,
    }
    %scan3A_7 = arith.constant 400 : i32
    %dma_start3A = arith.constant 0 : i32
    %dma_start3A_8 = arith.constant 0 : i32
    %dma_start3A_9 = tpu.memref_slice %arg7[%dma_start3A, %dma_start3A_8] : memref<50x128xi32, #tpu.memory_space<vmem>> -> memref<1x128xi32, #tpu.memory_space<vmem>>
    %dma_start3A_10 = tpu.memref_squeeze %dma_start3A_9 : memref<1x128xi32, #tpu.memory_space<vmem>> -> memref<128xi32, #tpu.memory_space<vmem>>
    %dma_start3A_11 = tpu.memref_bitcast %arg2 : memref<1000000x128xi8, #tpu.memory_space<hbm>> -> memref<250000x128xi32, #tpu.memory_space<hbm>>
    %dma_start3A_12 = arith.constant 0 : i32
    %dma_start3A_13 = arith.constant 0 : i32
    %dma_start3A_14 = tpu.memref_slice %dma_start3A_11[%dma_start3A_12, %dma_start3A_13] : memref<250000x128xi32, #tpu.memory_space<hbm>> -> memref<250000x128xi32, #tpu.memory_space<hbm>>
    tpu.enqueue_indirect_dma source(%dma_start3A_14 : memref<250000x128xi32, #tpu.memory_space<hbm>>) target(%arg9 : memref<128x128xi32, #tpu.memory_space<vmem>>) offsets(%dma_start3A_10 : memref<128xi32, #tpu.memory_space<vmem>>) semaphore(%arg15 : memref<!tpu.dma_semaphore, #tpu.memory_space<semaphore_mem>>)
    %dma_start3A_15 = arith.constant 0 : i32
    %dma_start3A_16 = arith.constant 0 : i32
    %dma_start3A_17 = tpu.memref_slice %arg6[%dma_start3A_15, %dma_start3A_16] : memref<50x128xi32, #tpu.memory_space<vmem>> -> memref<1x128xi32, #tpu.memory_space<vmem>>
    %dma_start3A_18 = tpu.memref_squeeze %dma_start3A_17 : memref<1x128xi32, #tpu.memory_space<vmem>> -> memref<128xi32, #tpu.memory_space<vmem>>
    %dma_start3A_19 = arith.constant 0 : i32
    %dma_start3A_20 = tpu.memref_slice %arg3[%dma_start3A_19] : memref<1000000xf32, #tpu.memory_space<hbm>> -> memref<1000000xf32, #tpu.memory_space<hbm>>
    tpu.enqueue_indirect_dma source(%dma_start3A_20 : memref<1000000xf32, #tpu.memory_space<hbm>>) target(%arg11 : memref<128xf32, #tpu.memory_space<vmem>>) offsets(%dma_start3A_18 : memref<128xi32, #tpu.memory_space<vmem>>) semaphore(%arg17 : memref<!tpu.dma_semaphore, #tpu.memory_space<semaphore_mem>>)
    %dma_start3A_21 = arith.constant 1 : i32
    %dma_start3A_22 = arith.constant 0 : i32
    %dma_start3A_23 = tpu.memref_slice %arg7[%dma_start3A_21, %dma_start3A_22] : memref<50x128xi32, #tpu.memory_space<vmem>> -> memref<1x128xi32, #tpu.memory_space<vmem>>
    %dma_start3A_24 = tpu.memref_squeeze %dma_start3A_23 : memref<1x128xi32, #tpu.memory_space<vmem>> -> memref<128xi32, #tpu.memory_space<vmem>>
    %dma_start3A_25 = tpu.memref_bitcast %arg2 : memref<1000000x128xi8, #tpu.memory_space<hbm>> -> memref<250000x128xi32, #tpu.memory_space<hbm>>
    %dma_start3A_26 = arith.constant 0 : i32
    %dma_start3A_27 = arith.constant 0 : i32
    %dma_start3A_28 = tpu.memref_slice %dma_start3A_25[%dma_start3A_26, %dma_start3A_27] : memref<250000x128xi32, #tpu.memory_space<hbm>> -> memref<250000x128xi32, #tpu.memory_space<hbm>>
    tpu.enqueue_indirect_dma source(%dma_start3A_28 : memref<250000x128xi32, #tpu.memory_space<hbm>>) target(%arg10 : memref<128x128xi32, #tpu.memory_space<vmem>>) offsets(%dma_start3A_24 : memref<128xi32, #tpu.memory_space<vmem>>) semaphore(%arg16 : memref<!tpu.dma_semaphore, #tpu.memory_space<semaphore_mem>>)
    %dma_start3A_29 = arith.constant 1 : i32
    %dma_start3A_30 = arith.constant 0 : i32
    %dma_start3A_31 = tpu.memref_slice %arg6[%dma_start3A_29, %dma_start3A_30] : memref<50x128xi32, #tpu.memory_space<vmem>> -> memref<1x128xi32, #tpu.memory_space<vmem>>
    %dma_start3A_32 = tpu.memref_squeeze %dma_start3A_31 : memref<1x128xi32, #tpu.memory_space<vmem>> -> memref<128xi32, #tpu.memory_space<vmem>>
    %dma_start3A_33 = arith.constant 0 : i32
    %dma_start3A_34 = tpu.memref_slice %arg3[%dma_start3A_33] : memref<1000000xf32, #tpu.memory_space<hbm>> -> memref<1000000xf32, #tpu.memory_space<hbm>>
    tpu.enqueue_indirect_dma source(%dma_start3A_34 : memref<1000000xf32, #tpu.memory_space<hbm>>) target(%arg12 : memref<128xf32, #tpu.memory_space<vmem>>) offsets(%dma_start3A_32 : memref<128xi32, #tpu.memory_space<vmem>>) semaphore(%arg18 : memref<!tpu.dma_semaphore, #tpu.memory_space<semaphore_mem>>)
    %dma_wait3A = arith.constant 0 : i32
    %dma_wait3A_35 = arith.constant 0 : i32
    %dma_wait3A_36 = tpu.memref_slice %arg7[%dma_wait3A, %dma_wait3A_35] : memref<50x128xi32, #tpu.memory_space<vmem>> -> memref<1x128xi32, #tpu.memory_space<vmem>>
    %dma_wait3A_37 = tpu.memref_squeeze %dma_wait3A_36 : memref<1x128xi32, #tpu.memory_space<vmem>> -> memref<128xi32, #tpu.memory_space<vmem>>
    %dma_wait3A_38 = tpu.memref_bitcast %arg2 : memref<1000000x128xi8, #tpu.memory_space<hbm>> -> memref<250000x128xi32, #tpu.memory_space<hbm>>
    %dma_wait3A_39 = arith.constant 0 : i32
    %dma_wait3A_40 = arith.constant 0 : i32
    %dma_wait3A_41 = tpu.memref_slice %dma_wait3A_38[%dma_wait3A_39, %dma_wait3A_40] : memref<250000x128xi32, #tpu.memory_space<hbm>> -> memref<250000x128xi32, #tpu.memory_space<hbm>>
    tpu.wait_indirect_dma semaphore(%arg15 : memref<!tpu.dma_semaphore, #tpu.memory_space<semaphore_mem>>) src(%dma_wait3A_41 : memref<250000x128xi32, #tpu.memory_space<hbm>>) dst(%arg9 : memref<128x128xi32, #tpu.memory_space<vmem>>)
    %dma_wait3A_42 = arith.constant 0 : i32
    %dma_wait3A_43 = arith.constant 0 : i32
    %dma_wait3A_44 = tpu.memref_slice %arg6[%dma_wait3A_42, %dma_wait3A_43] : memref<50x128xi32, #tpu.memory_space<vmem>> -> memref<1x128xi32, #tpu.memory_space<vmem>>
    %dma_wait3A_45 = tpu.memref_squeeze %dma_wait3A_44 : memref<1x128xi32, #tpu.memory_space<vmem>> -> memref<128xi32, #tpu.memory_space<vmem>>
    %dma_wait3A_46 = arith.constant 0 : i32
    %dma_wait3A_47 = tpu.memref_slice %arg3[%dma_wait3A_46] : memref<1000000xf32, #tpu.memory_space<hbm>> -> memref<1000000xf32, #tpu.memory_space<hbm>>
    tpu.wait_indirect_dma semaphore(%arg17 : memref<!tpu.dma_semaphore, #tpu.memory_space<semaphore_mem>>) src(%dma_wait3A_47 : memref<1000000xf32, #tpu.memory_space<hbm>>) dst(%arg11 : memref<128xf32, #tpu.memory_space<vmem>>)
    %scan3A_48 = arith.constant 0 : i32
    %scan3A_49 = arith.constant 0 : i32
    %scan3A_50 = arith.constant 128 : i32
    %scan3A_51 = arith.addi %scan3A_49, %scan3A_50 : i32
    %scan3A_52 = arith.constant 8 : i32
    scf.for %scan3A_201 = %scan3A_49 to %scan3A_51 step %scan3A_52  : i32 {
      %broadcast_in_dim3A = vector.broadcast %scan3A_201 : i32 to vector<16xi32>
      %gather3A = tpu.vector_load_idx %arg11[%broadcast_in_dim3A] : memref<128xf32, #tpu.memory_space<vmem>>[vector<16xi32>], vector<16xf32>,
      %broadcast_in_dim3A_202 = arith.constant 0 : i32
      %broadcast_in_dim3A_203 = vector.broadcast %broadcast_in_dim3A_202 : i32 to vector<16xi32>
      %gather3A_204 = tpu.vector_load_idx %arg8[%broadcast_in_dim3A_203, %broadcast_in_dim3A] : memref<50x128xi32, #tpu.memory_space<vmem>>[vector<16xi32>, vector<16xi32>], vector<16xi32>,
      %shift_right_arithmetic3A = arith.constant 1 : i32
      %shift_right_arithmetic3A_205 = arith.shrsi %scan3A_201, %shift_right_arithmetic3A : i32
      %and3A_206 = arith.constant 1 : i32
      %and3A_207 = arith.andi %scan3A_201, %and3A_206 : i32
      %mul3A_208 = arith.constant 64 : i32
      %mul3A_209 = arith.muli %and3A_207, %mul3A_208 : i32
      %get3A = arith.index_cast %scan3A_201 : i32 to index
      %get3A_210 = arith.constant 0 : index
      %get3A_211 = tpu.vector_load %arg9[%get3A, %get3A_210] {strides = array<i32>} : memref<128x128xi32, #tpu.memory_space<vmem>>, vector<16xi32>,
      %shift_right_arithmetic3A_212 = arith.shrsi %get3A_211, %gather3A_204 : vector<16xi32>
      %shift_left3A = arith.constant 24 : i32
      %shift_left3A_213 = vector.broadcast %shift_left3A : i32 to vector<16xi32>
      %shift_left3A_214 = arith.shli %shift_right_arithmetic3A_212, %shift_left3A_213 : vector<16xi32>
      %shift_right_arithmetic3A_215 = arith.constant 24 : i32
      %shift_right_arithmetic3A_216 = vector.broadcast %shift_right_arithmetic3A_215 : i32 to vector<16xi32>
      %shift_right_arithmetic3A_217 = arith.shrsi %shift_left3A_214, %shift_right_arithmetic3A_216 : vector<16xi32>
      %convert_element_type3A = arith.sitofp %shift_right_arithmetic3A_217 : vector<16xi32> to vector<16xf32>
      %mul3A_218 = arith.mulf %convert_element_type3A, %gather3A : vector<16xf32>
      %add3A_219 = arith.constant 0 : i32
      %add3A_220 = arith.addi %mul3A_209, %add3A_219 : i32
      %swap3A = arith.index_cast %shift_right_arithmetic3A_205 : i32 to index
      %swap3A_221 = arith.index_cast %add3A_220 : i32 to index
      %swap3A_222 = tpu.vector_load %arg13[%swap3A, %swap3A_221] {strides = array<i32>} : memref<64x128xf32, #tpu.memory_space<vmem>>, vector<16xf32>,
      tpu.vector_store %arg13[%swap3A, %swap3A_221], %mul3A_218 {strides = array<i32>} : memref<64x128xf32, #tpu.memory_space<vmem>>, vector<16xf32>,
      %get3A_223 = arith.index_cast %scan3A_201 : i32 to index
      %get3A_224 = arith.constant 16 : index
      %get3A_225 = tpu.vector_load %arg9[%get3A_223, %get3A_224] {strides = array<i32>} : memref<128x128xi32, #tpu.memory_space<vmem>>, vector<16xi32>,
      %shift_right_arithmetic3A_226 = arith.shrsi %get3A_225, %gather3A_204 : vector<16xi32>
      %shift_left3A_227 = arith.constant 24 : i32
      %shift_left3A_228 = vector.broadcast %shift_left3A_227 : i32 to vector<16xi32>
      %shift_left3A_229 = arith.shli %shift_right_arithmetic3A_226, %shift_left3A_228 : vector<16xi32>
      %shift_right_arithmetic3A_230 = arith.constant 24 : i32
      %shift_right_arithmetic3A_231 = vector.broadcast %shift_right_arithmetic3A_230 : i32 to vector<16xi32>
      %shift_right_arithmetic3A_232 = arith.shrsi %shift_left3A_229, %shift_right_arithmetic3A_231 : vector<16xi32>
      %convert_element_type3A_233 = arith.sitofp %shift_right_arithmetic3A_232 : vector<16xi32> to vector<16xf32>
      %mul3A_234 = arith.mulf %convert_element_type3A_233, %gather3A : vector<16xf32>
      %add3A_235 = arith.constant 16 : i32
      %add3A_236 = arith.addi %mul3A_209, %add3A_235 : i32
      %swap3A_237 = arith.index_cast %shift_right_arithmetic3A_205 : i32 to index
      %swap3A_238 = arith.index_cast %add3A_236 : i32 to index
      %swap3A_239 = tpu.vector_load %arg13[%swap3A_237, %swap3A_238] {strides = array<i32>} : memref<64x128xf32, #tpu.memory_space<vmem>>, vector<16xf32>,
      tpu.vector_store %arg13[%swap3A_237, %swap3A_238], %mul3A_234 {strides = array<i32>} : memref<64x128xf32, #tpu.memory_space<vmem>>, vector<16xf32>,
      %get3A_240 = arith.index_cast %scan3A_201 : i32 to index
      %get3A_241 = arith.constant 32 : index
      %get3A_242 = tpu.vector_load %arg9[%get3A_240, %get3A_241] {strides = array<i32>} : memref<128x128xi32, #tpu.memory_space<vmem>>, vector<16xi32>,
      %shift_right_arithmetic3A_243 = arith.shrsi %get3A_242, %gather3A_204 : vector<16xi32>
      %shift_left3A_244 = arith.constant 24 : i32
      %shift_left3A_245 = vector.broadcast %shift_left3A_244 : i32 to vector<16xi32>
      %shift_left3A_246 = arith.shli %shift_right_arithmetic3A_243, %shift_left3A_245 : vector<16xi32>
      %shift_right_arithmetic3A_247 = arith.constant 24 : i32
      %shift_right_arithmetic3A_248 = vector.broadcast %shift_right_arithmetic3A_247 : i32 to vector<16xi32>
      %shift_right_arithmetic3A_249 = arith.shrsi %shift_left3A_246, %shift_right_arithmetic3A_248 : vector<16xi32>
      %convert_element_type3A_250 = arith.sitofp %shift_right_arithmetic3A_249 : vector<16xi32> to vector<16xf32>
      %mul3A_251 = arith.mulf %convert_element_type3A_250, %gather3A : vector<16xf32>
      %add3A_252 = arith.constant 32 : i32
      %add3A_253 = arith.addi %mul3A_209, %add3A_252 : i32
      %swap3A_254 = arith.index_cast %shift_right_arithmetic3A_205 : i32 to index
      %swap3A_255 = arith.index_cast %add3A_253 : i32 to index
      %swap3A_256 = tpu.vector_load %arg13[%swap3A_254, %swap3A_255] {strides = array<i32>} : memref<64x128xf32, #tpu.memory_space<vmem>>, vector<16xf32>,
      tpu.vector_store %arg13[%swap3A_254, %swap3A_255], %mul3A_251 {strides = array<i32>} : memref<64x128xf32, #tpu.memory_space<vmem>>, vector<16xf32>,
      %get3A_257 = arith.index_cast %scan3A_201 : i32 to index
      %get3A_258 = arith.constant 48 : index
      %get3A_259 = tpu.vector_load %arg9[%get3A_257, %get3A_258] {strides = array<i32>} : memref<128x128xi32, #tpu.memory_space<vmem>>, vector<16xi32>,
      %shift_right_arithmetic3A_260 = arith.shrsi %get3A_259, %gather3A_204 : vector<16xi32>
      %shift_left3A_261 = arith.constant 24 : i32
      %shift_left3A_262 = vector.broadcast %shift_left3A_261 : i32 to vector<16xi32>
      %shift_left3A_263 = arith.shli %shift_right_arithmetic3A_260, %shift_left3A_262 : vector<16xi32>
      %shift_right_arithmetic3A_264 = arith.constant 24 : i32
      %shift_right_arithmetic3A_265 = vector.broadcast %shift_right_arithmetic3A_264 : i32 to vector<16xi32>
      %shift_right_arithmetic3A_266 = arith.shrsi %shift_left3A_263, %shift_right_arithmetic3A_265 : vector<16xi32>
      %convert_element_type3A_267 = arith.sitofp %shift_right_arithmetic3A_266 : vector<16xi32> to vector<16xf32>
      %mul3A_268 = arith.mulf %convert_element_type3A_267, %gather3A : vector<16xf32>
      %add3A_269 = arith.constant 48 : i32
      %add3A_270 = arith.addi %mul3A_209, %add3A_269 : i32
      %swap3A_271 = arith.index_cast %shift_right_arithmetic3A_205 : i32 to index
      %swap3A_272 = arith.index_cast %add3A_270 : i32 to index
      %swap3A_273 = tpu.vector_load %arg13[%swap3A_271, %swap3A_272] {strides = array<i32>} : memref<64x128xf32, #tpu.memory_space<vmem>>, vector<16xf32>,
      tpu.vector_store %arg13[%swap3A_271, %swap3A_272], %mul3A_268 {strides = array<i32>} : memref<64x128xf32, #tpu.memory_space<vmem>>, vector<16xf32>,
      %scan3A_274 = arith.constant 1 : i32
      %scan3A_275 = arith.addi %scan3A_201, %scan3A_274 : i32
      %broadcast_in_dim3A_276 = vector.broadcast %scan3A_275 : i32 to vector<16xi32>
      %gather3A_277 = tpu.vector_load_idx %arg11[%broadcast_in_dim3A_276] : memref<128xf32, #tpu.memory_space<vmem>>[vector<16xi32>], vector<16xf32>,
      %broadcast_in_dim3A_278 = arith.constant 0 : i32
      %broadcast_in_dim3A_279 = vector.broadcast %broadcast_in_dim3A_278 : i32 to vector<16xi32>
      %gather3A_280 = tpu.vector_load_idx %arg8[%broadcast_in_dim3A_279, %broadcast_in_dim3A_276] : memref<50x128xi32, #tpu.memory_space<vmem>>[vector<16xi32>, vector<16xi32>], vector<16xi32>,
      %shift_right_arithmetic3A_281 = arith.constant 1 : i32
      %shift_right_arithmetic3A_282 = arith.shrsi %scan3A_275, %shift_right_arithmetic3A_281 : i32
      %and3A_283 = arith.constant 1 : i32
      %and3A_284 = arith.andi %scan3A_275, %and3A_283 : i32
      %mul3A_285 = arith.constant 64 : i32
      %mul3A_286 = arith.muli %and3A_284, %mul3A_285 : i32
      %get3A_287 = arith.index_cast %scan3A_275 : i32 to index
      %get3A_288 = arith.constant 0 : index
      %get3A_289 = tpu.vector_load %arg9[%get3A_287, %get3A_288] {strides = array<i32>} : memref<128x128xi32, #tpu.memory_space<vmem>>, vector<16xi32>,
      %shift_right_arithmetic3A_290 = arith.shrsi %get3A_289, %gather3A_280 : vector<16xi32>
      %shift_left3A_291 = arith.constant 24 : i32
      %shift_left3A_292 = vector.broadcast %shift_left3A_291 : i32 to vector<16xi32>
      %shift_left3A_293 = arith.shli %shift_right_arithmetic3A_290, %shift_left3A_292 : vector<16xi32>
      %shift_right_arithmetic3A_294 = arith.constant 24 : i32
      %shift_right_arithmetic3A_295 = vector.broadcast %shift_right_arithmetic3A_294 : i32 to vector<16xi32>
      %shift_right_arithmetic3A_296 = arith.shrsi %shift_left3A_293, %shift_right_arithmetic3A_295 : vector<16xi32>
      %convert_element_type3A_297 = arith.sitofp %shift_right_arithmetic3A_296 : vector<16xi32> to vector<16xf32>
      %mul3A_298 = arith.mulf %convert_element_type3A_297, %gather3A_277 : vector<16xf32>
      %add3A_299 = arith.constant 0 : i32
      %add3A_300 = arith.addi %mul3A_286, %add3A_299 : i32
      %swap3A_301 = arith.index_cast %shift_right_arithmetic3A_282 : i32 to index
      %swap3A_302 = arith.index_cast %add3A_300 : i32 to index
      %swap3A_303 = tpu.vector_load %arg13[%swap3A_301, %swap3A_302] {strides = array<i32>} : memref<64x128xf32, #tpu.memory_space<vmem>>, vector<16xf32>,
      tpu.vector_store %arg13[%swap3A_301, %swap3A_302], %mul3A_298 {strides = array<i32>} : memref<64x128xf32, #tpu.memory_space<vmem>>, vector<16xf32>,
      %get3A_304 = arith.index_cast %scan3A_275 : i32 to index
      %get3A_305 = arith.constant 16 : index
      %get3A_306 = tpu.vector_load %arg9[%get3A_304, %get3A_305] {strides = array<i32>} : memref<128x128xi32, #tpu.memory_space<vmem>>, vector<16xi32>,
      %shift_right_arithmetic3A_307 = arith.shrsi %get3A_306, %gather3A_280 : vector<16xi32>
      %shift_left3A_308 = arith.constant 24 : i32
      %shift_left3A_309 = vector.broadcast %shift_left3A_308 : i32 to vector<16xi32>
      %shift_left3A_310 = arith.shli %shift_right_arithmetic3A_307, %shift_left3A_309 : vector<16xi32>
      %shift_right_arithmetic3A_311 = arith.constant 24 : i32
      %shift_right_arithmetic3A_312 = vector.broadcast %shift_right_arithmetic3A_311 : i32 to vector<16xi32>
      %shift_right_arithmetic3A_313 = arith.shrsi %shift_left3A_310, %shift_right_arithmetic3A_312 : vector<16xi32>
      %convert_element_type3A_314 = arith.sitofp %shift_right_arithmetic3A_313 : vector<16xi32> to vector<16xf32>
      %mul3A_315 = arith.mulf %convert_element_type3A_314, %gather3A_277 : vector<16xf32>
      %add3A_316 = arith.constant 16 : i32
      %add3A_317 = arith.addi %mul3A_286, %add3A_316 : i32
      %swap3A_318 = arith.index_cast %shift_right_arithmetic3A_282 : i32 to index
      %swap3A_319 = arith.index_cast %add3A_317 : i32 to index
      %swap3A_320 = tpu.vector_load %arg13[%swap3A_318, %swap3A_319] {strides = array<i32>} : memref<64x128xf32, #tpu.memory_space<vmem>>, vector<16xf32>,
      tpu.vector_store %arg13[%swap3A_318, %swap3A_319], %mul3A_315 {strides = array<i32>} : memref<64x128xf32, #tpu.memory_space<vmem>>, vector<16xf32>,
      %get3A_321 = arith.index_cast %scan3A_275 : i32 to index
      %get3A_322 = arith.constant 32 : index
      %get3A_323 = tpu.vector_load %arg9[%get3A_321, %get3A_322] {strides = array<i32>} : memref<128x128xi32, #tpu.memory_space<vmem>>, vector<16xi32>,
      %shift_right_arithmetic3A_324 = arith.shrsi %get3A_323, %gather3A_280 : vector<16xi32>
      %shift_left3A_325 = arith.constant 24 : i32
      %shift_left3A_326 = vector.broadcast %shift_left3A_325 : i32 to vector<16xi32>
      %shift_left3A_327 = arith.shli %shift_right_arithmetic3A_324, %shift_left3A_326 : vector<16xi32>
      %shift_right_arithmetic3A_328 = arith.constant 24 : i32
      %shift_right_arithmetic3A_329 = vector.broadcast %shift_right_arithmetic3A_328 : i32 to vector<16xi32>
      %shift_right_arithmetic3A_330 = arith.shrsi %shift_left3A_327, %shift_right_arithmetic3A_329 : vector<16xi32>
      %convert_element_type3A_331 = arith.sitofp %shift_right_arithmetic3A_330 : vector<16xi32> to vector<16xf32>
      %mul3A_332 = arith.mulf %convert_element_type3A_331, %gather3A_277 : vector<16xf32>
      %add3A_333 = arith.constant 32 : i32
      %add3A_334 = arith.addi %mul3A_286, %add3A_333 : i32
      %swap3A_335 = arith.index_cast %shift_right_arithmetic3A_282 : i32 to index
      %swap3A_336 = arith.index_cast %add3A_334 : i32 to index
      %swap3A_337 = tpu.vector_load %arg13[%swap3A_335, %swap3A_336] {strides = array<i32>} : memref<64x128xf32, #tpu.memory_space<vmem>>, vector<16xf32>,
      tpu.vector_store %arg13[%swap3A_335, %swap3A_336], %mul3A_332 {strides = array<i32>} : memref<64x128xf32, #tpu.memory_space<vmem>>, vector<16xf32>,
      %get3A_338 = arith.index_cast %scan3A_275 : i32 to index
      %get3A_339 = arith.constant 48 : index
      %get3A_340 = tpu.vector_load %arg9[%get3A_338, %get3A_339] {strides = array<i32>} : memref<128x128xi32, #tpu.memory_space<vmem>>, vector<16xi32>,
      %shift_right_arithmetic3A_341 = arith.shrsi %get3A_340, %gather3A_280 : vector<16xi32>
      %shift_left3A_342 = arith.constant 24 : i32
      %shift_left3A_343 = vector.broadcast %shift_left3A_342 : i32 to vector<16xi32>
      %shift_left3A_344 = arith.shli %shift_right_arithmetic3A_341, %shift_left3A_343 : vector<16xi32>
      %shift_right_arithmetic3A_345 = arith.constant 24 : i32
      %shift_right_arithmetic3A_346 = vector.broadcast %shift_right_arithmetic3A_345 : i32 to vector<16xi32>
      %shift_right_arithmetic3A_347 = arith.shrsi %shift_left3A_344, %shift_right_arithmetic3A_346 : vector<16xi32>
      %convert_element_type3A_348 = arith.sitofp %shift_right_arithmetic3A_347 : vector<16xi32> to vector<16xf32>
      %mul3A_349 = arith.mulf %convert_element_type3A_348, %gather3A_277 : vector<16xf32>
      %add3A_350 = arith.constant 48 : i32
      %add3A_351 = arith.addi %mul3A_286, %add3A_350 : i32
      %swap3A_352 = arith.index_cast %shift_right_arithmetic3A_282 : i32 to index
      %swap3A_353 = arith.index_cast %add3A_351 : i32 to index
      %swap3A_354 = tpu.vector_load %arg13[%swap3A_352, %swap3A_353] {strides = array<i32>} : memref<64x128xf32, #tpu.memory_space<vmem>>, vector<16xf32>,
      tpu.vector_store %arg13[%swap3A_352, %swap3A_353], %mul3A_349 {strides = array<i32>} : memref<64x128xf32, #tpu.memory_space<vmem>>, vector<16xf32>,
      %scan3A_355 = arith.constant 2 : i32
      %scan3A_356 = arith.addi %scan3A_201, %scan3A_355 : i32
      %broadcast_in_dim3A_357 = vector.broadcast %scan3A_356 : i32 to vector<16xi32>
      %gather3A_358 = tpu.vector_load_idx %arg11[%broadcast_in_dim3A_357] : memref<128xf32, #tpu.memory_space<vmem>>[vector<16xi32>], vector<16xf32>,
      %broadcast_in_dim3A_359 = arith.constant 0 : i32
      %broadcast_in_dim3A_360 = vector.broadcast %broadcast_in_dim3A_359 : i32 to vector<16xi32>
      %gather3A_361 = tpu.vector_load_idx %arg8[%broadcast_in_dim3A_360, %broadcast_in_dim3A_357] : memref<50x128xi32, #tpu.memory_space<vmem>>[vector<16xi32>, vector<16xi32>], vector<16xi32>,
      %shift_right_arithmetic3A_362 = arith.constant 1 : i32
      %shift_right_arithmetic3A_363 = arith.shrsi %scan3A_356, %shift_right_arithmetic3A_362 : i32
      %and3A_364 = arith.constant 1 : i32
      %and3A_365 = arith.andi %scan3A_356, %and3A_364 : i32
      %mul3A_366 = arith.constant 64 : i32
      %mul3A_367 = arith.muli %and3A_365, %mul3A_366 : i32
      %get3A_368 = arith.index_cast %scan3A_356 : i32 to index
      %get3A_369 = arith.constant 0 : index
      %get3A_370 = tpu.vector_load %arg9[%get3A_368, %get3A_369] {strides = array<i32>} : memref<128x128xi32, #tpu.memory_space<vmem>>, vector<16xi32>,
      %shift_right_arithmetic3A_371 = arith.shrsi %get3A_370, %gather3A_361 : vector<16xi32>
      %shift_left3A_372 = arith.constant 24 : i32
      %shift_left3A_373 = vector.broadcast %shift_left3A_372 : i32 to vector<16xi32>
      %shift_left3A_374 = arith.shli %shift_right_arithmetic3A_371, %shift_left3A_373 : vector<16xi32>
      %shift_right_arithmetic3A_375 = arith.constant 24 : i32
      %shift_right_arithmetic3A_376 = vector.broadcast %shift_right_arithmetic3A_375 : i32 to vector<16xi32>
      %shift_right_arithmetic3A_377 = arith.shrsi %shift_left3A_374, %shift_right_arithmetic3A_376 : vector<16xi32>
      %convert_element_type3A_378 = arith.sitofp %shift_right_arithmetic3A_377 : vector<16xi32> to vector<16xf32>
      %mul3A_379 = arith.mulf %convert_element_type3A_378, %gather3A_358 : vector<16xf32>
      %add3A_380 = arith.constant 0 : i32
      %add3A_381 = arith.addi %mul3A_367, %add3A_380 : i32
      %swap3A_382 = arith.index_cast %shift_right_arithmetic3A_363 : i32 to index
      %swap3A_383 = arith.index_cast %add3A_381 : i32 to index
      %swap3A_384 = tpu.vector_load %arg13[%swap3A_382, %swap3A_383] {strides = array<i32>} : memref<64x128xf32, #tpu.memory_space<vmem>>, vector<16xf32>,
      tpu.vector_store %arg13[%swap3A_382, %swap3A_383], %mul3A_379 {strides = array<i32>} : memref<64x128xf32, #tpu.memory_space<vmem>>, vector<16xf32>,
      %get3A_385 = arith.index_cast %scan3A_356 : i32 to index
      %get3A_386 = arith.constant 16 : index
      %get3A_387 = tpu.vector_load %arg9[%get3A_385, %get3A_386] {strides = array<i32>} : memref<128x128xi32, #tpu.memory_space<vmem>>, vector<16xi32>,
      %shift_right_arithmetic3A_388 = arith.shrsi %get3A_387, %gather3A_361 : vector<16xi32>
      %shift_left3A_389 = arith.constant 24 : i32
      %shift_left3A_390 = vector.broadcast %shift_left3A_389 : i32 to vector<16xi32>
      %shift_left3A_391 = arith.shli %shift_right_arithmetic3A_388, %shift_left3A_390 : vector<16xi32>
      %shift_right_arithmetic3A_392 = arith.constant 24 : i32
      %shift_right_arithmetic3A_393 = vector.broadcast %shift_right_arithmetic3A_392 : i32 to vector<16xi32>
      %shift_right_arithmetic3A_394 = arith.shrsi %shift_left3A_391, %shift_right_arithmetic3A_393 : vector<16xi32>
      %convert_element_type3A_395 = arith.sitofp %shift_right_arithmetic3A_394 : vector<16xi32> to vector<16xf32>
      %mul3A_396 = arith.mulf %convert_element_type3A_395, %gather3A_358 : vector<16xf32>
      %add3A_397 = arith.constant 16 : i32
      %add3A_398 = arith.addi %mul3A_367, %add3A_397 : i32
      %swap3A_399 = arith.index_cast %shift_right_arithmetic3A_363 : i32 to index
      %swap3A_400 = arith.index_cast %add3A_398 : i32 to index
      %swap3A_401 = tpu.vector_load %arg13[%swap3A_399, %swap3A_400] {strides = array<i32>} : memref<64x128xf32, #tpu.memory_space<vmem>>, vector<16xf32>,
      tpu.vector_store %arg13[%swap3A_399, %swap3A_400], %mul3A_396 {strides = array<i32>} : memref<64x128xf32, #tpu.memory_space<vmem>>, vector<16xf32>,
      %get3A_402 = arith.index_cast %scan3A_356 : i32 to index
      %get3A_403 = arith.constant 32 : index
      %get3A_404 = tpu.vector_load %arg9[%get3A_402, %get3A_403] {strides = array<i32>} : memref<128x128xi32, #tpu.memory_space<vmem>>, vector<16xi32>,
      %shift_right_arithmetic3A_405 = arith.shrsi %get3A_404, %gather3A_361 : vector<16xi32>
      %shift_left3A_406 = arith.constant 24 : i32
      %shift_left3A_407 = vector.broadcast %shift_left3A_406 : i32 to vector<16xi32>
      %shift_left3A_408 = arith.shli %shift_right_arithmetic3A_405, %shift_left3A_407 : vector<16xi32>
      %shift_right_arithmetic3A_409 = arith.constant 24 : i32
      %shift_right_arithmetic3A_410 = vector.broadcast %shift_right_arithmetic3A_409 : i32 to vector<16xi32>
      %shift_right_arithmetic3A_411 = arith.shrsi %shift_left3A_408, %shift_right_arithmetic3A_410 : vector<16xi32>
      %convert_element_type3A_412 = arith.sitofp %shift_right_arithmetic3A_411 : vector<16xi32> to vector<16xf32>
      %mul3A_413 = arith.mulf %convert_element_type3A_412, %gather3A_358 : vector<16xf32>
      %add3A_414 = arith.constant 32 : i32
      %add3A_415 = arith.addi %mul3A_367, %add3A_414 : i32
      %swap3A_416 = arith.index_cast %shift_right_arithmetic3A_363 : i32 to index
      %swap3A_417 = arith.index_cast %add3A_415 : i32 to index
      %swap3A_418 = tpu.vector_load %arg13[%swap3A_416, %swap3A_417] {strides = array<i32>} : memref<64x128xf32, #tpu.memory_space<vmem>>, vector<16xf32>,
      tpu.vector_store %arg13[%swap3A_416, %swap3A_417], %mul3A_413 {strides = array<i32>} : memref<64x128xf32, #tpu.memory_space<vmem>>, vector<16xf32>,
      %get3A_419 = arith.index_cast %scan3A_356 : i32 to index
      %get3A_420 = arith.constant 48 : index
      %get3A_421 = tpu.vector_load %arg9[%get3A_419, %get3A_420] {strides = array<i32>} : memref<128x128xi32, #tpu.memory_space<vmem>>, vector<16xi32>,
      %shift_right_arithmetic3A_422 = arith.shrsi %get3A_421, %gather3A_361 : vector<16xi32>
      %shift_left3A_423 = arith.constant 24 : i32
      %shift_left3A_424 = vector.broadcast %shift_left3A_423 : i32 to vector<16xi32>
      %shift_left3A_425 = arith.shli %shift_right_arithmetic3A_422, %shift_left3A_424 : vector<16xi32>
      %shift_right_arithmetic3A_426 = arith.constant 24 : i32
      %shift_right_arithmetic3A_427 = vector.broadcast %shift_right_arithmetic3A_426 : i32 to vector<16xi32>
      %shift_right_arithmetic3A_428 = arith.shrsi %shift_left3A_425, %shift_right_arithmetic3A_427 : vector<16xi32>
      %convert_element_type3A_429 = arith.sitofp %shift_right_arithmetic3A_428 : vector<16xi32> to vector<16xf32>
      %mul3A_430 = arith.mulf %convert_element_type3A_429, %gather3A_358 : vector<16xf32>
      %add3A_431 = arith.constant 48 : i32
      %add3A_432 = arith.addi %mul3A_367, %add3A_431 : i32
      %swap3A_433 = arith.index_cast %shift_right_arithmetic3A_363 : i32 to index
      %swap3A_434 = arith.index_cast %add3A_432 : i32 to index
      %swap3A_435 = tpu.vector_load %arg13[%swap3A_433, %swap3A_434] {strides = array<i32>} : memref<64x128xf32, #tpu.memory_space<vmem>>, vector<16xf32>,
      tpu.vector_store %arg13[%swap3A_433, %swap3A_434], %mul3A_430 {strides = array<i32>} : memref<64x128xf32, #tpu.memory_space<vmem>>, vector<16xf32>,
      %scan3A_436 = arith.constant 3 : i32
      %scan3A_437 = arith.addi %scan3A_201, %scan3A_436 : i32
      %broadcast_in_dim3A_438 = vector.broadcast %scan3A_437 : i32 to vector<16xi32>
      %gather3A_439 = tpu.vector_load_idx %arg11[%broadcast_in_dim3A_438] : memref<128xf32, #tpu.memory_space<vmem>>[vector<16xi32>], vector<16xf32>,
      %broadcast_in_dim3A_440 = arith.constant 0 : i32
      %broadcast_in_dim3A_441 = vector.broadcast %broadcast_in_dim3A_440 : i32 to vector<16xi32>
      %gather3A_442 = tpu.vector_load_idx %arg8[%broadcast_in_dim3A_441, %broadcast_in_dim3A_438] : memref<50x128xi32, #tpu.memory_space<vmem>>[vector<16xi32>, vector<16xi32>], vector<16xi32>,
      %shift_right_arithmetic3A_443 = arith.constant 1 : i32
      %shift_right_arithmetic3A_444 = arith.shrsi %scan3A_437, %shift_right_arithmetic3A_443 : i32
      %and3A_445 = arith.constant 1 : i32
      %and3A_446 = arith.andi %scan3A_437, %and3A_445 : i32
      %mul3A_447 = arith.constant 64 : i32
      %mul3A_448 = arith.muli %and3A_446, %mul3A_447 : i32
      %get3A_449 = arith.index_cast %scan3A_437 : i32 to index
      %get3A_450 = arith.constant 0 : index
      %get3A_451 = tpu.vector_load %arg9[%get3A_449, %get3A_450] {strides = array<i32>} : memref<128x128xi32, #tpu.memory_space<vmem>>, vector<16xi32>,
      %shift_right_arithmetic3A_452 = arith.shrsi %get3A_451, %gather3A_442 : vector<16xi32>
      %shift_left3A_453 = arith.constant 24 : i32
      %shift_left3A_454 = vector.broadcast %shift_left3A_453 : i32 to vector<16xi32>
      %shift_left3A_455 = arith.shli %shift_right_arithmetic3A_452, %shift_left3A_454 : vector<16xi32>
      %shift_right_arithmetic3A_456 = arith.constant 24 : i32
      %shift_right_arithmetic3A_457 = vector.broadcast %shift_right_arithmetic3A_456 : i32 to vector<16xi32>
      %shift_right_arithmetic3A_458 = arith.shrsi %shift_left3A_455, %shift_right_arithmetic3A_457 : vector<16xi32>
      %convert_element_type3A_459 = arith.sitofp %shift_right_arithmetic3A_458 : vector<16xi32> to vector<16xf32>
      %mul3A_460 = arith.mulf %convert_element_type3A_459, %gather3A_439 : vector<16xf32>
      %add3A_461 = arith.constant 0 : i32
      %add3A_462 = arith.addi %mul3A_448, %add3A_461 : i32
      %swap3A_463 = arith.index_cast %shift_right_arithmetic3A_444 : i32 to index
      %swap3A_464 = arith.index_cast %add3A_462 : i32 to index
      %swap3A_465 = tpu.vector_load %arg13[%swap3A_463, %swap3A_464] {strides = array<i32>} : memref<64x128xf32, #tpu.memory_space<vmem>>, vector<16xf32>,
      tpu.vector_store %arg13[%swap3A_463, %swap3A_464], %mul3A_460 {strides = array<i32>} : memref<64x128xf32, #tpu.memory_space<vmem>>, vector<16xf32>,
      %get3A_466 = arith.index_cast %scan3A_437 : i32 to index
      %get3A_467 = arith.constant 16 : index
      %get3A_468 = tpu.vector_load %arg9[%get3A_466, %get3A_467] {strides = array<i32>} : memref<128x128xi32, #tpu.memory_space<vmem>>, vector<16xi32>,
      %shift_right_arithmetic3A_469 = arith.shrsi %get3A_468, %gather3A_442 : vector<16xi32>
      %shift_left3A_470 = arith.constant 24 : i32
      %shift_left3A_471 = vector.broadcast %shift_left3A_470 : i32 to vector<16xi32>
      %shift_left3A_472 = arith.shli %shift_right_arithmetic3A_469, %shift_left3A_471 : vector<16xi32>
      %shift_right_arithmetic3A_473 = arith.constant 24 : i32
      %shift_right_arithmetic3A_474 = vector.broadcast %shift_right_arithmetic3A_473 : i32 to vector<16xi32>
      %shift_right_arithmetic3A_475 = arith.shrsi %shift_left3A_472, %shift_right_arithmetic3A_474 : vector<16xi32>
      %convert_element_type3A_476 = arith.sitofp %shift_right_arithmetic3A_475 : vector<16xi32> to vector<16xf32>
      %mul3A_477 = arith.mulf %convert_element_type3A_476, %gather3A_439 : vector<16xf32>
      %add3A_478 = arith.constant 16 : i32
      %add3A_479 = arith.addi %mul3A_448, %add3A_478 : i32
      %swap3A_480 = arith.index_cast %shift_right_arithmetic3A_444 : i32 to index
      %swap3A_481 = arith.index_cast %add3A_479 : i32 to index
      %swap3A_482 = tpu.vector_load %arg13[%swap3A_480, %swap3A_481] {strides = array<i32>} : memref<64x128xf32, #tpu.memory_space<vmem>>, vector<16xf32>,
      tpu.vector_store %arg13[%swap3A_480, %swap3A_481], %mul3A_477 {strides = array<i32>} : memref<64x128xf32, #tpu.memory_space<vmem>>, vector<16xf32>,
      %get3A_483 = arith.index_cast %scan3A_437 : i32 to index
      %get3A_484 = arith.constant 32 : index
      %get3A_485 = tpu.vector_load %arg9[%get3A_483, %get3A_484] {strides = array<i32>} : memref<128x128xi32, #tpu.memory_space<vmem>>, vector<16xi32>,
      %shift_right_arithmetic3A_486 = arith.shrsi %get3A_485, %gather3A_442 : vector<16xi32>
      %shift_left3A_487 = arith.constant 24 : i32
      %shift_left3A_488 = vector.broadcast %shift_left3A_487 : i32 to vector<16xi32>
      %shift_left3A_489 = arith.shli %shift_right_arithmetic3A_486, %shift_left3A_488 : vector<16xi32>
      %shift_right_arithmetic3A_490 = arith.constant 24 : i32
      %shift_right_arithmetic3A_491 = vector.broadcast %shift_right_arithmetic3A_490 : i32 to vector<16xi32>
      %shift_right_arithmetic3A_492 = arith.shrsi %shift_left3A_489, %shift_right_arithmetic3A_491 : vector<16xi32>
      %convert_element_type3A_493 = arith.sitofp %shift_right_arithmetic3A_492 : vector<16xi32> to vector<16xf32>
      %mul3A_494 = arith.mulf %convert_element_type3A_493, %gather3A_439 : vector<16xf32>
      %add3A_495 = arith.constant 32 : i32
      %add3A_496 = arith.addi %mul3A_448, %add3A_495 : i32
      %swap3A_497 = arith.index_cast %shift_right_arithmetic3A_444 : i32 to index
      %swap3A_498 = arith.index_cast %add3A_496 : i32 to index
      %swap3A_499 = tpu.vector_load %arg13[%swap3A_497, %swap3A_498] {strides = array<i32>} : memref<64x128xf32, #tpu.memory_space<vmem>>, vector<16xf32>,
      tpu.vector_store %arg13[%swap3A_497, %swap3A_498], %mul3A_494 {strides = array<i32>} : memref<64x128xf32, #tpu.memory_space<vmem>>, vector<16xf32>,
      %get3A_500 = arith.index_cast %scan3A_437 : i32 to index
      %get3A_501 = arith.constant 48 : index
      %get3A_502 = tpu.vector_load %arg9[%get3A_500, %get3A_501] {strides = array<i32>} : memref<128x128xi32, #tpu.memory_space<vmem>>, vector<16xi32>,
      %shift_right_arithmetic3A_503 = arith.shrsi %get3A_502, %gather3A_442 : vector<16xi32>
      %shift_left3A_504 = arith.constant 24 : i32
      %shift_left3A_505 = vector.broadcast %shift_left3A_504 : i32 to vector<16xi32>
      %shift_left3A_506 = arith.shli %shift_right_arithmetic3A_503, %shift_left3A_505 : vector<16xi32>
      %shift_right_arithmetic3A_507 = arith.constant 24 : i32
      %shift_right_arithmetic3A_508 = vector.broadcast %shift_right_arithmetic3A_507 : i32 to vector<16xi32>
      %shift_right_arithmetic3A_509 = arith.shrsi %shift_left3A_506, %shift_right_arithmetic3A_508 : vector<16xi32>
      %convert_element_type3A_510 = arith.sitofp %shift_right_arithmetic3A_509 : vector<16xi32> to vector<16xf32>
      %mul3A_511 = arith.mulf %convert_element_type3A_510, %gather3A_439 : vector<16xf32>
      %add3A_512 = arith.constant 48 : i32
      %add3A_513 = arith.addi %mul3A_448, %add3A_512 : i32
      %swap3A_514 = arith.index_cast %shift_right_arithmetic3A_444 : i32 to index
      %swap3A_515 = arith.index_cast %add3A_513 : i32 to index
      %swap3A_516 = tpu.vector_load %arg13[%swap3A_514, %swap3A_515] {strides = array<i32>} : memref<64x128xf32, #tpu.memory_space<vmem>>, vector<16xf32>,
      tpu.vector_store %arg13[%swap3A_514, %swap3A_515], %mul3A_511 {strides = array<i32>} : memref<64x128xf32, #tpu.memory_space<vmem>>, vector<16xf32>,
      %scan3A_517 = arith.constant 4 : i32
      %scan3A_518 = arith.addi %scan3A_201, %scan3A_517 : i32
      %broadcast_in_dim3A_519 = vector.broadcast %scan3A_518 : i32 to vector<16xi32>
      %gather3A_520 = tpu.vector_load_idx %arg11[%broadcast_in_dim3A_519] : memref<128xf32, #tpu.memory_space<vmem>>[vector<16xi32>], vector<16xf32>,
      %broadcast_in_dim3A_521 = arith.constant 0 : i32
      %broadcast_in_dim3A_522 = vector.broadcast %broadcast_in_dim3A_521 : i32 to vector<16xi32>
      %gather3A_523 = tpu.vector_load_idx %arg8[%broadcast_in_dim3A_522, %broadcast_in_dim3A_519] : memref<50x128xi32, #tpu.memory_space<vmem>>[vector<16xi32>, vector<16xi32>], vector<16xi32>,
      %shift_right_arithmetic3A_524 = arith.constant 1 : i32
      %shift_right_arithmetic3A_525 = arith.shrsi %scan3A_518, %shift_right_arithmetic3A_524 : i32
      %and3A_526 = arith.constant 1 : i32
      %and3A_527 = arith.andi %scan3A_518, %and3A_526 : i32
      %mul3A_528 = arith.constant 64 : i32
      %mul3A_529 = arith.muli %and3A_527, %mul3A_528 : i32
      %get3A_530 = arith.index_cast %scan3A_518 : i32 to index
      %get3A_531 = arith.constant 0 : index
      %get3A_532 = tpu.vector_load %arg9[%get3A_530, %get3A_531] {strides = array<i32>} : memref<128x128xi32, #tpu.memory_space<vmem>>, vector<16xi32>,
      %shift_right_arithmetic3A_533 = arith.shrsi %get3A_532, %gather3A_523 : vector<16xi32>
      %shift_left3A_534 = arith.constant 24 : i32
      %shift_left3A_535 = vector.broadcast %shift_left3A_534 : i32 to vector<16xi32>
      %shift_left3A_536 = arith.shli %shift_right_arithmetic3A_533, %shift_left3A_535 : vector<16xi32>
      %shift_right_arithmetic3A_537 = arith.constant 24 : i32
      %shift_right_arithmetic3A_538 = vector.broadcast %shift_right_arithmetic3A_537 : i32 to vector<16xi32>
      %shift_right_arithmetic3A_539 = arith.shrsi %shift_left3A_536, %shift_right_arithmetic3A_538 : vector<16xi32>
      %convert_element_type3A_540 = arith.sitofp %shift_right_arithmetic3A_539 : vector<16xi32> to vector<16xf32>
      %mul3A_541 = arith.mulf %convert_element_type3A_540, %gather3A_520 : vector<16xf32>
      %add3A_542 = arith.constant 0 : i32
      %add3A_543 = arith.addi %mul3A_529, %add3A_542 : i32
      %swap3A_544 = arith.index_cast %shift_right_arithmetic3A_525 : i32 to index
      %swap3A_545 = arith.index_cast %add3A_543 : i32 to index
      %swap3A_546 = tpu.vector_load %arg13[%swap3A_544, %swap3A_545] {strides = array<i32>} : memref<64x128xf32, #tpu.memory_space<vmem>>, vector<16xf32>,
      tpu.vector_store %arg13[%swap3A_544, %swap3A_545], %mul3A_541 {strides = array<i32>} : memref<64x128xf32, #tpu.memory_space<vmem>>, vector<16xf32>,
      %get3A_547 = arith.index_cast %scan3A_518 : i32 to index
      %get3A_548 = arith.constant 16 : index
      %get3A_549 = tpu.vector_load %arg9[%get3A_547, %get3A_548] {strides = array<i32>} : memref<128x128xi32, #tpu.memory_space<vmem>>, vector<16xi32>,
      %shift_right_arithmetic3A_550 = arith.shrsi %get3A_549, %gather3A_523 : vector<16xi32>
      %shift_left3A_551 = arith.constant 24 : i32
      %shift_left3A_552 = vector.broadcast %shift_left3A_551 : i32 to vector<16xi32>
      %shift_left3A_553 = arith.shli %shift_right_arithmetic3A_550, %shift_left3A_552 : vector<16xi32>
      %shift_right_arithmetic3A_554 = arith.constant 24 : i32
      %shift_right_arithmetic3A_555 = vector.broadcast %shift_right_arithmetic3A_554 : i32 to vector<16xi32>
      %shift_right_arithmetic3A_556 = arith.shrsi %shift_left3A_553, %shift_right_arithmetic3A_555 : vector<16xi32>
      %convert_element_type3A_557 = arith.sitofp %shift_right_arithmetic3A_556 : vector<16xi32> to vector<16xf32>
      %mul3A_558 = arith.mulf %convert_element_type3A_557, %gather3A_520 : vector<16xf32>
      %add3A_559 = arith.constant 16 : i32
      %add3A_560 = arith.addi %mul3A_529, %add3A_559 : i32
      %swap3A_561 = arith.index_cast %shift_right_arithmetic3A_525 : i32 to index
      %swap3A_562 = arith.index_cast %add3A_560 : i32 to index
      %swap3A_563 = tpu.vector_load %arg13[%swap3A_561, %swap3A_562] {strides = array<i32>} : memref<64x128xf32, #tpu.memory_space<vmem>>, vector<16xf32>,
      tpu.vector_store %arg13[%swap3A_561, %swap3A_562], %mul3A_558 {strides = array<i32>} : memref<64x128xf32, #tpu.memory_space<vmem>>, vector<16xf32>,
      %get3A_564 = arith.index_cast %scan3A_518 : i32 to index
      %get3A_565 = arith.constant 32 : index
      %get3A_566 = tpu.vector_load %arg9[%get3A_564, %get3A_565] {strides = array<i32>} : memref<128x128xi32, #tpu.memory_space<vmem>>, vector<16xi32>,
      %shift_right_arithmetic3A_567 = arith.shrsi %get3A_566, %gather3A_523 : vector<16xi32>
      %shift_left3A_568 = arith.constant 24 : i32
      %shift_left3A_569 = vector.broadcast %shift_left3A_568 : i32 to vector<16xi32>
      %shift_left3A_570 = arith.shli %shift_right_arithmetic3A_567, %shift_left3A_569 : vector<16xi32>
      %shift_right_arithmetic3A_571 = arith.constant 24 : i32
      %shift_right_arithmetic3A_572 = vector.broadcast %shift_right_arithmetic3A_571 : i32 to vector<16xi32>
      %shift_right_arithmetic3A_573 = arith.shrsi %shift_left3A_570, %shift_right_arithmetic3A_572 : vector<16xi32>
      %convert_element_type3A_574 = arith.sitofp %shift_right_arithmetic3A_573 : vector<16xi32> to vector<16xf32>
      %mul3A_575 = arith.mulf %convert_element_type3A_574, %gather3A_520 : vector<16xf32>
      %add3A_576 = arith.constant 32 : i32
      %add3A_577 = arith.addi %mul3A_529, %add3A_576 : i32
      %swap3A_578 = arith.index_cast %shift_right_arithmetic3A_525 : i32 to index
      %swap3A_579 = arith.index_cast %add3A_577 : i32 to index
      %swap3A_580 = tpu.vector_load %arg13[%swap3A_578, %swap3A_579] {strides = array<i32>} : memref<64x128xf32, #tpu.memory_space<vmem>>, vector<16xf32>,
      tpu.vector_store %arg13[%swap3A_578, %swap3A_579], %mul3A_575 {strides = array<i32>} : memref<64x128xf32, #tpu.memory_space<vmem>>, vector<16xf32>,
      %get3A_581 = arith.index_cast %scan3A_518 : i32 to index
      %get3A_582 = arith.constant 48 : index
      %get3A_583 = tpu.vector_load %arg9[%get3A_581, %get3A_582] {strides = array<i32>} : memref<128x128xi32, #tpu.memory_space<vmem>>, vector<16xi32>,
      %shift_right_arithmetic3A_584 = arith.shrsi %get3A_583, %gather3A_523 : vector<16xi32>
      %shift_left3A_585 = arith.constant 24 : i32
      %shift_left3A_586 = vector.broadcast %shift_left3A_585 : i32 to vector<16xi32>
      %shift_left3A_587 = arith.shli %shift_right_arithmetic3A_584, %shift_left3A_586 : vector<16xi32>
      %shift_right_arithmetic3A_588 = arith.constant 24 : i32
      %shift_right_arithmetic3A_589 = vector.broadcast %shift_right_arithmetic3A_588 : i32 to vector<16xi32>
      %shift_right_arithmetic3A_590 = arith.shrsi %shift_left3A_587, %shift_right_arithmetic3A_589 : vector<16xi32>
      %convert_element_type3A_591 = arith.sitofp %shift_right_arithmetic3A_590 : vector<16xi32> to vector<16xf32>
      %mul3A_592 = arith.mulf %convert_element_type3A_591, %gather3A_520 : vector<16xf32>
      %add3A_593 = arith.constant 48 : i32
      %add3A_594 = arith.addi %mul3A_529, %add3A_593 : i32
      %swap3A_595 = arith.index_cast %shift_right_arithmetic3A_525 : i32 to index
      %swap3A_596 = arith.index_cast %add3A_594 : i32 to index
      %swap3A_597 = tpu.vector_load %arg13[%swap3A_595, %swap3A_596] {strides = array<i32>} : memref<64x128xf32, #tpu.memory_space<vmem>>, vector<16xf32>,
      tpu.vector_store %arg13[%swap3A_595, %swap3A_596], %mul3A_592 {strides = array<i32>} : memref<64x128xf32, #tpu.memory_space<vmem>>, vector<16xf32>,
      %scan3A_598 = arith.constant 5 : i32
      %scan3A_599 = arith.addi %scan3A_201, %scan3A_598 : i32
      %broadcast_in_dim3A_600 = vector.broadcast %scan3A_599 : i32 to vector<16xi32>
      %gather3A_601 = tpu.vector_load_idx %arg11[%broadcast_in_dim3A_600] : memref<128xf32, #tpu.memory_space<vmem>>[vector<16xi32>], vector<16xf32>,
      %broadcast_in_dim3A_602 = arith.constant 0 : i32
      %broadcast_in_dim3A_603 = vector.broadcast %broadcast_in_dim3A_602 : i32 to vector<16xi32>
      %gather3A_604 = tpu.vector_load_idx %arg8[%broadcast_in_dim3A_603, %broadcast_in_dim3A_600] : memref<50x128xi32, #tpu.memory_space<vmem>>[vector<16xi32>, vector<16xi32>], vector<16xi32>,
      %shift_right_arithmetic3A_605 = arith.constant 1 : i32
      %shift_right_arithmetic3A_606 = arith.shrsi %scan3A_599, %shift_right_arithmetic3A_605 : i32
      %and3A_607 = arith.constant 1 : i32
      %and3A_608 = arith.andi %scan3A_599, %and3A_607 : i32
      %mul3A_609 = arith.constant 64 : i32
      %mul3A_610 = arith.muli %and3A_608, %mul3A_609 : i32
      %get3A_611 = arith.index_cast %scan3A_599 : i32 to index
      %get3A_612 = arith.constant 0 : index
      %get3A_613 = tpu.vector_load %arg9[%get3A_611, %get3A_612] {strides = array<i32>} : memref<128x128xi32, #tpu.memory_space<vmem>>, vector<16xi32>,
      %shift_right_arithmetic3A_614 = arith.shrsi %get3A_613, %gather3A_604 : vector<16xi32>
      %shift_left3A_615 = arith.constant 24 : i32
      %shift_left3A_616 = vector.broadcast %shift_left3A_615 : i32 to vector<16xi32>
      %shift_left3A_617 = arith.shli %shift_right_arithmetic3A_614, %shift_left3A_616 : vector<16xi32>
      %shift_right_arithmetic3A_618 = arith.constant 24 : i32
      %shift_right_arithmetic3A_619 = vector.broadcast %shift_right_arithmetic3A_618 : i32 to vector<16xi32>
      %shift_right_arithmetic3A_620 = arith.shrsi %shift_left3A_617, %shift_right_arithmetic3A_619 : vector<16xi32>
      %convert_element_type3A_621 = arith.sitofp %shift_right_arithmetic3A_620 : vector<16xi32> to vector<16xf32>
      %mul3A_622 = arith.mulf %convert_element_type3A_621, %gather3A_601 : vector<16xf32>
      %add3A_623 = arith.constant 0 : i32
      %add3A_624 = arith.addi %mul3A_610, %add3A_623 : i32
      %swap3A_625 = arith.index_cast %shift_right_arithmetic3A_606 : i32 to index
      %swap3A_626 = arith.index_cast %add3A_624 : i32 to index
      %swap3A_627 = tpu.vector_load %arg13[%swap3A_625, %swap3A_626] {strides = array<i32>} : memref<64x128xf32, #tpu.memory_space<vmem>>, vector<16xf32>,
      tpu.vector_store %arg13[%swap3A_625, %swap3A_626], %mul3A_622 {strides = array<i32>} : memref<64x128xf32, #tpu.memory_space<vmem>>, vector<16xf32>,
      %get3A_628 = arith.index_cast %scan3A_599 : i32 to index
      %get3A_629 = arith.constant 16 : index
      %get3A_630 = tpu.vector_load %arg9[%get3A_628, %get3A_629] {strides = array<i32>} : memref<128x128xi32, #tpu.memory_space<vmem>>, vector<16xi32>,
      %shift_right_arithmetic3A_631 = arith.shrsi %get3A_630, %gather3A_604 : vector<16xi32>
      %shift_left3A_632 = arith.constant 24 : i32
      %shift_left3A_633 = vector.broadcast %shift_left3A_632 : i32 to vector<16xi32>
      %shift_left3A_634 = arith.shli %shift_right_arithmetic3A_631, %shift_left3A_633 : vector<16xi32>
      %shift_right_arithmetic3A_635 = arith.constant 24 : i32
      %shift_right_arithmetic3A_636 = vector.broadcast %shift_right_arithmetic3A_635 : i32 to vector<16xi32>
      %shift_right_arithmetic3A_637 = arith.shrsi %shift_left3A_634, %shift_right_arithmetic3A_636 : vector<16xi32>
      %convert_element_type3A_638 = arith.sitofp %shift_right_arithmetic3A_637 : vector<16xi32> to vector<16xf32>
      %mul3A_639 = arith.mulf %convert_element_type3A_638, %gather3A_601 : vector<16xf32>
      %add3A_640 = arith.constant 16 : i32
      %add3A_641 = arith.addi %mul3A_610, %add3A_640 : i32
      %swap3A_642 = arith.index_cast %shift_right_arithmetic3A_606 : i32 to index
      %swap3A_643 = arith.index_cast %add3A_641 : i32 to index
      %swap3A_644 = tpu.vector_load %arg13[%swap3A_642, %swap3A_643] {strides = array<i32>} : memref<64x128xf32, #tpu.memory_space<vmem>>, vector<16xf32>,
      tpu.vector_store %arg13[%swap3A_642, %swap3A_643], %mul3A_639 {strides = array<i32>} : memref<64x128xf32, #tpu.memory_space<vmem>>, vector<16xf32>,
      %get3A_645 = arith.index_cast %scan3A_599 : i32 to index
      %get3A_646 = arith.constant 32 : index
      %get3A_647 = tpu.vector_load %arg9[%get3A_645, %get3A_646] {strides = array<i32>} : memref<128x128xi32, #tpu.memory_space<vmem>>, vector<16xi32>,
      %shift_right_arithmetic3A_648 = arith.shrsi %get3A_647, %gather3A_604 : vector<16xi32>
      %shift_left3A_649 = arith.constant 24 : i32
      %shift_left3A_650 = vector.broadcast %shift_left3A_649 : i32 to vector<16xi32>
      %shift_left3A_651 = arith.shli %shift_right_arithmetic3A_648, %shift_left3A_650 : vector<16xi32>
      %shift_right_arithmetic3A_652 = arith.constant 24 : i32
      %shift_right_arithmetic3A_653 = vector.broadcast %shift_right_arithmetic3A_652 : i32 to vector<16xi32>
      %shift_right_arithmetic3A_654 = arith.shrsi %shift_left3A_651, %shift_right_arithmetic3A_653 : vector<16xi32>
      %convert_element_type3A_655 = arith.sitofp %shift_right_arithmetic3A_654 : vector<16xi32> to vector<16xf32>
      %mul3A_656 = arith.mulf %convert_element_type3A_655, %gather3A_601 : vector<16xf32>
      %add3A_657 = arith.constant 32 : i32
      %add3A_658 = arith.addi %mul3A_610, %add3A_657 : i32
      %swap3A_659 = arith.index_cast %shift_right_arithmetic3A_606 : i32 to index
      %swap3A_660 = arith.index_cast %add3A_658 : i32 to index
      %swap3A_661 = tpu.vector_load %arg13[%swap3A_659, %swap3A_660] {strides = array<i32>} : memref<64x128xf32, #tpu.memory_space<vmem>>, vector<16xf32>,
      tpu.vector_store %arg13[%swap3A_659, %swap3A_660], %mul3A_656 {strides = array<i32>} : memref<64x128xf32, #tpu.memory_space<vmem>>, vector<16xf32>,
      %get3A_662 = arith.index_cast %scan3A_599 : i32 to index
      %get3A_663 = arith.constant 48 : index
      %get3A_664 = tpu.vector_load %arg9[%get3A_662, %get3A_663] {strides = array<i32>} : memref<128x128xi32, #tpu.memory_space<vmem>>, vector<16xi32>,
      %shift_right_arithmetic3A_665 = arith.shrsi %get3A_664, %gather3A_604 : vector<16xi32>
      %shift_left3A_666 = arith.constant 24 : i32
      %shift_left3A_667 = vector.broadcast %shift_left3A_666 : i32 to vector<16xi32>
      %shift_left3A_668 = arith.shli %shift_right_arithmetic3A_665, %shift_left3A_667 : vector<16xi32>
      %shift_right_arithmetic3A_669 = arith.constant 24 : i32
      %shift_right_arithmetic3A_670 = vector.broadcast %shift_right_arithmetic3A_669 : i32 to vector<16xi32>
      %shift_right_arithmetic3A_671 = arith.shrsi %shift_left3A_668, %shift_right_arithmetic3A_670 : vector<16xi32>
      %convert_element_type3A_672 = arith.sitofp %shift_right_arithmetic3A_671 : vector<16xi32> to vector<16xf32>
      %mul3A_673 = arith.mulf %convert_element_type3A_672, %gather3A_601 : vector<16xf32>
      %add3A_674 = arith.constant 48 : i32
      %add3A_675 = arith.addi %mul3A_610, %add3A_674 : i32
      %swap3A_676 = arith.index_cast %shift_right_arithmetic3A_606 : i32 to index
      %swap3A_677 = arith.index_cast %add3A_675 : i32 to index
      %swap3A_678 = tpu.vector_load %arg13[%swap3A_676, %swap3A_677] {strides = array<i32>} : memref<64x128xf32, #tpu.memory_space<vmem>>, vector<16xf32>,
      tpu.vector_store %arg13[%swap3A_676, %swap3A_677], %mul3A_673 {strides = array<i32>} : memref<64x128xf32, #tpu.memory_space<vmem>>, vector<16xf32>,
      %scan3A_679 = arith.constant 6 : i32
      %scan3A_680 = arith.addi %scan3A_201, %scan3A_679 : i32
      %broadcast_in_dim3A_681 = vector.broadcast %scan3A_680 : i32 to vector<16xi32>
      %gather3A_682 = tpu.vector_load_idx %arg11[%broadcast_in_dim3A_681] : memref<128xf32, #tpu.memory_space<vmem>>[vector<16xi32>], vector<16xf32>,
      %broadcast_in_dim3A_683 = arith.constant 0 : i32
      %broadcast_in_dim3A_684 = vector.broadcast %broadcast_in_dim3A_683 : i32 to vector<16xi32>
      %gather3A_685 = tpu.vector_load_idx %arg8[%broadcast_in_dim3A_684, %broadcast_in_dim3A_681] : memref<50x128xi32, #tpu.memory_space<vmem>>[vector<16xi32>, vector<16xi32>], vector<16xi32>,
      %shift_right_arithmetic3A_686 = arith.constant 1 : i32
      %shift_right_arithmetic3A_687 = arith.shrsi %scan3A_680, %shift_right_arithmetic3A_686 : i32
      %and3A_688 = arith.constant 1 : i32
      %and3A_689 = arith.andi %scan3A_680, %and3A_688 : i32
      %mul3A_690 = arith.constant 64 : i32
      %mul3A_691 = arith.muli %and3A_689, %mul3A_690 : i32
      %get3A_692 = arith.index_cast %scan3A_680 : i32 to index
      %get3A_693 = arith.constant 0 : index
      %get3A_694 = tpu.vector_load %arg9[%get3A_692, %get3A_693] {strides = array<i32>} : memref<128x128xi32, #tpu.memory_space<vmem>>, vector<16xi32>,
      %shift_right_arithmetic3A_695 = arith.shrsi %get3A_694, %gather3A_685 : vector<16xi32>
      %shift_left3A_696 = arith.constant 24 : i32
      %shift_left3A_697 = vector.broadcast %shift_left3A_696 : i32 to vector<16xi32>
      %shift_left3A_698 = arith.shli %shift_right_arithmetic3A_695, %shift_left3A_697 : vector<16xi32>
      %shift_right_arithmetic3A_699 = arith.constant 24 : i32
      %shift_right_arithmetic3A_700 = vector.broadcast %shift_right_arithmetic3A_699 : i32 to vector<16xi32>
      %shift_right_arithmetic3A_701 = arith.shrsi %shift_left3A_698, %shift_right_arithmetic3A_700 : vector<16xi32>
      %convert_element_type3A_702 = arith.sitofp %shift_right_arithmetic3A_701 : vector<16xi32> to vector<16xf32>
      %mul3A_703 = arith.mulf %convert_element_type3A_702, %gather3A_682 : vector<16xf32>
      %add3A_704 = arith.constant 0 : i32
      %add3A_705 = arith.addi %mul3A_691, %add3A_704 : i32
      %swap3A_706 = arith.index_cast %shift_right_arithmetic3A_687 : i32 to index
      %swap3A_707 = arith.index_cast %add3A_705 : i32 to index
      %swap3A_708 = tpu.vector_load %arg13[%swap3A_706, %swap3A_707] {strides = array<i32>} : memref<64x128xf32, #tpu.memory_space<vmem>>, vector<16xf32>,
      tpu.vector_store %arg13[%swap3A_706, %swap3A_707], %mul3A_703 {strides = array<i32>} : memref<64x128xf32, #tpu.memory_space<vmem>>, vector<16xf32>,
      %get3A_709 = arith.index_cast %scan3A_680 : i32 to index
      %get3A_710 = arith.constant 16 : index
      %get3A_711 = tpu.vector_load %arg9[%get3A_709, %get3A_710] {strides = array<i32>} : memref<128x128xi32, #tpu.memory_space<vmem>>, vector<16xi32>,
      %shift_right_arithmetic3A_712 = arith.shrsi %get3A_711, %gather3A_685 : vector<16xi32>
      %shift_left3A_713 = arith.constant 24 : i32
      %shift_left3A_714 = vector.broadcast %shift_left3A_713 : i32 to vector<16xi32>
      %shift_left3A_715 = arith.shli %shift_right_arithmetic3A_712, %shift_left3A_714 : vector<16xi32>
      %shift_right_arithmetic3A_716 = arith.constant 24 : i32
      %shift_right_arithmetic3A_717 = vector.broadcast %shift_right_arithmetic3A_716 : i32 to vector<16xi32>
      %shift_right_arithmetic3A_718 = arith.shrsi %shift_left3A_715, %shift_right_arithmetic3A_717 : vector<16xi32>
      %convert_element_type3A_719 = arith.sitofp %shift_right_arithmetic3A_718 : vector<16xi32> to vector<16xf32>
      %mul3A_720 = arith.mulf %convert_element_type3A_719, %gather3A_682 : vector<16xf32>
      %add3A_721 = arith.constant 16 : i32
      %add3A_722 = arith.addi %mul3A_691, %add3A_721 : i32
      %swap3A_723 = arith.index_cast %shift_right_arithmetic3A_687 : i32 to index
      %swap3A_724 = arith.index_cast %add3A_722 : i32 to index
      %swap3A_725 = tpu.vector_load %arg13[%swap3A_723, %swap3A_724] {strides = array<i32>} : memref<64x128xf32, #tpu.memory_space<vmem>>, vector<16xf32>,
      tpu.vector_store %arg13[%swap3A_723, %swap3A_724], %mul3A_720 {strides = array<i32>} : memref<64x128xf32, #tpu.memory_space<vmem>>, vector<16xf32>,
      %get3A_726 = arith.index_cast %scan3A_680 : i32 to index
      %get3A_727 = arith.constant 32 : index
      %get3A_728 = tpu.vector_load %arg9[%get3A_726, %get3A_727] {strides = array<i32>} : memref<128x128xi32, #tpu.memory_space<vmem>>, vector<16xi32>,
      %shift_right_arithmetic3A_729 = arith.shrsi %get3A_728, %gather3A_685 : vector<16xi32>
      %shift_left3A_730 = arith.constant 24 : i32
      %shift_left3A_731 = vector.broadcast %shift_left3A_730 : i32 to vector<16xi32>
      %shift_left3A_732 = arith.shli %shift_right_arithmetic3A_729, %shift_left3A_731 : vector<16xi32>
      %shift_right_arithmetic3A_733 = arith.constant 24 : i32
      %shift_right_arithmetic3A_734 = vector.broadcast %shift_right_arithmetic3A_733 : i32 to vector<16xi32>
      %shift_right_arithmetic3A_735 = arith.shrsi %shift_left3A_732, %shift_right_arithmetic3A_734 : vector<16xi32>
      %convert_element_type3A_736 = arith.sitofp %shift_right_arithmetic3A_735 : vector<16xi32> to vector<16xf32>
      %mul3A_737 = arith.mulf %convert_element_type3A_736, %gather3A_682 : vector<16xf32>
      %add3A_738 = arith.constant 32 : i32
      %add3A_739 = arith.addi %mul3A_691, %add3A_738 : i32
      %swap3A_740 = arith.index_cast %shift_right_arithmetic3A_687 : i32 to index
      %swap3A_741 = arith.index_cast %add3A_739 : i32 to index
      %swap3A_742 = tpu.vector_load %arg13[%swap3A_740, %swap3A_741] {strides = array<i32>} : memref<64x128xf32, #tpu.memory_space<vmem>>, vector<16xf32>,
      tpu.vector_store %arg13[%swap3A_740, %swap3A_741], %mul3A_737 {strides = array<i32>} : memref<64x128xf32, #tpu.memory_space<vmem>>, vector<16xf32>,
      %get3A_743 = arith.index_cast %scan3A_680 : i32 to index
      %get3A_744 = arith.constant 48 : index
      %get3A_745 = tpu.vector_load %arg9[%get3A_743, %get3A_744] {strides = array<i32>} : memref<128x128xi32, #tpu.memory_space<vmem>>, vector<16xi32>,
      %shift_right_arithmetic3A_746 = arith.shrsi %get3A_745, %gather3A_685 : vector<16xi32>
      %shift_left3A_747 = arith.constant 24 : i32
      %shift_left3A_748 = vector.broadcast %shift_left3A_747 : i32 to vector<16xi32>
      %shift_left3A_749 = arith.shli %shift_right_arithmetic3A_746, %shift_left3A_748 : vector<16xi32>
      %shift_right_arithmetic3A_750 = arith.constant 24 : i32
      %shift_right_arithmetic3A_751 = vector.broadcast %shift_right_arithmetic3A_750 : i32 to vector<16xi32>
      %shift_right_arithmetic3A_752 = arith.shrsi %shift_left3A_749, %shift_right_arithmetic3A_751 : vector<16xi32>
      %convert_element_type3A_753 = arith.sitofp %shift_right_arithmetic3A_752 : vector<16xi32> to vector<16xf32>
      %mul3A_754 = arith.mulf %convert_element_type3A_753, %gather3A_682 : vector<16xf32>
      %add3A_755 = arith.constant 48 : i32
      %add3A_756 = arith.addi %mul3A_691, %add3A_755 : i32
      %swap3A_757 = arith.index_cast %shift_right_arithmetic3A_687 : i32 to index
      %swap3A_758 = arith.index_cast %add3A_756 : i32 to index
      %swap3A_759 = tpu.vector_load %arg13[%swap3A_757, %swap3A_758] {strides = array<i32>} : memref<64x128xf32, #tpu.memory_space<vmem>>, vector<16xf32>,
      tpu.vector_store %arg13[%swap3A_757, %swap3A_758], %mul3A_754 {strides = array<i32>} : memref<64x128xf32, #tpu.memory_space<vmem>>, vector<16xf32>,
      %scan3A_760 = arith.constant 7 : i32
      %scan3A_761 = arith.addi %scan3A_201, %scan3A_760 : i32
      %broadcast_in_dim3A_762 = vector.broadcast %scan3A_761 : i32 to vector<16xi32>
      %gather3A_763 = tpu.vector_load_idx %arg11[%broadcast_in_dim3A_762] : memref<128xf32, #tpu.memory_space<vmem>>[vector<16xi32>], vector<16xf32>,
      %broadcast_in_dim3A_764 = arith.constant 0 : i32
      %broadcast_in_dim3A_765 = vector.broadcast %broadcast_in_dim3A_764 : i32 to vector<16xi32>
      %gather3A_766 = tpu.vector_load_idx %arg8[%broadcast_in_dim3A_765, %broadcast_in_dim3A_762] : memref<50x128xi32, #tpu.memory_space<vmem>>[vector<16xi32>, vector<16xi32>], vector<16xi32>,
      %shift_right_arithmetic3A_767 = arith.constant 1 : i32
      %shift_right_arithmetic3A_768 = arith.shrsi %scan3A_761, %shift_right_arithmetic3A_767 : i32
      %and3A_769 = arith.constant 1 : i32
      %and3A_770 = arith.andi %scan3A_761, %and3A_769 : i32
      %mul3A_771 = arith.constant 64 : i32
      %mul3A_772 = arith.muli %and3A_770, %mul3A_771 : i32
      %get3A_773 = arith.index_cast %scan3A_761 : i32 to index
      %get3A_774 = arith.constant 0 : index
      %get3A_775 = tpu.vector_load %arg9[%get3A_773, %get3A_774] {strides = array<i32>} : memref<128x128xi32, #tpu.memory_space<vmem>>, vector<16xi32>,
      %shift_right_arithmetic3A_776 = arith.shrsi %get3A_775, %gather3A_766 : vector<16xi32>
      %shift_left3A_777 = arith.constant 24 : i32
      %shift_left3A_778 = vector.broadcast %shift_left3A_777 : i32 to vector<16xi32>
      %shift_left3A_779 = arith.shli %shift_right_arithmetic3A_776, %shift_left3A_778 : vector<16xi32>
      %shift_right_arithmetic3A_780 = arith.constant 24 : i32
      %shift_right_arithmetic3A_781 = vector.broadcast %shift_right_arithmetic3A_780 : i32 to vector<16xi32>
      %shift_right_arithmetic3A_782 = arith.shrsi %shift_left3A_779, %shift_right_arithmetic3A_781 : vector<16xi32>
      %convert_element_type3A_783 = arith.sitofp %shift_right_arithmetic3A_782 : vector<16xi32> to vector<16xf32>
      %mul3A_784 = arith.mulf %convert_element_type3A_783, %gather3A_763 : vector<16xf32>
      %add3A_785 = arith.constant 0 : i32
      %add3A_786 = arith.addi %mul3A_772, %add3A_785 : i32
      %swap3A_787 = arith.index_cast %shift_right_arithmetic3A_768 : i32 to index
      %swap3A_788 = arith.index_cast %add3A_786 : i32 to index
      %swap3A_789 = tpu.vector_load %arg13[%swap3A_787, %swap3A_788] {strides = array<i32>} : memref<64x128xf32, #tpu.memory_space<vmem>>, vector<16xf32>,
      tpu.vector_store %arg13[%swap3A_787, %swap3A_788], %mul3A_784 {strides = array<i32>} : memref<64x128xf32, #tpu.memory_space<vmem>>, vector<16xf32>,
      %get3A_790 = arith.index_cast %scan3A_761 : i32 to index
      %get3A_791 = arith.constant 16 : index
      %get3A_792 = tpu.vector_load %arg9[%get3A_790, %get3A_791] {strides = array<i32>} : memref<128x128xi32, #tpu.memory_space<vmem>>, vector<16xi32>,
      %shift_right_arithmetic3A_793 = arith.shrsi %get3A_792, %gather3A_766 : vector<16xi32>
      %shift_left3A_794 = arith.constant 24 : i32
      %shift_left3A_795 = vector.broadcast %shift_left3A_794 : i32 to vector<16xi32>
      %shift_left3A_796 = arith.shli %shift_right_arithmetic3A_793, %shift_left3A_795 : vector<16xi32>
      %shift_right_arithmetic3A_797 = arith.constant 24 : i32
      %shift_right_arithmetic3A_798 = vector.broadcast %shift_right_arithmetic3A_797 : i32 to vector<16xi32>
      %shift_right_arithmetic3A_799 = arith.shrsi %shift_left3A_796, %shift_right_arithmetic3A_798 : vector<16xi32>
      %convert_element_type3A_800 = arith.sitofp %shift_right_arithmetic3A_799 : vector<16xi32> to vector<16xf32>
      %mul3A_801 = arith.mulf %convert_element_type3A_800, %gather3A_763 : vector<16xf32>
      %add3A_802 = arith.constant 16 : i32
      %add3A_803 = arith.addi %mul3A_772, %add3A_802 : i32
      %swap3A_804 = arith.index_cast %shift_right_arithmetic3A_768 : i32 to index
      %swap3A_805 = arith.index_cast %add3A_803 : i32 to index
      %swap3A_806 = tpu.vector_load %arg13[%swap3A_804, %swap3A_805] {strides = array<i32>} : memref<64x128xf32, #tpu.memory_space<vmem>>, vector<16xf32>,
      tpu.vector_store %arg13[%swap3A_804, %swap3A_805], %mul3A_801 {strides = array<i32>} : memref<64x128xf32, #tpu.memory_space<vmem>>, vector<16xf32>,
      %get3A_807 = arith.index_cast %scan3A_761 : i32 to index
      %get3A_808 = arith.constant 32 : index
      %get3A_809 = tpu.vector_load %arg9[%get3A_807, %get3A_808] {strides = array<i32>} : memref<128x128xi32, #tpu.memory_space<vmem>>, vector<16xi32>,
      %shift_right_arithmetic3A_810 = arith.shrsi %get3A_809, %gather3A_766 : vector<16xi32>
      %shift_left3A_811 = arith.constant 24 : i32
      %shift_left3A_812 = vector.broadcast %shift_left3A_811 : i32 to vector<16xi32>
      %shift_left3A_813 = arith.shli %shift_right_arithmetic3A_810, %shift_left3A_812 : vector<16xi32>
      %shift_right_arithmetic3A_814 = arith.constant 24 : i32
      %shift_right_arithmetic3A_815 = vector.broadcast %shift_right_arithmetic3A_814 : i32 to vector<16xi32>
      %shift_right_arithmetic3A_816 = arith.shrsi %shift_left3A_813, %shift_right_arithmetic3A_815 : vector<16xi32>
      %convert_element_type3A_817 = arith.sitofp %shift_right_arithmetic3A_816 : vector<16xi32> to vector<16xf32>
      %mul3A_818 = arith.mulf %convert_element_type3A_817, %gather3A_763 : vector<16xf32>
      %add3A_819 = arith.constant 32 : i32
      %add3A_820 = arith.addi %mul3A_772, %add3A_819 : i32
      %swap3A_821 = arith.index_cast %shift_right_arithmetic3A_768 : i32 to index
      %swap3A_822 = arith.index_cast %add3A_820 : i32 to index
      %swap3A_823 = tpu.vector_load %arg13[%swap3A_821, %swap3A_822] {strides = array<i32>} : memref<64x128xf32, #tpu.memory_space<vmem>>, vector<16xf32>,
      tpu.vector_store %arg13[%swap3A_821, %swap3A_822], %mul3A_818 {strides = array<i32>} : memref<64x128xf32, #tpu.memory_space<vmem>>, vector<16xf32>,
      %get3A_824 = arith.index_cast %scan3A_761 : i32 to index
      %get3A_825 = arith.constant 48 : index
      %get3A_826 = tpu.vector_load %arg9[%get3A_824, %get3A_825] {strides = array<i32>} : memref<128x128xi32, #tpu.memory_space<vmem>>, vector<16xi32>,
      %shift_right_arithmetic3A_827 = arith.shrsi %get3A_826, %gather3A_766 : vector<16xi32>
      %shift_left3A_828 = arith.constant 24 : i32
      %shift_left3A_829 = vector.broadcast %shift_left3A_828 : i32 to vector<16xi32>
      %shift_left3A_830 = arith.shli %shift_right_arithmetic3A_827, %shift_left3A_829 : vector<16xi32>
      %shift_right_arithmetic3A_831 = arith.constant 24 : i32
      %shift_right_arithmetic3A_832 = vector.broadcast %shift_right_arithmetic3A_831 : i32 to vector<16xi32>
      %shift_right_arithmetic3A_833 = arith.shrsi %shift_left3A_830, %shift_right_arithmetic3A_832 : vector<16xi32>
      %convert_element_type3A_834 = arith.sitofp %shift_right_arithmetic3A_833 : vector<16xi32> to vector<16xf32>
      %mul3A_835 = arith.mulf %convert_element_type3A_834, %gather3A_763 : vector<16xf32>
      %add3A_836 = arith.constant 48 : i32
      %add3A_837 = arith.addi %mul3A_772, %add3A_836 : i32
      %swap3A_838 = arith.index_cast %shift_right_arithmetic3A_768 : i32 to index
      %swap3A_839 = arith.index_cast %add3A_837 : i32 to index
      %swap3A_840 = tpu.vector_load %arg13[%swap3A_838, %swap3A_839] {strides = array<i32>} : memref<64x128xf32, #tpu.memory_space<vmem>>, vector<16xf32>,
      tpu.vector_store %arg13[%swap3A_838, %swap3A_839], %mul3A_835 {strides = array<i32>} : memref<64x128xf32, #tpu.memory_space<vmem>>, vector<16xf32>,
    }
    %scan3A_53 = arith.constant 128 : i32
    %add3A_54 = arith.constant 0 : i32
    %add3A_55 = arith.addi %mul3A_2, %add3A_54 : i32
    %jit3A = arith.constant 2 : i32
    %div3A = arith.divsi %add3A_55, %jit3A : i32
    %sign3A = arith.constant 0 : i32
    %sign3A_56 = arith.cmpi sgt, %add3A_55, %sign3A : i32
    %sign3A_57 = arith.extui %sign3A_56 : i1 to i32
    %sign3A_58 = arith.constant 0 : i32
    %sign3A_59 = arith.cmpi slt, %add3A_55, %sign3A_58 : i32
    %sign3A_60 = arith.extui %sign3A_59 : i1 to i32
    %sign3A_61 = arith.subi %sign3A_57, %sign3A_60 : i32
    %sign3A_62 = arith.constant 0 : i32
    %sign3A_63 = arith.cmpi sgt, %jit3A, %sign3A_62 : i32
    %sign3A_64 = arith.extui %sign3A_63 : i1 to i32
    %sign3A_65 = arith.constant 0 : i32
    %sign3A_66 = arith.cmpi slt, %jit3A, %sign3A_65 : i32
    %sign3A_67 = arith.extui %sign3A_66 : i1 to i32
    %sign3A_68 = arith.subi %sign3A_64, %sign3A_67 : i32
    %ne3A = arith.cmpi ne, %sign3A_61, %sign3A_68 : i32
    %rem3A = arith.remsi %add3A_55, %jit3A : i32
    %ne3A_69 = arith.constant 0 : i32
    %ne3A_70 = arith.cmpi ne, %rem3A, %ne3A_69 : i32
    %and3A = arith.andi %ne3A, %ne3A_70 : i1
    %sub3A = arith.constant 1 : i32
    %sub3A_71 = arith.subi %div3A, %sub3A : i32
    %select_n3A = arith.select %and3A, %sub3A_71, %div3A : i32
    %multiple_of3A = tpu.assume_multiple %select_n3A, 64 : i32
    %dma_start3A_72 = arith.constant 0 : i32
    %dma_start3A_73 = tpu.memref_slice %arg5[%multiple_of3A, %dma_start3A_72] : memref<102400x128xf32, #tpu.memory_space<hbm>> -> memref<64x128xf32, #tpu.memory_space<hbm>>
    %dma_start3A_74 = arith.constant 0 : i32
    %dma_start3A_75 = tpu.memref_slice %arg5[%multiple_of3A, %dma_start3A_74] : memref<102400x128xf32, #tpu.memory_space<hbm>> -> memref<64x128xf32, #tpu.memory_space<hbm>>
    tpu.enqueue_dma source(%arg13 : memref<64x128xf32, #tpu.memory_space<vmem>>) target(%dma_start3A_75 : memref<64x128xf32, #tpu.memory_space<hbm>>) target_semaphore(%arg19 : memref<!tpu.dma_semaphore, #tpu.memory_space<semaphore_mem>>)
    %dma_start3A_76 = arith.constant 2 : i32
    %dma_start3A_77 = arith.constant 0 : i32
    %dma_start3A_78 = tpu.memref_slice %arg7[%dma_start3A_76, %dma_start3A_77] : memref<50x128xi32, #tpu.memory_space<vmem>> -> memref<1x128xi32, #tpu.memory_space<vmem>>
    %dma_start3A_79 = tpu.memref_squeeze %dma_start3A_78 : memref<1x128xi32, #tpu.memory_space<vmem>> -> memref<128xi32, #tpu.memory_space<vmem>>
    %dma_start3A_80 = tpu.memref_bitcast %arg2 : memref<1000000x128xi8, #tpu.memory_space<hbm>> -> memref<250000x128xi32, #tpu.memory_space<hbm>>
    %dma_start3A_81 = arith.constant 0 : i32
    %dma_start3A_82 = arith.constant 0 : i32
    %dma_start3A_83 = tpu.memref_slice %dma_start3A_80[%dma_start3A_81, %dma_start3A_82] : memref<250000x128xi32, #tpu.memory_space<hbm>> -> memref<250000x128xi32, #tpu.memory_space<hbm>>
    tpu.enqueue_indirect_dma source(%dma_start3A_83 : memref<250000x128xi32, #tpu.memory_space<hbm>>) target(%arg9 : memref<128x128xi32, #tpu.memory_space<vmem>>) offsets(%dma_start3A_79 : memref<128xi32, #tpu.memory_space<vmem>>) semaphore(%arg15 : memref<!tpu.dma_semaphore, #tpu.memory_space<semaphore_mem>>)
    %dma_start3A_84 = arith.constant 2 : i32
    %dma_start3A_85 = arith.constant 0 : i32
    %dma_start3A_86 = tpu.memref_slice %arg6[%dma_start3A_84, %dma_start3A_85] : memref<50x128xi32, #tpu.memory_space<vmem>> -> memref<1x128xi32, #tpu.memory_space<vmem>>
    %dma_start3A_87 = tpu.memref_squeeze %dma_start3A_86 : memref<1x128xi32, #tpu.memory_space<vmem>> -> memref<128xi32, #tpu.memory_space<vmem>>
    %dma_start3A_88 = arith.constant 0 : i32
    %dma_start3A_89 = tpu.memref_slice %arg3[%dma_start3A_88] : memref<1000000xf32, #tpu.memory_space<hbm>> -> memref<1000000xf32, #tpu.memory_space<hbm>>
    tpu.enqueue_indirect_dma source(%dma_start3A_89 : memref<1000000xf32, #tpu.memory_space<hbm>>) target(%arg11 : memref<128xf32, #tpu.memory_space<vmem>>) offsets(%dma_start3A_87 : memref<128xi32, #tpu.memory_space<vmem>>) semaphore(%arg17 : memref<!tpu.dma_semaphore, #tpu.memory_space<semaphore_mem>>)
    %dma_wait3A_90 = arith.constant 1 : i32
    %dma_wait3A_91 = arith.constant 0 : i32
    %dma_wait3A_92 = tpu.memref_slice %arg7[%dma_wait3A_90, %dma_wait3A_91] : memref<50x128xi32, #tpu.memory_space<vmem>> -> memref<1x128xi32, #tpu.memory_space<vmem>>
    %dma_wait3A_93 = tpu.memref_squeeze %dma_wait3A_92 : memref<1x128xi32, #tpu.memory_space<vmem>> -> memref<128xi32, #tpu.memory_space<vmem>>
    %dma_wait3A_94 = tpu.memref_bitcast %arg2 : memref<1000000x128xi8, #tpu.memory_space<hbm>> -> memref<250000x128xi32, #tpu.memory_space<hbm>>
    %dma_wait3A_95 = arith.constant 0 : i32
    %dma_wait3A_96 = arith.constant 0 : i32
    %dma_wait3A_97 = tpu.memref_slice %dma_wait3A_94[%dma_wait3A_95, %dma_wait3A_96] : memref<250000x128xi32, #tpu.memory_space<hbm>> -> memref<250000x128xi32, #tpu.memory_space<hbm>>
    tpu.wait_indirect_dma semaphore(%arg16 : memref<!tpu.dma_semaphore, #tpu.memory_space<semaphore_mem>>) src(%dma_wait3A_97 : memref<250000x128xi32, #tpu.memory_space<hbm>>) dst(%arg10 : memref<128x128xi32, #tpu.memory_space<vmem>>)
    %dma_wait3A_98 = arith.constant 1 : i32
    %dma_wait3A_99 = arith.constant 0 : i32
    %dma_wait3A_100 = tpu.memref_slice %arg6[%dma_wait3A_98, %dma_wait3A_99] : memref<50x128xi32, #tpu.memory_space<vmem>> -> memref<1x128xi32, #tpu.memory_space<vmem>>
    %dma_wait3A_101 = tpu.memref_squeeze %dma_wait3A_100 : memref<1x128xi32, #tpu.memory_space<vmem>> -> memref<128xi32, #tpu.memory_space<vmem>>
    %dma_wait3A_102 = arith.constant 0 : i32
    %dma_wait3A_103 = tpu.memref_slice %arg3[%dma_wait3A_102] : memref<1000000xf32, #tpu.memory_space<hbm>> -> memref<1000000xf32, #tpu.memory_space<hbm>>
    tpu.wait_indirect_dma semaphore(%arg18 : memref<!tpu.dma_semaphore, #tpu.memory_space<semaphore_mem>>) src(%dma_wait3A_103 : memref<1000000xf32, #tpu.memory_space<hbm>>) dst(%arg12 : memref<128xf32, #tpu.memory_space<vmem>>)
    %scan3A_104 = arith.constant 0 : i32
    %scan3A_105 = arith.constant 0 : i32
    %scan3A_106 = arith.constant 128 : i32
    %scan3A_107 = arith.addi %scan3A_105, %scan3A_106 : i32
    %scan3A_108 = arith.constant 8 : i32
    scf.for %scan3A_201 = %scan3A_105 to %scan3A_107 step %scan3A_108  : i32 {
      %broadcast_in_dim3A = vector.broadcast %scan3A_201 : i32 to vector<16xi32>
      %gather3A = tpu.vector_load_idx %arg12[%broadcast_in_dim3A] : memref<128xf32, #tpu.memory_space<vmem>>[vector<16xi32>], vector<16xf32>,
      %broadcast_in_dim3A_202 = arith.constant 1 : i32
      %broadcast_in_dim3A_203 = vector.broadcast %broadcast_in_dim3A_202 : i32 to vector<16xi32>
      %gather3A_204 = tpu.vector_load_idx %arg8[%broadcast_in_dim3A_203, %broadcast_in_dim3A] : memref<50x128xi32, #tpu.memory_space<vmem>>[vector<16xi32>, vector<16xi32>], vector<16xi32>,
      %shift_right_arithmetic3A = arith.constant 1 : i32
      %shift_right_arithmetic3A_205 = arith.shrsi %scan3A_201, %shift_right_arithmetic3A : i32
      %and3A_206 = arith.constant 1 : i32
      %and3A_207 = arith.andi %scan3A_201, %and3A_206 : i32
      %mul3A_208 = arith.constant 64 : i32
      %mul3A_209 = arith.muli %and3A_207, %mul3A_208 : i32
      %get3A = arith.index_cast %scan3A_201 : i32 to index
      %get3A_210 = arith.constant 0 : index
      %get3A_211 = tpu.vector_load %arg10[%get3A, %get3A_210] {strides = array<i32>} : memref<128x128xi32, #tpu.memory_space<vmem>>, vector<16xi32>,
      %shift_right_arithmetic3A_212 = arith.shrsi %get3A_211, %gather3A_204 : vector<16xi32>
      %shift_left3A = arith.constant 24 : i32
      %shift_left3A_213 = vector.broadcast %shift_left3A : i32 to vector<16xi32>
      %shift_left3A_214 = arith.shli %shift_right_arithmetic3A_212, %shift_left3A_213 : vector<16xi32>
      %shift_right_arithmetic3A_215 = arith.constant 24 : i32
      %shift_right_arithmetic3A_216 = vector.broadcast %shift_right_arithmetic3A_215 : i32 to vector<16xi32>
      %shift_right_arithmetic3A_217 = arith.shrsi %shift_left3A_214, %shift_right_arithmetic3A_216 : vector<16xi32>
      %convert_element_type3A = arith.sitofp %shift_right_arithmetic3A_217 : vector<16xi32> to vector<16xf32>
      %mul3A_218 = arith.mulf %convert_element_type3A, %gather3A : vector<16xf32>
      %add3A_219 = arith.constant 0 : i32
      %add3A_220 = arith.addi %mul3A_209, %add3A_219 : i32
      %swap3A = arith.index_cast %shift_right_arithmetic3A_205 : i32 to index
      %swap3A_221 = arith.index_cast %add3A_220 : i32 to index
      %swap3A_222 = tpu.vector_load %arg14[%swap3A, %swap3A_221] {strides = array<i32>} : memref<64x128xf32, #tpu.memory_space<vmem>>, vector<16xf32>,
      tpu.vector_store %arg14[%swap3A, %swap3A_221], %mul3A_218 {strides = array<i32>} : memref<64x128xf32, #tpu.memory_space<vmem>>, vector<16xf32>,
      %get3A_223 = arith.index_cast %scan3A_201 : i32 to index
      %get3A_224 = arith.constant 16 : index
      %get3A_225 = tpu.vector_load %arg10[%get3A_223, %get3A_224] {strides = array<i32>} : memref<128x128xi32, #tpu.memory_space<vmem>>, vector<16xi32>,
      %shift_right_arithmetic3A_226 = arith.shrsi %get3A_225, %gather3A_204 : vector<16xi32>
      %shift_left3A_227 = arith.constant 24 : i32
      %shift_left3A_228 = vector.broadcast %shift_left3A_227 : i32 to vector<16xi32>
      %shift_left3A_229 = arith.shli %shift_right_arithmetic3A_226, %shift_left3A_228 : vector<16xi32>
      %shift_right_arithmetic3A_230 = arith.constant 24 : i32
      %shift_right_arithmetic3A_231 = vector.broadcast %shift_right_arithmetic3A_230 : i32 to vector<16xi32>
      %shift_right_arithmetic3A_232 = arith.shrsi %shift_left3A_229, %shift_right_arithmetic3A_231 : vector<16xi32>
      %convert_element_type3A_233 = arith.sitofp %shift_right_arithmetic3A_232 : vector<16xi32> to vector<16xf32>
      %mul3A_234 = arith.mulf %convert_element_type3A_233, %gather3A : vector<16xf32>
      %add3A_235 = arith.constant 16 : i32
      %add3A_236 = arith.addi %mul3A_209, %add3A_235 : i32
      %swap3A_237 = arith.index_cast %shift_right_arithmetic3A_205 : i32 to index
      %swap3A_238 = arith.index_cast %add3A_236 : i32 to index
      %swap3A_239 = tpu.vector_load %arg14[%swap3A_237, %swap3A_238] {strides = array<i32>} : memref<64x128xf32, #tpu.memory_space<vmem>>, vector<16xf32>,
      tpu.vector_store %arg14[%swap3A_237, %swap3A_238], %mul3A_234 {strides = array<i32>} : memref<64x128xf32, #tpu.memory_space<vmem>>, vector<16xf32>,
      %get3A_240 = arith.index_cast %scan3A_201 : i32 to index
      %get3A_241 = arith.constant 32 : index
      %get3A_242 = tpu.vector_load %arg10[%get3A_240, %get3A_241] {strides = array<i32>} : memref<128x128xi32, #tpu.memory_space<vmem>>, vector<16xi32>,
      %shift_right_arithmetic3A_243 = arith.shrsi %get3A_242, %gather3A_204 : vector<16xi32>
      %shift_left3A_244 = arith.constant 24 : i32
      %shift_left3A_245 = vector.broadcast %shift_left3A_244 : i32 to vector<16xi32>
      %shift_left3A_246 = arith.shli %shift_right_arithmetic3A_243, %shift_left3A_245 : vector<16xi32>
      %shift_right_arithmetic3A_247 = arith.constant 24 : i32
      %shift_right_arithmetic3A_248 = vector.broadcast %shift_right_arithmetic3A_247 : i32 to vector<16xi32>
      %shift_right_arithmetic3A_249 = arith.shrsi %shift_left3A_246, %shift_right_arithmetic3A_248 : vector<16xi32>
      %convert_element_type3A_250 = arith.sitofp %shift_right_arithmetic3A_249 : vector<16xi32> to vector<16xf32>
      %mul3A_251 = arith.mulf %convert_element_type3A_250, %gather3A : vector<16xf32>
      %add3A_252 = arith.constant 32 : i32
      %add3A_253 = arith.addi %mul3A_209, %add3A_252 : i32
      %swap3A_254 = arith.index_cast %shift_right_arithmetic3A_205 : i32 to index
      %swap3A_255 = arith.index_cast %add3A_253 : i32 to index
      %swap3A_256 = tpu.vector_load %arg14[%swap3A_254, %swap3A_255] {strides = array<i32>} : memref<64x128xf32, #tpu.memory_space<vmem>>, vector<16xf32>,
      tpu.vector_store %arg14[%swap3A_254, %swap3A_255], %mul3A_251 {strides = array<i32>} : memref<64x128xf32, #tpu.memory_space<vmem>>, vector<16xf32>,
      %get3A_257 = arith.index_cast %scan3A_201 : i32 to index
      %get3A_258 = arith.constant 48 : index
      %get3A_259 = tpu.vector_load %arg10[%get3A_257, %get3A_258] {strides = array<i32>} : memref<128x128xi32, #tpu.memory_space<vmem>>, vector<16xi32>,
      %shift_right_arithmetic3A_260 = arith.shrsi %get3A_259, %gather3A_204 : vector<16xi32>
      %shift_left3A_261 = arith.constant 24 : i32
      %shift_left3A_262 = vector.broadcast %shift_left3A_261 : i32 to vector<16xi32>
      %shift_left3A_263 = arith.shli %shift_right_arithmetic3A_260, %shift_left3A_262 : vector<16xi32>
      %shift_right_arithmetic3A_264 = arith.constant 24 : i32
      %shift_right_arithmetic3A_265 = vector.broadcast %shift_right_arithmetic3A_264 : i32 to vector<16xi32>
      %shift_right_arithmetic3A_266 = arith.shrsi %shift_left3A_263, %shift_right_arithmetic3A_265 : vector<16xi32>
      %convert_element_type3A_267 = arith.sitofp %shift_right_arithmetic3A_266 : vector<16xi32> to vector<16xf32>
      %mul3A_268 = arith.mulf %convert_element_type3A_267, %gather3A : vector<16xf32>
      %add3A_269 = arith.constant 48 : i32
      %add3A_270 = arith.addi %mul3A_209, %add3A_269 : i32
      %swap3A_271 = arith.index_cast %shift_right_arithmetic3A_205 : i32 to index
      %swap3A_272 = arith.index_cast %add3A_270 : i32 to index
      %swap3A_273 = tpu.vector_load %arg14[%swap3A_271, %swap3A_272] {strides = array<i32>} : memref<64x128xf32, #tpu.memory_space<vmem>>, vector<16xf32>,
      tpu.vector_store %arg14[%swap3A_271, %swap3A_272], %mul3A_268 {strides = array<i32>} : memref<64x128xf32, #tpu.memory_space<vmem>>, vector<16xf32>,
      %scan3A_274 = arith.constant 1 : i32
      %scan3A_275 = arith.addi %scan3A_201, %scan3A_274 : i32
      %broadcast_in_dim3A_276 = vector.broadcast %scan3A_275 : i32 to vector<16xi32>
      %gather3A_277 = tpu.vector_load_idx %arg12[%broadcast_in_dim3A_276] : memref<128xf32, #tpu.memory_space<vmem>>[vector<16xi32>], vector<16xf32>,
      %broadcast_in_dim3A_278 = arith.constant 1 : i32
      %broadcast_in_dim3A_279 = vector.broadcast %broadcast_in_dim3A_278 : i32 to vector<16xi32>
      %gather3A_280 = tpu.vector_load_idx %arg8[%broadcast_in_dim3A_279, %broadcast_in_dim3A_276] : memref<50x128xi32, #tpu.memory_space<vmem>>[vector<16xi32>, vector<16xi32>], vector<16xi32>,
      %shift_right_arithmetic3A_281 = arith.constant 1 : i32
      %shift_right_arithmetic3A_282 = arith.shrsi %scan3A_275, %shift_right_arithmetic3A_281 : i32
      %and3A_283 = arith.constant 1 : i32
      %and3A_284 = arith.andi %scan3A_275, %and3A_283 : i32
      %mul3A_285 = arith.constant 64 : i32
      %mul3A_286 = arith.muli %and3A_284, %mul3A_285 : i32
      %get3A_287 = arith.index_cast %scan3A_275 : i32 to index
      %get3A_288 = arith.constant 0 : index
      %get3A_289 = tpu.vector_load %arg10[%get3A_287, %get3A_288] {strides = array<i32>} : memref<128x128xi32, #tpu.memory_space<vmem>>, vector<16xi32>,
      %shift_right_arithmetic3A_290 = arith.shrsi %get3A_289, %gather3A_280 : vector<16xi32>
      %shift_left3A_291 = arith.constant 24 : i32
      %shift_left3A_292 = vector.broadcast %shift_left3A_291 : i32 to vector<16xi32>
      %shift_left3A_293 = arith.shli %shift_right_arithmetic3A_290, %shift_left3A_292 : vector<16xi32>
      %shift_right_arithmetic3A_294 = arith.constant 24 : i32
      %shift_right_arithmetic3A_295 = vector.broadcast %shift_right_arithmetic3A_294 : i32 to vector<16xi32>
      %shift_right_arithmetic3A_296 = arith.shrsi %shift_left3A_293, %shift_right_arithmetic3A_295 : vector<16xi32>
      %convert_element_type3A_297 = arith.sitofp %shift_right_arithmetic3A_296 : vector<16xi32> to vector<16xf32>
      %mul3A_298 = arith.mulf %convert_element_type3A_297, %gather3A_277 : vector<16xf32>
      %add3A_299 = arith.constant 0 : i32
      %add3A_300 = arith.addi %mul3A_286, %add3A_299 : i32
      %swap3A_301 = arith.index_cast %shift_right_arithmetic3A_282 : i32 to index
      %swap3A_302 = arith.index_cast %add3A_300 : i32 to index
      %swap3A_303 = tpu.vector_load %arg14[%swap3A_301, %swap3A_302] {strides = array<i32>} : memref<64x128xf32, #tpu.memory_space<vmem>>, vector<16xf32>,
      tpu.vector_store %arg14[%swap3A_301, %swap3A_302], %mul3A_298 {strides = array<i32>} : memref<64x128xf32, #tpu.memory_space<vmem>>, vector<16xf32>,
      %get3A_304 = arith.index_cast %scan3A_275 : i32 to index
      %get3A_305 = arith.constant 16 : index
      %get3A_306 = tpu.vector_load %arg10[%get3A_304, %get3A_305] {strides = array<i32>} : memref<128x128xi32, #tpu.memory_space<vmem>>, vector<16xi32>,
      %shift_right_arithmetic3A_307 = arith.shrsi %get3A_306, %gather3A_280 : vector<16xi32>
      %shift_left3A_308 = arith.constant 24 : i32
      %shift_left3A_309 = vector.broadcast %shift_left3A_308 : i32 to vector<16xi32>
      %shift_left3A_310 = arith.shli %shift_right_arithmetic3A_307, %shift_left3A_309 : vector<16xi32>
      %shift_right_arithmetic3A_311 = arith.constant 24 : i32
      %shift_right_arithmetic3A_312 = vector.broadcast %shift_right_arithmetic3A_311 : i32 to vector<16xi32>
      %shift_right_arithmetic3A_313 = arith.shrsi %shift_left3A_310, %shift_right_arithmetic3A_312 : vector<16xi32>
      %convert_element_type3A_314 = arith.sitofp %shift_right_arithmetic3A_313 : vector<16xi32> to vector<16xf32>
      %mul3A_315 = arith.mulf %convert_element_type3A_314, %gather3A_277 : vector<16xf32>
      %add3A_316 = arith.constant 16 : i32
      %add3A_317 = arith.addi %mul3A_286, %add3A_316 : i32
      %swap3A_318 = arith.index_cast %shift_right_arithmetic3A_282 : i32 to index
      %swap3A_319 = arith.index_cast %add3A_317 : i32 to index
      %swap3A_320 = tpu.vector_load %arg14[%swap3A_318, %swap3A_319] {strides = array<i32>} : memref<64x128xf32, #tpu.memory_space<vmem>>, vector<16xf32>,
      tpu.vector_store %arg14[%swap3A_318, %swap3A_319], %mul3A_315 {strides = array<i32>} : memref<64x128xf32, #tpu.memory_space<vmem>>, vector<16xf32>,
      %get3A_321 = arith.index_cast %scan3A_275 : i32 to index
      %get3A_322 = arith.constant 32 : index
      %get3A_323 = tpu.vector_load %arg10[%get3A_321, %get3A_322] {strides = array<i32>} : memref<128x128xi32, #tpu.memory_space<vmem>>, vector<16xi32>,
      %shift_right_arithmetic3A_324 = arith.shrsi %get3A_323, %gather3A_280 : vector<16xi32>
      %shift_left3A_325 = arith.constant 24 : i32
      %shift_left3A_326 = vector.broadcast %shift_left3A_325 : i32 to vector<16xi32>
      %shift_left3A_327 = arith.shli %shift_right_arithmetic3A_324, %shift_left3A_326 : vector<16xi32>
      %shift_right_arithmetic3A_328 = arith.constant 24 : i32
      %shift_right_arithmetic3A_329 = vector.broadcast %shift_right_arithmetic3A_328 : i32 to vector<16xi32>
      %shift_right_arithmetic3A_330 = arith.shrsi %shift_left3A_327, %shift_right_arithmetic3A_329 : vector<16xi32>
      %convert_element_type3A_331 = arith.sitofp %shift_right_arithmetic3A_330 : vector<16xi32> to vector<16xf32>
      %mul3A_332 = arith.mulf %convert_element_type3A_331, %gather3A_277 : vector<16xf32>
      %add3A_333 = arith.constant 32 : i32
      %add3A_334 = arith.addi %mul3A_286, %add3A_333 : i32
      %swap3A_335 = arith.index_cast %shift_right_arithmetic3A_282 : i32 to index
      %swap3A_336 = arith.index_cast %add3A_334 : i32 to index
      %swap3A_337 = tpu.vector_load %arg14[%swap3A_335, %swap3A_336] {strides = array<i32>} : memref<64x128xf32, #tpu.memory_space<vmem>>, vector<16xf32>,
      tpu.vector_store %arg14[%swap3A_335, %swap3A_336], %mul3A_332 {strides = array<i32>} : memref<64x128xf32, #tpu.memory_space<vmem>>, vector<16xf32>,
      %get3A_338 = arith.index_cast %scan3A_275 : i32 to index
      %get3A_339 = arith.constant 48 : index
      %get3A_340 = tpu.vector_load %arg10[%get3A_338, %get3A_339] {strides = array<i32>} : memref<128x128xi32, #tpu.memory_space<vmem>>, vector<16xi32>,
      %shift_right_arithmetic3A_341 = arith.shrsi %get3A_340, %gather3A_280 : vector<16xi32>
      %shift_left3A_342 = arith.constant 24 : i32
      %shift_left3A_343 = vector.broadcast %shift_left3A_342 : i32 to vector<16xi32>
      %shift_left3A_344 = arith.shli %shift_right_arithmetic3A_341, %shift_left3A_343 : vector<16xi32>
      %shift_right_arithmetic3A_345 = arith.constant 24 : i32
      %shift_right_arithmetic3A_346 = vector.broadcast %shift_right_arithmetic3A_345 : i32 to vector<16xi32>
      %shift_right_arithmetic3A_347 = arith.shrsi %shift_left3A_344, %shift_right_arithmetic3A_346 : vector<16xi32>
      %convert_element_type3A_348 = arith.sitofp %shift_right_arithmetic3A_347 : vector<16xi32> to vector<16xf32>
      %mul3A_349 = arith.mulf %convert_element_type3A_348, %gather3A_277 : vector<16xf32>
      %add3A_350 = arith.constant 48 : i32
      %add3A_351 = arith.addi %mul3A_286, %add3A_350 : i32
      %swap3A_352 = arith.index_cast %shift_right_arithmetic3A_282 : i32 to index
      %swap3A_353 = arith.index_cast %add3A_351 : i32 to index
      %swap3A_354 = tpu.vector_load %arg14[%swap3A_352, %swap3A_353] {strides = array<i32>} : memref<64x128xf32, #tpu.memory_space<vmem>>, vector<16xf32>,
      tpu.vector_store %arg14[%swap3A_352, %swap3A_353], %mul3A_349 {strides = array<i32>} : memref<64x128xf32, #tpu.memory_space<vmem>>, vector<16xf32>,
      %scan3A_355 = arith.constant 2 : i32
      %scan3A_356 = arith.addi %scan3A_201, %scan3A_355 : i32
      %broadcast_in_dim3A_357 = vector.broadcast %scan3A_356 : i32 to vector<16xi32>
      %gather3A_358 = tpu.vector_load_idx %arg12[%broadcast_in_dim3A_357] : memref<128xf32, #tpu.memory_space<vmem>>[vector<16xi32>], vector<16xf32>,
      %broadcast_in_dim3A_359 = arith.constant 1 : i32
      %broadcast_in_dim3A_360 = vector.broadcast %broadcast_in_dim3A_359 : i32 to vector<16xi32>
      %gather3A_361 = tpu.vector_load_idx %arg8[%broadcast_in_dim3A_360, %broadcast_in_dim3A_357] : memref<50x128xi32, #tpu.memory_space<vmem>>[vector<16xi32>, vector<16xi32>], vector<16xi32>,
      %shift_right_arithmetic3A_362 = arith.constant 1 : i32
      %shift_right_arithmetic3A_363 = arith.shrsi %scan3A_356, %shift_right_arithmetic3A_362 : i32
      %and3A_364 = arith.constant 1 : i32
      %and3A_365 = arith.andi %scan3A_356, %and3A_364 : i32
      %mul3A_366 = arith.constant 64 : i32
      %mul3A_367 = arith.muli %and3A_365, %mul3A_366 : i32
      %get3A_368 = arith.index_cast %scan3A_356 : i32 to index
      %get3A_369 = arith.constant 0 : index
      %get3A_370 = tpu.vector_load %arg10[%get3A_368, %get3A_369] {strides = array<i32>} : memref<128x128xi32, #tpu.memory_space<vmem>>, vector<16xi32>,
      %shift_right_arithmetic3A_371 = arith.shrsi %get3A_370, %gather3A_361 : vector<16xi32>
      %shift_left3A_372 = arith.constant 24 : i32
      %shift_left3A_373 = vector.broadcast %shift_left3A_372 : i32 to vector<16xi32>
      %shift_left3A_374 = arith.shli %shift_right_arithmetic3A_371, %shift_left3A_373 : vector<16xi32>
      %shift_right_arithmetic3A_375 = arith.constant 24 : i32
      %shift_right_arithmetic3A_376 = vector.broadcast %shift_right_arithmetic3A_375 : i32 to vector<16xi32>
      %shift_right_arithmetic3A_377 = arith.shrsi %shift_left3A_374, %shift_right_arithmetic3A_376 : vector<16xi32>
      %convert_element_type3A_378 = arith.sitofp %shift_right_arithmetic3A_377 : vector<16xi32> to vector<16xf32>
      %mul3A_379 = arith.mulf %convert_element_type3A_378, %gather3A_358 : vector<16xf32>
      %add3A_380 = arith.constant 0 : i32
      %add3A_381 = arith.addi %mul3A_367, %add3A_380 : i32
      %swap3A_382 = arith.index_cast %shift_right_arithmetic3A_363 : i32 to index
      %swap3A_383 = arith.index_cast %add3A_381 : i32 to index
      %swap3A_384 = tpu.vector_load %arg14[%swap3A_382, %swap3A_383] {strides = array<i32>} : memref<64x128xf32, #tpu.memory_space<vmem>>, vector<16xf32>,
      tpu.vector_store %arg14[%swap3A_382, %swap3A_383], %mul3A_379 {strides = array<i32>} : memref<64x128xf32, #tpu.memory_space<vmem>>, vector<16xf32>,
      %get3A_385 = arith.index_cast %scan3A_356 : i32 to index
      %get3A_386 = arith.constant 16 : index
      %get3A_387 = tpu.vector_load %arg10[%get3A_385, %get3A_386] {strides = array<i32>} : memref<128x128xi32, #tpu.memory_space<vmem>>, vector<16xi32>,
      %shift_right_arithmetic3A_388 = arith.shrsi %get3A_387, %gather3A_361 : vector<16xi32>
      %shift_left3A_389 = arith.constant 24 : i32
      %shift_left3A_390 = vector.broadcast %shift_left3A_389 : i32 to vector<16xi32>
      %shift_left3A_391 = arith.shli %shift_right_arithmetic3A_388, %shift_left3A_390 : vector<16xi32>
      %shift_right_arithmetic3A_392 = arith.constant 24 : i32
      %shift_right_arithmetic3A_393 = vector.broadcast %shift_right_arithmetic3A_392 : i32 to vector<16xi32>
      %shift_right_arithmetic3A_394 = arith.shrsi %shift_left3A_391, %shift_right_arithmetic3A_393 : vector<16xi32>
      %convert_element_type3A_395 = arith.sitofp %shift_right_arithmetic3A_394 : vector<16xi32> to vector<16xf32>
      %mul3A_396 = arith.mulf %convert_element_type3A_395, %gather3A_358 : vector<16xf32>
      %add3A_397 = arith.constant 16 : i32
      %add3A_398 = arith.addi %mul3A_367, %add3A_397 : i32
      %swap3A_399 = arith.index_cast %shift_right_arithmetic3A_363 : i32 to index
      %swap3A_400 = arith.index_cast %add3A_398 : i32 to index
      %swap3A_401 = tpu.vector_load %arg14[%swap3A_399, %swap3A_400] {strides = array<i32>} : memref<64x128xf32, #tpu.memory_space<vmem>>, vector<16xf32>,
      tpu.vector_store %arg14[%swap3A_399, %swap3A_400], %mul3A_396 {strides = array<i32>} : memref<64x128xf32, #tpu.memory_space<vmem>>, vector<16xf32>,
      %get3A_402 = arith.index_cast %scan3A_356 : i32 to index
      %get3A_403 = arith.constant 32 : index
      %get3A_404 = tpu.vector_load %arg10[%get3A_402, %get3A_403] {strides = array<i32>} : memref<128x128xi32, #tpu.memory_space<vmem>>, vector<16xi32>,
      %shift_right_arithmetic3A_405 = arith.shrsi %get3A_404, %gather3A_361 : vector<16xi32>
      %shift_left3A_406 = arith.constant 24 : i32
      %shift_left3A_407 = vector.broadcast %shift_left3A_406 : i32 to vector<16xi32>
      %shift_left3A_408 = arith.shli %shift_right_arithmetic3A_405, %shift_left3A_407 : vector<16xi32>
      %shift_right_arithmetic3A_409 = arith.constant 24 : i32
      %shift_right_arithmetic3A_410 = vector.broadcast %shift_right_arithmetic3A_409 : i32 to vector<16xi32>
      %shift_right_arithmetic3A_411 = arith.shrsi %shift_left3A_408, %shift_right_arithmetic3A_410 : vector<16xi32>
      %convert_element_type3A_412 = arith.sitofp %shift_right_arithmetic3A_411 : vector<16xi32> to vector<16xf32>
      %mul3A_413 = arith.mulf %convert_element_type3A_412, %gather3A_358 : vector<16xf32>
      %add3A_414 = arith.constant 32 : i32
      %add3A_415 = arith.addi %mul3A_367, %add3A_414 : i32
      %swap3A_416 = arith.index_cast %shift_right_arithmetic3A_363 : i32 to index
      %swap3A_417 = arith.index_cast %add3A_415 : i32 to index
      %swap3A_418 = tpu.vector_load %arg14[%swap3A_416, %swap3A_417] {strides = array<i32>} : memref<64x128xf32, #tpu.memory_space<vmem>>, vector<16xf32>,
      tpu.vector_store %arg14[%swap3A_416, %swap3A_417], %mul3A_413 {strides = array<i32>} : memref<64x128xf32, #tpu.memory_space<vmem>>, vector<16xf32>,
      %get3A_419 = arith.index_cast %scan3A_356 : i32 to index
      %get3A_420 = arith.constant 48 : index
      %get3A_421 = tpu.vector_load %arg10[%get3A_419, %get3A_420] {strides = array<i32>} : memref<128x128xi32, #tpu.memory_space<vmem>>, vector<16xi32>,
      %shift_right_arithmetic3A_422 = arith.shrsi %get3A_421, %gather3A_361 : vector<16xi32>
      %shift_left3A_423 = arith.constant 24 : i32
      %shift_left3A_424 = vector.broadcast %shift_left3A_423 : i32 to vector<16xi32>
      %shift_left3A_425 = arith.shli %shift_right_arithmetic3A_422, %shift_left3A_424 : vector<16xi32>
      %shift_right_arithmetic3A_426 = arith.constant 24 : i32
      %shift_right_arithmetic3A_427 = vector.broadcast %shift_right_arithmetic3A_426 : i32 to vector<16xi32>
      %shift_right_arithmetic3A_428 = arith.shrsi %shift_left3A_425, %shift_right_arithmetic3A_427 : vector<16xi32>
      %convert_element_type3A_429 = arith.sitofp %shift_right_arithmetic3A_428 : vector<16xi32> to vector<16xf32>
      %mul3A_430 = arith.mulf %convert_element_type3A_429, %gather3A_358 : vector<16xf32>
      %add3A_431 = arith.constant 48 : i32
      %add3A_432 = arith.addi %mul3A_367, %add3A_431 : i32
      %swap3A_433 = arith.index_cast %shift_right_arithmetic3A_363 : i32 to index
      %swap3A_434 = arith.index_cast %add3A_432 : i32 to index
      %swap3A_435 = tpu.vector_load %arg14[%swap3A_433, %swap3A_434] {strides = array<i32>} : memref<64x128xf32, #tpu.memory_space<vmem>>, vector<16xf32>,
      tpu.vector_store %arg14[%swap3A_433, %swap3A_434], %mul3A_430 {strides = array<i32>} : memref<64x128xf32, #tpu.memory_space<vmem>>, vector<16xf32>,
      %scan3A_436 = arith.constant 3 : i32
      %scan3A_437 = arith.addi %scan3A_201, %scan3A_436 : i32
      %broadcast_in_dim3A_438 = vector.broadcast %scan3A_437 : i32 to vector<16xi32>
      %gather3A_439 = tpu.vector_load_idx %arg12[%broadcast_in_dim3A_438] : memref<128xf32, #tpu.memory_space<vmem>>[vector<16xi32>], vector<16xf32>,
      %broadcast_in_dim3A_440 = arith.constant 1 : i32
      %broadcast_in_dim3A_441 = vector.broadcast %broadcast_in_dim3A_440 : i32 to vector<16xi32>
      %gather3A_442 = tpu.vector_load_idx %arg8[%broadcast_in_dim3A_441, %broadcast_in_dim3A_438] : memref<50x128xi32, #tpu.memory_space<vmem>>[vector<16xi32>, vector<16xi32>], vector<16xi32>,
      %shift_right_arithmetic3A_443 = arith.constant 1 : i32
      %shift_right_arithmetic3A_444 = arith.shrsi %scan3A_437, %shift_right_arithmetic3A_443 : i32
      %and3A_445 = arith.constant 1 : i32
      %and3A_446 = arith.andi %scan3A_437, %and3A_445 : i32
      %mul3A_447 = arith.constant 64 : i32
      %mul3A_448 = arith.muli %and3A_446, %mul3A_447 : i32
      %get3A_449 = arith.index_cast %scan3A_437 : i32 to index
      %get3A_450 = arith.constant 0 : index
      %get3A_451 = tpu.vector_load %arg10[%get3A_449, %get3A_450] {strides = array<i32>} : memref<128x128xi32, #tpu.memory_space<vmem>>, vector<16xi32>,
      %shift_right_arithmetic3A_452 = arith.shrsi %get3A_451, %gather3A_442 : vector<16xi32>
      %shift_left3A_453 = arith.constant 24 : i32
      %shift_left3A_454 = vector.broadcast %shift_left3A_453 : i32 to vector<16xi32>
      %shift_left3A_455 = arith.shli %shift_right_arithmetic3A_452, %shift_left3A_454 : vector<16xi32>
      %shift_right_arithmetic3A_456 = arith.constant 24 : i32
      %shift_right_arithmetic3A_457 = vector.broadcast %shift_right_arithmetic3A_456 : i32 to vector<16xi32>
      %shift_right_arithmetic3A_458 = arith.shrsi %shift_left3A_455, %shift_right_arithmetic3A_457 : vector<16xi32>
      %convert_element_type3A_459 = arith.sitofp %shift_right_arithmetic3A_458 : vector<16xi32> to vector<16xf32>
      %mul3A_460 = arith.mulf %convert_element_type3A_459, %gather3A_439 : vector<16xf32>
      %add3A_461 = arith.constant 0 : i32
      %add3A_462 = arith.addi %mul3A_448, %add3A_461 : i32
      %swap3A_463 = arith.index_cast %shift_right_arithmetic3A_444 : i32 to index
      %swap3A_464 = arith.index_cast %add3A_462 : i32 to index
      %swap3A_465 = tpu.vector_load %arg14[%swap3A_463, %swap3A_464] {strides = array<i32>} : memref<64x128xf32, #tpu.memory_space<vmem>>, vector<16xf32>,
      tpu.vector_store %arg14[%swap3A_463, %swap3A_464], %mul3A_460 {strides = array<i32>} : memref<64x128xf32, #tpu.memory_space<vmem>>, vector<16xf32>,
      %get3A_466 = arith.index_cast %scan3A_437 : i32 to index
      %get3A_467 = arith.constant 16 : index
      %get3A_468 = tpu.vector_load %arg10[%get3A_466, %get3A_467] {strides = array<i32>} : memref<128x128xi32, #tpu.memory_space<vmem>>, vector<16xi32>,
      %shift_right_arithmetic3A_469 = arith.shrsi %get3A_468, %gather3A_442 : vector<16xi32>
      %shift_left3A_470 = arith.constant 24 : i32
      %shift_left3A_471 = vector.broadcast %shift_left3A_470 : i32 to vector<16xi32>
      %shift_left3A_472 = arith.shli %shift_right_arithmetic3A_469, %shift_left3A_471 : vector<16xi32>
      %shift_right_arithmetic3A_473 = arith.constant 24 : i32
      %shift_right_arithmetic3A_474 = vector.broadcast %shift_right_arithmetic3A_473 : i32 to vector<16xi32>
      %shift_right_arithmetic3A_475 = arith.shrsi %shift_left3A_472, %shift_right_arithmetic3A_474 : vector<16xi32>
      %convert_element_type3A_476 = arith.sitofp %shift_right_arithmetic3A_475 : vector<16xi32> to vector<16xf32>
      %mul3A_477 = arith.mulf %convert_element_type3A_476, %gather3A_439 : vector<16xf32>
      %add3A_478 = arith.constant 16 : i32
      %add3A_479 = arith.addi %mul3A_448, %add3A_478 : i32
      %swap3A_480 = arith.index_cast %shift_right_arithmetic3A_444 : i32 to index
      %swap3A_481 = arith.index_cast %add3A_479 : i32 to index
      %swap3A_482 = tpu.vector_load %arg14[%swap3A_480, %swap3A_481] {strides = array<i32>} : memref<64x128xf32, #tpu.memory_space<vmem>>, vector<16xf32>,
      tpu.vector_store %arg14[%swap3A_480, %swap3A_481], %mul3A_477 {strides = array<i32>} : memref<64x128xf32, #tpu.memory_space<vmem>>, vector<16xf32>,
      %get3A_483 = arith.index_cast %scan3A_437 : i32 to index
      %get3A_484 = arith.constant 32 : index
      %get3A_485 = tpu.vector_load %arg10[%get3A_483, %get3A_484] {strides = array<i32>} : memref<128x128xi32, #tpu.memory_space<vmem>>, vector<16xi32>,
      %shift_right_arithmetic3A_486 = arith.shrsi %get3A_485, %gather3A_442 : vector<16xi32>
      %shift_left3A_487 = arith.constant 24 : i32
      %shift_left3A_488 = vector.broadcast %shift_left3A_487 : i32 to vector<16xi32>
      %shift_left3A_489 = arith.shli %shift_right_arithmetic3A_486, %shift_left3A_488 : vector<16xi32>
      %shift_right_arithmetic3A_490 = arith.constant 24 : i32
      %shift_right_arithmetic3A_491 = vector.broadcast %shift_right_arithmetic3A_490 : i32 to vector<16xi32>
      %shift_right_arithmetic3A_492 = arith.shrsi %shift_left3A_489, %shift_right_arithmetic3A_491 : vector<16xi32>
      %convert_element_type3A_493 = arith.sitofp %shift_right_arithmetic3A_492 : vector<16xi32> to vector<16xf32>
      %mul3A_494 = arith.mulf %convert_element_type3A_493, %gather3A_439 : vector<16xf32>
      %add3A_495 = arith.constant 32 : i32
      %add3A_496 = arith.addi %mul3A_448, %add3A_495 : i32
      %swap3A_497 = arith.index_cast %shift_right_arithmetic3A_444 : i32 to index
      %swap3A_498 = arith.index_cast %add3A_496 : i32 to index
      %swap3A_499 = tpu.vector_load %arg14[%swap3A_497, %swap3A_498] {strides = array<i32>} : memref<64x128xf32, #tpu.memory_space<vmem>>, vector<16xf32>,
      tpu.vector_store %arg14[%swap3A_497, %swap3A_498], %mul3A_494 {strides = array<i32>} : memref<64x128xf32, #tpu.memory_space<vmem>>, vector<16xf32>,
      %get3A_500 = arith.index_cast %scan3A_437 : i32 to index
      %get3A_501 = arith.constant 48 : index
      %get3A_502 = tpu.vector_load %arg10[%get3A_500, %get3A_501] {strides = array<i32>} : memref<128x128xi32, #tpu.memory_space<vmem>>, vector<16xi32>,
      %shift_right_arithmetic3A_503 = arith.shrsi %get3A_502, %gather3A_442 : vector<16xi32>
      %shift_left3A_504 = arith.constant 24 : i32
      %shift_left3A_505 = vector.broadcast %shift_left3A_504 : i32 to vector<16xi32>
      %shift_left3A_506 = arith.shli %shift_right_arithmetic3A_503, %shift_left3A_505 : vector<16xi32>
      %shift_right_arithmetic3A_507 = arith.constant 24 : i32
      %shift_right_arithmetic3A_508 = vector.broadcast %shift_right_arithmetic3A_507 : i32 to vector<16xi32>
      %shift_right_arithmetic3A_509 = arith.shrsi %shift_left3A_506, %shift_right_arithmetic3A_508 : vector<16xi32>
      %convert_element_type3A_510 = arith.sitofp %shift_right_arithmetic3A_509 : vector<16xi32> to vector<16xf32>
      %mul3A_511 = arith.mulf %convert_element_type3A_510, %gather3A_439 : vector<16xf32>
      %add3A_512 = arith.constant 48 : i32
      %add3A_513 = arith.addi %mul3A_448, %add3A_512 : i32
      %swap3A_514 = arith.index_cast %shift_right_arithmetic3A_444 : i32 to index
      %swap3A_515 = arith.index_cast %add3A_513 : i32 to index
      %swap3A_516 = tpu.vector_load %arg14[%swap3A_514, %swap3A_515] {strides = array<i32>} : memref<64x128xf32, #tpu.memory_space<vmem>>, vector<16xf32>,
      tpu.vector_store %arg14[%swap3A_514, %swap3A_515], %mul3A_511 {strides = array<i32>} : memref<64x128xf32, #tpu.memory_space<vmem>>, vector<16xf32>,
      %scan3A_517 = arith.constant 4 : i32
      %scan3A_518 = arith.addi %scan3A_201, %scan3A_517 : i32
      %broadcast_in_dim3A_519 = vector.broadcast %scan3A_518 : i32 to vector<16xi32>
      %gather3A_520 = tpu.vector_load_idx %arg12[%broadcast_in_dim3A_519] : memref<128xf32, #tpu.memory_space<vmem>>[vector<16xi32>], vector<16xf32>,
      %broadcast_in_dim3A_521 = arith.constant 1 : i32
      %broadcast_in_dim3A_522 = vector.broadcast %broadcast_in_dim3A_521 : i32 to vector<16xi32>
      %gather3A_523 = tpu.vector_load_idx %arg8[%broadcast_in_dim3A_522, %broadcast_in_dim3A_519] : memref<50x128xi32, #tpu.memory_space<vmem>>[vector<16xi32>, vector<16xi32>], vector<16xi32>,
      %shift_right_arithmetic3A_524 = arith.constant 1 : i32
      %shift_right_arithmetic3A_525 = arith.shrsi %scan3A_518, %shift_right_arithmetic3A_524 : i32
      %and3A_526 = arith.constant 1 : i32
      %and3A_527 = arith.andi %scan3A_518, %and3A_526 : i32
      %mul3A_528 = arith.constant 64 : i32
      %mul3A_529 = arith.muli %and3A_527, %mul3A_528 : i32
      %get3A_530 = arith.index_cast %scan3A_518 : i32 to index
      %get3A_531 = arith.constant 0 : index
      %get3A_532 = tpu.vector_load %arg10[%get3A_530, %get3A_531] {strides = array<i32>} : memref<128x128xi32, #tpu.memory_space<vmem>>, vector<16xi32>,
      %shift_right_arithmetic3A_533 = arith.shrsi %get3A_532, %gather3A_523 : vector<16xi32>
      %shift_left3A_534 = arith.constant 24 : i32
      %shift_left3A_535 = vector.broadcast %shift_left3A_534 : i32 to vector<16xi32>
      %shift_left3A_536 = arith.shli %shift_right_arithmetic3A_533, %shift_left3A_535 : vector<16xi32>
      %shift_right_arithmetic3A_537 = arith.constant 24 : i32
      %shift_right_arithmetic3A_538 = vector.broadcast %shift_right_arithmetic3A_537 : i32 to vector<16xi32>
      %shift_right_arithmetic3A_539 = arith.shrsi %shift_left3A_536, %shift_right_arithmetic3A_538 : vector<16xi32>
      %convert_element_type3A_540 = arith.sitofp %shift_right_arithmetic3A_539 : vector<16xi32> to vector<16xf32>
      %mul3A_541 = arith.mulf %convert_element_type3A_540, %gather3A_520 : vector<16xf32>
      %add3A_542 = arith.constant 0 : i32
      %add3A_543 = arith.addi %mul3A_529, %add3A_542 : i32
      %swap3A_544 = arith.index_cast %shift_right_arithmetic3A_525 : i32 to index
      %swap3A_545 = arith.index_cast %add3A_543 : i32 to index
      %swap3A_546 = tpu.vector_load %arg14[%swap3A_544, %swap3A_545] {strides = array<i32>} : memref<64x128xf32, #tpu.memory_space<vmem>>, vector<16xf32>,
      tpu.vector_store %arg14[%swap3A_544, %swap3A_545], %mul3A_541 {strides = array<i32>} : memref<64x128xf32, #tpu.memory_space<vmem>>, vector<16xf32>,
      %get3A_547 = arith.index_cast %scan3A_518 : i32 to index
      %get3A_548 = arith.constant 16 : index
      %get3A_549 = tpu.vector_load %arg10[%get3A_547, %get3A_548] {strides = array<i32>} : memref<128x128xi32, #tpu.memory_space<vmem>>, vector<16xi32>,
      %shift_right_arithmetic3A_550 = arith.shrsi %get3A_549, %gather3A_523 : vector<16xi32>
      %shift_left3A_551 = arith.constant 24 : i32
      %shift_left3A_552 = vector.broadcast %shift_left3A_551 : i32 to vector<16xi32>
      %shift_left3A_553 = arith.shli %shift_right_arithmetic3A_550, %shift_left3A_552 : vector<16xi32>
      %shift_right_arithmetic3A_554 = arith.constant 24 : i32
      %shift_right_arithmetic3A_555 = vector.broadcast %shift_right_arithmetic3A_554 : i32 to vector<16xi32>
      %shift_right_arithmetic3A_556 = arith.shrsi %shift_left3A_553, %shift_right_arithmetic3A_555 : vector<16xi32>
      %convert_element_type3A_557 = arith.sitofp %shift_right_arithmetic3A_556 : vector<16xi32> to vector<16xf32>
      %mul3A_558 = arith.mulf %convert_element_type3A_557, %gather3A_520 : vector<16xf32>
      %add3A_559 = arith.constant 16 : i32
      %add3A_560 = arith.addi %mul3A_529, %add3A_559 : i32
      %swap3A_561 = arith.index_cast %shift_right_arithmetic3A_525 : i32 to index
      %swap3A_562 = arith.index_cast %add3A_560 : i32 to index
      %swap3A_563 = tpu.vector_load %arg14[%swap3A_561, %swap3A_562] {strides = array<i32>} : memref<64x128xf32, #tpu.memory_space<vmem>>, vector<16xf32>,
      tpu.vector_store %arg14[%swap3A_561, %swap3A_562], %mul3A_558 {strides = array<i32>} : memref<64x128xf32, #tpu.memory_space<vmem>>, vector<16xf32>,
      %get3A_564 = arith.index_cast %scan3A_518 : i32 to index
      %get3A_565 = arith.constant 32 : index
      %get3A_566 = tpu.vector_load %arg10[%get3A_564, %get3A_565] {strides = array<i32>} : memref<128x128xi32, #tpu.memory_space<vmem>>, vector<16xi32>,
      %shift_right_arithmetic3A_567 = arith.shrsi %get3A_566, %gather3A_523 : vector<16xi32>
      %shift_left3A_568 = arith.constant 24 : i32
      %shift_left3A_569 = vector.broadcast %shift_left3A_568 : i32 to vector<16xi32>
      %shift_left3A_570 = arith.shli %shift_right_arithmetic3A_567, %shift_left3A_569 : vector<16xi32>
      %shift_right_arithmetic3A_571 = arith.constant 24 : i32
      %shift_right_arithmetic3A_572 = vector.broadcast %shift_right_arithmetic3A_571 : i32 to vector<16xi32>
      %shift_right_arithmetic3A_573 = arith.shrsi %shift_left3A_570, %shift_right_arithmetic3A_572 : vector<16xi32>
      %convert_element_type3A_574 = arith.sitofp %shift_right_arithmetic3A_573 : vector<16xi32> to vector<16xf32>
      %mul3A_575 = arith.mulf %convert_element_type3A_574, %gather3A_520 : vector<16xf32>
      %add3A_576 = arith.constant 32 : i32
      %add3A_577 = arith.addi %mul3A_529, %add3A_576 : i32
      %swap3A_578 = arith.index_cast %shift_right_arithmetic3A_525 : i32 to index
      %swap3A_579 = arith.index_cast %add3A_577 : i32 to index
      %swap3A_580 = tpu.vector_load %arg14[%swap3A_578, %swap3A_579] {strides = array<i32>} : memref<64x128xf32, #tpu.memory_space<vmem>>, vector<16xf32>,
      tpu.vector_store %arg14[%swap3A_578, %swap3A_579], %mul3A_575 {strides = array<i32>} : memref<64x128xf32, #tpu.memory_space<vmem>>, vector<16xf32>,
      %get3A_581 = arith.index_cast %scan3A_518 : i32 to index
      %get3A_582 = arith.constant 48 : index
      %get3A_583 = tpu.vector_load %arg10[%get3A_581, %get3A_582] {strides = array<i32>} : memref<128x128xi32, #tpu.memory_space<vmem>>, vector<16xi32>,
      %shift_right_arithmetic3A_584 = arith.shrsi %get3A_583, %gather3A_523 : vector<16xi32>
      %shift_left3A_585 = arith.constant 24 : i32
      %shift_left3A_586 = vector.broadcast %shift_left3A_585 : i32 to vector<16xi32>
      %shift_left3A_587 = arith.shli %shift_right_arithmetic3A_584, %shift_left3A_586 : vector<16xi32>
      %shift_right_arithmetic3A_588 = arith.constant 24 : i32
      %shift_right_arithmetic3A_589 = vector.broadcast %shift_right_arithmetic3A_588 : i32 to vector<16xi32>
      %shift_right_arithmetic3A_590 = arith.shrsi %shift_left3A_587, %shift_right_arithmetic3A_589 : vector<16xi32>
      %convert_element_type3A_591 = arith.sitofp %shift_right_arithmetic3A_590 : vector<16xi32> to vector<16xf32>
      %mul3A_592 = arith.mulf %convert_element_type3A_591, %gather3A_520 : vector<16xf32>
      %add3A_593 = arith.constant 48 : i32
      %add3A_594 = arith.addi %mul3A_529, %add3A_593 : i32
      %swap3A_595 = arith.index_cast %shift_right_arithmetic3A_525 : i32 to index
      %swap3A_596 = arith.index_cast %add3A_594 : i32 to index
      %swap3A_597 = tpu.vector_load %arg14[%swap3A_595, %swap3A_596] {strides = array<i32>} : memref<64x128xf32, #tpu.memory_space<vmem>>, vector<16xf32>,
      tpu.vector_store %arg14[%swap3A_595, %swap3A_596], %mul3A_592 {strides = array<i32>} : memref<64x128xf32, #tpu.memory_space<vmem>>, vector<16xf32>,
      %scan3A_598 = arith.constant 5 : i32
      %scan3A_599 = arith.addi %scan3A_201, %scan3A_598 : i32
      %broadcast_in_dim3A_600 = vector.broadcast %scan3A_599 : i32 to vector<16xi32>
      %gather3A_601 = tpu.vector_load_idx %arg12[%broadcast_in_dim3A_600] : memref<128xf32, #tpu.memory_space<vmem>>[vector<16xi32>], vector<16xf32>,
      %broadcast_in_dim3A_602 = arith.constant 1 : i32
      %broadcast_in_dim3A_603 = vector.broadcast %broadcast_in_dim3A_602 : i32 to vector<16xi32>
      %gather3A_604 = tpu.vector_load_idx %arg8[%broadcast_in_dim3A_603, %broadcast_in_dim3A_600] : memref<50x128xi32, #tpu.memory_space<vmem>>[vector<16xi32>, vector<16xi32>], vector<16xi32>,
      %shift_right_arithmetic3A_605 = arith.constant 1 : i32
      %shift_right_arithmetic3A_606 = arith.shrsi %scan3A_599, %shift_right_arithmetic3A_605 : i32
      %and3A_607 = arith.constant 1 : i32
      %and3A_608 = arith.andi %scan3A_599, %and3A_607 : i32
      %mul3A_609 = arith.constant 64 : i32
      %mul3A_610 = arith.muli %and3A_608, %mul3A_609 : i32
      %get3A_611 = arith.index_cast %scan3A_599 : i32 to index
      %get3A_612 = arith.constant 0 : index
      %get3A_613 = tpu.vector_load %arg10[%get3A_611, %get3A_612] {strides = array<i32>} : memref<128x128xi32, #tpu.memory_space<vmem>>, vector<16xi32>,
      %shift_right_arithmetic3A_614 = arith.shrsi %get3A_613, %gather3A_604 : vector<16xi32>
      %shift_left3A_615 = arith.constant 24 : i32
      %shift_left3A_616 = vector.broadcast %shift_left3A_615 : i32 to vector<16xi32>
      %shift_left3A_617 = arith.shli %shift_right_arithmetic3A_614, %shift_left3A_616 : vector<16xi32>
      %shift_right_arithmetic3A_618 = arith.constant 24 : i32
      %shift_right_arithmetic3A_619 = vector.broadcast %shift_right_arithmetic3A_618 : i32 to vector<16xi32>
      %shift_right_arithmetic3A_620 = arith.shrsi %shift_left3A_617, %shift_right_arithmetic3A_619 : vector<16xi32>
      %convert_element_type3A_621 = arith.sitofp %shift_right_arithmetic3A_620 : vector<16xi32> to vector<16xf32>
      %mul3A_622 = arith.mulf %convert_element_type3A_621, %gather3A_601 : vector<16xf32>
      %add3A_623 = arith.constant 0 : i32
      %add3A_624 = arith.addi %mul3A_610, %add3A_623 : i32
      %swap3A_625 = arith.index_cast %shift_right_arithmetic3A_606 : i32 to index
      %swap3A_626 = arith.index_cast %add3A_624 : i32 to index
      %swap3A_627 = tpu.vector_load %arg14[%swap3A_625, %swap3A_626] {strides = array<i32>} : memref<64x128xf32, #tpu.memory_space<vmem>>, vector<16xf32>,
      tpu.vector_store %arg14[%swap3A_625, %swap3A_626], %mul3A_622 {strides = array<i32>} : memref<64x128xf32, #tpu.memory_space<vmem>>, vector<16xf32>,
      %get3A_628 = arith.index_cast %scan3A_599 : i32 to index
      %get3A_629 = arith.constant 16 : index
      %get3A_630 = tpu.vector_load %arg10[%get3A_628, %get3A_629] {strides = array<i32>} : memref<128x128xi32, #tpu.memory_space<vmem>>, vector<16xi32>,
      %shift_right_arithmetic3A_631 = arith.shrsi %get3A_630, %gather3A_604 : vector<16xi32>
      %shift_left3A_632 = arith.constant 24 : i32
      %shift_left3A_633 = vector.broadcast %shift_left3A_632 : i32 to vector<16xi32>
      %shift_left3A_634 = arith.shli %shift_right_arithmetic3A_631, %shift_left3A_633 : vector<16xi32>
      %shift_right_arithmetic3A_635 = arith.constant 24 : i32
      %shift_right_arithmetic3A_636 = vector.broadcast %shift_right_arithmetic3A_635 : i32 to vector<16xi32>
      %shift_right_arithmetic3A_637 = arith.shrsi %shift_left3A_634, %shift_right_arithmetic3A_636 : vector<16xi32>
      %convert_element_type3A_638 = arith.sitofp %shift_right_arithmetic3A_637 : vector<16xi32> to vector<16xf32>
      %mul3A_639 = arith.mulf %convert_element_type3A_638, %gather3A_601 : vector<16xf32>
      %add3A_640 = arith.constant 16 : i32
      %add3A_641 = arith.addi %mul3A_610, %add3A_640 : i32
      %swap3A_642 = arith.index_cast %shift_right_arithmetic3A_606 : i32 to index
      %swap3A_643 = arith.index_cast %add3A_641 : i32 to index
      %swap3A_644 = tpu.vector_load %arg14[%swap3A_642, %swap3A_643] {strides = array<i32>} : memref<64x128xf32, #tpu.memory_space<vmem>>, vector<16xf32>,
      tpu.vector_store %arg14[%swap3A_642, %swap3A_643], %mul3A_639 {strides = array<i32>} : memref<64x128xf32, #tpu.memory_space<vmem>>, vector<16xf32>,
      %get3A_645 = arith.index_cast %scan3A_599 : i32 to index
      %get3A_646 = arith.constant 32 : index
      %get3A_647 = tpu.vector_load %arg10[%get3A_645, %get3A_646] {strides = array<i32>} : memref<128x128xi32, #tpu.memory_space<vmem>>, vector<16xi32>,
      %shift_right_arithmetic3A_648 = arith.shrsi %get3A_647, %gather3A_604 : vector<16xi32>
      %shift_left3A_649 = arith.constant 24 : i32
      %shift_left3A_650 = vector.broadcast %shift_left3A_649 : i32 to vector<16xi32>
      %shift_left3A_651 = arith.shli %shift_right_arithmetic3A_648, %shift_left3A_650 : vector<16xi32>
      %shift_right_arithmetic3A_652 = arith.constant 24 : i32
      %shift_right_arithmetic3A_653 = vector.broadcast %shift_right_arithmetic3A_652 : i32 to vector<16xi32>
      %shift_right_arithmetic3A_654 = arith.shrsi %shift_left3A_651, %shift_right_arithmetic3A_653 : vector<16xi32>
      %convert_element_type3A_655 = arith.sitofp %shift_right_arithmetic3A_654 : vector<16xi32> to vector<16xf32>
      %mul3A_656 = arith.mulf %convert_element_type3A_655, %gather3A_601 : vector<16xf32>
      %add3A_657 = arith.constant 32 : i32
      %add3A_658 = arith.addi %mul3A_610, %add3A_657 : i32
      %swap3A_659 = arith.index_cast %shift_right_arithmetic3A_606 : i32 to index
      %swap3A_660 = arith.index_cast %add3A_658 : i32 to index
      %swap3A_661 = tpu.vector_load %arg14[%swap3A_659, %swap3A_660] {strides = array<i32>} : memref<64x128xf32, #tpu.memory_space<vmem>>, vector<16xf32>,
      tpu.vector_store %arg14[%swap3A_659, %swap3A_660], %mul3A_656 {strides = array<i32>} : memref<64x128xf32, #tpu.memory_space<vmem>>, vector<16xf32>,
      %get3A_662 = arith.index_cast %scan3A_599 : i32 to index
      %get3A_663 = arith.constant 48 : index
      %get3A_664 = tpu.vector_load %arg10[%get3A_662, %get3A_663] {strides = array<i32>} : memref<128x128xi32, #tpu.memory_space<vmem>>, vector<16xi32>,
      %shift_right_arithmetic3A_665 = arith.shrsi %get3A_664, %gather3A_604 : vector<16xi32>
      %shift_left3A_666 = arith.constant 24 : i32
      %shift_left3A_667 = vector.broadcast %shift_left3A_666 : i32 to vector<16xi32>
      %shift_left3A_668 = arith.shli %shift_right_arithmetic3A_665, %shift_left3A_667 : vector<16xi32>
      %shift_right_arithmetic3A_669 = arith.constant 24 : i32
      %shift_right_arithmetic3A_670 = vector.broadcast %shift_right_arithmetic3A_669 : i32 to vector<16xi32>
      %shift_right_arithmetic3A_671 = arith.shrsi %shift_left3A_668, %shift_right_arithmetic3A_670 : vector<16xi32>
      %convert_element_type3A_672 = arith.sitofp %shift_right_arithmetic3A_671 : vector<16xi32> to vector<16xf32>
      %mul3A_673 = arith.mulf %convert_element_type3A_672, %gather3A_601 : vector<16xf32>
      %add3A_674 = arith.constant 48 : i32
      %add3A_675 = arith.addi %mul3A_610, %add3A_674 : i32
      %swap3A_676 = arith.index_cast %shift_right_arithmetic3A_606 : i32 to index
      %swap3A_677 = arith.index_cast %add3A_675 : i32 to index
      %swap3A_678 = tpu.vector_load %arg14[%swap3A_676, %swap3A_677] {strides = array<i32>} : memref<64x128xf32, #tpu.memory_space<vmem>>, vector<16xf32>,
      tpu.vector_store %arg14[%swap3A_676, %swap3A_677], %mul3A_673 {strides = array<i32>} : memref<64x128xf32, #tpu.memory_space<vmem>>, vector<16xf32>,
      %scan3A_679 = arith.constant 6 : i32
      %scan3A_680 = arith.addi %scan3A_201, %scan3A_679 : i32
      %broadcast_in_dim3A_681 = vector.broadcast %scan3A_680 : i32 to vector<16xi32>
      %gather3A_682 = tpu.vector_load_idx %arg12[%broadcast_in_dim3A_681] : memref<128xf32, #tpu.memory_space<vmem>>[vector<16xi32>], vector<16xf32>,
      %broadcast_in_dim3A_683 = arith.constant 1 : i32
      %broadcast_in_dim3A_684 = vector.broadcast %broadcast_in_dim3A_683 : i32 to vector<16xi32>
      %gather3A_685 = tpu.vector_load_idx %arg8[%broadcast_in_dim3A_684, %broadcast_in_dim3A_681] : memref<50x128xi32, #tpu.memory_space<vmem>>[vector<16xi32>, vector<16xi32>], vector<16xi32>,
      %shift_right_arithmetic3A_686 = arith.constant 1 : i32
      %shift_right_arithmetic3A_687 = arith.shrsi %scan3A_680, %shift_right_arithmetic3A_686 : i32
      %and3A_688 = arith.constant 1 : i32
      %and3A_689 = arith.andi %scan3A_680, %and3A_688 : i32
      %mul3A_690 = arith.constant 64 : i32
      %mul3A_691 = arith.muli %and3A_689, %mul3A_690 : i32
      %get3A_692 = arith.index_cast %scan3A_680 : i32 to index
      %get3A_693 = arith.constant 0 : index
      %get3A_694 = tpu.vector_load %arg10[%get3A_692, %get3A_693] {strides = array<i32>} : memref<128x128xi32, #tpu.memory_space<vmem>>, vector<16xi32>,
      %shift_right_arithmetic3A_695 = arith.shrsi %get3A_694, %gather3A_685 : vector<16xi32>
      %shift_left3A_696 = arith.constant 24 : i32
      %shift_left3A_697 = vector.broadcast %shift_left3A_696 : i32 to vector<16xi32>
      %shift_left3A_698 = arith.shli %shift_right_arithmetic3A_695, %shift_left3A_697 : vector<16xi32>
      %shift_right_arithmetic3A_699 = arith.constant 24 : i32
      %shift_right_arithmetic3A_700 = vector.broadcast %shift_right_arithmetic3A_699 : i32 to vector<16xi32>
      %shift_right_arithmetic3A_701 = arith.shrsi %shift_left3A_698, %shift_right_arithmetic3A_700 : vector<16xi32>
      %convert_element_type3A_702 = arith.sitofp %shift_right_arithmetic3A_701 : vector<16xi32> to vector<16xf32>
      %mul3A_703 = arith.mulf %convert_element_type3A_702, %gather3A_682 : vector<16xf32>
      %add3A_704 = arith.constant 0 : i32
      %add3A_705 = arith.addi %mul3A_691, %add3A_704 : i32
      %swap3A_706 = arith.index_cast %shift_right_arithmetic3A_687 : i32 to index
      %swap3A_707 = arith.index_cast %add3A_705 : i32 to index
      %swap3A_708 = tpu.vector_load %arg14[%swap3A_706, %swap3A_707] {strides = array<i32>} : memref<64x128xf32, #tpu.memory_space<vmem>>, vector<16xf32>,
      tpu.vector_store %arg14[%swap3A_706, %swap3A_707], %mul3A_703 {strides = array<i32>} : memref<64x128xf32, #tpu.memory_space<vmem>>, vector<16xf32>,
      %get3A_709 = arith.index_cast %scan3A_680 : i32 to index
      %get3A_710 = arith.constant 16 : index
      %get3A_711 = tpu.vector_load %arg10[%get3A_709, %get3A_710] {strides = array<i32>} : memref<128x128xi32, #tpu.memory_space<vmem>>, vector<16xi32>,
      %shift_right_arithmetic3A_712 = arith.shrsi %get3A_711, %gather3A_685 : vector<16xi32>
      %shift_left3A_713 = arith.constant 24 : i32
      %shift_left3A_714 = vector.broadcast %shift_left3A_713 : i32 to vector<16xi32>
      %shift_left3A_715 = arith.shli %shift_right_arithmetic3A_712, %shift_left3A_714 : vector<16xi32>
      %shift_right_arithmetic3A_716 = arith.constant 24 : i32
      %shift_right_arithmetic3A_717 = vector.broadcast %shift_right_arithmetic3A_716 : i32 to vector<16xi32>
      %shift_right_arithmetic3A_718 = arith.shrsi %shift_left3A_715, %shift_right_arithmetic3A_717 : vector<16xi32>
      %convert_element_type3A_719 = arith.sitofp %shift_right_arithmetic3A_718 : vector<16xi32> to vector<16xf32>
      %mul3A_720 = arith.mulf %convert_element_type3A_719, %gather3A_682 : vector<16xf32>
      %add3A_721 = arith.constant 16 : i32
      %add3A_722 = arith.addi %mul3A_691, %add3A_721 : i32
      %swap3A_723 = arith.index_cast %shift_right_arithmetic3A_687 : i32 to index
      %swap3A_724 = arith.index_cast %add3A_722 : i32 to index
      %swap3A_725 = tpu.vector_load %arg14[%swap3A_723, %swap3A_724] {strides = array<i32>} : memref<64x128xf32, #tpu.memory_space<vmem>>, vector<16xf32>,
      tpu.vector_store %arg14[%swap3A_723, %swap3A_724], %mul3A_720 {strides = array<i32>} : memref<64x128xf32, #tpu.memory_space<vmem>>, vector<16xf32>,
      %get3A_726 = arith.index_cast %scan3A_680 : i32 to index
      %get3A_727 = arith.constant 32 : index
      %get3A_728 = tpu.vector_load %arg10[%get3A_726, %get3A_727] {strides = array<i32>} : memref<128x128xi32, #tpu.memory_space<vmem>>, vector<16xi32>,
      %shift_right_arithmetic3A_729 = arith.shrsi %get3A_728, %gather3A_685 : vector<16xi32>
      %shift_left3A_730 = arith.constant 24 : i32
      %shift_left3A_731 = vector.broadcast %shift_left3A_730 : i32 to vector<16xi32>
      %shift_left3A_732 = arith.shli %shift_right_arithmetic3A_729, %shift_left3A_731 : vector<16xi32>
      %shift_right_arithmetic3A_733 = arith.constant 24 : i32
      %shift_right_arithmetic3A_734 = vector.broadcast %shift_right_arithmetic3A_733 : i32 to vector<16xi32>
      %shift_right_arithmetic3A_735 = arith.shrsi %shift_left3A_732, %shift_right_arithmetic3A_734 : vector<16xi32>
      %convert_element_type3A_736 = arith.sitofp %shift_right_arithmetic3A_735 : vector<16xi32> to vector<16xf32>
      %mul3A_737 = arith.mulf %convert_element_type3A_736, %gather3A_682 : vector<16xf32>
      %add3A_738 = arith.constant 32 : i32
      %add3A_739 = arith.addi %mul3A_691, %add3A_738 : i32
      %swap3A_740 = arith.index_cast %shift_right_arithmetic3A_687 : i32 to index
      %swap3A_741 = arith.index_cast %add3A_739 : i32 to index
      %swap3A_742 = tpu.vector_load %arg14[%swap3A_740, %swap3A_741] {strides = array<i32>} : memref<64x128xf32, #tpu.memory_space<vmem>>, vector<16xf32>,
      tpu.vector_store %arg14[%swap3A_740, %swap3A_741], %mul3A_737 {strides = array<i32>} : memref<64x128xf32, #tpu.memory_space<vmem>>, vector<16xf32>,
      %get3A_743 = arith.index_cast %scan3A_680 : i32 to index
      %get3A_744 = arith.constant 48 : index
      %get3A_745 = tpu.vector_load %arg10[%get3A_743, %get3A_744] {strides = array<i32>} : memref<128x128xi32, #tpu.memory_space<vmem>>, vector<16xi32>,
      %shift_right_arithmetic3A_746 = arith.shrsi %get3A_745, %gather3A_685 : vector<16xi32>
      %shift_left3A_747 = arith.constant 24 : i32
      %shift_left3A_748 = vector.broadcast %shift_left3A_747 : i32 to vector<16xi32>
      %shift_left3A_749 = arith.shli %shift_right_arithmetic3A_746, %shift_left3A_748 : vector<16xi32>
      %shift_right_arithmetic3A_750 = arith.constant 24 : i32
      %shift_right_arithmetic3A_751 = vector.broadcast %shift_right_arithmetic3A_750 : i32 to vector<16xi32>
      %shift_right_arithmetic3A_752 = arith.shrsi %shift_left3A_749, %shift_right_arithmetic3A_751 : vector<16xi32>
      %convert_element_type3A_753 = arith.sitofp %shift_right_arithmetic3A_752 : vector<16xi32> to vector<16xf32>
      %mul3A_754 = arith.mulf %convert_element_type3A_753, %gather3A_682 : vector<16xf32>
      %add3A_755 = arith.constant 48 : i32
      %add3A_756 = arith.addi %mul3A_691, %add3A_755 : i32
      %swap3A_757 = arith.index_cast %shift_right_arithmetic3A_687 : i32 to index
      %swap3A_758 = arith.index_cast %add3A_756 : i32 to index
      %swap3A_759 = tpu.vector_load %arg14[%swap3A_757, %swap3A_758] {strides = array<i32>} : memref<64x128xf32, #tpu.memory_space<vmem>>, vector<16xf32>,
      tpu.vector_store %arg14[%swap3A_757, %swap3A_758], %mul3A_754 {strides = array<i32>} : memref<64x128xf32, #tpu.memory_space<vmem>>, vector<16xf32>,
      %scan3A_760 = arith.constant 7 : i32
      %scan3A_761 = arith.addi %scan3A_201, %scan3A_760 : i32
      %broadcast_in_dim3A_762 = vector.broadcast %scan3A_761 : i32 to vector<16xi32>
      %gather3A_763 = tpu.vector_load_idx %arg12[%broadcast_in_dim3A_762] : memref<128xf32, #tpu.memory_space<vmem>>[vector<16xi32>], vector<16xf32>,
      %broadcast_in_dim3A_764 = arith.constant 1 : i32
      %broadcast_in_dim3A_765 = vector.broadcast %broadcast_in_dim3A_764 : i32 to vector<16xi32>
      %gather3A_766 = tpu.vector_load_idx %arg8[%broadcast_in_dim3A_765, %broadcast_in_dim3A_762] : memref<50x128xi32, #tpu.memory_space<vmem>>[vector<16xi32>, vector<16xi32>], vector<16xi32>,
      %shift_right_arithmetic3A_767 = arith.constant 1 : i32
      %shift_right_arithmetic3A_768 = arith.shrsi %scan3A_761, %shift_right_arithmetic3A_767 : i32
      %and3A_769 = arith.constant 1 : i32
      %and3A_770 = arith.andi %scan3A_761, %and3A_769 : i32
      %mul3A_771 = arith.constant 64 : i32
      %mul3A_772 = arith.muli %and3A_770, %mul3A_771 : i32
      %get3A_773 = arith.index_cast %scan3A_761 : i32 to index
      %get3A_774 = arith.constant 0 : index
      %get3A_775 = tpu.vector_load %arg10[%get3A_773, %get3A_774] {strides = array<i32>} : memref<128x128xi32, #tpu.memory_space<vmem>>, vector<16xi32>,
      %shift_right_arithmetic3A_776 = arith.shrsi %get3A_775, %gather3A_766 : vector<16xi32>
      %shift_left3A_777 = arith.constant 24 : i32
      %shift_left3A_778 = vector.broadcast %shift_left3A_777 : i32 to vector<16xi32>
      %shift_left3A_779 = arith.shli %shift_right_arithmetic3A_776, %shift_left3A_778 : vector<16xi32>
      %shift_right_arithmetic3A_780 = arith.constant 24 : i32
      %shift_right_arithmetic3A_781 = vector.broadcast %shift_right_arithmetic3A_780 : i32 to vector<16xi32>
      %shift_right_arithmetic3A_782 = arith.shrsi %shift_left3A_779, %shift_right_arithmetic3A_781 : vector<16xi32>
      %convert_element_type3A_783 = arith.sitofp %shift_right_arithmetic3A_782 : vector<16xi32> to vector<16xf32>
      %mul3A_784 = arith.mulf %convert_element_type3A_783, %gather3A_763 : vector<16xf32>
      %add3A_785 = arith.constant 0 : i32
      %add3A_786 = arith.addi %mul3A_772, %add3A_785 : i32
      %swap3A_787 = arith.index_cast %shift_right_arithmetic3A_768 : i32 to index
      %swap3A_788 = arith.index_cast %add3A_786 : i32 to index
      %swap3A_789 = tpu.vector_load %arg14[%swap3A_787, %swap3A_788] {strides = array<i32>} : memref<64x128xf32, #tpu.memory_space<vmem>>, vector<16xf32>,
      tpu.vector_store %arg14[%swap3A_787, %swap3A_788], %mul3A_784 {strides = array<i32>} : memref<64x128xf32, #tpu.memory_space<vmem>>, vector<16xf32>,
      %get3A_790 = arith.index_cast %scan3A_761 : i32 to index
      %get3A_791 = arith.constant 16 : index
      %get3A_792 = tpu.vector_load %arg10[%get3A_790, %get3A_791] {strides = array<i32>} : memref<128x128xi32, #tpu.memory_space<vmem>>, vector<16xi32>,
      %shift_right_arithmetic3A_793 = arith.shrsi %get3A_792, %gather3A_766 : vector<16xi32>
      %shift_left3A_794 = arith.constant 24 : i32
      %shift_left3A_795 = vector.broadcast %shift_left3A_794 : i32 to vector<16xi32>
      %shift_left3A_796 = arith.shli %shift_right_arithmetic3A_793, %shift_left3A_795 : vector<16xi32>
      %shift_right_arithmetic3A_797 = arith.constant 24 : i32
      %shift_right_arithmetic3A_798 = vector.broadcast %shift_right_arithmetic3A_797 : i32 to vector<16xi32>
      %shift_right_arithmetic3A_799 = arith.shrsi %shift_left3A_796, %shift_right_arithmetic3A_798 : vector<16xi32>
      %convert_element_type3A_800 = arith.sitofp %shift_right_arithmetic3A_799 : vector<16xi32> to vector<16xf32>
      %mul3A_801 = arith.mulf %convert_element_type3A_800, %gather3A_763 : vector<16xf32>
      %add3A_802 = arith.constant 16 : i32
      %add3A_803 = arith.addi %mul3A_772, %add3A_802 : i32
      %swap3A_804 = arith.index_cast %shift_right_arithmetic3A_768 : i32 to index
      %swap3A_805 = arith.index_cast %add3A_803 : i32 to index
      %swap3A_806 = tpu.vector_load %arg14[%swap3A_804, %swap3A_805] {strides = array<i32>} : memref<64x128xf32, #tpu.memory_space<vmem>>, vector<16xf32>,
      tpu.vector_store %arg14[%swap3A_804, %swap3A_805], %mul3A_801 {strides = array<i32>} : memref<64x128xf32, #tpu.memory_space<vmem>>, vector<16xf32>,
      %get3A_807 = arith.index_cast %scan3A_761 : i32 to index
      %get3A_808 = arith.constant 32 : index
      %get3A_809 = tpu.vector_load %arg10[%get3A_807, %get3A_808] {strides = array<i32>} : memref<128x128xi32, #tpu.memory_space<vmem>>, vector<16xi32>,
      %shift_right_arithmetic3A_810 = arith.shrsi %get3A_809, %gather3A_766 : vector<16xi32>
      %shift_left3A_811 = arith.constant 24 : i32
      %shift_left3A_812 = vector.broadcast %shift_left3A_811 : i32 to vector<16xi32>
      %shift_left3A_813 = arith.shli %shift_right_arithmetic3A_810, %shift_left3A_812 : vector<16xi32>
      %shift_right_arithmetic3A_814 = arith.constant 24 : i32
      %shift_right_arithmetic3A_815 = vector.broadcast %shift_right_arithmetic3A_814 : i32 to vector<16xi32>
      %shift_right_arithmetic3A_816 = arith.shrsi %shift_left3A_813, %shift_right_arithmetic3A_815 : vector<16xi32>
      %convert_element_type3A_817 = arith.sitofp %shift_right_arithmetic3A_816 : vector<16xi32> to vector<16xf32>
      %mul3A_818 = arith.mulf %convert_element_type3A_817, %gather3A_763 : vector<16xf32>
      %add3A_819 = arith.constant 32 : i32
      %add3A_820 = arith.addi %mul3A_772, %add3A_819 : i32
      %swap3A_821 = arith.index_cast %shift_right_arithmetic3A_768 : i32 to index
      %swap3A_822 = arith.index_cast %add3A_820 : i32 to index
      %swap3A_823 = tpu.vector_load %arg14[%swap3A_821, %swap3A_822] {strides = array<i32>} : memref<64x128xf32, #tpu.memory_space<vmem>>, vector<16xf32>,
      tpu.vector_store %arg14[%swap3A_821, %swap3A_822], %mul3A_818 {strides = array<i32>} : memref<64x128xf32, #tpu.memory_space<vmem>>, vector<16xf32>,
      %get3A_824 = arith.index_cast %scan3A_761 : i32 to index
      %get3A_825 = arith.constant 48 : index
      %get3A_826 = tpu.vector_load %arg10[%get3A_824, %get3A_825] {strides = array<i32>} : memref<128x128xi32, #tpu.memory_space<vmem>>, vector<16xi32>,
      %shift_right_arithmetic3A_827 = arith.shrsi %get3A_826, %gather3A_766 : vector<16xi32>
      %shift_left3A_828 = arith.constant 24 : i32
      %shift_left3A_829 = vector.broadcast %shift_left3A_828 : i32 to vector<16xi32>
      %shift_left3A_830 = arith.shli %shift_right_arithmetic3A_827, %shift_left3A_829 : vector<16xi32>
      %shift_right_arithmetic3A_831 = arith.constant 24 : i32
      %shift_right_arithmetic3A_832 = vector.broadcast %shift_right_arithmetic3A_831 : i32 to vector<16xi32>
      %shift_right_arithmetic3A_833 = arith.shrsi %shift_left3A_830, %shift_right_arithmetic3A_832 : vector<16xi32>
      %convert_element_type3A_834 = arith.sitofp %shift_right_arithmetic3A_833 : vector<16xi32> to vector<16xf32>
      %mul3A_835 = arith.mulf %convert_element_type3A_834, %gather3A_763 : vector<16xf32>
      %add3A_836 = arith.constant 48 : i32
      %add3A_837 = arith.addi %mul3A_772, %add3A_836 : i32
      %swap3A_838 = arith.index_cast %shift_right_arithmetic3A_768 : i32 to index
      %swap3A_839 = arith.index_cast %add3A_837 : i32 to index
      %swap3A_840 = tpu.vector_load %arg14[%swap3A_838, %swap3A_839] {strides = array<i32>} : memref<64x128xf32, #tpu.memory_space<vmem>>, vector<16xf32>,
      tpu.vector_store %arg14[%swap3A_838, %swap3A_839], %mul3A_835 {strides = array<i32>} : memref<64x128xf32, #tpu.memory_space<vmem>>, vector<16xf32>,
    }
    %scan3A_109 = arith.constant 128 : i32
    %add3A_110 = arith.constant 128 : i32
    %add3A_111 = arith.addi %mul3A_2, %add3A_110 : i32
    %jit3A_112 = arith.constant 2 : i32
    %div3A_113 = arith.divsi %add3A_111, %jit3A_112 : i32
    %sign3A_114 = arith.constant 0 : i32
    %sign3A_115 = arith.cmpi sgt, %add3A_111, %sign3A_114 : i32
    %sign3A_116 = arith.extui %sign3A_115 : i1 to i32
    %sign3A_117 = arith.constant 0 : i32
    %sign3A_118 = arith.cmpi slt, %add3A_111, %sign3A_117 : i32
    %sign3A_119 = arith.extui %sign3A_118 : i1 to i32
    %sign3A_120 = arith.subi %sign3A_116, %sign3A_119 : i32
    %sign3A_121 = arith.constant 0 : i32
    %sign3A_122 = arith.cmpi sgt, %jit3A_112, %sign3A_121 : i32
    %sign3A_123 = arith.extui %sign3A_122 : i1 to i32
    %sign3A_124 = arith.constant 0 : i32
    %sign3A_125 = arith.cmpi slt, %jit3A_112, %sign3A_124 : i32
    %sign3A_126 = arith.extui %sign3A_125 : i1 to i32
    %sign3A_127 = arith.subi %sign3A_123, %sign3A_126 : i32
    %ne3A_128 = arith.cmpi ne, %sign3A_120, %sign3A_127 : i32
    %rem3A_129 = arith.remsi %add3A_111, %jit3A_112 : i32
    %ne3A_130 = arith.constant 0 : i32
    %ne3A_131 = arith.cmpi ne, %rem3A_129, %ne3A_130 : i32
    %and3A_132 = arith.andi %ne3A_128, %ne3A_131 : i1
    %sub3A_133 = arith.constant 1 : i32
    %sub3A_134 = arith.subi %div3A_113, %sub3A_133 : i32
    %select_n3A_135 = arith.select %and3A_132, %sub3A_134, %div3A_113 : i32
    %multiple_of3A_136 = tpu.assume_multiple %select_n3A_135, 64 : i32
    %dma_start3A_137 = arith.constant 0 : i32
    %dma_start3A_138 = tpu.memref_slice %arg5[%multiple_of3A_136, %dma_start3A_137] : memref<102400x128xf32, #tpu.memory_space<hbm>> -> memref<64x128xf32, #tpu.memory_space<hbm>>
    %dma_start3A_139 = arith.constant 0 : i32
    %dma_start3A_140 = tpu.memref_slice %arg5[%multiple_of3A_136, %dma_start3A_139] : memref<102400x128xf32, #tpu.memory_space<hbm>> -> memref<64x128xf32, #tpu.memory_space<hbm>>
    tpu.enqueue_dma source(%arg14 : memref<64x128xf32, #tpu.memory_space<vmem>>) target(%dma_start3A_140 : memref<64x128xf32, #tpu.memory_space<hbm>>) target_semaphore(%arg20 : memref<!tpu.dma_semaphore, #tpu.memory_space<semaphore_mem>>)
    %dma_start3A_141 = arith.constant 3 : i32
    %dma_start3A_142 = arith.constant 0 : i32
    %dma_start3A_143 = tpu.memref_slice %arg7[%dma_start3A_141, %dma_start3A_142] : memref<50x128xi32, #tpu.memory_space<vmem>> -> memref<1x128xi32, #tpu.memory_space<vmem>>
    %dma_start3A_144 = tpu.memref_squeeze %dma_start3A_143 : memref<1x128xi32, #tpu.memory_space<vmem>> -> memref<128xi32, #tpu.memory_space<vmem>>
    %dma_start3A_145 = tpu.memref_bitcast %arg2 : memref<1000000x128xi8, #tpu.memory_space<hbm>> -> memref<250000x128xi32, #tpu.memory_space<hbm>>
    %dma_start3A_146 = arith.constant 0 : i32
    %dma_start3A_147 = arith.constant 0 : i32
    %dma_start3A_148 = tpu.memref_slice %dma_start3A_145[%dma_start3A_146, %dma_start3A_147] : memref<250000x128xi32, #tpu.memory_space<hbm>> -> memref<250000x128xi32, #tpu.memory_space<hbm>>
    tpu.enqueue_indirect_dma source(%dma_start3A_148 : memref<250000x128xi32, #tpu.memory_space<hbm>>) target(%arg10 : memref<128x128xi32, #tpu.memory_space<vmem>>) offsets(%dma_start3A_144 : memref<128xi32, #tpu.memory_space<vmem>>) semaphore(%arg16 : memref<!tpu.dma_semaphore, #tpu.memory_space<semaphore_mem>>)
    %dma_start3A_149 = arith.constant 3 : i32
    %dma_start3A_150 = arith.constant 0 : i32
    %dma_start3A_151 = tpu.memref_slice %arg6[%dma_start3A_149, %dma_start3A_150] : memref<50x128xi32, #tpu.memory_space<vmem>> -> memref<1x128xi32, #tpu.memory_space<vmem>>
    %dma_start3A_152 = tpu.memref_squeeze %dma_start3A_151 : memref<1x128xi32, #tpu.memory_space<vmem>> -> memref<128xi32, #tpu.memory_space<vmem>>
    %dma_start3A_153 = arith.constant 0 : i32
    %dma_start3A_154 = tpu.memref_slice %arg3[%dma_start3A_153] : memref<1000000xf32, #tpu.memory_space<hbm>> -> memref<1000000xf32, #tpu.memory_space<hbm>>
    tpu.enqueue_indirect_dma source(%dma_start3A_154 : memref<1000000xf32, #tpu.memory_space<hbm>>) target(%arg12 : memref<128xf32, #tpu.memory_space<vmem>>) offsets(%dma_start3A_152 : memref<128xi32, #tpu.memory_space<vmem>>) semaphore(%arg18 : memref<!tpu.dma_semaphore, #tpu.memory_space<semaphore_mem>>)
    %scan3A_155 = arith.constant 0 : i32
    %scan3A_156 = arith.constant 1 : i32
    %scan3A_157 = arith.constant 24 : i32
    %scan3A_158 = arith.addi %scan3A_156, %scan3A_157 : i32
    %scan3A_159 = arith.constant 1 : i32
    scf.for %scan3A_201 = %scan3A_156 to %scan3A_158 step %scan3A_159  : i32 {
      %mul3A_202 = arith.constant 2 : i32
      %mul3A_203 = arith.muli %scan3A_201, %mul3A_202 : i32
      %add3A_204 = arith.constant 1 : i32
      %add3A_205 = arith.addi %mul3A_203, %add3A_204 : i32
      %dma_wait3A_206 = arith.constant 0 : i32
      %dma_wait3A_207 = tpu.memref_slice %arg7[%mul3A_203, %dma_wait3A_206] : memref<50x128xi32, #tpu.memory_space<vmem>> -> memref<1x128xi32, #tpu.memory_space<vmem>>
      %dma_wait3A_208 = tpu.memref_squeeze %dma_wait3A_207 : memref<1x128xi32, #tpu.memory_space<vmem>> -> memref<128xi32, #tpu.memory_space<vmem>>
      %dma_wait3A_209 = tpu.memref_bitcast %arg2 : memref<1000000x128xi8, #tpu.memory_space<hbm>> -> memref<250000x128xi32, #tpu.memory_space<hbm>>
      %dma_wait3A_210 = arith.constant 0 : i32
      %dma_wait3A_211 = arith.constant 0 : i32
      %dma_wait3A_212 = tpu.memref_slice %dma_wait3A_209[%dma_wait3A_210, %dma_wait3A_211] : memref<250000x128xi32, #tpu.memory_space<hbm>> -> memref<250000x128xi32, #tpu.memory_space<hbm>>
      tpu.wait_indirect_dma semaphore(%arg15 : memref<!tpu.dma_semaphore, #tpu.memory_space<semaphore_mem>>) src(%dma_wait3A_212 : memref<250000x128xi32, #tpu.memory_space<hbm>>) dst(%arg9 : memref<128x128xi32, #tpu.memory_space<vmem>>)
      %dma_wait3A_213 = arith.constant 0 : i32
      %dma_wait3A_214 = tpu.memref_slice %arg6[%mul3A_203, %dma_wait3A_213] : memref<50x128xi32, #tpu.memory_space<vmem>> -> memref<1x128xi32, #tpu.memory_space<vmem>>
      %dma_wait3A_215 = tpu.memref_squeeze %dma_wait3A_214 : memref<1x128xi32, #tpu.memory_space<vmem>> -> memref<128xi32, #tpu.memory_space<vmem>>
      %dma_wait3A_216 = arith.constant 0 : i32
      %dma_wait3A_217 = tpu.memref_slice %arg3[%dma_wait3A_216] : memref<1000000xf32, #tpu.memory_space<hbm>> -> memref<1000000xf32, #tpu.memory_space<hbm>>
      tpu.wait_indirect_dma semaphore(%arg17 : memref<!tpu.dma_semaphore, #tpu.memory_space<semaphore_mem>>) src(%dma_wait3A_217 : memref<1000000xf32, #tpu.memory_space<hbm>>) dst(%arg11 : memref<128xf32, #tpu.memory_space<vmem>>)
      %dma_wait3A_218 = arith.constant 0 : i32
      %dma_wait3A_219 = arith.constant 0 : i32
      %dma_wait3A_220 = tpu.memref_slice %arg5[%dma_wait3A_218, %dma_wait3A_219] : memref<102400x128xf32, #tpu.memory_space<hbm>> -> memref<64x128xf32, #tpu.memory_space<hbm>>
      %dma_wait3A_221 = arith.constant 0 : i32
      %dma_wait3A_222 = arith.constant 0 : i32
      %dma_wait3A_223 = tpu.memref_slice %arg5[%dma_wait3A_221, %dma_wait3A_222] : memref<102400x128xf32, #tpu.memory_space<hbm>> -> memref<64x128xf32, #tpu.memory_space<hbm>>
      tpu.wait_dma2 semaphore(%arg19 : memref<!tpu.dma_semaphore, #tpu.memory_space<semaphore_mem>>) src(%arg13 : memref<64x128xf32, #tpu.memory_space<vmem>>) dst(%dma_wait3A_223 : memref<64x128xf32, #tpu.memory_space<hbm>>)
      %scan3A_224 = arith.constant 0 : i32
      %scan3A_225 = arith.constant 0 : i32
      %scan3A_226 = arith.constant 128 : i32
      %scan3A_227 = arith.addi %scan3A_225, %scan3A_226 : i32
      %scan3A_228 = arith.constant 8 : i32
      scf.for %scan3A_350 = %scan3A_225 to %scan3A_227 step %scan3A_228  : i32 {
        %broadcast_in_dim3A = vector.broadcast %scan3A_350 : i32 to vector<16xi32>
        %gather3A = tpu.vector_load_idx %arg11[%broadcast_in_dim3A] : memref<128xf32, #tpu.memory_space<vmem>>[vector<16xi32>], vector<16xf32>,
        %broadcast_in_dim3A_351 = vector.broadcast %mul3A_203 : i32 to vector<16xi32>
        %gather3A_352 = tpu.vector_load_idx %arg8[%broadcast_in_dim3A_351, %broadcast_in_dim3A] : memref<50x128xi32, #tpu.memory_space<vmem>>[vector<16xi32>, vector<16xi32>], vector<16xi32>,
        %shift_right_arithmetic3A = arith.constant 1 : i32
        %shift_right_arithmetic3A_353 = arith.shrsi %scan3A_350, %shift_right_arithmetic3A : i32
        %and3A_354 = arith.constant 1 : i32
        %and3A_355 = arith.andi %scan3A_350, %and3A_354 : i32
        %mul3A_356 = arith.constant 64 : i32
        %mul3A_357 = arith.muli %and3A_355, %mul3A_356 : i32
        %get3A = arith.index_cast %scan3A_350 : i32 to index
        %get3A_358 = arith.constant 0 : index
        %get3A_359 = tpu.vector_load %arg9[%get3A, %get3A_358] {strides = array<i32>} : memref<128x128xi32, #tpu.memory_space<vmem>>, vector<16xi32>,
        %shift_right_arithmetic3A_360 = arith.shrsi %get3A_359, %gather3A_352 : vector<16xi32>
        %shift_left3A = arith.constant 24 : i32
        %shift_left3A_361 = vector.broadcast %shift_left3A : i32 to vector<16xi32>
        %shift_left3A_362 = arith.shli %shift_right_arithmetic3A_360, %shift_left3A_361 : vector<16xi32>
        %shift_right_arithmetic3A_363 = arith.constant 24 : i32
        %shift_right_arithmetic3A_364 = vector.broadcast %shift_right_arithmetic3A_363 : i32 to vector<16xi32>
        %shift_right_arithmetic3A_365 = arith.shrsi %shift_left3A_362, %shift_right_arithmetic3A_364 : vector<16xi32>
        %convert_element_type3A = arith.sitofp %shift_right_arithmetic3A_365 : vector<16xi32> to vector<16xf32>
        %mul3A_366 = arith.mulf %convert_element_type3A, %gather3A : vector<16xf32>
        %add3A_367 = arith.constant 0 : i32
        %add3A_368 = arith.addi %mul3A_357, %add3A_367 : i32
        %swap3A = arith.index_cast %shift_right_arithmetic3A_353 : i32 to index
        %swap3A_369 = arith.index_cast %add3A_368 : i32 to index
        %swap3A_370 = tpu.vector_load %arg13[%swap3A, %swap3A_369] {strides = array<i32>} : memref<64x128xf32, #tpu.memory_space<vmem>>, vector<16xf32>,
        tpu.vector_store %arg13[%swap3A, %swap3A_369], %mul3A_366 {strides = array<i32>} : memref<64x128xf32, #tpu.memory_space<vmem>>, vector<16xf32>,
        %get3A_371 = arith.index_cast %scan3A_350 : i32 to index
        %get3A_372 = arith.constant 16 : index
        %get3A_373 = tpu.vector_load %arg9[%get3A_371, %get3A_372] {strides = array<i32>} : memref<128x128xi32, #tpu.memory_space<vmem>>, vector<16xi32>,
        %shift_right_arithmetic3A_374 = arith.shrsi %get3A_373, %gather3A_352 : vector<16xi32>
        %shift_left3A_375 = arith.constant 24 : i32
        %shift_left3A_376 = vector.broadcast %shift_left3A_375 : i32 to vector<16xi32>
        %shift_left3A_377 = arith.shli %shift_right_arithmetic3A_374, %shift_left3A_376 : vector<16xi32>
        %shift_right_arithmetic3A_378 = arith.constant 24 : i32
        %shift_right_arithmetic3A_379 = vector.broadcast %shift_right_arithmetic3A_378 : i32 to vector<16xi32>
        %shift_right_arithmetic3A_380 = arith.shrsi %shift_left3A_377, %shift_right_arithmetic3A_379 : vector<16xi32>
        %convert_element_type3A_381 = arith.sitofp %shift_right_arithmetic3A_380 : vector<16xi32> to vector<16xf32>
        %mul3A_382 = arith.mulf %convert_element_type3A_381, %gather3A : vector<16xf32>
        %add3A_383 = arith.constant 16 : i32
        %add3A_384 = arith.addi %mul3A_357, %add3A_383 : i32
        %swap3A_385 = arith.index_cast %shift_right_arithmetic3A_353 : i32 to index
        %swap3A_386 = arith.index_cast %add3A_384 : i32 to index
        %swap3A_387 = tpu.vector_load %arg13[%swap3A_385, %swap3A_386] {strides = array<i32>} : memref<64x128xf32, #tpu.memory_space<vmem>>, vector<16xf32>,
        tpu.vector_store %arg13[%swap3A_385, %swap3A_386], %mul3A_382 {strides = array<i32>} : memref<64x128xf32, #tpu.memory_space<vmem>>, vector<16xf32>,
        %get3A_388 = arith.index_cast %scan3A_350 : i32 to index
        %get3A_389 = arith.constant 32 : index
        %get3A_390 = tpu.vector_load %arg9[%get3A_388, %get3A_389] {strides = array<i32>} : memref<128x128xi32, #tpu.memory_space<vmem>>, vector<16xi32>,
        %shift_right_arithmetic3A_391 = arith.shrsi %get3A_390, %gather3A_352 : vector<16xi32>
        %shift_left3A_392 = arith.constant 24 : i32
        %shift_left3A_393 = vector.broadcast %shift_left3A_392 : i32 to vector<16xi32>
        %shift_left3A_394 = arith.shli %shift_right_arithmetic3A_391, %shift_left3A_393 : vector<16xi32>
        %shift_right_arithmetic3A_395 = arith.constant 24 : i32
        %shift_right_arithmetic3A_396 = vector.broadcast %shift_right_arithmetic3A_395 : i32 to vector<16xi32>
        %shift_right_arithmetic3A_397 = arith.shrsi %shift_left3A_394, %shift_right_arithmetic3A_396 : vector<16xi32>
        %convert_element_type3A_398 = arith.sitofp %shift_right_arithmetic3A_397 : vector<16xi32> to vector<16xf32>
        %mul3A_399 = arith.mulf %convert_element_type3A_398, %gather3A : vector<16xf32>
        %add3A_400 = arith.constant 32 : i32
        %add3A_401 = arith.addi %mul3A_357, %add3A_400 : i32
        %swap3A_402 = arith.index_cast %shift_right_arithmetic3A_353 : i32 to index
        %swap3A_403 = arith.index_cast %add3A_401 : i32 to index
        %swap3A_404 = tpu.vector_load %arg13[%swap3A_402, %swap3A_403] {strides = array<i32>} : memref<64x128xf32, #tpu.memory_space<vmem>>, vector<16xf32>,
        tpu.vector_store %arg13[%swap3A_402, %swap3A_403], %mul3A_399 {strides = array<i32>} : memref<64x128xf32, #tpu.memory_space<vmem>>, vector<16xf32>,
        %get3A_405 = arith.index_cast %scan3A_350 : i32 to index
        %get3A_406 = arith.constant 48 : index
        %get3A_407 = tpu.vector_load %arg9[%get3A_405, %get3A_406] {strides = array<i32>} : memref<128x128xi32, #tpu.memory_space<vmem>>, vector<16xi32>,
        %shift_right_arithmetic3A_408 = arith.shrsi %get3A_407, %gather3A_352 : vector<16xi32>
        %shift_left3A_409 = arith.constant 24 : i32
        %shift_left3A_410 = vector.broadcast %shift_left3A_409 : i32 to vector<16xi32>
        %shift_left3A_411 = arith.shli %shift_right_arithmetic3A_408, %shift_left3A_410 : vector<16xi32>
        %shift_right_arithmetic3A_412 = arith.constant 24 : i32
        %shift_right_arithmetic3A_413 = vector.broadcast %shift_right_arithmetic3A_412 : i32 to vector<16xi32>
        %shift_right_arithmetic3A_414 = arith.shrsi %shift_left3A_411, %shift_right_arithmetic3A_413 : vector<16xi32>
        %convert_element_type3A_415 = arith.sitofp %shift_right_arithmetic3A_414 : vector<16xi32> to vector<16xf32>
        %mul3A_416 = arith.mulf %convert_element_type3A_415, %gather3A : vector<16xf32>
        %add3A_417 = arith.constant 48 : i32
        %add3A_418 = arith.addi %mul3A_357, %add3A_417 : i32
        %swap3A_419 = arith.index_cast %shift_right_arithmetic3A_353 : i32 to index
        %swap3A_420 = arith.index_cast %add3A_418 : i32 to index
        %swap3A_421 = tpu.vector_load %arg13[%swap3A_419, %swap3A_420] {strides = array<i32>} : memref<64x128xf32, #tpu.memory_space<vmem>>, vector<16xf32>,
        tpu.vector_store %arg13[%swap3A_419, %swap3A_420], %mul3A_416 {strides = array<i32>} : memref<64x128xf32, #tpu.memory_space<vmem>>, vector<16xf32>,
        %scan3A_422 = arith.constant 1 : i32
        %scan3A_423 = arith.addi %scan3A_350, %scan3A_422 : i32
        %broadcast_in_dim3A_424 = vector.broadcast %scan3A_423 : i32 to vector<16xi32>
        %gather3A_425 = tpu.vector_load_idx %arg11[%broadcast_in_dim3A_424] : memref<128xf32, #tpu.memory_space<vmem>>[vector<16xi32>], vector<16xf32>,
        %broadcast_in_dim3A_426 = vector.broadcast %mul3A_203 : i32 to vector<16xi32>
        %gather3A_427 = tpu.vector_load_idx %arg8[%broadcast_in_dim3A_426, %broadcast_in_dim3A_424] : memref<50x128xi32, #tpu.memory_space<vmem>>[vector<16xi32>, vector<16xi32>], vector<16xi32>,
        %shift_right_arithmetic3A_428 = arith.constant 1 : i32
        %shift_right_arithmetic3A_429 = arith.shrsi %scan3A_423, %shift_right_arithmetic3A_428 : i32
        %and3A_430 = arith.constant 1 : i32
        %and3A_431 = arith.andi %scan3A_423, %and3A_430 : i32
        %mul3A_432 = arith.constant 64 : i32
        %mul3A_433 = arith.muli %and3A_431, %mul3A_432 : i32
        %get3A_434 = arith.index_cast %scan3A_423 : i32 to index
        %get3A_435 = arith.constant 0 : index
        %get3A_436 = tpu.vector_load %arg9[%get3A_434, %get3A_435] {strides = array<i32>} : memref<128x128xi32, #tpu.memory_space<vmem>>, vector<16xi32>,
        %shift_right_arithmetic3A_437 = arith.shrsi %get3A_436, %gather3A_427 : vector<16xi32>
        %shift_left3A_438 = arith.constant 24 : i32
        %shift_left3A_439 = vector.broadcast %shift_left3A_438 : i32 to vector<16xi32>
        %shift_left3A_440 = arith.shli %shift_right_arithmetic3A_437, %shift_left3A_439 : vector<16xi32>
        %shift_right_arithmetic3A_441 = arith.constant 24 : i32
        %shift_right_arithmetic3A_442 = vector.broadcast %shift_right_arithmetic3A_441 : i32 to vector<16xi32>
        %shift_right_arithmetic3A_443 = arith.shrsi %shift_left3A_440, %shift_right_arithmetic3A_442 : vector<16xi32>
        %convert_element_type3A_444 = arith.sitofp %shift_right_arithmetic3A_443 : vector<16xi32> to vector<16xf32>
        %mul3A_445 = arith.mulf %convert_element_type3A_444, %gather3A_425 : vector<16xf32>
        %add3A_446 = arith.constant 0 : i32
        %add3A_447 = arith.addi %mul3A_433, %add3A_446 : i32
        %swap3A_448 = arith.index_cast %shift_right_arithmetic3A_429 : i32 to index
        %swap3A_449 = arith.index_cast %add3A_447 : i32 to index
        %swap3A_450 = tpu.vector_load %arg13[%swap3A_448, %swap3A_449] {strides = array<i32>} : memref<64x128xf32, #tpu.memory_space<vmem>>, vector<16xf32>,
        tpu.vector_store %arg13[%swap3A_448, %swap3A_449], %mul3A_445 {strides = array<i32>} : memref<64x128xf32, #tpu.memory_space<vmem>>, vector<16xf32>,
        %get3A_451 = arith.index_cast %scan3A_423 : i32 to index
        %get3A_452 = arith.constant 16 : index
        %get3A_453 = tpu.vector_load %arg9[%get3A_451, %get3A_452] {strides = array<i32>} : memref<128x128xi32, #tpu.memory_space<vmem>>, vector<16xi32>,
        %shift_right_arithmetic3A_454 = arith.shrsi %get3A_453, %gather3A_427 : vector<16xi32>
        %shift_left3A_455 = arith.constant 24 : i32
        %shift_left3A_456 = vector.broadcast %shift_left3A_455 : i32 to vector<16xi32>
        %shift_left3A_457 = arith.shli %shift_right_arithmetic3A_454, %shift_left3A_456 : vector<16xi32>
        %shift_right_arithmetic3A_458 = arith.constant 24 : i32
        %shift_right_arithmetic3A_459 = vector.broadcast %shift_right_arithmetic3A_458 : i32 to vector<16xi32>
        %shift_right_arithmetic3A_460 = arith.shrsi %shift_left3A_457, %shift_right_arithmetic3A_459 : vector<16xi32>
        %convert_element_type3A_461 = arith.sitofp %shift_right_arithmetic3A_460 : vector<16xi32> to vector<16xf32>
        %mul3A_462 = arith.mulf %convert_element_type3A_461, %gather3A_425 : vector<16xf32>
        %add3A_463 = arith.constant 16 : i32
        %add3A_464 = arith.addi %mul3A_433, %add3A_463 : i32
        %swap3A_465 = arith.index_cast %shift_right_arithmetic3A_429 : i32 to index
        %swap3A_466 = arith.index_cast %add3A_464 : i32 to index
        %swap3A_467 = tpu.vector_load %arg13[%swap3A_465, %swap3A_466] {strides = array<i32>} : memref<64x128xf32, #tpu.memory_space<vmem>>, vector<16xf32>,
        tpu.vector_store %arg13[%swap3A_465, %swap3A_466], %mul3A_462 {strides = array<i32>} : memref<64x128xf32, #tpu.memory_space<vmem>>, vector<16xf32>,
        %get3A_468 = arith.index_cast %scan3A_423 : i32 to index
        %get3A_469 = arith.constant 32 : index
        %get3A_470 = tpu.vector_load %arg9[%get3A_468, %get3A_469] {strides = array<i32>} : memref<128x128xi32, #tpu.memory_space<vmem>>, vector<16xi32>,
        %shift_right_arithmetic3A_471 = arith.shrsi %get3A_470, %gather3A_427 : vector<16xi32>
        %shift_left3A_472 = arith.constant 24 : i32
        %shift_left3A_473 = vector.broadcast %shift_left3A_472 : i32 to vector<16xi32>
        %shift_left3A_474 = arith.shli %shift_right_arithmetic3A_471, %shift_left3A_473 : vector<16xi32>
        %shift_right_arithmetic3A_475 = arith.constant 24 : i32
        %shift_right_arithmetic3A_476 = vector.broadcast %shift_right_arithmetic3A_475 : i32 to vector<16xi32>
        %shift_right_arithmetic3A_477 = arith.shrsi %shift_left3A_474, %shift_right_arithmetic3A_476 : vector<16xi32>
        %convert_element_type3A_478 = arith.sitofp %shift_right_arithmetic3A_477 : vector<16xi32> to vector<16xf32>
        %mul3A_479 = arith.mulf %convert_element_type3A_478, %gather3A_425 : vector<16xf32>
        %add3A_480 = arith.constant 32 : i32
        %add3A_481 = arith.addi %mul3A_433, %add3A_480 : i32
        %swap3A_482 = arith.index_cast %shift_right_arithmetic3A_429 : i32 to index
        %swap3A_483 = arith.index_cast %add3A_481 : i32 to index
        %swap3A_484 = tpu.vector_load %arg13[%swap3A_482, %swap3A_483] {strides = array<i32>} : memref<64x128xf32, #tpu.memory_space<vmem>>, vector<16xf32>,
        tpu.vector_store %arg13[%swap3A_482, %swap3A_483], %mul3A_479 {strides = array<i32>} : memref<64x128xf32, #tpu.memory_space<vmem>>, vector<16xf32>,
        %get3A_485 = arith.index_cast %scan3A_423 : i32 to index
        %get3A_486 = arith.constant 48 : index
        %get3A_487 = tpu.vector_load %arg9[%get3A_485, %get3A_486] {strides = array<i32>} : memref<128x128xi32, #tpu.memory_space<vmem>>, vector<16xi32>,
        %shift_right_arithmetic3A_488 = arith.shrsi %get3A_487, %gather3A_427 : vector<16xi32>
        %shift_left3A_489 = arith.constant 24 : i32
        %shift_left3A_490 = vector.broadcast %shift_left3A_489 : i32 to vector<16xi32>
        %shift_left3A_491 = arith.shli %shift_right_arithmetic3A_488, %shift_left3A_490 : vector<16xi32>
        %shift_right_arithmetic3A_492 = arith.constant 24 : i32
        %shift_right_arithmetic3A_493 = vector.broadcast %shift_right_arithmetic3A_492 : i32 to vector<16xi32>
        %shift_right_arithmetic3A_494 = arith.shrsi %shift_left3A_491, %shift_right_arithmetic3A_493 : vector<16xi32>
        %convert_element_type3A_495 = arith.sitofp %shift_right_arithmetic3A_494 : vector<16xi32> to vector<16xf32>
        %mul3A_496 = arith.mulf %convert_element_type3A_495, %gather3A_425 : vector<16xf32>
        %add3A_497 = arith.constant 48 : i32
        %add3A_498 = arith.addi %mul3A_433, %add3A_497 : i32
        %swap3A_499 = arith.index_cast %shift_right_arithmetic3A_429 : i32 to index
        %swap3A_500 = arith.index_cast %add3A_498 : i32 to index
        %swap3A_501 = tpu.vector_load %arg13[%swap3A_499, %swap3A_500] {strides = array<i32>} : memref<64x128xf32, #tpu.memory_space<vmem>>, vector<16xf32>,
        tpu.vector_store %arg13[%swap3A_499, %swap3A_500], %mul3A_496 {strides = array<i32>} : memref<64x128xf32, #tpu.memory_space<vmem>>, vector<16xf32>,
        %scan3A_502 = arith.constant 2 : i32
        %scan3A_503 = arith.addi %scan3A_350, %scan3A_502 : i32
        %broadcast_in_dim3A_504 = vector.broadcast %scan3A_503 : i32 to vector<16xi32>
        %gather3A_505 = tpu.vector_load_idx %arg11[%broadcast_in_dim3A_504] : memref<128xf32, #tpu.memory_space<vmem>>[vector<16xi32>], vector<16xf32>,
        %broadcast_in_dim3A_506 = vector.broadcast %mul3A_203 : i32 to vector<16xi32>
        %gather3A_507 = tpu.vector_load_idx %arg8[%broadcast_in_dim3A_506, %broadcast_in_dim3A_504] : memref<50x128xi32, #tpu.memory_space<vmem>>[vector<16xi32>, vector<16xi32>], vector<16xi32>,
        %shift_right_arithmetic3A_508 = arith.constant 1 : i32
        %shift_right_arithmetic3A_509 = arith.shrsi %scan3A_503, %shift_right_arithmetic3A_508 : i32
        %and3A_510 = arith.constant 1 : i32
        %and3A_511 = arith.andi %scan3A_503, %and3A_510 : i32
        %mul3A_512 = arith.constant 64 : i32
        %mul3A_513 = arith.muli %and3A_511, %mul3A_512 : i32
        %get3A_514 = arith.index_cast %scan3A_503 : i32 to index
        %get3A_515 = arith.constant 0 : index
        %get3A_516 = tpu.vector_load %arg9[%get3A_514, %get3A_515] {strides = array<i32>} : memref<128x128xi32, #tpu.memory_space<vmem>>, vector<16xi32>,
        %shift_right_arithmetic3A_517 = arith.shrsi %get3A_516, %gather3A_507 : vector<16xi32>
        %shift_left3A_518 = arith.constant 24 : i32
        %shift_left3A_519 = vector.broadcast %shift_left3A_518 : i32 to vector<16xi32>
        %shift_left3A_520 = arith.shli %shift_right_arithmetic3A_517, %shift_left3A_519 : vector<16xi32>
        %shift_right_arithmetic3A_521 = arith.constant 24 : i32
        %shift_right_arithmetic3A_522 = vector.broadcast %shift_right_arithmetic3A_521 : i32 to vector<16xi32>
        %shift_right_arithmetic3A_523 = arith.shrsi %shift_left3A_520, %shift_right_arithmetic3A_522 : vector<16xi32>
        %convert_element_type3A_524 = arith.sitofp %shift_right_arithmetic3A_523 : vector<16xi32> to vector<16xf32>
        %mul3A_525 = arith.mulf %convert_element_type3A_524, %gather3A_505 : vector<16xf32>
        %add3A_526 = arith.constant 0 : i32
        %add3A_527 = arith.addi %mul3A_513, %add3A_526 : i32
        %swap3A_528 = arith.index_cast %shift_right_arithmetic3A_509 : i32 to index
        %swap3A_529 = arith.index_cast %add3A_527 : i32 to index
        %swap3A_530 = tpu.vector_load %arg13[%swap3A_528, %swap3A_529] {strides = array<i32>} : memref<64x128xf32, #tpu.memory_space<vmem>>, vector<16xf32>,
        tpu.vector_store %arg13[%swap3A_528, %swap3A_529], %mul3A_525 {strides = array<i32>} : memref<64x128xf32, #tpu.memory_space<vmem>>, vector<16xf32>,
        %get3A_531 = arith.index_cast %scan3A_503 : i32 to index
        %get3A_532 = arith.constant 16 : index
        %get3A_533 = tpu.vector_load %arg9[%get3A_531, %get3A_532] {strides = array<i32>} : memref<128x128xi32, #tpu.memory_space<vmem>>, vector<16xi32>,
        %shift_right_arithmetic3A_534 = arith.shrsi %get3A_533, %gather3A_507 : vector<16xi32>
        %shift_left3A_535 = arith.constant 24 : i32
        %shift_left3A_536 = vector.broadcast %shift_left3A_535 : i32 to vector<16xi32>
        %shift_left3A_537 = arith.shli %shift_right_arithmetic3A_534, %shift_left3A_536 : vector<16xi32>
        %shift_right_arithmetic3A_538 = arith.constant 24 : i32
        %shift_right_arithmetic3A_539 = vector.broadcast %shift_right_arithmetic3A_538 : i32 to vector<16xi32>
        %shift_right_arithmetic3A_540 = arith.shrsi %shift_left3A_537, %shift_right_arithmetic3A_539 : vector<16xi32>
        %convert_element_type3A_541 = arith.sitofp %shift_right_arithmetic3A_540 : vector<16xi32> to vector<16xf32>
        %mul3A_542 = arith.mulf %convert_element_type3A_541, %gather3A_505 : vector<16xf32>
        %add3A_543 = arith.constant 16 : i32
        %add3A_544 = arith.addi %mul3A_513, %add3A_543 : i32
        %swap3A_545 = arith.index_cast %shift_right_arithmetic3A_509 : i32 to index
        %swap3A_546 = arith.index_cast %add3A_544 : i32 to index
        %swap3A_547 = tpu.vector_load %arg13[%swap3A_545, %swap3A_546] {strides = array<i32>} : memref<64x128xf32, #tpu.memory_space<vmem>>, vector<16xf32>,
        tpu.vector_store %arg13[%swap3A_545, %swap3A_546], %mul3A_542 {strides = array<i32>} : memref<64x128xf32, #tpu.memory_space<vmem>>, vector<16xf32>,
        %get3A_548 = arith.index_cast %scan3A_503 : i32 to index
        %get3A_549 = arith.constant 32 : index
        %get3A_550 = tpu.vector_load %arg9[%get3A_548, %get3A_549] {strides = array<i32>} : memref<128x128xi32, #tpu.memory_space<vmem>>, vector<16xi32>,
        %shift_right_arithmetic3A_551 = arith.shrsi %get3A_550, %gather3A_507 : vector<16xi32>
        %shift_left3A_552 = arith.constant 24 : i32
        %shift_left3A_553 = vector.broadcast %shift_left3A_552 : i32 to vector<16xi32>
        %shift_left3A_554 = arith.shli %shift_right_arithmetic3A_551, %shift_left3A_553 : vector<16xi32>
        %shift_right_arithmetic3A_555 = arith.constant 24 : i32
        %shift_right_arithmetic3A_556 = vector.broadcast %shift_right_arithmetic3A_555 : i32 to vector<16xi32>
        %shift_right_arithmetic3A_557 = arith.shrsi %shift_left3A_554, %shift_right_arithmetic3A_556 : vector<16xi32>
        %convert_element_type3A_558 = arith.sitofp %shift_right_arithmetic3A_557 : vector<16xi32> to vector<16xf32>
        %mul3A_559 = arith.mulf %convert_element_type3A_558, %gather3A_505 : vector<16xf32>
        %add3A_560 = arith.constant 32 : i32
        %add3A_561 = arith.addi %mul3A_513, %add3A_560 : i32
        %swap3A_562 = arith.index_cast %shift_right_arithmetic3A_509 : i32 to index
        %swap3A_563 = arith.index_cast %add3A_561 : i32 to index
        %swap3A_564 = tpu.vector_load %arg13[%swap3A_562, %swap3A_563] {strides = array<i32>} : memref<64x128xf32, #tpu.memory_space<vmem>>, vector<16xf32>,
        tpu.vector_store %arg13[%swap3A_562, %swap3A_563], %mul3A_559 {strides = array<i32>} : memref<64x128xf32, #tpu.memory_space<vmem>>, vector<16xf32>,
        %get3A_565 = arith.index_cast %scan3A_503 : i32 to index
        %get3A_566 = arith.constant 48 : index
        %get3A_567 = tpu.vector_load %arg9[%get3A_565, %get3A_566] {strides = array<i32>} : memref<128x128xi32, #tpu.memory_space<vmem>>, vector<16xi32>,
        %shift_right_arithmetic3A_568 = arith.shrsi %get3A_567, %gather3A_507 : vector<16xi32>
        %shift_left3A_569 = arith.constant 24 : i32
        %shift_left3A_570 = vector.broadcast %shift_left3A_569 : i32 to vector<16xi32>
        %shift_left3A_571 = arith.shli %shift_right_arithmetic3A_568, %shift_left3A_570 : vector<16xi32>
        %shift_right_arithmetic3A_572 = arith.constant 24 : i32
        %shift_right_arithmetic3A_573 = vector.broadcast %shift_right_arithmetic3A_572 : i32 to vector<16xi32>
        %shift_right_arithmetic3A_574 = arith.shrsi %shift_left3A_571, %shift_right_arithmetic3A_573 : vector<16xi32>
        %convert_element_type3A_575 = arith.sitofp %shift_right_arithmetic3A_574 : vector<16xi32> to vector<16xf32>
        %mul3A_576 = arith.mulf %convert_element_type3A_575, %gather3A_505 : vector<16xf32>
        %add3A_577 = arith.constant 48 : i32
        %add3A_578 = arith.addi %mul3A_513, %add3A_577 : i32
        %swap3A_579 = arith.index_cast %shift_right_arithmetic3A_509 : i32 to index
        %swap3A_580 = arith.index_cast %add3A_578 : i32 to index
        %swap3A_581 = tpu.vector_load %arg13[%swap3A_579, %swap3A_580] {strides = array<i32>} : memref<64x128xf32, #tpu.memory_space<vmem>>, vector<16xf32>,
        tpu.vector_store %arg13[%swap3A_579, %swap3A_580], %mul3A_576 {strides = array<i32>} : memref<64x128xf32, #tpu.memory_space<vmem>>, vector<16xf32>,
        %scan3A_582 = arith.constant 3 : i32
        %scan3A_583 = arith.addi %scan3A_350, %scan3A_582 : i32
        %broadcast_in_dim3A_584 = vector.broadcast %scan3A_583 : i32 to vector<16xi32>
        %gather3A_585 = tpu.vector_load_idx %arg11[%broadcast_in_dim3A_584] : memref<128xf32, #tpu.memory_space<vmem>>[vector<16xi32>], vector<16xf32>,
        %broadcast_in_dim3A_586 = vector.broadcast %mul3A_203 : i32 to vector<16xi32>
        %gather3A_587 = tpu.vector_load_idx %arg8[%broadcast_in_dim3A_586, %broadcast_in_dim3A_584] : memref<50x128xi32, #tpu.memory_space<vmem>>[vector<16xi32>, vector<16xi32>], vector<16xi32>,
        %shift_right_arithmetic3A_588 = arith.constant 1 : i32
        %shift_right_arithmetic3A_589 = arith.shrsi %scan3A_583, %shift_right_arithmetic3A_588 : i32
        %and3A_590 = arith.constant 1 : i32
        %and3A_591 = arith.andi %scan3A_583, %and3A_590 : i32
        %mul3A_592 = arith.constant 64 : i32
        %mul3A_593 = arith.muli %and3A_591, %mul3A_592 : i32
        %get3A_594 = arith.index_cast %scan3A_583 : i32 to index
        %get3A_595 = arith.constant 0 : index
        %get3A_596 = tpu.vector_load %arg9[%get3A_594, %get3A_595] {strides = array<i32>} : memref<128x128xi32, #tpu.memory_space<vmem>>, vector<16xi32>,
        %shift_right_arithmetic3A_597 = arith.shrsi %get3A_596, %gather3A_587 : vector<16xi32>
        %shift_left3A_598 = arith.constant 24 : i32
        %shift_left3A_599 = vector.broadcast %shift_left3A_598 : i32 to vector<16xi32>
        %shift_left3A_600 = arith.shli %shift_right_arithmetic3A_597, %shift_left3A_599 : vector<16xi32>
        %shift_right_arithmetic3A_601 = arith.constant 24 : i32
        %shift_right_arithmetic3A_602 = vector.broadcast %shift_right_arithmetic3A_601 : i32 to vector<16xi32>
        %shift_right_arithmetic3A_603 = arith.shrsi %shift_left3A_600, %shift_right_arithmetic3A_602 : vector<16xi32>
        %convert_element_type3A_604 = arith.sitofp %shift_right_arithmetic3A_603 : vector<16xi32> to vector<16xf32>
        %mul3A_605 = arith.mulf %convert_element_type3A_604, %gather3A_585 : vector<16xf32>
        %add3A_606 = arith.constant 0 : i32
        %add3A_607 = arith.addi %mul3A_593, %add3A_606 : i32
        %swap3A_608 = arith.index_cast %shift_right_arithmetic3A_589 : i32 to index
        %swap3A_609 = arith.index_cast %add3A_607 : i32 to index
        %swap3A_610 = tpu.vector_load %arg13[%swap3A_608, %swap3A_609] {strides = array<i32>} : memref<64x128xf32, #tpu.memory_space<vmem>>, vector<16xf32>,
        tpu.vector_store %arg13[%swap3A_608, %swap3A_609], %mul3A_605 {strides = array<i32>} : memref<64x128xf32, #tpu.memory_space<vmem>>, vector<16xf32>,
        %get3A_611 = arith.index_cast %scan3A_583 : i32 to index
        %get3A_612 = arith.constant 16 : index
        %get3A_613 = tpu.vector_load %arg9[%get3A_611, %get3A_612] {strides = array<i32>} : memref<128x128xi32, #tpu.memory_space<vmem>>, vector<16xi32>,
        %shift_right_arithmetic3A_614 = arith.shrsi %get3A_613, %gather3A_587 : vector<16xi32>
        %shift_left3A_615 = arith.constant 24 : i32
        %shift_left3A_616 = vector.broadcast %shift_left3A_615 : i32 to vector<16xi32>
        %shift_left3A_617 = arith.shli %shift_right_arithmetic3A_614, %shift_left3A_616 : vector<16xi32>
        %shift_right_arithmetic3A_618 = arith.constant 24 : i32
        %shift_right_arithmetic3A_619 = vector.broadcast %shift_right_arithmetic3A_618 : i32 to vector<16xi32>
        %shift_right_arithmetic3A_620 = arith.shrsi %shift_left3A_617, %shift_right_arithmetic3A_619 : vector<16xi32>
        %convert_element_type3A_621 = arith.sitofp %shift_right_arithmetic3A_620 : vector<16xi32> to vector<16xf32>
        %mul3A_622 = arith.mulf %convert_element_type3A_621, %gather3A_585 : vector<16xf32>
        %add3A_623 = arith.constant 16 : i32
        %add3A_624 = arith.addi %mul3A_593, %add3A_623 : i32
        %swap3A_625 = arith.index_cast %shift_right_arithmetic3A_589 : i32 to index
        %swap3A_626 = arith.index_cast %add3A_624 : i32 to index
        %swap3A_627 = tpu.vector_load %arg13[%swap3A_625, %swap3A_626] {strides = array<i32>} : memref<64x128xf32, #tpu.memory_space<vmem>>, vector<16xf32>,
        tpu.vector_store %arg13[%swap3A_625, %swap3A_626], %mul3A_622 {strides = array<i32>} : memref<64x128xf32, #tpu.memory_space<vmem>>, vector<16xf32>,
        %get3A_628 = arith.index_cast %scan3A_583 : i32 to index
        %get3A_629 = arith.constant 32 : index
        %get3A_630 = tpu.vector_load %arg9[%get3A_628, %get3A_629] {strides = array<i32>} : memref<128x128xi32, #tpu.memory_space<vmem>>, vector<16xi32>,
        %shift_right_arithmetic3A_631 = arith.shrsi %get3A_630, %gather3A_587 : vector<16xi32>
        %shift_left3A_632 = arith.constant 24 : i32
        %shift_left3A_633 = vector.broadcast %shift_left3A_632 : i32 to vector<16xi32>
        %shift_left3A_634 = arith.shli %shift_right_arithmetic3A_631, %shift_left3A_633 : vector<16xi32>
        %shift_right_arithmetic3A_635 = arith.constant 24 : i32
        %shift_right_arithmetic3A_636 = vector.broadcast %shift_right_arithmetic3A_635 : i32 to vector<16xi32>
        %shift_right_arithmetic3A_637 = arith.shrsi %shift_left3A_634, %shift_right_arithmetic3A_636 : vector<16xi32>
        %convert_element_type3A_638 = arith.sitofp %shift_right_arithmetic3A_637 : vector<16xi32> to vector<16xf32>
        %mul3A_639 = arith.mulf %convert_element_type3A_638, %gather3A_585 : vector<16xf32>
        %add3A_640 = arith.constant 32 : i32
        %add3A_641 = arith.addi %mul3A_593, %add3A_640 : i32
        %swap3A_642 = arith.index_cast %shift_right_arithmetic3A_589 : i32 to index
        %swap3A_643 = arith.index_cast %add3A_641 : i32 to index
        %swap3A_644 = tpu.vector_load %arg13[%swap3A_642, %swap3A_643] {strides = array<i32>} : memref<64x128xf32, #tpu.memory_space<vmem>>, vector<16xf32>,
        tpu.vector_store %arg13[%swap3A_642, %swap3A_643], %mul3A_639 {strides = array<i32>} : memref<64x128xf32, #tpu.memory_space<vmem>>, vector<16xf32>,
        %get3A_645 = arith.index_cast %scan3A_583 : i32 to index
        %get3A_646 = arith.constant 48 : index
        %get3A_647 = tpu.vector_load %arg9[%get3A_645, %get3A_646] {strides = array<i32>} : memref<128x128xi32, #tpu.memory_space<vmem>>, vector<16xi32>,
        %shift_right_arithmetic3A_648 = arith.shrsi %get3A_647, %gather3A_587 : vector<16xi32>
        %shift_left3A_649 = arith.constant 24 : i32
        %shift_left3A_650 = vector.broadcast %shift_left3A_649 : i32 to vector<16xi32>
        %shift_left3A_651 = arith.shli %shift_right_arithmetic3A_648, %shift_left3A_650 : vector<16xi32>
        %shift_right_arithmetic3A_652 = arith.constant 24 : i32
        %shift_right_arithmetic3A_653 = vector.broadcast %shift_right_arithmetic3A_652 : i32 to vector<16xi32>
        %shift_right_arithmetic3A_654 = arith.shrsi %shift_left3A_651, %shift_right_arithmetic3A_653 : vector<16xi32>
        %convert_element_type3A_655 = arith.sitofp %shift_right_arithmetic3A_654 : vector<16xi32> to vector<16xf32>
        %mul3A_656 = arith.mulf %convert_element_type3A_655, %gather3A_585 : vector<16xf32>
        %add3A_657 = arith.constant 48 : i32
        %add3A_658 = arith.addi %mul3A_593, %add3A_657 : i32
        %swap3A_659 = arith.index_cast %shift_right_arithmetic3A_589 : i32 to index
        %swap3A_660 = arith.index_cast %add3A_658 : i32 to index
        %swap3A_661 = tpu.vector_load %arg13[%swap3A_659, %swap3A_660] {strides = array<i32>} : memref<64x128xf32, #tpu.memory_space<vmem>>, vector<16xf32>,
        tpu.vector_store %arg13[%swap3A_659, %swap3A_660], %mul3A_656 {strides = array<i32>} : memref<64x128xf32, #tpu.memory_space<vmem>>, vector<16xf32>,
        %scan3A_662 = arith.constant 4 : i32
        %scan3A_663 = arith.addi %scan3A_350, %scan3A_662 : i32
        %broadcast_in_dim3A_664 = vector.broadcast %scan3A_663 : i32 to vector<16xi32>
        %gather3A_665 = tpu.vector_load_idx %arg11[%broadcast_in_dim3A_664] : memref<128xf32, #tpu.memory_space<vmem>>[vector<16xi32>], vector<16xf32>,
        %broadcast_in_dim3A_666 = vector.broadcast %mul3A_203 : i32 to vector<16xi32>
        %gather3A_667 = tpu.vector_load_idx %arg8[%broadcast_in_dim3A_666, %broadcast_in_dim3A_664] : memref<50x128xi32, #tpu.memory_space<vmem>>[vector<16xi32>, vector<16xi32>], vector<16xi32>,
        %shift_right_arithmetic3A_668 = arith.constant 1 : i32
        %shift_right_arithmetic3A_669 = arith.shrsi %scan3A_663, %shift_right_arithmetic3A_668 : i32
        %and3A_670 = arith.constant 1 : i32
        %and3A_671 = arith.andi %scan3A_663, %and3A_670 : i32
        %mul3A_672 = arith.constant 64 : i32
        %mul3A_673 = arith.muli %and3A_671, %mul3A_672 : i32
        %get3A_674 = arith.index_cast %scan3A_663 : i32 to index
        %get3A_675 = arith.constant 0 : index
        %get3A_676 = tpu.vector_load %arg9[%get3A_674, %get3A_675] {strides = array<i32>} : memref<128x128xi32, #tpu.memory_space<vmem>>, vector<16xi32>,
        %shift_right_arithmetic3A_677 = arith.shrsi %get3A_676, %gather3A_667 : vector<16xi32>
        %shift_left3A_678 = arith.constant 24 : i32
        %shift_left3A_679 = vector.broadcast %shift_left3A_678 : i32 to vector<16xi32>
        %shift_left3A_680 = arith.shli %shift_right_arithmetic3A_677, %shift_left3A_679 : vector<16xi32>
        %shift_right_arithmetic3A_681 = arith.constant 24 : i32
        %shift_right_arithmetic3A_682 = vector.broadcast %shift_right_arithmetic3A_681 : i32 to vector<16xi32>
        %shift_right_arithmetic3A_683 = arith.shrsi %shift_left3A_680, %shift_right_arithmetic3A_682 : vector<16xi32>
        %convert_element_type3A_684 = arith.sitofp %shift_right_arithmetic3A_683 : vector<16xi32> to vector<16xf32>
        %mul3A_685 = arith.mulf %convert_element_type3A_684, %gather3A_665 : vector<16xf32>
        %add3A_686 = arith.constant 0 : i32
        %add3A_687 = arith.addi %mul3A_673, %add3A_686 : i32
        %swap3A_688 = arith.index_cast %shift_right_arithmetic3A_669 : i32 to index
        %swap3A_689 = arith.index_cast %add3A_687 : i32 to index
        %swap3A_690 = tpu.vector_load %arg13[%swap3A_688, %swap3A_689] {strides = array<i32>} : memref<64x128xf32, #tpu.memory_space<vmem>>, vector<16xf32>,
        tpu.vector_store %arg13[%swap3A_688, %swap3A_689], %mul3A_685 {strides = array<i32>} : memref<64x128xf32, #tpu.memory_space<vmem>>, vector<16xf32>,
        %get3A_691 = arith.index_cast %scan3A_663 : i32 to index
        %get3A_692 = arith.constant 16 : index
        %get3A_693 = tpu.vector_load %arg9[%get3A_691, %get3A_692] {strides = array<i32>} : memref<128x128xi32, #tpu.memory_space<vmem>>, vector<16xi32>,
        %shift_right_arithmetic3A_694 = arith.shrsi %get3A_693, %gather3A_667 : vector<16xi32>
        %shift_left3A_695 = arith.constant 24 : i32
        %shift_left3A_696 = vector.broadcast %shift_left3A_695 : i32 to vector<16xi32>
        %shift_left3A_697 = arith.shli %shift_right_arithmetic3A_694, %shift_left3A_696 : vector<16xi32>
        %shift_right_arithmetic3A_698 = arith.constant 24 : i32
        %shift_right_arithmetic3A_699 = vector.broadcast %shift_right_arithmetic3A_698 : i32 to vector<16xi32>
        %shift_right_arithmetic3A_700 = arith.shrsi %shift_left3A_697, %shift_right_arithmetic3A_699 : vector<16xi32>
        %convert_element_type3A_701 = arith.sitofp %shift_right_arithmetic3A_700 : vector<16xi32> to vector<16xf32>
        %mul3A_702 = arith.mulf %convert_element_type3A_701, %gather3A_665 : vector<16xf32>
        %add3A_703 = arith.constant 16 : i32
        %add3A_704 = arith.addi %mul3A_673, %add3A_703 : i32
        %swap3A_705 = arith.index_cast %shift_right_arithmetic3A_669 : i32 to index
        %swap3A_706 = arith.index_cast %add3A_704 : i32 to index
        %swap3A_707 = tpu.vector_load %arg13[%swap3A_705, %swap3A_706] {strides = array<i32>} : memref<64x128xf32, #tpu.memory_space<vmem>>, vector<16xf32>,
        tpu.vector_store %arg13[%swap3A_705, %swap3A_706], %mul3A_702 {strides = array<i32>} : memref<64x128xf32, #tpu.memory_space<vmem>>, vector<16xf32>,
        %get3A_708 = arith.index_cast %scan3A_663 : i32 to index
        %get3A_709 = arith.constant 32 : index
        %get3A_710 = tpu.vector_load %arg9[%get3A_708, %get3A_709] {strides = array<i32>} : memref<128x128xi32, #tpu.memory_space<vmem>>, vector<16xi32>,
        %shift_right_arithmetic3A_711 = arith.shrsi %get3A_710, %gather3A_667 : vector<16xi32>
        %shift_left3A_712 = arith.constant 24 : i32
        %shift_left3A_713 = vector.broadcast %shift_left3A_712 : i32 to vector<16xi32>
        %shift_left3A_714 = arith.shli %shift_right_arithmetic3A_711, %shift_left3A_713 : vector<16xi32>
        %shift_right_arithmetic3A_715 = arith.constant 24 : i32
        %shift_right_arithmetic3A_716 = vector.broadcast %shift_right_arithmetic3A_715 : i32 to vector<16xi32>
        %shift_right_arithmetic3A_717 = arith.shrsi %shift_left3A_714, %shift_right_arithmetic3A_716 : vector<16xi32>
        %convert_element_type3A_718 = arith.sitofp %shift_right_arithmetic3A_717 : vector<16xi32> to vector<16xf32>
        %mul3A_719 = arith.mulf %convert_element_type3A_718, %gather3A_665 : vector<16xf32>
        %add3A_720 = arith.constant 32 : i32
        %add3A_721 = arith.addi %mul3A_673, %add3A_720 : i32
        %swap3A_722 = arith.index_cast %shift_right_arithmetic3A_669 : i32 to index
        %swap3A_723 = arith.index_cast %add3A_721 : i32 to index
        %swap3A_724 = tpu.vector_load %arg13[%swap3A_722, %swap3A_723] {strides = array<i32>} : memref<64x128xf32, #tpu.memory_space<vmem>>, vector<16xf32>,
        tpu.vector_store %arg13[%swap3A_722, %swap3A_723], %mul3A_719 {strides = array<i32>} : memref<64x128xf32, #tpu.memory_space<vmem>>, vector<16xf32>,
        %get3A_725 = arith.index_cast %scan3A_663 : i32 to index
        %get3A_726 = arith.constant 48 : index
        %get3A_727 = tpu.vector_load %arg9[%get3A_725, %get3A_726] {strides = array<i32>} : memref<128x128xi32, #tpu.memory_space<vmem>>, vector<16xi32>,
        %shift_right_arithmetic3A_728 = arith.shrsi %get3A_727, %gather3A_667 : vector<16xi32>
        %shift_left3A_729 = arith.constant 24 : i32
        %shift_left3A_730 = vector.broadcast %shift_left3A_729 : i32 to vector<16xi32>
        %shift_left3A_731 = arith.shli %shift_right_arithmetic3A_728, %shift_left3A_730 : vector<16xi32>
        %shift_right_arithmetic3A_732 = arith.constant 24 : i32
        %shift_right_arithmetic3A_733 = vector.broadcast %shift_right_arithmetic3A_732 : i32 to vector<16xi32>
        %shift_right_arithmetic3A_734 = arith.shrsi %shift_left3A_731, %shift_right_arithmetic3A_733 : vector<16xi32>
        %convert_element_type3A_735 = arith.sitofp %shift_right_arithmetic3A_734 : vector<16xi32> to vector<16xf32>
        %mul3A_736 = arith.mulf %convert_element_type3A_735, %gather3A_665 : vector<16xf32>
        %add3A_737 = arith.constant 48 : i32
        %add3A_738 = arith.addi %mul3A_673, %add3A_737 : i32
        %swap3A_739 = arith.index_cast %shift_right_arithmetic3A_669 : i32 to index
        %swap3A_740 = arith.index_cast %add3A_738 : i32 to index
        %swap3A_741 = tpu.vector_load %arg13[%swap3A_739, %swap3A_740] {strides = array<i32>} : memref<64x128xf32, #tpu.memory_space<vmem>>, vector<16xf32>,
        tpu.vector_store %arg13[%swap3A_739, %swap3A_740], %mul3A_736 {strides = array<i32>} : memref<64x128xf32, #tpu.memory_space<vmem>>, vector<16xf32>,
        %scan3A_742 = arith.constant 5 : i32
        %scan3A_743 = arith.addi %scan3A_350, %scan3A_742 : i32
        %broadcast_in_dim3A_744 = vector.broadcast %scan3A_743 : i32 to vector<16xi32>
        %gather3A_745 = tpu.vector_load_idx %arg11[%broadcast_in_dim3A_744] : memref<128xf32, #tpu.memory_space<vmem>>[vector<16xi32>], vector<16xf32>,
        %broadcast_in_dim3A_746 = vector.broadcast %mul3A_203 : i32 to vector<16xi32>
        %gather3A_747 = tpu.vector_load_idx %arg8[%broadcast_in_dim3A_746, %broadcast_in_dim3A_744] : memref<50x128xi32, #tpu.memory_space<vmem>>[vector<16xi32>, vector<16xi32>], vector<16xi32>,
        %shift_right_arithmetic3A_748 = arith.constant 1 : i32
        %shift_right_arithmetic3A_749 = arith.shrsi %scan3A_743, %shift_right_arithmetic3A_748 : i32
        %and3A_750 = arith.constant 1 : i32
        %and3A_751 = arith.andi %scan3A_743, %and3A_750 : i32
        %mul3A_752 = arith.constant 64 : i32
        %mul3A_753 = arith.muli %and3A_751, %mul3A_752 : i32
        %get3A_754 = arith.index_cast %scan3A_743 : i32 to index
        %get3A_755 = arith.constant 0 : index
        %get3A_756 = tpu.vector_load %arg9[%get3A_754, %get3A_755] {strides = array<i32>} : memref<128x128xi32, #tpu.memory_space<vmem>>, vector<16xi32>,
        %shift_right_arithmetic3A_757 = arith.shrsi %get3A_756, %gather3A_747 : vector<16xi32>
        %shift_left3A_758 = arith.constant 24 : i32
        %shift_left3A_759 = vector.broadcast %shift_left3A_758 : i32 to vector<16xi32>
        %shift_left3A_760 = arith.shli %shift_right_arithmetic3A_757, %shift_left3A_759 : vector<16xi32>
        %shift_right_arithmetic3A_761 = arith.constant 24 : i32
        %shift_right_arithmetic3A_762 = vector.broadcast %shift_right_arithmetic3A_761 : i32 to vector<16xi32>
        %shift_right_arithmetic3A_763 = arith.shrsi %shift_left3A_760, %shift_right_arithmetic3A_762 : vector<16xi32>
        %convert_element_type3A_764 = arith.sitofp %shift_right_arithmetic3A_763 : vector<16xi32> to vector<16xf32>
        %mul3A_765 = arith.mulf %convert_element_type3A_764, %gather3A_745 : vector<16xf32>
        %add3A_766 = arith.constant 0 : i32
        %add3A_767 = arith.addi %mul3A_753, %add3A_766 : i32
        %swap3A_768 = arith.index_cast %shift_right_arithmetic3A_749 : i32 to index
        %swap3A_769 = arith.index_cast %add3A_767 : i32 to index
        %swap3A_770 = tpu.vector_load %arg13[%swap3A_768, %swap3A_769] {strides = array<i32>} : memref<64x128xf32, #tpu.memory_space<vmem>>, vector<16xf32>,
        tpu.vector_store %arg13[%swap3A_768, %swap3A_769], %mul3A_765 {strides = array<i32>} : memref<64x128xf32, #tpu.memory_space<vmem>>, vector<16xf32>,
        %get3A_771 = arith.index_cast %scan3A_743 : i32 to index
        %get3A_772 = arith.constant 16 : index
        %get3A_773 = tpu.vector_load %arg9[%get3A_771, %get3A_772] {strides = array<i32>} : memref<128x128xi32, #tpu.memory_space<vmem>>, vector<16xi32>,
        %shift_right_arithmetic3A_774 = arith.shrsi %get3A_773, %gather3A_747 : vector<16xi32>
        %shift_left3A_775 = arith.constant 24 : i32
        %shift_left3A_776 = vector.broadcast %shift_left3A_775 : i32 to vector<16xi32>
        %shift_left3A_777 = arith.shli %shift_right_arithmetic3A_774, %shift_left3A_776 : vector<16xi32>
        %shift_right_arithmetic3A_778 = arith.constant 24 : i32
        %shift_right_arithmetic3A_779 = vector.broadcast %shift_right_arithmetic3A_778 : i32 to vector<16xi32>
        %shift_right_arithmetic3A_780 = arith.shrsi %shift_left3A_777, %shift_right_arithmetic3A_779 : vector<16xi32>
        %convert_element_type3A_781 = arith.sitofp %shift_right_arithmetic3A_780 : vector<16xi32> to vector<16xf32>
        %mul3A_782 = arith.mulf %convert_element_type3A_781, %gather3A_745 : vector<16xf32>
        %add3A_783 = arith.constant 16 : i32
        %add3A_784 = arith.addi %mul3A_753, %add3A_783 : i32
        %swap3A_785 = arith.index_cast %shift_right_arithmetic3A_749 : i32 to index
        %swap3A_786 = arith.index_cast %add3A_784 : i32 to index
        %swap3A_787 = tpu.vector_load %arg13[%swap3A_785, %swap3A_786] {strides = array<i32>} : memref<64x128xf32, #tpu.memory_space<vmem>>, vector<16xf32>,
        tpu.vector_store %arg13[%swap3A_785, %swap3A_786], %mul3A_782 {strides = array<i32>} : memref<64x128xf32, #tpu.memory_space<vmem>>, vector<16xf32>,
        %get3A_788 = arith.index_cast %scan3A_743 : i32 to index
        %get3A_789 = arith.constant 32 : index
        %get3A_790 = tpu.vector_load %arg9[%get3A_788, %get3A_789] {strides = array<i32>} : memref<128x128xi32, #tpu.memory_space<vmem>>, vector<16xi32>,
        %shift_right_arithmetic3A_791 = arith.shrsi %get3A_790, %gather3A_747 : vector<16xi32>
        %shift_left3A_792 = arith.constant 24 : i32
        %shift_left3A_793 = vector.broadcast %shift_left3A_792 : i32 to vector<16xi32>
        %shift_left3A_794 = arith.shli %shift_right_arithmetic3A_791, %shift_left3A_793 : vector<16xi32>
        %shift_right_arithmetic3A_795 = arith.constant 24 : i32
        %shift_right_arithmetic3A_796 = vector.broadcast %shift_right_arithmetic3A_795 : i32 to vector<16xi32>
        %shift_right_arithmetic3A_797 = arith.shrsi %shift_left3A_794, %shift_right_arithmetic3A_796 : vector<16xi32>
        %convert_element_type3A_798 = arith.sitofp %shift_right_arithmetic3A_797 : vector<16xi32> to vector<16xf32>
        %mul3A_799 = arith.mulf %convert_element_type3A_798, %gather3A_745 : vector<16xf32>
        %add3A_800 = arith.constant 32 : i32
        %add3A_801 = arith.addi %mul3A_753, %add3A_800 : i32
        %swap3A_802 = arith.index_cast %shift_right_arithmetic3A_749 : i32 to index
        %swap3A_803 = arith.index_cast %add3A_801 : i32 to index
        %swap3A_804 = tpu.vector_load %arg13[%swap3A_802, %swap3A_803] {strides = array<i32>} : memref<64x128xf32, #tpu.memory_space<vmem>>, vector<16xf32>,
        tpu.vector_store %arg13[%swap3A_802, %swap3A_803], %mul3A_799 {strides = array<i32>} : memref<64x128xf32, #tpu.memory_space<vmem>>, vector<16xf32>,
        %get3A_805 = arith.index_cast %scan3A_743 : i32 to index
        %get3A_806 = arith.constant 48 : index
        %get3A_807 = tpu.vector_load %arg9[%get3A_805, %get3A_806] {strides = array<i32>} : memref<128x128xi32, #tpu.memory_space<vmem>>, vector<16xi32>,
        %shift_right_arithmetic3A_808 = arith.shrsi %get3A_807, %gather3A_747 : vector<16xi32>
        %shift_left3A_809 = arith.constant 24 : i32
        %shift_left3A_810 = vector.broadcast %shift_left3A_809 : i32 to vector<16xi32>
        %shift_left3A_811 = arith.shli %shift_right_arithmetic3A_808, %shift_left3A_810 : vector<16xi32>
        %shift_right_arithmetic3A_812 = arith.constant 24 : i32
        %shift_right_arithmetic3A_813 = vector.broadcast %shift_right_arithmetic3A_812 : i32 to vector<16xi32>
        %shift_right_arithmetic3A_814 = arith.shrsi %shift_left3A_811, %shift_right_arithmetic3A_813 : vector<16xi32>
        %convert_element_type3A_815 = arith.sitofp %shift_right_arithmetic3A_814 : vector<16xi32> to vector<16xf32>
        %mul3A_816 = arith.mulf %convert_element_type3A_815, %gather3A_745 : vector<16xf32>
        %add3A_817 = arith.constant 48 : i32
        %add3A_818 = arith.addi %mul3A_753, %add3A_817 : i32
        %swap3A_819 = arith.index_cast %shift_right_arithmetic3A_749 : i32 to index
        %swap3A_820 = arith.index_cast %add3A_818 : i32 to index
        %swap3A_821 = tpu.vector_load %arg13[%swap3A_819, %swap3A_820] {strides = array<i32>} : memref<64x128xf32, #tpu.memory_space<vmem>>, vector<16xf32>,
        tpu.vector_store %arg13[%swap3A_819, %swap3A_820], %mul3A_816 {strides = array<i32>} : memref<64x128xf32, #tpu.memory_space<vmem>>, vector<16xf32>,
        %scan3A_822 = arith.constant 6 : i32
        %scan3A_823 = arith.addi %scan3A_350, %scan3A_822 : i32
        %broadcast_in_dim3A_824 = vector.broadcast %scan3A_823 : i32 to vector<16xi32>
        %gather3A_825 = tpu.vector_load_idx %arg11[%broadcast_in_dim3A_824] : memref<128xf32, #tpu.memory_space<vmem>>[vector<16xi32>], vector<16xf32>,
        %broadcast_in_dim3A_826 = vector.broadcast %mul3A_203 : i32 to vector<16xi32>
        %gather3A_827 = tpu.vector_load_idx %arg8[%broadcast_in_dim3A_826, %broadcast_in_dim3A_824] : memref<50x128xi32, #tpu.memory_space<vmem>>[vector<16xi32>, vector<16xi32>], vector<16xi32>,
        %shift_right_arithmetic3A_828 = arith.constant 1 : i32
        %shift_right_arithmetic3A_829 = arith.shrsi %scan3A_823, %shift_right_arithmetic3A_828 : i32
        %and3A_830 = arith.constant 1 : i32
        %and3A_831 = arith.andi %scan3A_823, %and3A_830 : i32
        %mul3A_832 = arith.constant 64 : i32
        %mul3A_833 = arith.muli %and3A_831, %mul3A_832 : i32
        %get3A_834 = arith.index_cast %scan3A_823 : i32 to index
        %get3A_835 = arith.constant 0 : index
        %get3A_836 = tpu.vector_load %arg9[%get3A_834, %get3A_835] {strides = array<i32>} : memref<128x128xi32, #tpu.memory_space<vmem>>, vector<16xi32>,
        %shift_right_arithmetic3A_837 = arith.shrsi %get3A_836, %gather3A_827 : vector<16xi32>
        %shift_left3A_838 = arith.constant 24 : i32
        %shift_left3A_839 = vector.broadcast %shift_left3A_838 : i32 to vector<16xi32>
        %shift_left3A_840 = arith.shli %shift_right_arithmetic3A_837, %shift_left3A_839 : vector<16xi32>
        %shift_right_arithmetic3A_841 = arith.constant 24 : i32
        %shift_right_arithmetic3A_842 = vector.broadcast %shift_right_arithmetic3A_841 : i32 to vector<16xi32>
        %shift_right_arithmetic3A_843 = arith.shrsi %shift_left3A_840, %shift_right_arithmetic3A_842 : vector<16xi32>
        %convert_element_type3A_844 = arith.sitofp %shift_right_arithmetic3A_843 : vector<16xi32> to vector<16xf32>
        %mul3A_845 = arith.mulf %convert_element_type3A_844, %gather3A_825 : vector<16xf32>
        %add3A_846 = arith.constant 0 : i32
        %add3A_847 = arith.addi %mul3A_833, %add3A_846 : i32
        %swap3A_848 = arith.index_cast %shift_right_arithmetic3A_829 : i32 to index
        %swap3A_849 = arith.index_cast %add3A_847 : i32 to index
        %swap3A_850 = tpu.vector_load %arg13[%swap3A_848, %swap3A_849] {strides = array<i32>} : memref<64x128xf32, #tpu.memory_space<vmem>>, vector<16xf32>,
        tpu.vector_store %arg13[%swap3A_848, %swap3A_849], %mul3A_845 {strides = array<i32>} : memref<64x128xf32, #tpu.memory_space<vmem>>, vector<16xf32>,
        %get3A_851 = arith.index_cast %scan3A_823 : i32 to index
        %get3A_852 = arith.constant 16 : index
        %get3A_853 = tpu.vector_load %arg9[%get3A_851, %get3A_852] {strides = array<i32>} : memref<128x128xi32, #tpu.memory_space<vmem>>, vector<16xi32>,
        %shift_right_arithmetic3A_854 = arith.shrsi %get3A_853, %gather3A_827 : vector<16xi32>
        %shift_left3A_855 = arith.constant 24 : i32
        %shift_left3A_856 = vector.broadcast %shift_left3A_855 : i32 to vector<16xi32>
        %shift_left3A_857 = arith.shli %shift_right_arithmetic3A_854, %shift_left3A_856 : vector<16xi32>
        %shift_right_arithmetic3A_858 = arith.constant 24 : i32
        %shift_right_arithmetic3A_859 = vector.broadcast %shift_right_arithmetic3A_858 : i32 to vector<16xi32>
        %shift_right_arithmetic3A_860 = arith.shrsi %shift_left3A_857, %shift_right_arithmetic3A_859 : vector<16xi32>
        %convert_element_type3A_861 = arith.sitofp %shift_right_arithmetic3A_860 : vector<16xi32> to vector<16xf32>
        %mul3A_862 = arith.mulf %convert_element_type3A_861, %gather3A_825 : vector<16xf32>
        %add3A_863 = arith.constant 16 : i32
        %add3A_864 = arith.addi %mul3A_833, %add3A_863 : i32
        %swap3A_865 = arith.index_cast %shift_right_arithmetic3A_829 : i32 to index
        %swap3A_866 = arith.index_cast %add3A_864 : i32 to index
        %swap3A_867 = tpu.vector_load %arg13[%swap3A_865, %swap3A_866] {strides = array<i32>} : memref<64x128xf32, #tpu.memory_space<vmem>>, vector<16xf32>,
        tpu.vector_store %arg13[%swap3A_865, %swap3A_866], %mul3A_862 {strides = array<i32>} : memref<64x128xf32, #tpu.memory_space<vmem>>, vector<16xf32>,
        %get3A_868 = arith.index_cast %scan3A_823 : i32 to index
        %get3A_869 = arith.constant 32 : index
        %get3A_870 = tpu.vector_load %arg9[%get3A_868, %get3A_869] {strides = array<i32>} : memref<128x128xi32, #tpu.memory_space<vmem>>, vector<16xi32>,
        %shift_right_arithmetic3A_871 = arith.shrsi %get3A_870, %gather3A_827 : vector<16xi32>
        %shift_left3A_872 = arith.constant 24 : i32
        %shift_left3A_873 = vector.broadcast %shift_left3A_872 : i32 to vector<16xi32>
        %shift_left3A_874 = arith.shli %shift_right_arithmetic3A_871, %shift_left3A_873 : vector<16xi32>
        %shift_right_arithmetic3A_875 = arith.constant 24 : i32
        %shift_right_arithmetic3A_876 = vector.broadcast %shift_right_arithmetic3A_875 : i32 to vector<16xi32>
        %shift_right_arithmetic3A_877 = arith.shrsi %shift_left3A_874, %shift_right_arithmetic3A_876 : vector<16xi32>
        %convert_element_type3A_878 = arith.sitofp %shift_right_arithmetic3A_877 : vector<16xi32> to vector<16xf32>
        %mul3A_879 = arith.mulf %convert_element_type3A_878, %gather3A_825 : vector<16xf32>
        %add3A_880 = arith.constant 32 : i32
        %add3A_881 = arith.addi %mul3A_833, %add3A_880 : i32
        %swap3A_882 = arith.index_cast %shift_right_arithmetic3A_829 : i32 to index
        %swap3A_883 = arith.index_cast %add3A_881 : i32 to index
        %swap3A_884 = tpu.vector_load %arg13[%swap3A_882, %swap3A_883] {strides = array<i32>} : memref<64x128xf32, #tpu.memory_space<vmem>>, vector<16xf32>,
        tpu.vector_store %arg13[%swap3A_882, %swap3A_883], %mul3A_879 {strides = array<i32>} : memref<64x128xf32, #tpu.memory_space<vmem>>, vector<16xf32>,
        %get3A_885 = arith.index_cast %scan3A_823 : i32 to index
        %get3A_886 = arith.constant 48 : index
        %get3A_887 = tpu.vector_load %arg9[%get3A_885, %get3A_886] {strides = array<i32>} : memref<128x128xi32, #tpu.memory_space<vmem>>, vector<16xi32>,
        %shift_right_arithmetic3A_888 = arith.shrsi %get3A_887, %gather3A_827 : vector<16xi32>
        %shift_left3A_889 = arith.constant 24 : i32
        %shift_left3A_890 = vector.broadcast %shift_left3A_889 : i32 to vector<16xi32>
        %shift_left3A_891 = arith.shli %shift_right_arithmetic3A_888, %shift_left3A_890 : vector<16xi32>
        %shift_right_arithmetic3A_892 = arith.constant 24 : i32
        %shift_right_arithmetic3A_893 = vector.broadcast %shift_right_arithmetic3A_892 : i32 to vector<16xi32>
        %shift_right_arithmetic3A_894 = arith.shrsi %shift_left3A_891, %shift_right_arithmetic3A_893 : vector<16xi32>
        %convert_element_type3A_895 = arith.sitofp %shift_right_arithmetic3A_894 : vector<16xi32> to vector<16xf32>
        %mul3A_896 = arith.mulf %convert_element_type3A_895, %gather3A_825 : vector<16xf32>
        %add3A_897 = arith.constant 48 : i32
        %add3A_898 = arith.addi %mul3A_833, %add3A_897 : i32
        %swap3A_899 = arith.index_cast %shift_right_arithmetic3A_829 : i32 to index
        %swap3A_900 = arith.index_cast %add3A_898 : i32 to index
        %swap3A_901 = tpu.vector_load %arg13[%swap3A_899, %swap3A_900] {strides = array<i32>} : memref<64x128xf32, #tpu.memory_space<vmem>>, vector<16xf32>,
        tpu.vector_store %arg13[%swap3A_899, %swap3A_900], %mul3A_896 {strides = array<i32>} : memref<64x128xf32, #tpu.memory_space<vmem>>, vector<16xf32>,
        %scan3A_902 = arith.constant 7 : i32
        %scan3A_903 = arith.addi %scan3A_350, %scan3A_902 : i32
        %broadcast_in_dim3A_904 = vector.broadcast %scan3A_903 : i32 to vector<16xi32>
        %gather3A_905 = tpu.vector_load_idx %arg11[%broadcast_in_dim3A_904] : memref<128xf32, #tpu.memory_space<vmem>>[vector<16xi32>], vector<16xf32>,
        %broadcast_in_dim3A_906 = vector.broadcast %mul3A_203 : i32 to vector<16xi32>
        %gather3A_907 = tpu.vector_load_idx %arg8[%broadcast_in_dim3A_906, %broadcast_in_dim3A_904] : memref<50x128xi32, #tpu.memory_space<vmem>>[vector<16xi32>, vector<16xi32>], vector<16xi32>,
        %shift_right_arithmetic3A_908 = arith.constant 1 : i32
        %shift_right_arithmetic3A_909 = arith.shrsi %scan3A_903, %shift_right_arithmetic3A_908 : i32
        %and3A_910 = arith.constant 1 : i32
        %and3A_911 = arith.andi %scan3A_903, %and3A_910 : i32
        %mul3A_912 = arith.constant 64 : i32
        %mul3A_913 = arith.muli %and3A_911, %mul3A_912 : i32
        %get3A_914 = arith.index_cast %scan3A_903 : i32 to index
        %get3A_915 = arith.constant 0 : index
        %get3A_916 = tpu.vector_load %arg9[%get3A_914, %get3A_915] {strides = array<i32>} : memref<128x128xi32, #tpu.memory_space<vmem>>, vector<16xi32>,
        %shift_right_arithmetic3A_917 = arith.shrsi %get3A_916, %gather3A_907 : vector<16xi32>
        %shift_left3A_918 = arith.constant 24 : i32
        %shift_left3A_919 = vector.broadcast %shift_left3A_918 : i32 to vector<16xi32>
        %shift_left3A_920 = arith.shli %shift_right_arithmetic3A_917, %shift_left3A_919 : vector<16xi32>
        %shift_right_arithmetic3A_921 = arith.constant 24 : i32
        %shift_right_arithmetic3A_922 = vector.broadcast %shift_right_arithmetic3A_921 : i32 to vector<16xi32>
        %shift_right_arithmetic3A_923 = arith.shrsi %shift_left3A_920, %shift_right_arithmetic3A_922 : vector<16xi32>
        %convert_element_type3A_924 = arith.sitofp %shift_right_arithmetic3A_923 : vector<16xi32> to vector<16xf32>
        %mul3A_925 = arith.mulf %convert_element_type3A_924, %gather3A_905 : vector<16xf32>
        %add3A_926 = arith.constant 0 : i32
        %add3A_927 = arith.addi %mul3A_913, %add3A_926 : i32
        %swap3A_928 = arith.index_cast %shift_right_arithmetic3A_909 : i32 to index
        %swap3A_929 = arith.index_cast %add3A_927 : i32 to index
        %swap3A_930 = tpu.vector_load %arg13[%swap3A_928, %swap3A_929] {strides = array<i32>} : memref<64x128xf32, #tpu.memory_space<vmem>>, vector<16xf32>,
        tpu.vector_store %arg13[%swap3A_928, %swap3A_929], %mul3A_925 {strides = array<i32>} : memref<64x128xf32, #tpu.memory_space<vmem>>, vector<16xf32>,
        %get3A_931 = arith.index_cast %scan3A_903 : i32 to index
        %get3A_932 = arith.constant 16 : index
        %get3A_933 = tpu.vector_load %arg9[%get3A_931, %get3A_932] {strides = array<i32>} : memref<128x128xi32, #tpu.memory_space<vmem>>, vector<16xi32>,
        %shift_right_arithmetic3A_934 = arith.shrsi %get3A_933, %gather3A_907 : vector<16xi32>
        %shift_left3A_935 = arith.constant 24 : i32
        %shift_left3A_936 = vector.broadcast %shift_left3A_935 : i32 to vector<16xi32>
        %shift_left3A_937 = arith.shli %shift_right_arithmetic3A_934, %shift_left3A_936 : vector<16xi32>
        %shift_right_arithmetic3A_938 = arith.constant 24 : i32
        %shift_right_arithmetic3A_939 = vector.broadcast %shift_right_arithmetic3A_938 : i32 to vector<16xi32>
        %shift_right_arithmetic3A_940 = arith.shrsi %shift_left3A_937, %shift_right_arithmetic3A_939 : vector<16xi32>
        %convert_element_type3A_941 = arith.sitofp %shift_right_arithmetic3A_940 : vector<16xi32> to vector<16xf32>
        %mul3A_942 = arith.mulf %convert_element_type3A_941, %gather3A_905 : vector<16xf32>
        %add3A_943 = arith.constant 16 : i32
        %add3A_944 = arith.addi %mul3A_913, %add3A_943 : i32
        %swap3A_945 = arith.index_cast %shift_right_arithmetic3A_909 : i32 to index
        %swap3A_946 = arith.index_cast %add3A_944 : i32 to index
        %swap3A_947 = tpu.vector_load %arg13[%swap3A_945, %swap3A_946] {strides = array<i32>} : memref<64x128xf32, #tpu.memory_space<vmem>>, vector<16xf32>,
        tpu.vector_store %arg13[%swap3A_945, %swap3A_946], %mul3A_942 {strides = array<i32>} : memref<64x128xf32, #tpu.memory_space<vmem>>, vector<16xf32>,
        %get3A_948 = arith.index_cast %scan3A_903 : i32 to index
        %get3A_949 = arith.constant 32 : index
        %get3A_950 = tpu.vector_load %arg9[%get3A_948, %get3A_949] {strides = array<i32>} : memref<128x128xi32, #tpu.memory_space<vmem>>, vector<16xi32>,
        %shift_right_arithmetic3A_951 = arith.shrsi %get3A_950, %gather3A_907 : vector<16xi32>
        %shift_left3A_952 = arith.constant 24 : i32
        %shift_left3A_953 = vector.broadcast %shift_left3A_952 : i32 to vector<16xi32>
        %shift_left3A_954 = arith.shli %shift_right_arithmetic3A_951, %shift_left3A_953 : vector<16xi32>
        %shift_right_arithmetic3A_955 = arith.constant 24 : i32
        %shift_right_arithmetic3A_956 = vector.broadcast %shift_right_arithmetic3A_955 : i32 to vector<16xi32>
        %shift_right_arithmetic3A_957 = arith.shrsi %shift_left3A_954, %shift_right_arithmetic3A_956 : vector<16xi32>
        %convert_element_type3A_958 = arith.sitofp %shift_right_arithmetic3A_957 : vector<16xi32> to vector<16xf32>
        %mul3A_959 = arith.mulf %convert_element_type3A_958, %gather3A_905 : vector<16xf32>
        %add3A_960 = arith.constant 32 : i32
        %add3A_961 = arith.addi %mul3A_913, %add3A_960 : i32
        %swap3A_962 = arith.index_cast %shift_right_arithmetic3A_909 : i32 to index
        %swap3A_963 = arith.index_cast %add3A_961 : i32 to index
        %swap3A_964 = tpu.vector_load %arg13[%swap3A_962, %swap3A_963] {strides = array<i32>} : memref<64x128xf32, #tpu.memory_space<vmem>>, vector<16xf32>,
        tpu.vector_store %arg13[%swap3A_962, %swap3A_963], %mul3A_959 {strides = array<i32>} : memref<64x128xf32, #tpu.memory_space<vmem>>, vector<16xf32>,
        %get3A_965 = arith.index_cast %scan3A_903 : i32 to index
        %get3A_966 = arith.constant 48 : index
        %get3A_967 = tpu.vector_load %arg9[%get3A_965, %get3A_966] {strides = array<i32>} : memref<128x128xi32, #tpu.memory_space<vmem>>, vector<16xi32>,
        %shift_right_arithmetic3A_968 = arith.shrsi %get3A_967, %gather3A_907 : vector<16xi32>
        %shift_left3A_969 = arith.constant 24 : i32
        %shift_left3A_970 = vector.broadcast %shift_left3A_969 : i32 to vector<16xi32>
        %shift_left3A_971 = arith.shli %shift_right_arithmetic3A_968, %shift_left3A_970 : vector<16xi32>
        %shift_right_arithmetic3A_972 = arith.constant 24 : i32
        %shift_right_arithmetic3A_973 = vector.broadcast %shift_right_arithmetic3A_972 : i32 to vector<16xi32>
        %shift_right_arithmetic3A_974 = arith.shrsi %shift_left3A_971, %shift_right_arithmetic3A_973 : vector<16xi32>
        %convert_element_type3A_975 = arith.sitofp %shift_right_arithmetic3A_974 : vector<16xi32> to vector<16xf32>
        %mul3A_976 = arith.mulf %convert_element_type3A_975, %gather3A_905 : vector<16xf32>
        %add3A_977 = arith.constant 48 : i32
        %add3A_978 = arith.addi %mul3A_913, %add3A_977 : i32
        %swap3A_979 = arith.index_cast %shift_right_arithmetic3A_909 : i32 to index
        %swap3A_980 = arith.index_cast %add3A_978 : i32 to index
        %swap3A_981 = tpu.vector_load %arg13[%swap3A_979, %swap3A_980] {strides = array<i32>} : memref<64x128xf32, #tpu.memory_space<vmem>>, vector<16xf32>,
        tpu.vector_store %arg13[%swap3A_979, %swap3A_980], %mul3A_976 {strides = array<i32>} : memref<64x128xf32, #tpu.memory_space<vmem>>, vector<16xf32>,
      }
      %scan3A_229 = arith.constant 128 : i32
      %mul3A_230 = arith.constant 128 : i32
      %mul3A_231 = arith.muli %mul3A_203, %mul3A_230 : i32
      %add3A_232 = arith.addi %mul3A_2, %mul3A_231 : i32
      %jit3A_233 = arith.constant 2 : i32
      %div3A_234 = arith.divsi %add3A_232, %jit3A_233 : i32
      %sign3A_235 = arith.constant 0 : i32
      %sign3A_236 = arith.cmpi sgt, %add3A_232, %sign3A_235 : i32
      %sign3A_237 = arith.extui %sign3A_236 : i1 to i32
      %sign3A_238 = arith.constant 0 : i32
      %sign3A_239 = arith.cmpi slt, %add3A_232, %sign3A_238 : i32
      %sign3A_240 = arith.extui %sign3A_239 : i1 to i32
      %sign3A_241 = arith.subi %sign3A_237, %sign3A_240 : i32
      %sign3A_242 = arith.constant 0 : i32
      %sign3A_243 = arith.cmpi sgt, %jit3A_233, %sign3A_242 : i32
      %sign3A_244 = arith.extui %sign3A_243 : i1 to i32
      %sign3A_245 = arith.constant 0 : i32
      %sign3A_246 = arith.cmpi slt, %jit3A_233, %sign3A_245 : i32
      %sign3A_247 = arith.extui %sign3A_246 : i1 to i32
      %sign3A_248 = arith.subi %sign3A_244, %sign3A_247 : i32
      %ne3A_249 = arith.cmpi ne, %sign3A_241, %sign3A_248 : i32
      %rem3A_250 = arith.remsi %add3A_232, %jit3A_233 : i32
      %ne3A_251 = arith.constant 0 : i32
      %ne3A_252 = arith.cmpi ne, %rem3A_250, %ne3A_251 : i32
      %and3A_253 = arith.andi %ne3A_249, %ne3A_252 : i1
      %sub3A_254 = arith.constant 1 : i32
      %sub3A_255 = arith.subi %div3A_234, %sub3A_254 : i32
      %select_n3A_256 = arith.select %and3A_253, %sub3A_255, %div3A_234 : i32
      %multiple_of3A_257 = tpu.assume_multiple %select_n3A_256, 64 : i32
      %dma_start3A_258 = arith.constant 0 : i32
      %dma_start3A_259 = tpu.memref_slice %arg5[%multiple_of3A_257, %dma_start3A_258] : memref<102400x128xf32, #tpu.memory_space<hbm>> -> memref<64x128xf32, #tpu.memory_space<hbm>>
      %dma_start3A_260 = arith.constant 0 : i32
      %dma_start3A_261 = tpu.memref_slice %arg5[%multiple_of3A_257, %dma_start3A_260] : memref<102400x128xf32, #tpu.memory_space<hbm>> -> memref<64x128xf32, #tpu.memory_space<hbm>>
      tpu.enqueue_dma source(%arg13 : memref<64x128xf32, #tpu.memory_space<vmem>>) target(%dma_start3A_261 : memref<64x128xf32, #tpu.memory_space<hbm>>) target_semaphore(%arg19 : memref<!tpu.dma_semaphore, #tpu.memory_space<semaphore_mem>>)
      %add3A_262 = arith.constant 2 : i32
      %add3A_263 = arith.addi %mul3A_203, %add3A_262 : i32
      %rem3A_264 = arith.constant 50 : i32
      %rem3A_265 = arith.remsi %add3A_263, %rem3A_264 : i32
      %dma_start3A_266 = arith.constant 0 : i32
      %dma_start3A_267 = tpu.memref_slice %arg7[%rem3A_265, %dma_start3A_266] : memref<50x128xi32, #tpu.memory_space<vmem>> -> memref<1x128xi32, #tpu.memory_space<vmem>>
      %dma_start3A_268 = tpu.memref_squeeze %dma_start3A_267 : memref<1x128xi32, #tpu.memory_space<vmem>> -> memref<128xi32, #tpu.memory_space<vmem>>
      %dma_start3A_269 = tpu.memref_bitcast %arg2 : memref<1000000x128xi8, #tpu.memory_space<hbm>> -> memref<250000x128xi32, #tpu.memory_space<hbm>>
      %dma_start3A_270 = arith.constant 0 : i32
      %dma_start3A_271 = arith.constant 0 : i32
      %dma_start3A_272 = tpu.memref_slice %dma_start3A_269[%dma_start3A_270, %dma_start3A_271] : memref<250000x128xi32, #tpu.memory_space<hbm>> -> memref<250000x128xi32, #tpu.memory_space<hbm>>
      tpu.enqueue_indirect_dma source(%dma_start3A_272 : memref<250000x128xi32, #tpu.memory_space<hbm>>) target(%arg9 : memref<128x128xi32, #tpu.memory_space<vmem>>) offsets(%dma_start3A_268 : memref<128xi32, #tpu.memory_space<vmem>>) semaphore(%arg15 : memref<!tpu.dma_semaphore, #tpu.memory_space<semaphore_mem>>)
      %dma_start3A_273 = arith.constant 0 : i32
      %dma_start3A_274 = tpu.memref_slice %arg6[%rem3A_265, %dma_start3A_273] : memref<50x128xi32, #tpu.memory_space<vmem>> -> memref<1x128xi32, #tpu.memory_space<vmem>>
      %dma_start3A_275 = tpu.memref_squeeze %dma_start3A_274 : memref<1x128xi32, #tpu.memory_space<vmem>> -> memref<128xi32, #tpu.memory_space<vmem>>
      %dma_start3A_276 = arith.constant 0 : i32
      %dma_start3A_277 = tpu.memref_slice %arg3[%dma_start3A_276] : memref<1000000xf32, #tpu.memory_space<hbm>> -> memref<1000000xf32, #tpu.memory_space<hbm>>
      tpu.enqueue_indirect_dma source(%dma_start3A_277 : memref<1000000xf32, #tpu.memory_space<hbm>>) target(%arg11 : memref<128xf32, #tpu.memory_space<vmem>>) offsets(%dma_start3A_275 : memref<128xi32, #tpu.memory_space<vmem>>) semaphore(%arg17 : memref<!tpu.dma_semaphore, #tpu.memory_space<semaphore_mem>>)
      %dma_wait3A_278 = arith.constant 0 : i32
      %dma_wait3A_279 = tpu.memref_slice %arg7[%add3A_205, %dma_wait3A_278] : memref<50x128xi32, #tpu.memory_space<vmem>> -> memref<1x128xi32, #tpu.memory_space<vmem>>
      %dma_wait3A_280 = tpu.memref_squeeze %dma_wait3A_279 : memref<1x128xi32, #tpu.memory_space<vmem>> -> memref<128xi32, #tpu.memory_space<vmem>>
      %dma_wait3A_281 = tpu.memref_bitcast %arg2 : memref<1000000x128xi8, #tpu.memory_space<hbm>> -> memref<250000x128xi32, #tpu.memory_space<hbm>>
      %dma_wait3A_282 = arith.constant 0 : i32
      %dma_wait3A_283 = arith.constant 0 : i32
      %dma_wait3A_284 = tpu.memref_slice %dma_wait3A_281[%dma_wait3A_282, %dma_wait3A_283] : memref<250000x128xi32, #tpu.memory_space<hbm>> -> memref<250000x128xi32, #tpu.memory_space<hbm>>
      tpu.wait_indirect_dma semaphore(%arg16 : memref<!tpu.dma_semaphore, #tpu.memory_space<semaphore_mem>>) src(%dma_wait3A_284 : memref<250000x128xi32, #tpu.memory_space<hbm>>) dst(%arg10 : memref<128x128xi32, #tpu.memory_space<vmem>>)
      %dma_wait3A_285 = arith.constant 0 : i32
      %dma_wait3A_286 = tpu.memref_slice %arg6[%add3A_205, %dma_wait3A_285] : memref<50x128xi32, #tpu.memory_space<vmem>> -> memref<1x128xi32, #tpu.memory_space<vmem>>
      %dma_wait3A_287 = tpu.memref_squeeze %dma_wait3A_286 : memref<1x128xi32, #tpu.memory_space<vmem>> -> memref<128xi32, #tpu.memory_space<vmem>>
      %dma_wait3A_288 = arith.constant 0 : i32
      %dma_wait3A_289 = tpu.memref_slice %arg3[%dma_wait3A_288] : memref<1000000xf32, #tpu.memory_space<hbm>> -> memref<1000000xf32, #tpu.memory_space<hbm>>
      tpu.wait_indirect_dma semaphore(%arg18 : memref<!tpu.dma_semaphore, #tpu.memory_space<semaphore_mem>>) src(%dma_wait3A_289 : memref<1000000xf32, #tpu.memory_space<hbm>>) dst(%arg12 : memref<128xf32, #tpu.memory_space<vmem>>)
      %dma_wait3A_290 = arith.constant 0 : i32
      %dma_wait3A_291 = arith.constant 0 : i32
      %dma_wait3A_292 = tpu.memref_slice %arg5[%dma_wait3A_290, %dma_wait3A_291] : memref<102400x128xf32, #tpu.memory_space<hbm>> -> memref<64x128xf32, #tpu.memory_space<hbm>>
      %dma_wait3A_293 = arith.constant 0 : i32
      %dma_wait3A_294 = arith.constant 0 : i32
      %dma_wait3A_295 = tpu.memref_slice %arg5[%dma_wait3A_293, %dma_wait3A_294] : memref<102400x128xf32, #tpu.memory_space<hbm>> -> memref<64x128xf32, #tpu.memory_space<hbm>>
      tpu.wait_dma2 semaphore(%arg20 : memref<!tpu.dma_semaphore, #tpu.memory_space<semaphore_mem>>) src(%arg14 : memref<64x128xf32, #tpu.memory_space<vmem>>) dst(%dma_wait3A_295 : memref<64x128xf32, #tpu.memory_space<hbm>>)
      %scan3A_296 = arith.constant 0 : i32
      %scan3A_297 = arith.constant 0 : i32
      %scan3A_298 = arith.constant 128 : i32
      %scan3A_299 = arith.addi %scan3A_297, %scan3A_298 : i32
      %scan3A_300 = arith.constant 8 : i32
      scf.for %scan3A_350 = %scan3A_297 to %scan3A_299 step %scan3A_300  : i32 {
        %broadcast_in_dim3A = vector.broadcast %scan3A_350 : i32 to vector<16xi32>
        %gather3A = tpu.vector_load_idx %arg12[%broadcast_in_dim3A] : memref<128xf32, #tpu.memory_space<vmem>>[vector<16xi32>], vector<16xf32>,
        %broadcast_in_dim3A_351 = vector.broadcast %add3A_205 : i32 to vector<16xi32>
        %gather3A_352 = tpu.vector_load_idx %arg8[%broadcast_in_dim3A_351, %broadcast_in_dim3A] : memref<50x128xi32, #tpu.memory_space<vmem>>[vector<16xi32>, vector<16xi32>], vector<16xi32>,
        %shift_right_arithmetic3A = arith.constant 1 : i32
        %shift_right_arithmetic3A_353 = arith.shrsi %scan3A_350, %shift_right_arithmetic3A : i32
        %and3A_354 = arith.constant 1 : i32
        %and3A_355 = arith.andi %scan3A_350, %and3A_354 : i32
        %mul3A_356 = arith.constant 64 : i32
        %mul3A_357 = arith.muli %and3A_355, %mul3A_356 : i32
        %get3A = arith.index_cast %scan3A_350 : i32 to index
        %get3A_358 = arith.constant 0 : index
        %get3A_359 = tpu.vector_load %arg10[%get3A, %get3A_358] {strides = array<i32>} : memref<128x128xi32, #tpu.memory_space<vmem>>, vector<16xi32>,
        %shift_right_arithmetic3A_360 = arith.shrsi %get3A_359, %gather3A_352 : vector<16xi32>
        %shift_left3A = arith.constant 24 : i32
        %shift_left3A_361 = vector.broadcast %shift_left3A : i32 to vector<16xi32>
        %shift_left3A_362 = arith.shli %shift_right_arithmetic3A_360, %shift_left3A_361 : vector<16xi32>
        %shift_right_arithmetic3A_363 = arith.constant 24 : i32
        %shift_right_arithmetic3A_364 = vector.broadcast %shift_right_arithmetic3A_363 : i32 to vector<16xi32>
        %shift_right_arithmetic3A_365 = arith.shrsi %shift_left3A_362, %shift_right_arithmetic3A_364 : vector<16xi32>
        %convert_element_type3A = arith.sitofp %shift_right_arithmetic3A_365 : vector<16xi32> to vector<16xf32>
        %mul3A_366 = arith.mulf %convert_element_type3A, %gather3A : vector<16xf32>
        %add3A_367 = arith.constant 0 : i32
        %add3A_368 = arith.addi %mul3A_357, %add3A_367 : i32
        %swap3A = arith.index_cast %shift_right_arithmetic3A_353 : i32 to index
        %swap3A_369 = arith.index_cast %add3A_368 : i32 to index
        %swap3A_370 = tpu.vector_load %arg14[%swap3A, %swap3A_369] {strides = array<i32>} : memref<64x128xf32, #tpu.memory_space<vmem>>, vector<16xf32>,
        tpu.vector_store %arg14[%swap3A, %swap3A_369], %mul3A_366 {strides = array<i32>} : memref<64x128xf32, #tpu.memory_space<vmem>>, vector<16xf32>,
        %get3A_371 = arith.index_cast %scan3A_350 : i32 to index
        %get3A_372 = arith.constant 16 : index
        %get3A_373 = tpu.vector_load %arg10[%get3A_371, %get3A_372] {strides = array<i32>} : memref<128x128xi32, #tpu.memory_space<vmem>>, vector<16xi32>,
        %shift_right_arithmetic3A_374 = arith.shrsi %get3A_373, %gather3A_352 : vector<16xi32>
        %shift_left3A_375 = arith.constant 24 : i32
        %shift_left3A_376 = vector.broadcast %shift_left3A_375 : i32 to vector<16xi32>
        %shift_left3A_377 = arith.shli %shift_right_arithmetic3A_374, %shift_left3A_376 : vector<16xi32>
        %shift_right_arithmetic3A_378 = arith.constant 24 : i32
        %shift_right_arithmetic3A_379 = vector.broadcast %shift_right_arithmetic3A_378 : i32 to vector<16xi32>
        %shift_right_arithmetic3A_380 = arith.shrsi %shift_left3A_377, %shift_right_arithmetic3A_379 : vector<16xi32>
        %convert_element_type3A_381 = arith.sitofp %shift_right_arithmetic3A_380 : vector<16xi32> to vector<16xf32>
        %mul3A_382 = arith.mulf %convert_element_type3A_381, %gather3A : vector<16xf32>
        %add3A_383 = arith.constant 16 : i32
        %add3A_384 = arith.addi %mul3A_357, %add3A_383 : i32
        %swap3A_385 = arith.index_cast %shift_right_arithmetic3A_353 : i32 to index
        %swap3A_386 = arith.index_cast %add3A_384 : i32 to index
        %swap3A_387 = tpu.vector_load %arg14[%swap3A_385, %swap3A_386] {strides = array<i32>} : memref<64x128xf32, #tpu.memory_space<vmem>>, vector<16xf32>,
        tpu.vector_store %arg14[%swap3A_385, %swap3A_386], %mul3A_382 {strides = array<i32>} : memref<64x128xf32, #tpu.memory_space<vmem>>, vector<16xf32>,
        %get3A_388 = arith.index_cast %scan3A_350 : i32 to index
        %get3A_389 = arith.constant 32 : index
        %get3A_390 = tpu.vector_load %arg10[%get3A_388, %get3A_389] {strides = array<i32>} : memref<128x128xi32, #tpu.memory_space<vmem>>, vector<16xi32>,
        %shift_right_arithmetic3A_391 = arith.shrsi %get3A_390, %gather3A_352 : vector<16xi32>
        %shift_left3A_392 = arith.constant 24 : i32
        %shift_left3A_393 = vector.broadcast %shift_left3A_392 : i32 to vector<16xi32>
        %shift_left3A_394 = arith.shli %shift_right_arithmetic3A_391, %shift_left3A_393 : vector<16xi32>
        %shift_right_arithmetic3A_395 = arith.constant 24 : i32
        %shift_right_arithmetic3A_396 = vector.broadcast %shift_right_arithmetic3A_395 : i32 to vector<16xi32>
        %shift_right_arithmetic3A_397 = arith.shrsi %shift_left3A_394, %shift_right_arithmetic3A_396 : vector<16xi32>
        %convert_element_type3A_398 = arith.sitofp %shift_right_arithmetic3A_397 : vector<16xi32> to vector<16xf32>
        %mul3A_399 = arith.mulf %convert_element_type3A_398, %gather3A : vector<16xf32>
        %add3A_400 = arith.constant 32 : i32
        %add3A_401 = arith.addi %mul3A_357, %add3A_400 : i32
        %swap3A_402 = arith.index_cast %shift_right_arithmetic3A_353 : i32 to index
        %swap3A_403 = arith.index_cast %add3A_401 : i32 to index
        %swap3A_404 = tpu.vector_load %arg14[%swap3A_402, %swap3A_403] {strides = array<i32>} : memref<64x128xf32, #tpu.memory_space<vmem>>, vector<16xf32>,
        tpu.vector_store %arg14[%swap3A_402, %swap3A_403], %mul3A_399 {strides = array<i32>} : memref<64x128xf32, #tpu.memory_space<vmem>>, vector<16xf32>,
        %get3A_405 = arith.index_cast %scan3A_350 : i32 to index
        %get3A_406 = arith.constant 48 : index
        %get3A_407 = tpu.vector_load %arg10[%get3A_405, %get3A_406] {strides = array<i32>} : memref<128x128xi32, #tpu.memory_space<vmem>>, vector<16xi32>,
        %shift_right_arithmetic3A_408 = arith.shrsi %get3A_407, %gather3A_352 : vector<16xi32>
        %shift_left3A_409 = arith.constant 24 : i32
        %shift_left3A_410 = vector.broadcast %shift_left3A_409 : i32 to vector<16xi32>
        %shift_left3A_411 = arith.shli %shift_right_arithmetic3A_408, %shift_left3A_410 : vector<16xi32>
        %shift_right_arithmetic3A_412 = arith.constant 24 : i32
        %shift_right_arithmetic3A_413 = vector.broadcast %shift_right_arithmetic3A_412 : i32 to vector<16xi32>
        %shift_right_arithmetic3A_414 = arith.shrsi %shift_left3A_411, %shift_right_arithmetic3A_413 : vector<16xi32>
        %convert_element_type3A_415 = arith.sitofp %shift_right_arithmetic3A_414 : vector<16xi32> to vector<16xf32>
        %mul3A_416 = arith.mulf %convert_element_type3A_415, %gather3A : vector<16xf32>
        %add3A_417 = arith.constant 48 : i32
        %add3A_418 = arith.addi %mul3A_357, %add3A_417 : i32
        %swap3A_419 = arith.index_cast %shift_right_arithmetic3A_353 : i32 to index
        %swap3A_420 = arith.index_cast %add3A_418 : i32 to index
        %swap3A_421 = tpu.vector_load %arg14[%swap3A_419, %swap3A_420] {strides = array<i32>} : memref<64x128xf32, #tpu.memory_space<vmem>>, vector<16xf32>,
        tpu.vector_store %arg14[%swap3A_419, %swap3A_420], %mul3A_416 {strides = array<i32>} : memref<64x128xf32, #tpu.memory_space<vmem>>, vector<16xf32>,
        %scan3A_422 = arith.constant 1 : i32
        %scan3A_423 = arith.addi %scan3A_350, %scan3A_422 : i32
        %broadcast_in_dim3A_424 = vector.broadcast %scan3A_423 : i32 to vector<16xi32>
        %gather3A_425 = tpu.vector_load_idx %arg12[%broadcast_in_dim3A_424] : memref<128xf32, #tpu.memory_space<vmem>>[vector<16xi32>], vector<16xf32>,
        %broadcast_in_dim3A_426 = vector.broadcast %add3A_205 : i32 to vector<16xi32>
        %gather3A_427 = tpu.vector_load_idx %arg8[%broadcast_in_dim3A_426, %broadcast_in_dim3A_424] : memref<50x128xi32, #tpu.memory_space<vmem>>[vector<16xi32>, vector<16xi32>], vector<16xi32>,
        %shift_right_arithmetic3A_428 = arith.constant 1 : i32
        %shift_right_arithmetic3A_429 = arith.shrsi %scan3A_423, %shift_right_arithmetic3A_428 : i32
        %and3A_430 = arith.constant 1 : i32
        %and3A_431 = arith.andi %scan3A_423, %and3A_430 : i32
        %mul3A_432 = arith.constant 64 : i32
        %mul3A_433 = arith.muli %and3A_431, %mul3A_432 : i32
        %get3A_434 = arith.index_cast %scan3A_423 : i32 to index
        %get3A_435 = arith.constant 0 : index
        %get3A_436 = tpu.vector_load %arg10[%get3A_434, %get3A_435] {strides = array<i32>} : memref<128x128xi32, #tpu.memory_space<vmem>>, vector<16xi32>,
        %shift_right_arithmetic3A_437 = arith.shrsi %get3A_436, %gather3A_427 : vector<16xi32>
        %shift_left3A_438 = arith.constant 24 : i32
        %shift_left3A_439 = vector.broadcast %shift_left3A_438 : i32 to vector<16xi32>
        %shift_left3A_440 = arith.shli %shift_right_arithmetic3A_437, %shift_left3A_439 : vector<16xi32>
        %shift_right_arithmetic3A_441 = arith.constant 24 : i32
        %shift_right_arithmetic3A_442 = vector.broadcast %shift_right_arithmetic3A_441 : i32 to vector<16xi32>
        %shift_right_arithmetic3A_443 = arith.shrsi %shift_left3A_440, %shift_right_arithmetic3A_442 : vector<16xi32>
        %convert_element_type3A_444 = arith.sitofp %shift_right_arithmetic3A_443 : vector<16xi32> to vector<16xf32>
        %mul3A_445 = arith.mulf %convert_element_type3A_444, %gather3A_425 : vector<16xf32>
        %add3A_446 = arith.constant 0 : i32
        %add3A_447 = arith.addi %mul3A_433, %add3A_446 : i32
        %swap3A_448 = arith.index_cast %shift_right_arithmetic3A_429 : i32 to index
        %swap3A_449 = arith.index_cast %add3A_447 : i32 to index
        %swap3A_450 = tpu.vector_load %arg14[%swap3A_448, %swap3A_449] {strides = array<i32>} : memref<64x128xf32, #tpu.memory_space<vmem>>, vector<16xf32>,
        tpu.vector_store %arg14[%swap3A_448, %swap3A_449], %mul3A_445 {strides = array<i32>} : memref<64x128xf32, #tpu.memory_space<vmem>>, vector<16xf32>,
        %get3A_451 = arith.index_cast %scan3A_423 : i32 to index
        %get3A_452 = arith.constant 16 : index
        %get3A_453 = tpu.vector_load %arg10[%get3A_451, %get3A_452] {strides = array<i32>} : memref<128x128xi32, #tpu.memory_space<vmem>>, vector<16xi32>,
        %shift_right_arithmetic3A_454 = arith.shrsi %get3A_453, %gather3A_427 : vector<16xi32>
        %shift_left3A_455 = arith.constant 24 : i32
        %shift_left3A_456 = vector.broadcast %shift_left3A_455 : i32 to vector<16xi32>
        %shift_left3A_457 = arith.shli %shift_right_arithmetic3A_454, %shift_left3A_456 : vector<16xi32>
        %shift_right_arithmetic3A_458 = arith.constant 24 : i32
        %shift_right_arithmetic3A_459 = vector.broadcast %shift_right_arithmetic3A_458 : i32 to vector<16xi32>
        %shift_right_arithmetic3A_460 = arith.shrsi %shift_left3A_457, %shift_right_arithmetic3A_459 : vector<16xi32>
        %convert_element_type3A_461 = arith.sitofp %shift_right_arithmetic3A_460 : vector<16xi32> to vector<16xf32>
        %mul3A_462 = arith.mulf %convert_element_type3A_461, %gather3A_425 : vector<16xf32>
        %add3A_463 = arith.constant 16 : i32
        %add3A_464 = arith.addi %mul3A_433, %add3A_463 : i32
        %swap3A_465 = arith.index_cast %shift_right_arithmetic3A_429 : i32 to index
        %swap3A_466 = arith.index_cast %add3A_464 : i32 to index
        %swap3A_467 = tpu.vector_load %arg14[%swap3A_465, %swap3A_466] {strides = array<i32>} : memref<64x128xf32, #tpu.memory_space<vmem>>, vector<16xf32>,
        tpu.vector_store %arg14[%swap3A_465, %swap3A_466], %mul3A_462 {strides = array<i32>} : memref<64x128xf32, #tpu.memory_space<vmem>>, vector<16xf32>,
        %get3A_468 = arith.index_cast %scan3A_423 : i32 to index
        %get3A_469 = arith.constant 32 : index
        %get3A_470 = tpu.vector_load %arg10[%get3A_468, %get3A_469] {strides = array<i32>} : memref<128x128xi32, #tpu.memory_space<vmem>>, vector<16xi32>,
        %shift_right_arithmetic3A_471 = arith.shrsi %get3A_470, %gather3A_427 : vector<16xi32>
        %shift_left3A_472 = arith.constant 24 : i32
        %shift_left3A_473 = vector.broadcast %shift_left3A_472 : i32 to vector<16xi32>
        %shift_left3A_474 = arith.shli %shift_right_arithmetic3A_471, %shift_left3A_473 : vector<16xi32>
        %shift_right_arithmetic3A_475 = arith.constant 24 : i32
        %shift_right_arithmetic3A_476 = vector.broadcast %shift_right_arithmetic3A_475 : i32 to vector<16xi32>
        %shift_right_arithmetic3A_477 = arith.shrsi %shift_left3A_474, %shift_right_arithmetic3A_476 : vector<16xi32>
        %convert_element_type3A_478 = arith.sitofp %shift_right_arithmetic3A_477 : vector<16xi32> to vector<16xf32>
        %mul3A_479 = arith.mulf %convert_element_type3A_478, %gather3A_425 : vector<16xf32>
        %add3A_480 = arith.constant 32 : i32
        %add3A_481 = arith.addi %mul3A_433, %add3A_480 : i32
        %swap3A_482 = arith.index_cast %shift_right_arithmetic3A_429 : i32 to index
        %swap3A_483 = arith.index_cast %add3A_481 : i32 to index
        %swap3A_484 = tpu.vector_load %arg14[%swap3A_482, %swap3A_483] {strides = array<i32>} : memref<64x128xf32, #tpu.memory_space<vmem>>, vector<16xf32>,
        tpu.vector_store %arg14[%swap3A_482, %swap3A_483], %mul3A_479 {strides = array<i32>} : memref<64x128xf32, #tpu.memory_space<vmem>>, vector<16xf32>,
        %get3A_485 = arith.index_cast %scan3A_423 : i32 to index
        %get3A_486 = arith.constant 48 : index
        %get3A_487 = tpu.vector_load %arg10[%get3A_485, %get3A_486] {strides = array<i32>} : memref<128x128xi32, #tpu.memory_space<vmem>>, vector<16xi32>,
        %shift_right_arithmetic3A_488 = arith.shrsi %get3A_487, %gather3A_427 : vector<16xi32>
        %shift_left3A_489 = arith.constant 24 : i32
        %shift_left3A_490 = vector.broadcast %shift_left3A_489 : i32 to vector<16xi32>
        %shift_left3A_491 = arith.shli %shift_right_arithmetic3A_488, %shift_left3A_490 : vector<16xi32>
        %shift_right_arithmetic3A_492 = arith.constant 24 : i32
        %shift_right_arithmetic3A_493 = vector.broadcast %shift_right_arithmetic3A_492 : i32 to vector<16xi32>
        %shift_right_arithmetic3A_494 = arith.shrsi %shift_left3A_491, %shift_right_arithmetic3A_493 : vector<16xi32>
        %convert_element_type3A_495 = arith.sitofp %shift_right_arithmetic3A_494 : vector<16xi32> to vector<16xf32>
        %mul3A_496 = arith.mulf %convert_element_type3A_495, %gather3A_425 : vector<16xf32>
        %add3A_497 = arith.constant 48 : i32
        %add3A_498 = arith.addi %mul3A_433, %add3A_497 : i32
        %swap3A_499 = arith.index_cast %shift_right_arithmetic3A_429 : i32 to index
        %swap3A_500 = arith.index_cast %add3A_498 : i32 to index
        %swap3A_501 = tpu.vector_load %arg14[%swap3A_499, %swap3A_500] {strides = array<i32>} : memref<64x128xf32, #tpu.memory_space<vmem>>, vector<16xf32>,
        tpu.vector_store %arg14[%swap3A_499, %swap3A_500], %mul3A_496 {strides = array<i32>} : memref<64x128xf32, #tpu.memory_space<vmem>>, vector<16xf32>,
        %scan3A_502 = arith.constant 2 : i32
        %scan3A_503 = arith.addi %scan3A_350, %scan3A_502 : i32
        %broadcast_in_dim3A_504 = vector.broadcast %scan3A_503 : i32 to vector<16xi32>
        %gather3A_505 = tpu.vector_load_idx %arg12[%broadcast_in_dim3A_504] : memref<128xf32, #tpu.memory_space<vmem>>[vector<16xi32>], vector<16xf32>,
        %broadcast_in_dim3A_506 = vector.broadcast %add3A_205 : i32 to vector<16xi32>
        %gather3A_507 = tpu.vector_load_idx %arg8[%broadcast_in_dim3A_506, %broadcast_in_dim3A_504] : memref<50x128xi32, #tpu.memory_space<vmem>>[vector<16xi32>, vector<16xi32>], vector<16xi32>,
        %shift_right_arithmetic3A_508 = arith.constant 1 : i32
        %shift_right_arithmetic3A_509 = arith.shrsi %scan3A_503, %shift_right_arithmetic3A_508 : i32
        %and3A_510 = arith.constant 1 : i32
        %and3A_511 = arith.andi %scan3A_503, %and3A_510 : i32
        %mul3A_512 = arith.constant 64 : i32
        %mul3A_513 = arith.muli %and3A_511, %mul3A_512 : i32
        %get3A_514 = arith.index_cast %scan3A_503 : i32 to index
        %get3A_515 = arith.constant 0 : index
        %get3A_516 = tpu.vector_load %arg10[%get3A_514, %get3A_515] {strides = array<i32>} : memref<128x128xi32, #tpu.memory_space<vmem>>, vector<16xi32>,
        %shift_right_arithmetic3A_517 = arith.shrsi %get3A_516, %gather3A_507 : vector<16xi32>
        %shift_left3A_518 = arith.constant 24 : i32
        %shift_left3A_519 = vector.broadcast %shift_left3A_518 : i32 to vector<16xi32>
        %shift_left3A_520 = arith.shli %shift_right_arithmetic3A_517, %shift_left3A_519 : vector<16xi32>
        %shift_right_arithmetic3A_521 = arith.constant 24 : i32
        %shift_right_arithmetic3A_522 = vector.broadcast %shift_right_arithmetic3A_521 : i32 to vector<16xi32>
        %shift_right_arithmetic3A_523 = arith.shrsi %shift_left3A_520, %shift_right_arithmetic3A_522 : vector<16xi32>
        %convert_element_type3A_524 = arith.sitofp %shift_right_arithmetic3A_523 : vector<16xi32> to vector<16xf32>
        %mul3A_525 = arith.mulf %convert_element_type3A_524, %gather3A_505 : vector<16xf32>
        %add3A_526 = arith.constant 0 : i32
        %add3A_527 = arith.addi %mul3A_513, %add3A_526 : i32
        %swap3A_528 = arith.index_cast %shift_right_arithmetic3A_509 : i32 to index
        %swap3A_529 = arith.index_cast %add3A_527 : i32 to index
        %swap3A_530 = tpu.vector_load %arg14[%swap3A_528, %swap3A_529] {strides = array<i32>} : memref<64x128xf32, #tpu.memory_space<vmem>>, vector<16xf32>,
        tpu.vector_store %arg14[%swap3A_528, %swap3A_529], %mul3A_525 {strides = array<i32>} : memref<64x128xf32, #tpu.memory_space<vmem>>, vector<16xf32>,
        %get3A_531 = arith.index_cast %scan3A_503 : i32 to index
        %get3A_532 = arith.constant 16 : index
        %get3A_533 = tpu.vector_load %arg10[%get3A_531, %get3A_532] {strides = array<i32>} : memref<128x128xi32, #tpu.memory_space<vmem>>, vector<16xi32>,
        %shift_right_arithmetic3A_534 = arith.shrsi %get3A_533, %gather3A_507 : vector<16xi32>
        %shift_left3A_535 = arith.constant 24 : i32
        %shift_left3A_536 = vector.broadcast %shift_left3A_535 : i32 to vector<16xi32>
        %shift_left3A_537 = arith.shli %shift_right_arithmetic3A_534, %shift_left3A_536 : vector<16xi32>
        %shift_right_arithmetic3A_538 = arith.constant 24 : i32
        %shift_right_arithmetic3A_539 = vector.broadcast %shift_right_arithmetic3A_538 : i32 to vector<16xi32>
        %shift_right_arithmetic3A_540 = arith.shrsi %shift_left3A_537, %shift_right_arithmetic3A_539 : vector<16xi32>
        %convert_element_type3A_541 = arith.sitofp %shift_right_arithmetic3A_540 : vector<16xi32> to vector<16xf32>
        %mul3A_542 = arith.mulf %convert_element_type3A_541, %gather3A_505 : vector<16xf32>
        %add3A_543 = arith.constant 16 : i32
        %add3A_544 = arith.addi %mul3A_513, %add3A_543 : i32
        %swap3A_545 = arith.index_cast %shift_right_arithmetic3A_509 : i32 to index
        %swap3A_546 = arith.index_cast %add3A_544 : i32 to index
        %swap3A_547 = tpu.vector_load %arg14[%swap3A_545, %swap3A_546] {strides = array<i32>} : memref<64x128xf32, #tpu.memory_space<vmem>>, vector<16xf32>,
        tpu.vector_store %arg14[%swap3A_545, %swap3A_546], %mul3A_542 {strides = array<i32>} : memref<64x128xf32, #tpu.memory_space<vmem>>, vector<16xf32>,
        %get3A_548 = arith.index_cast %scan3A_503 : i32 to index
        %get3A_549 = arith.constant 32 : index
        %get3A_550 = tpu.vector_load %arg10[%get3A_548, %get3A_549] {strides = array<i32>} : memref<128x128xi32, #tpu.memory_space<vmem>>, vector<16xi32>,
        %shift_right_arithmetic3A_551 = arith.shrsi %get3A_550, %gather3A_507 : vector<16xi32>
        %shift_left3A_552 = arith.constant 24 : i32
        %shift_left3A_553 = vector.broadcast %shift_left3A_552 : i32 to vector<16xi32>
        %shift_left3A_554 = arith.shli %shift_right_arithmetic3A_551, %shift_left3A_553 : vector<16xi32>
        %shift_right_arithmetic3A_555 = arith.constant 24 : i32
        %shift_right_arithmetic3A_556 = vector.broadcast %shift_right_arithmetic3A_555 : i32 to vector<16xi32>
        %shift_right_arithmetic3A_557 = arith.shrsi %shift_left3A_554, %shift_right_arithmetic3A_556 : vector<16xi32>
        %convert_element_type3A_558 = arith.sitofp %shift_right_arithmetic3A_557 : vector<16xi32> to vector<16xf32>
        %mul3A_559 = arith.mulf %convert_element_type3A_558, %gather3A_505 : vector<16xf32>
        %add3A_560 = arith.constant 32 : i32
        %add3A_561 = arith.addi %mul3A_513, %add3A_560 : i32
        %swap3A_562 = arith.index_cast %shift_right_arithmetic3A_509 : i32 to index
        %swap3A_563 = arith.index_cast %add3A_561 : i32 to index
        %swap3A_564 = tpu.vector_load %arg14[%swap3A_562, %swap3A_563] {strides = array<i32>} : memref<64x128xf32, #tpu.memory_space<vmem>>, vector<16xf32>,
        tpu.vector_store %arg14[%swap3A_562, %swap3A_563], %mul3A_559 {strides = array<i32>} : memref<64x128xf32, #tpu.memory_space<vmem>>, vector<16xf32>,
        %get3A_565 = arith.index_cast %scan3A_503 : i32 to index
        %get3A_566 = arith.constant 48 : index
        %get3A_567 = tpu.vector_load %arg10[%get3A_565, %get3A_566] {strides = array<i32>} : memref<128x128xi32, #tpu.memory_space<vmem>>, vector<16xi32>,
        %shift_right_arithmetic3A_568 = arith.shrsi %get3A_567, %gather3A_507 : vector<16xi32>
        %shift_left3A_569 = arith.constant 24 : i32
        %shift_left3A_570 = vector.broadcast %shift_left3A_569 : i32 to vector<16xi32>
        %shift_left3A_571 = arith.shli %shift_right_arithmetic3A_568, %shift_left3A_570 : vector<16xi32>
        %shift_right_arithmetic3A_572 = arith.constant 24 : i32
        %shift_right_arithmetic3A_573 = vector.broadcast %shift_right_arithmetic3A_572 : i32 to vector<16xi32>
        %shift_right_arithmetic3A_574 = arith.shrsi %shift_left3A_571, %shift_right_arithmetic3A_573 : vector<16xi32>
        %convert_element_type3A_575 = arith.sitofp %shift_right_arithmetic3A_574 : vector<16xi32> to vector<16xf32>
        %mul3A_576 = arith.mulf %convert_element_type3A_575, %gather3A_505 : vector<16xf32>
        %add3A_577 = arith.constant 48 : i32
        %add3A_578 = arith.addi %mul3A_513, %add3A_577 : i32
        %swap3A_579 = arith.index_cast %shift_right_arithmetic3A_509 : i32 to index
        %swap3A_580 = arith.index_cast %add3A_578 : i32 to index
        %swap3A_581 = tpu.vector_load %arg14[%swap3A_579, %swap3A_580] {strides = array<i32>} : memref<64x128xf32, #tpu.memory_space<vmem>>, vector<16xf32>,
        tpu.vector_store %arg14[%swap3A_579, %swap3A_580], %mul3A_576 {strides = array<i32>} : memref<64x128xf32, #tpu.memory_space<vmem>>, vector<16xf32>,
        %scan3A_582 = arith.constant 3 : i32
        %scan3A_583 = arith.addi %scan3A_350, %scan3A_582 : i32
        %broadcast_in_dim3A_584 = vector.broadcast %scan3A_583 : i32 to vector<16xi32>
        %gather3A_585 = tpu.vector_load_idx %arg12[%broadcast_in_dim3A_584] : memref<128xf32, #tpu.memory_space<vmem>>[vector<16xi32>], vector<16xf32>,
        %broadcast_in_dim3A_586 = vector.broadcast %add3A_205 : i32 to vector<16xi32>
        %gather3A_587 = tpu.vector_load_idx %arg8[%broadcast_in_dim3A_586, %broadcast_in_dim3A_584] : memref<50x128xi32, #tpu.memory_space<vmem>>[vector<16xi32>, vector<16xi32>], vector<16xi32>,
        %shift_right_arithmetic3A_588 = arith.constant 1 : i32
        %shift_right_arithmetic3A_589 = arith.shrsi %scan3A_583, %shift_right_arithmetic3A_588 : i32
        %and3A_590 = arith.constant 1 : i32
        %and3A_591 = arith.andi %scan3A_583, %and3A_590 : i32
        %mul3A_592 = arith.constant 64 : i32
        %mul3A_593 = arith.muli %and3A_591, %mul3A_592 : i32
        %get3A_594 = arith.index_cast %scan3A_583 : i32 to index
        %get3A_595 = arith.constant 0 : index
        %get3A_596 = tpu.vector_load %arg10[%get3A_594, %get3A_595] {strides = array<i32>} : memref<128x128xi32, #tpu.memory_space<vmem>>, vector<16xi32>,
        %shift_right_arithmetic3A_597 = arith.shrsi %get3A_596, %gather3A_587 : vector<16xi32>
        %shift_left3A_598 = arith.constant 24 : i32
        %shift_left3A_599 = vector.broadcast %shift_left3A_598 : i32 to vector<16xi32>
        %shift_left3A_600 = arith.shli %shift_right_arithmetic3A_597, %shift_left3A_599 : vector<16xi32>
        %shift_right_arithmetic3A_601 = arith.constant 24 : i32
        %shift_right_arithmetic3A_602 = vector.broadcast %shift_right_arithmetic3A_601 : i32 to vector<16xi32>
        %shift_right_arithmetic3A_603 = arith.shrsi %shift_left3A_600, %shift_right_arithmetic3A_602 : vector<16xi32>
        %convert_element_type3A_604 = arith.sitofp %shift_right_arithmetic3A_603 : vector<16xi32> to vector<16xf32>
        %mul3A_605 = arith.mulf %convert_element_type3A_604, %gather3A_585 : vector<16xf32>
        %add3A_606 = arith.constant 0 : i32
        %add3A_607 = arith.addi %mul3A_593, %add3A_606 : i32
        %swap3A_608 = arith.index_cast %shift_right_arithmetic3A_589 : i32 to index
        %swap3A_609 = arith.index_cast %add3A_607 : i32 to index
        %swap3A_610 = tpu.vector_load %arg14[%swap3A_608, %swap3A_609] {strides = array<i32>} : memref<64x128xf32, #tpu.memory_space<vmem>>, vector<16xf32>,
        tpu.vector_store %arg14[%swap3A_608, %swap3A_609], %mul3A_605 {strides = array<i32>} : memref<64x128xf32, #tpu.memory_space<vmem>>, vector<16xf32>,
        %get3A_611 = arith.index_cast %scan3A_583 : i32 to index
        %get3A_612 = arith.constant 16 : index
        %get3A_613 = tpu.vector_load %arg10[%get3A_611, %get3A_612] {strides = array<i32>} : memref<128x128xi32, #tpu.memory_space<vmem>>, vector<16xi32>,
        %shift_right_arithmetic3A_614 = arith.shrsi %get3A_613, %gather3A_587 : vector<16xi32>
        %shift_left3A_615 = arith.constant 24 : i32
        %shift_left3A_616 = vector.broadcast %shift_left3A_615 : i32 to vector<16xi32>
        %shift_left3A_617 = arith.shli %shift_right_arithmetic3A_614, %shift_left3A_616 : vector<16xi32>
        %shift_right_arithmetic3A_618 = arith.constant 24 : i32
        %shift_right_arithmetic3A_619 = vector.broadcast %shift_right_arithmetic3A_618 : i32 to vector<16xi32>
        %shift_right_arithmetic3A_620 = arith.shrsi %shift_left3A_617, %shift_right_arithmetic3A_619 : vector<16xi32>
        %convert_element_type3A_621 = arith.sitofp %shift_right_arithmetic3A_620 : vector<16xi32> to vector<16xf32>
        %mul3A_622 = arith.mulf %convert_element_type3A_621, %gather3A_585 : vector<16xf32>
        %add3A_623 = arith.constant 16 : i32
        %add3A_624 = arith.addi %mul3A_593, %add3A_623 : i32
        %swap3A_625 = arith.index_cast %shift_right_arithmetic3A_589 : i32 to index
        %swap3A_626 = arith.index_cast %add3A_624 : i32 to index
        %swap3A_627 = tpu.vector_load %arg14[%swap3A_625, %swap3A_626] {strides = array<i32>} : memref<64x128xf32, #tpu.memory_space<vmem>>, vector<16xf32>,
        tpu.vector_store %arg14[%swap3A_625, %swap3A_626], %mul3A_622 {strides = array<i32>} : memref<64x128xf32, #tpu.memory_space<vmem>>, vector<16xf32>,
        %get3A_628 = arith.index_cast %scan3A_583 : i32 to index
        %get3A_629 = arith.constant 32 : index
        %get3A_630 = tpu.vector_load %arg10[%get3A_628, %get3A_629] {strides = array<i32>} : memref<128x128xi32, #tpu.memory_space<vmem>>, vector<16xi32>,
        %shift_right_arithmetic3A_631 = arith.shrsi %get3A_630, %gather3A_587 : vector<16xi32>
        %shift_left3A_632 = arith.constant 24 : i32
        %shift_left3A_633 = vector.broadcast %shift_left3A_632 : i32 to vector<16xi32>
        %shift_left3A_634 = arith.shli %shift_right_arithmetic3A_631, %shift_left3A_633 : vector<16xi32>
        %shift_right_arithmetic3A_635 = arith.constant 24 : i32
        %shift_right_arithmetic3A_636 = vector.broadcast %shift_right_arithmetic3A_635 : i32 to vector<16xi32>
        %shift_right_arithmetic3A_637 = arith.shrsi %shift_left3A_634, %shift_right_arithmetic3A_636 : vector<16xi32>
        %convert_element_type3A_638 = arith.sitofp %shift_right_arithmetic3A_637 : vector<16xi32> to vector<16xf32>
        %mul3A_639 = arith.mulf %convert_element_type3A_638, %gather3A_585 : vector<16xf32>
        %add3A_640 = arith.constant 32 : i32
        %add3A_641 = arith.addi %mul3A_593, %add3A_640 : i32
        %swap3A_642 = arith.index_cast %shift_right_arithmetic3A_589 : i32 to index
        %swap3A_643 = arith.index_cast %add3A_641 : i32 to index
        %swap3A_644 = tpu.vector_load %arg14[%swap3A_642, %swap3A_643] {strides = array<i32>} : memref<64x128xf32, #tpu.memory_space<vmem>>, vector<16xf32>,
        tpu.vector_store %arg14[%swap3A_642, %swap3A_643], %mul3A_639 {strides = array<i32>} : memref<64x128xf32, #tpu.memory_space<vmem>>, vector<16xf32>,
        %get3A_645 = arith.index_cast %scan3A_583 : i32 to index
        %get3A_646 = arith.constant 48 : index
        %get3A_647 = tpu.vector_load %arg10[%get3A_645, %get3A_646] {strides = array<i32>} : memref<128x128xi32, #tpu.memory_space<vmem>>, vector<16xi32>,
        %shift_right_arithmetic3A_648 = arith.shrsi %get3A_647, %gather3A_587 : vector<16xi32>
        %shift_left3A_649 = arith.constant 24 : i32
        %shift_left3A_650 = vector.broadcast %shift_left3A_649 : i32 to vector<16xi32>
        %shift_left3A_651 = arith.shli %shift_right_arithmetic3A_648, %shift_left3A_650 : vector<16xi32>
        %shift_right_arithmetic3A_652 = arith.constant 24 : i32
        %shift_right_arithmetic3A_653 = vector.broadcast %shift_right_arithmetic3A_652 : i32 to vector<16xi32>
        %shift_right_arithmetic3A_654 = arith.shrsi %shift_left3A_651, %shift_right_arithmetic3A_653 : vector<16xi32>
        %convert_element_type3A_655 = arith.sitofp %shift_right_arithmetic3A_654 : vector<16xi32> to vector<16xf32>
        %mul3A_656 = arith.mulf %convert_element_type3A_655, %gather3A_585 : vector<16xf32>
        %add3A_657 = arith.constant 48 : i32
        %add3A_658 = arith.addi %mul3A_593, %add3A_657 : i32
        %swap3A_659 = arith.index_cast %shift_right_arithmetic3A_589 : i32 to index
        %swap3A_660 = arith.index_cast %add3A_658 : i32 to index
        %swap3A_661 = tpu.vector_load %arg14[%swap3A_659, %swap3A_660] {strides = array<i32>} : memref<64x128xf32, #tpu.memory_space<vmem>>, vector<16xf32>,
        tpu.vector_store %arg14[%swap3A_659, %swap3A_660], %mul3A_656 {strides = array<i32>} : memref<64x128xf32, #tpu.memory_space<vmem>>, vector<16xf32>,
        %scan3A_662 = arith.constant 4 : i32
        %scan3A_663 = arith.addi %scan3A_350, %scan3A_662 : i32
        %broadcast_in_dim3A_664 = vector.broadcast %scan3A_663 : i32 to vector<16xi32>
        %gather3A_665 = tpu.vector_load_idx %arg12[%broadcast_in_dim3A_664] : memref<128xf32, #tpu.memory_space<vmem>>[vector<16xi32>], vector<16xf32>,
        %broadcast_in_dim3A_666 = vector.broadcast %add3A_205 : i32 to vector<16xi32>
        %gather3A_667 = tpu.vector_load_idx %arg8[%broadcast_in_dim3A_666, %broadcast_in_dim3A_664] : memref<50x128xi32, #tpu.memory_space<vmem>>[vector<16xi32>, vector<16xi32>], vector<16xi32>,
        %shift_right_arithmetic3A_668 = arith.constant 1 : i32
        %shift_right_arithmetic3A_669 = arith.shrsi %scan3A_663, %shift_right_arithmetic3A_668 : i32
        %and3A_670 = arith.constant 1 : i32
        %and3A_671 = arith.andi %scan3A_663, %and3A_670 : i32
        %mul3A_672 = arith.constant 64 : i32
        %mul3A_673 = arith.muli %and3A_671, %mul3A_672 : i32
        %get3A_674 = arith.index_cast %scan3A_663 : i32 to index
        %get3A_675 = arith.constant 0 : index
        %get3A_676 = tpu.vector_load %arg10[%get3A_674, %get3A_675] {strides = array<i32>} : memref<128x128xi32, #tpu.memory_space<vmem>>, vector<16xi32>,
        %shift_right_arithmetic3A_677 = arith.shrsi %get3A_676, %gather3A_667 : vector<16xi32>
        %shift_left3A_678 = arith.constant 24 : i32
        %shift_left3A_679 = vector.broadcast %shift_left3A_678 : i32 to vector<16xi32>
        %shift_left3A_680 = arith.shli %shift_right_arithmetic3A_677, %shift_left3A_679 : vector<16xi32>
        %shift_right_arithmetic3A_681 = arith.constant 24 : i32
        %shift_right_arithmetic3A_682 = vector.broadcast %shift_right_arithmetic3A_681 : i32 to vector<16xi32>
        %shift_right_arithmetic3A_683 = arith.shrsi %shift_left3A_680, %shift_right_arithmetic3A_682 : vector<16xi32>
        %convert_element_type3A_684 = arith.sitofp %shift_right_arithmetic3A_683 : vector<16xi32> to vector<16xf32>
        %mul3A_685 = arith.mulf %convert_element_type3A_684, %gather3A_665 : vector<16xf32>
        %add3A_686 = arith.constant 0 : i32
        %add3A_687 = arith.addi %mul3A_673, %add3A_686 : i32
        %swap3A_688 = arith.index_cast %shift_right_arithmetic3A_669 : i32 to index
        %swap3A_689 = arith.index_cast %add3A_687 : i32 to index
        %swap3A_690 = tpu.vector_load %arg14[%swap3A_688, %swap3A_689] {strides = array<i32>} : memref<64x128xf32, #tpu.memory_space<vmem>>, vector<16xf32>,
        tpu.vector_store %arg14[%swap3A_688, %swap3A_689], %mul3A_685 {strides = array<i32>} : memref<64x128xf32, #tpu.memory_space<vmem>>, vector<16xf32>,
        %get3A_691 = arith.index_cast %scan3A_663 : i32 to index
        %get3A_692 = arith.constant 16 : index
        %get3A_693 = tpu.vector_load %arg10[%get3A_691, %get3A_692] {strides = array<i32>} : memref<128x128xi32, #tpu.memory_space<vmem>>, vector<16xi32>,
        %shift_right_arithmetic3A_694 = arith.shrsi %get3A_693, %gather3A_667 : vector<16xi32>
        %shift_left3A_695 = arith.constant 24 : i32
        %shift_left3A_696 = vector.broadcast %shift_left3A_695 : i32 to vector<16xi32>
        %shift_left3A_697 = arith.shli %shift_right_arithmetic3A_694, %shift_left3A_696 : vector<16xi32>
        %shift_right_arithmetic3A_698 = arith.constant 24 : i32
        %shift_right_arithmetic3A_699 = vector.broadcast %shift_right_arithmetic3A_698 : i32 to vector<16xi32>
        %shift_right_arithmetic3A_700 = arith.shrsi %shift_left3A_697, %shift_right_arithmetic3A_699 : vector<16xi32>
        %convert_element_type3A_701 = arith.sitofp %shift_right_arithmetic3A_700 : vector<16xi32> to vector<16xf32>
        %mul3A_702 = arith.mulf %convert_element_type3A_701, %gather3A_665 : vector<16xf32>
        %add3A_703 = arith.constant 16 : i32
        %add3A_704 = arith.addi %mul3A_673, %add3A_703 : i32
        %swap3A_705 = arith.index_cast %shift_right_arithmetic3A_669 : i32 to index
        %swap3A_706 = arith.index_cast %add3A_704 : i32 to index
        %swap3A_707 = tpu.vector_load %arg14[%swap3A_705, %swap3A_706] {strides = array<i32>} : memref<64x128xf32, #tpu.memory_space<vmem>>, vector<16xf32>,
        tpu.vector_store %arg14[%swap3A_705, %swap3A_706], %mul3A_702 {strides = array<i32>} : memref<64x128xf32, #tpu.memory_space<vmem>>, vector<16xf32>,
        %get3A_708 = arith.index_cast %scan3A_663 : i32 to index
        %get3A_709 = arith.constant 32 : index
        %get3A_710 = tpu.vector_load %arg10[%get3A_708, %get3A_709] {strides = array<i32>} : memref<128x128xi32, #tpu.memory_space<vmem>>, vector<16xi32>,
        %shift_right_arithmetic3A_711 = arith.shrsi %get3A_710, %gather3A_667 : vector<16xi32>
        %shift_left3A_712 = arith.constant 24 : i32
        %shift_left3A_713 = vector.broadcast %shift_left3A_712 : i32 to vector<16xi32>
        %shift_left3A_714 = arith.shli %shift_right_arithmetic3A_711, %shift_left3A_713 : vector<16xi32>
        %shift_right_arithmetic3A_715 = arith.constant 24 : i32
        %shift_right_arithmetic3A_716 = vector.broadcast %shift_right_arithmetic3A_715 : i32 to vector<16xi32>
        %shift_right_arithmetic3A_717 = arith.shrsi %shift_left3A_714, %shift_right_arithmetic3A_716 : vector<16xi32>
        %convert_element_type3A_718 = arith.sitofp %shift_right_arithmetic3A_717 : vector<16xi32> to vector<16xf32>
        %mul3A_719 = arith.mulf %convert_element_type3A_718, %gather3A_665 : vector<16xf32>
        %add3A_720 = arith.constant 32 : i32
        %add3A_721 = arith.addi %mul3A_673, %add3A_720 : i32
        %swap3A_722 = arith.index_cast %shift_right_arithmetic3A_669 : i32 to index
        %swap3A_723 = arith.index_cast %add3A_721 : i32 to index
        %swap3A_724 = tpu.vector_load %arg14[%swap3A_722, %swap3A_723] {strides = array<i32>} : memref<64x128xf32, #tpu.memory_space<vmem>>, vector<16xf32>,
        tpu.vector_store %arg14[%swap3A_722, %swap3A_723], %mul3A_719 {strides = array<i32>} : memref<64x128xf32, #tpu.memory_space<vmem>>, vector<16xf32>,
        %get3A_725 = arith.index_cast %scan3A_663 : i32 to index
        %get3A_726 = arith.constant 48 : index
        %get3A_727 = tpu.vector_load %arg10[%get3A_725, %get3A_726] {strides = array<i32>} : memref<128x128xi32, #tpu.memory_space<vmem>>, vector<16xi32>,
        %shift_right_arithmetic3A_728 = arith.shrsi %get3A_727, %gather3A_667 : vector<16xi32>
        %shift_left3A_729 = arith.constant 24 : i32
        %shift_left3A_730 = vector.broadcast %shift_left3A_729 : i32 to vector<16xi32>
        %shift_left3A_731 = arith.shli %shift_right_arithmetic3A_728, %shift_left3A_730 : vector<16xi32>
        %shift_right_arithmetic3A_732 = arith.constant 24 : i32
        %shift_right_arithmetic3A_733 = vector.broadcast %shift_right_arithmetic3A_732 : i32 to vector<16xi32>
        %shift_right_arithmetic3A_734 = arith.shrsi %shift_left3A_731, %shift_right_arithmetic3A_733 : vector<16xi32>
        %convert_element_type3A_735 = arith.sitofp %shift_right_arithmetic3A_734 : vector<16xi32> to vector<16xf32>
        %mul3A_736 = arith.mulf %convert_element_type3A_735, %gather3A_665 : vector<16xf32>
        %add3A_737 = arith.constant 48 : i32
        %add3A_738 = arith.addi %mul3A_673, %add3A_737 : i32
        %swap3A_739 = arith.index_cast %shift_right_arithmetic3A_669 : i32 to index
        %swap3A_740 = arith.index_cast %add3A_738 : i32 to index
        %swap3A_741 = tpu.vector_load %arg14[%swap3A_739, %swap3A_740] {strides = array<i32>} : memref<64x128xf32, #tpu.memory_space<vmem>>, vector<16xf32>,
        tpu.vector_store %arg14[%swap3A_739, %swap3A_740], %mul3A_736 {strides = array<i32>} : memref<64x128xf32, #tpu.memory_space<vmem>>, vector<16xf32>,
        %scan3A_742 = arith.constant 5 : i32
        %scan3A_743 = arith.addi %scan3A_350, %scan3A_742 : i32
        %broadcast_in_dim3A_744 = vector.broadcast %scan3A_743 : i32 to vector<16xi32>
        %gather3A_745 = tpu.vector_load_idx %arg12[%broadcast_in_dim3A_744] : memref<128xf32, #tpu.memory_space<vmem>>[vector<16xi32>], vector<16xf32>,
        %broadcast_in_dim3A_746 = vector.broadcast %add3A_205 : i32 to vector<16xi32>
        %gather3A_747 = tpu.vector_load_idx %arg8[%broadcast_in_dim3A_746, %broadcast_in_dim3A_744] : memref<50x128xi32, #tpu.memory_space<vmem>>[vector<16xi32>, vector<16xi32>], vector<16xi32>,
        %shift_right_arithmetic3A_748 = arith.constant 1 : i32
        %shift_right_arithmetic3A_749 = arith.shrsi %scan3A_743, %shift_right_arithmetic3A_748 : i32
        %and3A_750 = arith.constant 1 : i32
        %and3A_751 = arith.andi %scan3A_743, %and3A_750 : i32
        %mul3A_752 = arith.constant 64 : i32
        %mul3A_753 = arith.muli %and3A_751, %mul3A_752 : i32
        %get3A_754 = arith.index_cast %scan3A_743 : i32 to index
        %get3A_755 = arith.constant 0 : index
        %get3A_756 = tpu.vector_load %arg10[%get3A_754, %get3A_755] {strides = array<i32>} : memref<128x128xi32, #tpu.memory_space<vmem>>, vector<16xi32>,
        %shift_right_arithmetic3A_757 = arith.shrsi %get3A_756, %gather3A_747 : vector<16xi32>
        %shift_left3A_758 = arith.constant 24 : i32
        %shift_left3A_759 = vector.broadcast %shift_left3A_758 : i32 to vector<16xi32>
        %shift_left3A_760 = arith.shli %shift_right_arithmetic3A_757, %shift_left3A_759 : vector<16xi32>
        %shift_right_arithmetic3A_761 = arith.constant 24 : i32
        %shift_right_arithmetic3A_762 = vector.broadcast %shift_right_arithmetic3A_761 : i32 to vector<16xi32>
        %shift_right_arithmetic3A_763 = arith.shrsi %shift_left3A_760, %shift_right_arithmetic3A_762 : vector<16xi32>
        %convert_element_type3A_764 = arith.sitofp %shift_right_arithmetic3A_763 : vector<16xi32> to vector<16xf32>
        %mul3A_765 = arith.mulf %convert_element_type3A_764, %gather3A_745 : vector<16xf32>
        %add3A_766 = arith.constant 0 : i32
        %add3A_767 = arith.addi %mul3A_753, %add3A_766 : i32
        %swap3A_768 = arith.index_cast %shift_right_arithmetic3A_749 : i32 to index
        %swap3A_769 = arith.index_cast %add3A_767 : i32 to index
        %swap3A_770 = tpu.vector_load %arg14[%swap3A_768, %swap3A_769] {strides = array<i32>} : memref<64x128xf32, #tpu.memory_space<vmem>>, vector<16xf32>,
        tpu.vector_store %arg14[%swap3A_768, %swap3A_769], %mul3A_765 {strides = array<i32>} : memref<64x128xf32, #tpu.memory_space<vmem>>, vector<16xf32>,
        %get3A_771 = arith.index_cast %scan3A_743 : i32 to index
        %get3A_772 = arith.constant 16 : index
        %get3A_773 = tpu.vector_load %arg10[%get3A_771, %get3A_772] {strides = array<i32>} : memref<128x128xi32, #tpu.memory_space<vmem>>, vector<16xi32>,
        %shift_right_arithmetic3A_774 = arith.shrsi %get3A_773, %gather3A_747 : vector<16xi32>
        %shift_left3A_775 = arith.constant 24 : i32
        %shift_left3A_776 = vector.broadcast %shift_left3A_775 : i32 to vector<16xi32>
        %shift_left3A_777 = arith.shli %shift_right_arithmetic3A_774, %shift_left3A_776 : vector<16xi32>
        %shift_right_arithmetic3A_778 = arith.constant 24 : i32
        %shift_right_arithmetic3A_779 = vector.broadcast %shift_right_arithmetic3A_778 : i32 to vector<16xi32>
        %shift_right_arithmetic3A_780 = arith.shrsi %shift_left3A_777, %shift_right_arithmetic3A_779 : vector<16xi32>
        %convert_element_type3A_781 = arith.sitofp %shift_right_arithmetic3A_780 : vector<16xi32> to vector<16xf32>
        %mul3A_782 = arith.mulf %convert_element_type3A_781, %gather3A_745 : vector<16xf32>
        %add3A_783 = arith.constant 16 : i32
        %add3A_784 = arith.addi %mul3A_753, %add3A_783 : i32
        %swap3A_785 = arith.index_cast %shift_right_arithmetic3A_749 : i32 to index
        %swap3A_786 = arith.index_cast %add3A_784 : i32 to index
        %swap3A_787 = tpu.vector_load %arg14[%swap3A_785, %swap3A_786] {strides = array<i32>} : memref<64x128xf32, #tpu.memory_space<vmem>>, vector<16xf32>,
        tpu.vector_store %arg14[%swap3A_785, %swap3A_786], %mul3A_782 {strides = array<i32>} : memref<64x128xf32, #tpu.memory_space<vmem>>, vector<16xf32>,
        %get3A_788 = arith.index_cast %scan3A_743 : i32 to index
        %get3A_789 = arith.constant 32 : index
        %get3A_790 = tpu.vector_load %arg10[%get3A_788, %get3A_789] {strides = array<i32>} : memref<128x128xi32, #tpu.memory_space<vmem>>, vector<16xi32>,
        %shift_right_arithmetic3A_791 = arith.shrsi %get3A_790, %gather3A_747 : vector<16xi32>
        %shift_left3A_792 = arith.constant 24 : i32
        %shift_left3A_793 = vector.broadcast %shift_left3A_792 : i32 to vector<16xi32>
        %shift_left3A_794 = arith.shli %shift_right_arithmetic3A_791, %shift_left3A_793 : vector<16xi32>
        %shift_right_arithmetic3A_795 = arith.constant 24 : i32
        %shift_right_arithmetic3A_796 = vector.broadcast %shift_right_arithmetic3A_795 : i32 to vector<16xi32>
        %shift_right_arithmetic3A_797 = arith.shrsi %shift_left3A_794, %shift_right_arithmetic3A_796 : vector<16xi32>
        %convert_element_type3A_798 = arith.sitofp %shift_right_arithmetic3A_797 : vector<16xi32> to vector<16xf32>
        %mul3A_799 = arith.mulf %convert_element_type3A_798, %gather3A_745 : vector<16xf32>
        %add3A_800 = arith.constant 32 : i32
        %add3A_801 = arith.addi %mul3A_753, %add3A_800 : i32
        %swap3A_802 = arith.index_cast %shift_right_arithmetic3A_749 : i32 to index
        %swap3A_803 = arith.index_cast %add3A_801 : i32 to index
        %swap3A_804 = tpu.vector_load %arg14[%swap3A_802, %swap3A_803] {strides = array<i32>} : memref<64x128xf32, #tpu.memory_space<vmem>>, vector<16xf32>,
        tpu.vector_store %arg14[%swap3A_802, %swap3A_803], %mul3A_799 {strides = array<i32>} : memref<64x128xf32, #tpu.memory_space<vmem>>, vector<16xf32>,
        %get3A_805 = arith.index_cast %scan3A_743 : i32 to index
        %get3A_806 = arith.constant 48 : index
        %get3A_807 = tpu.vector_load %arg10[%get3A_805, %get3A_806] {strides = array<i32>} : memref<128x128xi32, #tpu.memory_space<vmem>>, vector<16xi32>,
        %shift_right_arithmetic3A_808 = arith.shrsi %get3A_807, %gather3A_747 : vector<16xi32>
        %shift_left3A_809 = arith.constant 24 : i32
        %shift_left3A_810 = vector.broadcast %shift_left3A_809 : i32 to vector<16xi32>
        %shift_left3A_811 = arith.shli %shift_right_arithmetic3A_808, %shift_left3A_810 : vector<16xi32>
        %shift_right_arithmetic3A_812 = arith.constant 24 : i32
        %shift_right_arithmetic3A_813 = vector.broadcast %shift_right_arithmetic3A_812 : i32 to vector<16xi32>
        %shift_right_arithmetic3A_814 = arith.shrsi %shift_left3A_811, %shift_right_arithmetic3A_813 : vector<16xi32>
        %convert_element_type3A_815 = arith.sitofp %shift_right_arithmetic3A_814 : vector<16xi32> to vector<16xf32>
        %mul3A_816 = arith.mulf %convert_element_type3A_815, %gather3A_745 : vector<16xf32>
        %add3A_817 = arith.constant 48 : i32
        %add3A_818 = arith.addi %mul3A_753, %add3A_817 : i32
        %swap3A_819 = arith.index_cast %shift_right_arithmetic3A_749 : i32 to index
        %swap3A_820 = arith.index_cast %add3A_818 : i32 to index
        %swap3A_821 = tpu.vector_load %arg14[%swap3A_819, %swap3A_820] {strides = array<i32>} : memref<64x128xf32, #tpu.memory_space<vmem>>, vector<16xf32>,
        tpu.vector_store %arg14[%swap3A_819, %swap3A_820], %mul3A_816 {strides = array<i32>} : memref<64x128xf32, #tpu.memory_space<vmem>>, vector<16xf32>,
        %scan3A_822 = arith.constant 6 : i32
        %scan3A_823 = arith.addi %scan3A_350, %scan3A_822 : i32
        %broadcast_in_dim3A_824 = vector.broadcast %scan3A_823 : i32 to vector<16xi32>
        %gather3A_825 = tpu.vector_load_idx %arg12[%broadcast_in_dim3A_824] : memref<128xf32, #tpu.memory_space<vmem>>[vector<16xi32>], vector<16xf32>,
        %broadcast_in_dim3A_826 = vector.broadcast %add3A_205 : i32 to vector<16xi32>
        %gather3A_827 = tpu.vector_load_idx %arg8[%broadcast_in_dim3A_826, %broadcast_in_dim3A_824] : memref<50x128xi32, #tpu.memory_space<vmem>>[vector<16xi32>, vector<16xi32>], vector<16xi32>,
        %shift_right_arithmetic3A_828 = arith.constant 1 : i32
        %shift_right_arithmetic3A_829 = arith.shrsi %scan3A_823, %shift_right_arithmetic3A_828 : i32
        %and3A_830 = arith.constant 1 : i32
        %and3A_831 = arith.andi %scan3A_823, %and3A_830 : i32
        %mul3A_832 = arith.constant 64 : i32
        %mul3A_833 = arith.muli %and3A_831, %mul3A_832 : i32
        %get3A_834 = arith.index_cast %scan3A_823 : i32 to index
        %get3A_835 = arith.constant 0 : index
        %get3A_836 = tpu.vector_load %arg10[%get3A_834, %get3A_835] {strides = array<i32>} : memref<128x128xi32, #tpu.memory_space<vmem>>, vector<16xi32>,
        %shift_right_arithmetic3A_837 = arith.shrsi %get3A_836, %gather3A_827 : vector<16xi32>
        %shift_left3A_838 = arith.constant 24 : i32
        %shift_left3A_839 = vector.broadcast %shift_left3A_838 : i32 to vector<16xi32>
        %shift_left3A_840 = arith.shli %shift_right_arithmetic3A_837, %shift_left3A_839 : vector<16xi32>
        %shift_right_arithmetic3A_841 = arith.constant 24 : i32
        %shift_right_arithmetic3A_842 = vector.broadcast %shift_right_arithmetic3A_841 : i32 to vector<16xi32>
        %shift_right_arithmetic3A_843 = arith.shrsi %shift_left3A_840, %shift_right_arithmetic3A_842 : vector<16xi32>
        %convert_element_type3A_844 = arith.sitofp %shift_right_arithmetic3A_843 : vector<16xi32> to vector<16xf32>
        %mul3A_845 = arith.mulf %convert_element_type3A_844, %gather3A_825 : vector<16xf32>
        %add3A_846 = arith.constant 0 : i32
        %add3A_847 = arith.addi %mul3A_833, %add3A_846 : i32
        %swap3A_848 = arith.index_cast %shift_right_arithmetic3A_829 : i32 to index
        %swap3A_849 = arith.index_cast %add3A_847 : i32 to index
        %swap3A_850 = tpu.vector_load %arg14[%swap3A_848, %swap3A_849] {strides = array<i32>} : memref<64x128xf32, #tpu.memory_space<vmem>>, vector<16xf32>,
        tpu.vector_store %arg14[%swap3A_848, %swap3A_849], %mul3A_845 {strides = array<i32>} : memref<64x128xf32, #tpu.memory_space<vmem>>, vector<16xf32>,
        %get3A_851 = arith.index_cast %scan3A_823 : i32 to index
        %get3A_852 = arith.constant 16 : index
        %get3A_853 = tpu.vector_load %arg10[%get3A_851, %get3A_852] {strides = array<i32>} : memref<128x128xi32, #tpu.memory_space<vmem>>, vector<16xi32>,
        %shift_right_arithmetic3A_854 = arith.shrsi %get3A_853, %gather3A_827 : vector<16xi32>
        %shift_left3A_855 = arith.constant 24 : i32
        %shift_left3A_856 = vector.broadcast %shift_left3A_855 : i32 to vector<16xi32>
        %shift_left3A_857 = arith.shli %shift_right_arithmetic3A_854, %shift_left3A_856 : vector<16xi32>
        %shift_right_arithmetic3A_858 = arith.constant 24 : i32
        %shift_right_arithmetic3A_859 = vector.broadcast %shift_right_arithmetic3A_858 : i32 to vector<16xi32>
        %shift_right_arithmetic3A_860 = arith.shrsi %shift_left3A_857, %shift_right_arithmetic3A_859 : vector<16xi32>
        %convert_element_type3A_861 = arith.sitofp %shift_right_arithmetic3A_860 : vector<16xi32> to vector<16xf32>
        %mul3A_862 = arith.mulf %convert_element_type3A_861, %gather3A_825 : vector<16xf32>
        %add3A_863 = arith.constant 16 : i32
        %add3A_864 = arith.addi %mul3A_833, %add3A_863 : i32
        %swap3A_865 = arith.index_cast %shift_right_arithmetic3A_829 : i32 to index
        %swap3A_866 = arith.index_cast %add3A_864 : i32 to index
        %swap3A_867 = tpu.vector_load %arg14[%swap3A_865, %swap3A_866] {strides = array<i32>} : memref<64x128xf32, #tpu.memory_space<vmem>>, vector<16xf32>,
        tpu.vector_store %arg14[%swap3A_865, %swap3A_866], %mul3A_862 {strides = array<i32>} : memref<64x128xf32, #tpu.memory_space<vmem>>, vector<16xf32>,
        %get3A_868 = arith.index_cast %scan3A_823 : i32 to index
        %get3A_869 = arith.constant 32 : index
        %get3A_870 = tpu.vector_load %arg10[%get3A_868, %get3A_869] {strides = array<i32>} : memref<128x128xi32, #tpu.memory_space<vmem>>, vector<16xi32>,
        %shift_right_arithmetic3A_871 = arith.shrsi %get3A_870, %gather3A_827 : vector<16xi32>
        %shift_left3A_872 = arith.constant 24 : i32
        %shift_left3A_873 = vector.broadcast %shift_left3A_872 : i32 to vector<16xi32>
        %shift_left3A_874 = arith.shli %shift_right_arithmetic3A_871, %shift_left3A_873 : vector<16xi32>
        %shift_right_arithmetic3A_875 = arith.constant 24 : i32
        %shift_right_arithmetic3A_876 = vector.broadcast %shift_right_arithmetic3A_875 : i32 to vector<16xi32>
        %shift_right_arithmetic3A_877 = arith.shrsi %shift_left3A_874, %shift_right_arithmetic3A_876 : vector<16xi32>
        %convert_element_type3A_878 = arith.sitofp %shift_right_arithmetic3A_877 : vector<16xi32> to vector<16xf32>
        %mul3A_879 = arith.mulf %convert_element_type3A_878, %gather3A_825 : vector<16xf32>
        %add3A_880 = arith.constant 32 : i32
        %add3A_881 = arith.addi %mul3A_833, %add3A_880 : i32
        %swap3A_882 = arith.index_cast %shift_right_arithmetic3A_829 : i32 to index
        %swap3A_883 = arith.index_cast %add3A_881 : i32 to index
        %swap3A_884 = tpu.vector_load %arg14[%swap3A_882, %swap3A_883] {strides = array<i32>} : memref<64x128xf32, #tpu.memory_space<vmem>>, vector<16xf32>,
        tpu.vector_store %arg14[%swap3A_882, %swap3A_883], %mul3A_879 {strides = array<i32>} : memref<64x128xf32, #tpu.memory_space<vmem>>, vector<16xf32>,
        %get3A_885 = arith.index_cast %scan3A_823 : i32 to index
        %get3A_886 = arith.constant 48 : index
        %get3A_887 = tpu.vector_load %arg10[%get3A_885, %get3A_886] {strides = array<i32>} : memref<128x128xi32, #tpu.memory_space<vmem>>, vector<16xi32>,
        %shift_right_arithmetic3A_888 = arith.shrsi %get3A_887, %gather3A_827 : vector<16xi32>
        %shift_left3A_889 = arith.constant 24 : i32
        %shift_left3A_890 = vector.broadcast %shift_left3A_889 : i32 to vector<16xi32>
        %shift_left3A_891 = arith.shli %shift_right_arithmetic3A_888, %shift_left3A_890 : vector<16xi32>
        %shift_right_arithmetic3A_892 = arith.constant 24 : i32
        %shift_right_arithmetic3A_893 = vector.broadcast %shift_right_arithmetic3A_892 : i32 to vector<16xi32>
        %shift_right_arithmetic3A_894 = arith.shrsi %shift_left3A_891, %shift_right_arithmetic3A_893 : vector<16xi32>
        %convert_element_type3A_895 = arith.sitofp %shift_right_arithmetic3A_894 : vector<16xi32> to vector<16xf32>
        %mul3A_896 = arith.mulf %convert_element_type3A_895, %gather3A_825 : vector<16xf32>
        %add3A_897 = arith.constant 48 : i32
        %add3A_898 = arith.addi %mul3A_833, %add3A_897 : i32
        %swap3A_899 = arith.index_cast %shift_right_arithmetic3A_829 : i32 to index
        %swap3A_900 = arith.index_cast %add3A_898 : i32 to index
        %swap3A_901 = tpu.vector_load %arg14[%swap3A_899, %swap3A_900] {strides = array<i32>} : memref<64x128xf32, #tpu.memory_space<vmem>>, vector<16xf32>,
        tpu.vector_store %arg14[%swap3A_899, %swap3A_900], %mul3A_896 {strides = array<i32>} : memref<64x128xf32, #tpu.memory_space<vmem>>, vector<16xf32>,
        %scan3A_902 = arith.constant 7 : i32
        %scan3A_903 = arith.addi %scan3A_350, %scan3A_902 : i32
        %broadcast_in_dim3A_904 = vector.broadcast %scan3A_903 : i32 to vector<16xi32>
        %gather3A_905 = tpu.vector_load_idx %arg12[%broadcast_in_dim3A_904] : memref<128xf32, #tpu.memory_space<vmem>>[vector<16xi32>], vector<16xf32>,
        %broadcast_in_dim3A_906 = vector.broadcast %add3A_205 : i32 to vector<16xi32>
        %gather3A_907 = tpu.vector_load_idx %arg8[%broadcast_in_dim3A_906, %broadcast_in_dim3A_904] : memref<50x128xi32, #tpu.memory_space<vmem>>[vector<16xi32>, vector<16xi32>], vector<16xi32>,
        %shift_right_arithmetic3A_908 = arith.constant 1 : i32
        %shift_right_arithmetic3A_909 = arith.shrsi %scan3A_903, %shift_right_arithmetic3A_908 : i32
        %and3A_910 = arith.constant 1 : i32
        %and3A_911 = arith.andi %scan3A_903, %and3A_910 : i32
        %mul3A_912 = arith.constant 64 : i32
        %mul3A_913 = arith.muli %and3A_911, %mul3A_912 : i32
        %get3A_914 = arith.index_cast %scan3A_903 : i32 to index
        %get3A_915 = arith.constant 0 : index
        %get3A_916 = tpu.vector_load %arg10[%get3A_914, %get3A_915] {strides = array<i32>} : memref<128x128xi32, #tpu.memory_space<vmem>>, vector<16xi32>,
        %shift_right_arithmetic3A_917 = arith.shrsi %get3A_916, %gather3A_907 : vector<16xi32>
        %shift_left3A_918 = arith.constant 24 : i32
        %shift_left3A_919 = vector.broadcast %shift_left3A_918 : i32 to vector<16xi32>
        %shift_left3A_920 = arith.shli %shift_right_arithmetic3A_917, %shift_left3A_919 : vector<16xi32>
        %shift_right_arithmetic3A_921 = arith.constant 24 : i32
        %shift_right_arithmetic3A_922 = vector.broadcast %shift_right_arithmetic3A_921 : i32 to vector<16xi32>
        %shift_right_arithmetic3A_923 = arith.shrsi %shift_left3A_920, %shift_right_arithmetic3A_922 : vector<16xi32>
        %convert_element_type3A_924 = arith.sitofp %shift_right_arithmetic3A_923 : vector<16xi32> to vector<16xf32>
        %mul3A_925 = arith.mulf %convert_element_type3A_924, %gather3A_905 : vector<16xf32>
        %add3A_926 = arith.constant 0 : i32
        %add3A_927 = arith.addi %mul3A_913, %add3A_926 : i32
        %swap3A_928 = arith.index_cast %shift_right_arithmetic3A_909 : i32 to index
        %swap3A_929 = arith.index_cast %add3A_927 : i32 to index
        %swap3A_930 = tpu.vector_load %arg14[%swap3A_928, %swap3A_929] {strides = array<i32>} : memref<64x128xf32, #tpu.memory_space<vmem>>, vector<16xf32>,
        tpu.vector_store %arg14[%swap3A_928, %swap3A_929], %mul3A_925 {strides = array<i32>} : memref<64x128xf32, #tpu.memory_space<vmem>>, vector<16xf32>,
        %get3A_931 = arith.index_cast %scan3A_903 : i32 to index
        %get3A_932 = arith.constant 16 : index
        %get3A_933 = tpu.vector_load %arg10[%get3A_931, %get3A_932] {strides = array<i32>} : memref<128x128xi32, #tpu.memory_space<vmem>>, vector<16xi32>,
        %shift_right_arithmetic3A_934 = arith.shrsi %get3A_933, %gather3A_907 : vector<16xi32>
        %shift_left3A_935 = arith.constant 24 : i32
        %shift_left3A_936 = vector.broadcast %shift_left3A_935 : i32 to vector<16xi32>
        %shift_left3A_937 = arith.shli %shift_right_arithmetic3A_934, %shift_left3A_936 : vector<16xi32>
        %shift_right_arithmetic3A_938 = arith.constant 24 : i32
        %shift_right_arithmetic3A_939 = vector.broadcast %shift_right_arithmetic3A_938 : i32 to vector<16xi32>
        %shift_right_arithmetic3A_940 = arith.shrsi %shift_left3A_937, %shift_right_arithmetic3A_939 : vector<16xi32>
        %convert_element_type3A_941 = arith.sitofp %shift_right_arithmetic3A_940 : vector<16xi32> to vector<16xf32>
        %mul3A_942 = arith.mulf %convert_element_type3A_941, %gather3A_905 : vector<16xf32>
        %add3A_943 = arith.constant 16 : i32
        %add3A_944 = arith.addi %mul3A_913, %add3A_943 : i32
        %swap3A_945 = arith.index_cast %shift_right_arithmetic3A_909 : i32 to index
        %swap3A_946 = arith.index_cast %add3A_944 : i32 to index
        %swap3A_947 = tpu.vector_load %arg14[%swap3A_945, %swap3A_946] {strides = array<i32>} : memref<64x128xf32, #tpu.memory_space<vmem>>, vector<16xf32>,
        tpu.vector_store %arg14[%swap3A_945, %swap3A_946], %mul3A_942 {strides = array<i32>} : memref<64x128xf32, #tpu.memory_space<vmem>>, vector<16xf32>,
        %get3A_948 = arith.index_cast %scan3A_903 : i32 to index
        %get3A_949 = arith.constant 32 : index
        %get3A_950 = tpu.vector_load %arg10[%get3A_948, %get3A_949] {strides = array<i32>} : memref<128x128xi32, #tpu.memory_space<vmem>>, vector<16xi32>,
        %shift_right_arithmetic3A_951 = arith.shrsi %get3A_950, %gather3A_907 : vector<16xi32>
        %shift_left3A_952 = arith.constant 24 : i32
        %shift_left3A_953 = vector.broadcast %shift_left3A_952 : i32 to vector<16xi32>
        %shift_left3A_954 = arith.shli %shift_right_arithmetic3A_951, %shift_left3A_953 : vector<16xi32>
        %shift_right_arithmetic3A_955 = arith.constant 24 : i32
        %shift_right_arithmetic3A_956 = vector.broadcast %shift_right_arithmetic3A_955 : i32 to vector<16xi32>
        %shift_right_arithmetic3A_957 = arith.shrsi %shift_left3A_954, %shift_right_arithmetic3A_956 : vector<16xi32>
        %convert_element_type3A_958 = arith.sitofp %shift_right_arithmetic3A_957 : vector<16xi32> to vector<16xf32>
        %mul3A_959 = arith.mulf %convert_element_type3A_958, %gather3A_905 : vector<16xf32>
        %add3A_960 = arith.constant 32 : i32
        %add3A_961 = arith.addi %mul3A_913, %add3A_960 : i32
        %swap3A_962 = arith.index_cast %shift_right_arithmetic3A_909 : i32 to index
        %swap3A_963 = arith.index_cast %add3A_961 : i32 to index
        %swap3A_964 = tpu.vector_load %arg14[%swap3A_962, %swap3A_963] {strides = array<i32>} : memref<64x128xf32, #tpu.memory_space<vmem>>, vector<16xf32>,
        tpu.vector_store %arg14[%swap3A_962, %swap3A_963], %mul3A_959 {strides = array<i32>} : memref<64x128xf32, #tpu.memory_space<vmem>>, vector<16xf32>,
        %get3A_965 = arith.index_cast %scan3A_903 : i32 to index
        %get3A_966 = arith.constant 48 : index
        %get3A_967 = tpu.vector_load %arg10[%get3A_965, %get3A_966] {strides = array<i32>} : memref<128x128xi32, #tpu.memory_space<vmem>>, vector<16xi32>,
        %shift_right_arithmetic3A_968 = arith.shrsi %get3A_967, %gather3A_907 : vector<16xi32>
        %shift_left3A_969 = arith.constant 24 : i32
        %shift_left3A_970 = vector.broadcast %shift_left3A_969 : i32 to vector<16xi32>
        %shift_left3A_971 = arith.shli %shift_right_arithmetic3A_968, %shift_left3A_970 : vector<16xi32>
        %shift_right_arithmetic3A_972 = arith.constant 24 : i32
        %shift_right_arithmetic3A_973 = vector.broadcast %shift_right_arithmetic3A_972 : i32 to vector<16xi32>
        %shift_right_arithmetic3A_974 = arith.shrsi %shift_left3A_971, %shift_right_arithmetic3A_973 : vector<16xi32>
        %convert_element_type3A_975 = arith.sitofp %shift_right_arithmetic3A_974 : vector<16xi32> to vector<16xf32>
        %mul3A_976 = arith.mulf %convert_element_type3A_975, %gather3A_905 : vector<16xf32>
        %add3A_977 = arith.constant 48 : i32
        %add3A_978 = arith.addi %mul3A_913, %add3A_977 : i32
        %swap3A_979 = arith.index_cast %shift_right_arithmetic3A_909 : i32 to index
        %swap3A_980 = arith.index_cast %add3A_978 : i32 to index
        %swap3A_981 = tpu.vector_load %arg14[%swap3A_979, %swap3A_980] {strides = array<i32>} : memref<64x128xf32, #tpu.memory_space<vmem>>, vector<16xf32>,
        tpu.vector_store %arg14[%swap3A_979, %swap3A_980], %mul3A_976 {strides = array<i32>} : memref<64x128xf32, #tpu.memory_space<vmem>>, vector<16xf32>,
      }
      %scan3A_301 = arith.constant 128 : i32
      %mul3A_302 = arith.constant 128 : i32
      %mul3A_303 = arith.muli %add3A_205, %mul3A_302 : i32
      %add3A_304 = arith.addi %mul3A_2, %mul3A_303 : i32
      %jit3A_305 = arith.constant 2 : i32
      %div3A_306 = arith.divsi %add3A_304, %jit3A_305 : i32
      %sign3A_307 = arith.constant 0 : i32
      %sign3A_308 = arith.cmpi sgt, %add3A_304, %sign3A_307 : i32
      %sign3A_309 = arith.extui %sign3A_308 : i1 to i32
      %sign3A_310 = arith.constant 0 : i32
      %sign3A_311 = arith.cmpi slt, %add3A_304, %sign3A_310 : i32
      %sign3A_312 = arith.extui %sign3A_311 : i1 to i32
      %sign3A_313 = arith.subi %sign3A_309, %sign3A_312 : i32
      %sign3A_314 = arith.constant 0 : i32
      %sign3A_315 = arith.cmpi sgt, %jit3A_305, %sign3A_314 : i32
      %sign3A_316 = arith.extui %sign3A_315 : i1 to i32
      %sign3A_317 = arith.constant 0 : i32
      %sign3A_318 = arith.cmpi slt, %jit3A_305, %sign3A_317 : i32
      %sign3A_319 = arith.extui %sign3A_318 : i1 to i32
      %sign3A_320 = arith.subi %sign3A_316, %sign3A_319 : i32
      %ne3A_321 = arith.cmpi ne, %sign3A_313, %sign3A_320 : i32
      %rem3A_322 = arith.remsi %add3A_304, %jit3A_305 : i32
      %ne3A_323 = arith.constant 0 : i32
      %ne3A_324 = arith.cmpi ne, %rem3A_322, %ne3A_323 : i32
      %and3A_325 = arith.andi %ne3A_321, %ne3A_324 : i1
      %sub3A_326 = arith.constant 1 : i32
      %sub3A_327 = arith.subi %div3A_306, %sub3A_326 : i32
      %select_n3A_328 = arith.select %and3A_325, %sub3A_327, %div3A_306 : i32
      %multiple_of3A_329 = tpu.assume_multiple %select_n3A_328, 64 : i32
      %dma_start3A_330 = arith.constant 0 : i32
      %dma_start3A_331 = tpu.memref_slice %arg5[%multiple_of3A_329, %dma_start3A_330] : memref<102400x128xf32, #tpu.memory_space<hbm>> -> memref<64x128xf32, #tpu.memory_space<hbm>>
      %dma_start3A_332 = arith.constant 0 : i32
      %dma_start3A_333 = tpu.memref_slice %arg5[%multiple_of3A_329, %dma_start3A_332] : memref<102400x128xf32, #tpu.memory_space<hbm>> -> memref<64x128xf32, #tpu.memory_space<hbm>>
      tpu.enqueue_dma source(%arg14 : memref<64x128xf32, #tpu.memory_space<vmem>>) target(%dma_start3A_333 : memref<64x128xf32, #tpu.memory_space<hbm>>) target_semaphore(%arg20 : memref<!tpu.dma_semaphore, #tpu.memory_space<semaphore_mem>>)
      %add3A_334 = arith.constant 2 : i32
      %add3A_335 = arith.addi %add3A_205, %add3A_334 : i32
      %rem3A_336 = arith.constant 50 : i32
      %rem3A_337 = arith.remsi %add3A_335, %rem3A_336 : i32
      %dma_start3A_338 = arith.constant 0 : i32
      %dma_start3A_339 = tpu.memref_slice %arg7[%rem3A_337, %dma_start3A_338] : memref<50x128xi32, #tpu.memory_space<vmem>> -> memref<1x128xi32, #tpu.memory_space<vmem>>
      %dma_start3A_340 = tpu.memref_squeeze %dma_start3A_339 : memref<1x128xi32, #tpu.memory_space<vmem>> -> memref<128xi32, #tpu.memory_space<vmem>>
      %dma_start3A_341 = tpu.memref_bitcast %arg2 : memref<1000000x128xi8, #tpu.memory_space<hbm>> -> memref<250000x128xi32, #tpu.memory_space<hbm>>
      %dma_start3A_342 = arith.constant 0 : i32
      %dma_start3A_343 = arith.constant 0 : i32
      %dma_start3A_344 = tpu.memref_slice %dma_start3A_341[%dma_start3A_342, %dma_start3A_343] : memref<250000x128xi32, #tpu.memory_space<hbm>> -> memref<250000x128xi32, #tpu.memory_space<hbm>>
      tpu.enqueue_indirect_dma source(%dma_start3A_344 : memref<250000x128xi32, #tpu.memory_space<hbm>>) target(%arg10 : memref<128x128xi32, #tpu.memory_space<vmem>>) offsets(%dma_start3A_340 : memref<128xi32, #tpu.memory_space<vmem>>) semaphore(%arg16 : memref<!tpu.dma_semaphore, #tpu.memory_space<semaphore_mem>>)
      %dma_start3A_345 = arith.constant 0 : i32
      %dma_start3A_346 = tpu.memref_slice %arg6[%rem3A_337, %dma_start3A_345] : memref<50x128xi32, #tpu.memory_space<vmem>> -> memref<1x128xi32, #tpu.memory_space<vmem>>
      %dma_start3A_347 = tpu.memref_squeeze %dma_start3A_346 : memref<1x128xi32, #tpu.memory_space<vmem>> -> memref<128xi32, #tpu.memory_space<vmem>>
      %dma_start3A_348 = arith.constant 0 : i32
      %dma_start3A_349 = tpu.memref_slice %arg3[%dma_start3A_348] : memref<1000000xf32, #tpu.memory_space<hbm>> -> memref<1000000xf32, #tpu.memory_space<hbm>>
      tpu.enqueue_indirect_dma source(%dma_start3A_349 : memref<1000000xf32, #tpu.memory_space<hbm>>) target(%arg12 : memref<128xf32, #tpu.memory_space<vmem>>) offsets(%dma_start3A_347 : memref<128xi32, #tpu.memory_space<vmem>>) semaphore(%arg18 : memref<!tpu.dma_semaphore, #tpu.memory_space<semaphore_mem>>)
    }
    %scan3A_160 = arith.constant 24 : i32
    %dma_wait3A_161 = arith.constant 0 : i32
    %dma_wait3A_162 = arith.constant 0 : i32
    %dma_wait3A_163 = tpu.memref_slice %arg7[%dma_wait3A_161, %dma_wait3A_162] : memref<50x128xi32, #tpu.memory_space<vmem>> -> memref<1x128xi32, #tpu.memory_space<vmem>>
    %dma_wait3A_164 = tpu.memref_squeeze %dma_wait3A_163 : memref<1x128xi32, #tpu.memory_space<vmem>> -> memref<128xi32, #tpu.memory_space<vmem>>
    %dma_wait3A_165 = tpu.memref_bitcast %arg2 : memref<1000000x128xi8, #tpu.memory_space<hbm>> -> memref<250000x128xi32, #tpu.memory_space<hbm>>
    %dma_wait3A_166 = arith.constant 0 : i32
    %dma_wait3A_167 = arith.constant 0 : i32
    %dma_wait3A_168 = tpu.memref_slice %dma_wait3A_165[%dma_wait3A_166, %dma_wait3A_167] : memref<250000x128xi32, #tpu.memory_space<hbm>> -> memref<250000x128xi32, #tpu.memory_space<hbm>>
    tpu.wait_indirect_dma semaphore(%arg15 : memref<!tpu.dma_semaphore, #tpu.memory_space<semaphore_mem>>) src(%dma_wait3A_168 : memref<250000x128xi32, #tpu.memory_space<hbm>>) dst(%arg9 : memref<128x128xi32, #tpu.memory_space<vmem>>)
    %dma_wait3A_169 = arith.constant 0 : i32
    %dma_wait3A_170 = arith.constant 0 : i32
    %dma_wait3A_171 = tpu.memref_slice %arg6[%dma_wait3A_169, %dma_wait3A_170] : memref<50x128xi32, #tpu.memory_space<vmem>> -> memref<1x128xi32, #tpu.memory_space<vmem>>
    %dma_wait3A_172 = tpu.memref_squeeze %dma_wait3A_171 : memref<1x128xi32, #tpu.memory_space<vmem>> -> memref<128xi32, #tpu.memory_space<vmem>>
    %dma_wait3A_173 = arith.constant 0 : i32
    %dma_wait3A_174 = tpu.memref_slice %arg3[%dma_wait3A_173] : memref<1000000xf32, #tpu.memory_space<hbm>> -> memref<1000000xf32, #tpu.memory_space<hbm>>
    tpu.wait_indirect_dma semaphore(%arg17 : memref<!tpu.dma_semaphore, #tpu.memory_space<semaphore_mem>>) src(%dma_wait3A_174 : memref<1000000xf32, #tpu.memory_space<hbm>>) dst(%arg11 : memref<128xf32, #tpu.memory_space<vmem>>)
    %dma_wait3A_175 = arith.constant 1 : i32
    %dma_wait3A_176 = arith.constant 0 : i32
    %dma_wait3A_177 = tpu.memref_slice %arg7[%dma_wait3A_175, %dma_wait3A_176] : memref<50x128xi32, #tpu.memory_space<vmem>> -> memref<1x128xi32, #tpu.memory_space<vmem>>
    %dma_wait3A_178 = tpu.memref_squeeze %dma_wait3A_177 : memref<1x128xi32, #tpu.memory_space<vmem>> -> memref<128xi32, #tpu.memory_space<vmem>>
    %dma_wait3A_179 = tpu.memref_bitcast %arg2 : memref<1000000x128xi8, #tpu.memory_space<hbm>> -> memref<250000x128xi32, #tpu.memory_space<hbm>>
    %dma_wait3A_180 = arith.constant 0 : i32
    %dma_wait3A_181 = arith.constant 0 : i32
    %dma_wait3A_182 = tpu.memref_slice %dma_wait3A_179[%dma_wait3A_180, %dma_wait3A_181] : memref<250000x128xi32, #tpu.memory_space<hbm>> -> memref<250000x128xi32, #tpu.memory_space<hbm>>
    tpu.wait_indirect_dma semaphore(%arg16 : memref<!tpu.dma_semaphore, #tpu.memory_space<semaphore_mem>>) src(%dma_wait3A_182 : memref<250000x128xi32, #tpu.memory_space<hbm>>) dst(%arg10 : memref<128x128xi32, #tpu.memory_space<vmem>>)
    %dma_wait3A_183 = arith.constant 1 : i32
    %dma_wait3A_184 = arith.constant 0 : i32
    %dma_wait3A_185 = tpu.memref_slice %arg6[%dma_wait3A_183, %dma_wait3A_184] : memref<50x128xi32, #tpu.memory_space<vmem>> -> memref<1x128xi32, #tpu.memory_space<vmem>>
    %dma_wait3A_186 = tpu.memref_squeeze %dma_wait3A_185 : memref<1x128xi32, #tpu.memory_space<vmem>> -> memref<128xi32, #tpu.memory_space<vmem>>
    %dma_wait3A_187 = arith.constant 0 : i32
    %dma_wait3A_188 = tpu.memref_slice %arg3[%dma_wait3A_187] : memref<1000000xf32, #tpu.memory_space<hbm>> -> memref<1000000xf32, #tpu.memory_space<hbm>>
    tpu.wait_indirect_dma semaphore(%arg18 : memref<!tpu.dma_semaphore, #tpu.memory_space<semaphore_mem>>) src(%dma_wait3A_188 : memref<1000000xf32, #tpu.memory_space<hbm>>) dst(%arg12 : memref<128xf32, #tpu.memory_space<vmem>>)
    %dma_wait3A_189 = arith.constant 0 : i32
    %dma_wait3A_190 = arith.constant 0 : i32
    %dma_wait3A_191 = tpu.memref_slice %arg5[%dma_wait3A_189, %dma_wait3A_190] : memref<102400x128xf32, #tpu.memory_space<hbm>> -> memref<64x128xf32, #tpu.memory_space<hbm>>
    %dma_wait3A_192 = arith.constant 0 : i32
    %dma_wait3A_193 = arith.constant 0 : i32
    %dma_wait3A_194 = tpu.memref_slice %arg5[%dma_wait3A_192, %dma_wait3A_193] : memref<102400x128xf32, #tpu.memory_space<hbm>> -> memref<64x128xf32, #tpu.memory_space<hbm>>
    tpu.wait_dma2 semaphore(%arg19 : memref<!tpu.dma_semaphore, #tpu.memory_space<semaphore_mem>>) src(%arg13 : memref<64x128xf32, #tpu.memory_space<vmem>>) dst(%dma_wait3A_194 : memref<64x128xf32, #tpu.memory_space<hbm>>)
    %dma_wait3A_195 = arith.constant 0 : i32
    %dma_wait3A_196 = arith.constant 0 : i32
    %dma_wait3A_197 = tpu.memref_slice %arg5[%dma_wait3A_195, %dma_wait3A_196] : memref<102400x128xf32, #tpu.memory_space<hbm>> -> memref<64x128xf32, #tpu.memory_space<hbm>>
    %dma_wait3A_198 = arith.constant 0 : i32
    %dma_wait3A_199 = arith.constant 0 : i32
    %dma_wait3A_200 = tpu.memref_slice %arg5[%dma_wait3A_198, %dma_wait3A_199] : memref<102400x128xf32, #tpu.memory_space<hbm>> -> memref<64x128xf32, #tpu.memory_space<hbm>>
    tpu.wait_dma2 semaphore(%arg20 : memref<!tpu.dma_semaphore, #tpu.memory_space<semaphore_mem>>) src(%arg14 : memref<64x128xf32, #tpu.memory_space<vmem>>) dst(%dma_wait3A_200 : memref<64x128xf32, #tpu.memory_space<hbm>>)
    return
  }
}

</mosaic_0001>

<sc_bundles>
// kernel: _embed_sc.3.cloned.1.call-start
scs
__scs_entry_jumppad:
0x0: {  	(pc) =	sbr.rel $0x88, $3  }
0x1: {  	(tag) =	ssettag $0x0;
	lr =	simm.s32 $0x1  }
0x2: {  	[smem:$0x3F9E] =	sst lr;
	_ =	strace $0xD0000000  }
0x3: {  	_ = 	snop  }
0x4: {  	_ = 	snop  }
0x5: {  	_ = 	snop  }
0x6: {  	_ = 	snop  }
0x7: {  	_ = 	snop  }
__scs_overlays_trampoline_lowered:
0x8: {  	[smem:$0x3FAD] =	sst s0  }
0x9: {  	[smem:$0x3FAE] =	sst s1  }
0xa: {  	[smem:$0x3FAF] =	sst s2  }
0xb: {  	[smem:$0x3FB0] =	sst s3  }
0xc: {  	[smem:$0x3FB1] =	sst s4  }
0xd: {  	[smem:$0x3FB2] =	sst s5  }
0xe: {  	[smem:$0x3FB3] =	sst s6  }
0xf: {  	[smem:$0x3FB4] =	sst s7  }
0x10: {  	[smem:$0x3FB5] =	sst s8  }
0x11: {  	[smem:$0x3FB6] =	sst s9;
	s0 =	simm.s32 @!p0 $0x0  }
0x12: {  	s1 =	sld [smem:$0x3F9C];
	s0 =	simm.s32 @p0 $0x1  }
0x13: {  	[smem:$0x3FB7] =	sst s0;
	s0 =	simm.s32 @!p1 $0x0  }
0x14: {  	s2 =	sld [smem:$0x3F9B];
	s0 =	simm.s32 @p1 $0x1  }
0x15: {  	[smem:$0x3FB8] =	sst s0;
	s0 =	simm.s32 @!p2 $0x0  }
0x16: {  	s3 =	sld [smem:$0x3FDB];
	s0 =	simm.s32 @p2 $0x1  }
0x17: {  	s4 =	simm.s32 $0x1BF5;
	[smem:$0x3FBA] =	sst s0  }
0x18: {  	s0 =	sld [smem:$0x3F9D];
	_ =	swait.ge [sflag:s4], $0x0  }
0x19: {  	s7 =	sld [smem:$0x3F9E]  }
0x1a: {  	s8 =	sadd.s32 $0xFFFFE003, lr  }
0x1b: {  	s9 =	sadd.s32 $0xFFFFFEF7, lr;
	s5 =	simm.s32 $0xFFFFFFFF;
	p2 =	slt.u32 s8, $0xFFFFF086  }
0x1c: {  	p1 =	slt.u32 s9, $0xF7A;
	s5 =	simm.s32 @!p2 $0x0  }
0x1d: {  	s5 =	simm.s32 @p1 $0x1;
	p0 =	seq.s32 s7, s2  }
0x1e: {  	s7 =	smul.u32 @!p0 $0xF7A, s2;
	p2 =	seq.s32 @!p0 s5, $0x0  }
0x1f: {  	s9 =	smul.u32 $0xF7A, s1;
	s8 =	simm.s32 @!p0 $0x1BF5;
	p2 =	por !p2, p0  }
0x20: {  	[sflag:s8] =	ssyncset.s32 @!p0 $0xFFFFF086;
	s6 =	sadd.s32 @!p0 s3, s7;
	s7 =	simm.s32 @!p0 $0x108  }
0x21: {  	s3 =	sadd.s32 s3, s9;
	s6 =	sadd.s32 @!p0 $0x88, s6;
	s7 =	simm.s32 @p2 $0x1082  }
0x22: {  	[simem:s7], [sflag:s8] =	dma.local @!p0 [hbm:s6], $0xF7A  }
0x23: {  	s9 =	sor.u32 $0xD0000000, s2;
	s6 =	simm.s32 $0x108;
	_ =	swait.ge @!p0 [sflag:s8], $0x0  }
0x24: {  	s3 =	sadd.s32 $0x88, s3;
	s6 =	simm.s32 @!p1 $0x1082;
	[sflag:s4] =	ssyncset.s32 $0xFFFFF086  }
0x25: {  	[simem:s6], [sflag:s4] =	dma.local [hbm:s3], $0xF7A  }
0x26: {  	[smem:$0x3F9E] =	sst s1;
	(tag) =	ssettag s2;
	_ =	strace s9  }
0x27: {  	s1 =	sld [smem:$0x3FAE]  }
0x28: {  	s2 =	sld [smem:$0x3FAF]  }
0x29: {  	s4 =	sld [smem:$0x3FB1]  }
0x2a: {  	p0 =	seq.s32 s5, $0x0;
	s5 =	sld [smem:$0x3FB2]  }
0x2b: {  	s6 =	sld [smem:$0x3FB3]  }
0x2c: {  	s7 =	sld [smem:$0x3FB4]  }
0x2d: {  	s3 =	simm.s32 $0x108;
	s8 =	sld [smem:$0x3FB5]  }
0x2e: {  	s3 =	simm.s32 @!p0 $0x1082;
	s9 =	sld [smem:$0x3FB6]  }
0x2f: {  	lr =	sadd.s32 s0, s3;
	s0 =	sld [smem:$0x3FAD]  }
0x30: {  	s3 =	sld [smem:$0x3FB0]  }
0x31: {  	[smem:$0x3FB9] =	sst s10  }
0x32: {  	s10 =	sld [smem:$0x3FB7];
	_ =	sdelay $0x3  }
0x33: {  	p0 =	seq.s32 s10, $0x1;
	s10 =	sld [smem:$0x3FB9];
	_ =	sdelay $0x3  }
0x34: {  	[smem:$0x3FB9] =	sst s10  }
0x35: {  	s10 =	sld [smem:$0x3FB8];
	_ =	sdelay $0x3  }
0x36: {  	p1 =	seq.s32 s10, $0x1;
	s10 =	sld [smem:$0x3FB9];
	_ =	sdelay $0x3  }
0x37: {  	[smem:$0x3FB9] =	sst s10  }
0x38: {  	s10 =	sld [smem:$0x3FBA]  }
0x39: {  	_ = 	snop;
	(pc) =	sbr.ind lr, $3  }
0x3a: {  	_ = 	snop  }
0x3b: {  	_ = 	snop  }
0x3c: {  	p2 =	seq.s32 s10, $0x1;
	s10 =	sld [smem:$0x3FB9]  }
0x3d: {  	_ =	shalt  }
0x3e: {  	_ =	shalt  }
0x3f: {  	_ =	shalt  }
0x40: {  	_ =	shalt  }
0x41: {  	_ =	shalt  }
0x42: {  	_ =	shalt  }
0x43: {  	_ =	shalt  }
0x44: {  	_ =	shalt  }
0x45: {  	_ =	shalt  }
0x46: {  	_ =	shalt  }
0x47: {  	_ =	shalt  }
0x48: {  	_ =	shalt  }
0x49: {  	_ =	shalt  }
0x4a: {  	_ =	shalt  }
0x4b: {  	_ =	shalt  }
0x4c: {  	_ =	shalt  }
0x4d: {  	_ =	shalt  }
0x4e: {  	_ =	shalt  }
0x4f: {  	_ =	shalt  }
0x50: {  	_ =	shalt  }
0x51: {  	_ =	shalt  }
0x52: {  	_ =	shalt  }
0x53: {  	_ =	shalt  }
0x54: {  	_ =	shalt  }
0x55: {  	_ =	shalt  }
0x56: {  	_ =	shalt  }
0x57: {  	_ =	shalt  }
0x58: {  	_ =	shalt  }
0x59: {  	_ =	shalt  }
0x5a: {  	_ =	shalt  }
0x5b: {  	_ =	shalt  }
0x5c: {  	_ =	shalt  }
0x5d: {  	_ =	shalt  }
0x5e: {  	_ =	shalt  }
0x5f: {  	_ =	shalt  }
0x60: {  	_ =	shalt  }
0x61: {  	_ =	shalt  }
0x62: {  	_ =	shalt  }
0x63: {  	_ =	shalt  }
0x64: {  	_ =	shalt  }
0x65: {  	_ =	shalt  }
0x66: {  	_ =	shalt  }
0x67: {  	_ =	shalt  }
0x68: {  	_ =	shalt  }
0x69: {  	_ =	shalt  }
0x6a: {  	_ =	shalt  }
0x6b: {  	_ =	shalt  }
0x6c: {  	_ =	shalt  }
0x6d: {  	_ =	shalt  }
0x6e: {  	_ =	shalt  }
0x6f: {  	_ =	shalt  }
0x70: {  	_ =	shalt  }
0x71: {  	_ =	shalt  }
0x72: {  	_ =	shalt  }
0x73: {  	_ =	shalt  }
0x74: {  	_ =	shalt  }
0x75: {  	_ =	shalt  }
0x76: {  	_ =	shalt  }
0x77: {  	_ =	shalt  }
0x78: {  	_ =	shalt  }
0x79: {  	_ =	shalt  }
0x7a: {  	_ =	shalt  }
0x7b: {  	_ =	shalt  }
0x7c: {  	_ =	shalt  }
0x7d: {  	_ =	shalt  }
0x7e: {  	_ =	shalt  }
0x7f: {  	_ =	shalt  }
0x80: {  	_ =	shalt  }
0x81: {  	_ =	shalt  }
0x82: {  	_ =	shalt  }
0x83: {  	_ =	shalt  }
0x84: {  	_ =	shalt  }
0x85: {  	_ =	shalt  }
0x86: {  	_ =	shalt  }
0x87: {  	_ =	shalt  }
.Lfunc_end0:
.L_simem_size_0:
called_computation_lowered:
.L_overlay_start_0:
0x88: {  	s2 =	sld [smem:$0x3FD9]  }
0x89: {  	s3 =	sld [smem:$0x3FFE];
	_ =	sdelay $0x1  }
0x8a: {  	s1 =	srdreg.scid  }
0x8b: {  	s0 =	sand.u32 $0x1, s1  }
0x8c: {  	s17 =	sshll.u32 s0, $0xA;
	s2 =	sadd.s32 s3, s2  }
0x8d: {  	s2 =	sadd.s32 s2, s17  }
0x8e: {  	[smem:$0x3FC5] =	sst s2  }
0x8f: {  	_ = 	snop  }
0x90: {  	s2 =	sld [smem:$0x3FC9]  }
0x91: {  	s18 =	sld [smem:$0x3FC8]  }
0x92: {  	s4 =	sld [smem:$0x3FD0];
	(tm) =	ssettm $0x1  }
0x93: {  	s5 =	sld [smem:$0x3FFB];
	_ =	sdelay $0x3  }
0x94: {  	_ =	strace s5  }
0x95: {  	s5 =	sld [smem:$0x3FFC];
	_ =	sdelay $0x3  }
0x96: {  	_ =	strace s5  }
0x97: {  	s5 =	sld [smem:$0x3FFD];
	_ =	sdelay $0x3  }
0x98: {  	_ =	strace s5  }
0x99: {  	_ =	strace $0x8FFFFFFF  }
0x9a: {  	s19 =	sld [smem:$0x3FDB];
	_ =	sdelay $0x1  }
0x9b: {  	s6 =	simm.s32 $_scs_section_size  }
0x9c: {  	s7 =	simm.s32 $_size__tile_overlayer_lowered;
	s8 =	simm.s32 $_tile_overlayer_lowered  }
0x9d: {  	s22 =	simm.s32 $0x1BFF;
	s21 =	sshll.u32 s8, $0x1;
	s5 =	sadd.s32 s6, s19  }
0x9e: {  	s9 =	simm.s32 $0x0;
	s20 =	sshll.u32 s7, $0x1;
	s7 =	sadd.s32 s21, s5  }
0x9f: {  	[timem:s9], [sflag:s22] =	dma.local [hbm:s7], s20  }
0xa0: {  	_ =	swait.ge [sflag:s22], s20  }
0xa1: {  	s6 =	ssub.s32 $0x0, s20;
	[sflag:s22] =	ssyncset.done $0x0  }
0xa2: {  	[sflag:s22] =	ssyncadd.s32 s6;
	_ =	sdelay $0x1  }
0xa3: {  	s23 =	simm.s32 $0x1B8B  }
0xa4: {  	_ =	swait.ge [sflag:s23], $0x1  }
0xa5: {  	[sflag:s23] =	ssyncset.done $0x0  }
0xa6: {  	s25 =	simm.s32 $0x1B8E;
	s24 =	sld [smem:$0x3FFE];
	[sflag:s23] =	ssyncadd.s32 $0xFFFFFFFF  }
0xa7: {  	s26 =	simm.s32 $execute0_lowered;
	[smem:$0x3FD2] =	sst s25  }
0xa8: {  	s7 =	sshll.u32 s26, $0x1;
	_ =	strace $0x80000046;
	[dreg:$0x1] =	wrdreg $0xFFFFFFFF  }
0xa9: {  	s28 =	simm.s32 $_size_execute0_lowered;
	s5 =	sadd.s32 s5, s7;
	[dreg:$0x0] =	wrdreg $0x0  }
0xaa: {  	s7 =	sshll.u32 s28, $0x1;
	[dreg:$0x2] =	wrdreg s5  }
0xab: {  	[dreg:$0x3] =	wrdreg s7  }
0xac: {  	[dreg:$0x4] =	wrdreg $0xC0  }
0xad: {  	_ =	task [dreg:s9], $0x5FFFF  }
0xae: {  	[dreg:$0x1] =	wrdreg $0xFFFFFFFF  }
0xaf: {  	[dreg:$0x0] =	wrdreg $0x60  }
0xb0: {  	[dreg:$0x2] =	wrdreg s2  }
0xb1: {  	[dreg:$0x3] =	wrdreg s18  }
0xb2: {  	[dreg:$0x4] =	wrdreg s24  }
0xb3: {  	[dreg:$0x5] =	wrdreg s4  }
0xb4: {  	[dreg:$0x6] =	wrdreg $0x9  }
0xb5: {  	_ =	task.clear_ibuf [dreg:s9], $0x7FFFF;
	_ =	strace $0x90000046  }
0xb6: {  	s29 =	simm.s32 $0x9;
	_ =	strace $0x80000048  }
0xb7: {  	_ =	swait.ge [sflag:s29], $0x1  }
0xb8: {  	[sflag:s29] =	ssyncadd.s32 $0xFFFFFFFF  }
0xb9: {  	_ =	strace $0x90000048  }
0xba: {  	_ =	sfence  }
0xbb: {  	s30 =	sld [smem:$0x0];
	_ =	sdelay $0x2  }
0xbc: {  	s31 =	sshll.u32 s1, $0xD;
	s1 =	sshrl.u32 s1, $0x2  }
0xbd: {  	s3 =	sand.u32 $0x4000, s31;
	s1 =	sadd.s32 s1, s30  }
0xbe: {  	s0 =	sor.u32 s3, s0;
	s1 =	sshll.u32 s1, $0x11  }
0xbf: {  	s0 =	sor.u32 s1, s0  }
0xc0: {  	s0 =	sadd.s32 $0x8F2B, s0  }
0xc1: {  	[sflag:s0] =	ssyncadd.remote.s32 $0x1  }
0xc2: {  	_ =	sfence.sel $0xFFFF  }
0xc3: {  	[dreg:$0x0] =	wrdreg $0xFFFFFFFF;
	(pc) =	sbr.abs _section_cstart, $3  }
0xc4: {  	[dreg:$0x1] =	wrdreg $0xFFFFFFFF  }
0xc5: {  	_ =	task.clear_ibuf [dreg:s9], $0x2FFFF;
	_ =	strace $0x9FFFFFFF  }
0xc6: {  	(tm) =	ssettm $0x7FFFFFFF  }
0xc7: {  	_ =	shalt  }
tec
execute0_lowered:
.L_overlay_start_1:
0x0: {  	(tag) =	ssettag $0x1  }
0x1: {  	s1 =	rddreg [dreg:$0x0]  }
0x2: {  	s2 =	rddreg [dreg:$0x1];
	s0 =	srdreg.scid  }
0x3: {  	s4 =	stileid.u32;
	s3 =	rddreg [dreg:$0x2];
	s11 =	simm.s32 $0x7  }
0x4: {  	s12 =	simm.s32 $0x80;
	s14 =	simm.s32 $0x5400;
	s15 =	simm.s32 $0xD400  }
0x5: {  	s17 =	simm.s32 $0x9400;
	s18 =	simm.s32 $0xD480;
	s19 =	simm.s32 $0x1  }
0x6: {  	s20 =	simm.s32 $0x3;
	s21 =	simm.s32 $0x3800;
	s22 =	simm.s32 $0xD500  }
0x7: {  	s25 =	simm.s32 $0x2;
	s26 =	simm.s32 $0x4;
	s28 =	simm.s32 $0xF500  }
0x8: {  	s31 =	simm.s32 $0x5;
	s0 =	sand.u32 $0x1, s0;
	s5 =	sshll.u32 s4, $0x1  }
0x9: {  	s4 =	rddreg [dreg:$0x3];
	s7 =	sor.u32 s0, s5;
	s0 =	ssub.s32 $0x2, s0  }
0xa: {  	s5 =	simm.s32 $0x0;
	s6 =	smul.u32 $0x380, s7;
	s9 =	sshrl.u32 s0, $0x1  }
0xb: {  	[smem:$0x7FF] =	sst s5;
	s8 =	smul.u32 $0xC800, s7;
	s0 =	ssub.s32 s0, s9  }
0xc: {  	_ =	strace $0x80000047;
	s3 =	sadd.s32 s6, s3;
	s0 =	smax.u32 s0, $0x1  }
0xd: {  	s6 =	sadd.s32 s4, s8;
	s3 =	sadd.s32 $0x400, s3;
	[dreg:$0x7] =	wrdreg s0  }
0xe: {  	s9 =	smul.u32 $0x64000, s7;
	s30 =	sadd.s32 $0x400, s6;
	[dreg:$0x5] =	wrdreg s3  }
0xf: {  	s0 =	simm.s32 $0x0;
	[dreg:$0x6] =	wrdreg s30;
	s3 =	simm.s32 $0x6  }
.LBB2_1:
0x10: {  	s7 =	rddreg [dreg:$0x5]  }
0x11: {  	[tilespmem:s5], [sflag:$0x7] =	stream.linear.gather [hbm4b:s7+s5], $0x1900, $0x38;
	[tilespmem:$0x11500] =	vst v63  }
0x12: {  	_ =	swait.ge [sflag:s11], $0x1900  }
0x13: {  	[sflag:s11] =	ssyncset.done $0x0  }
0x14: {  	s7 =	simm.s32 $0x20;
	[sflag:s11] =	ssyncadd.s32 $0xFFFFE700  }
0x15: {  	v0 =	vld [tilespmem:s7+$0xFFFFFFE0];
	_ =	sdelay $0x4  }
0x16: {  	s13 =	simm.s32 $0x1C20;
	v1 =	vshra.s32 v0, $0x2;
	v0 =	vshll.u32 v0, $0x3  }
0x17: {  	s16 =	simm.s32 $0x3820;
	[tilespmem:s13+$0xFFFFFFE0] =	vst v1;
	v0 =	vand.u32 $0x18, v0  }
0x18: {  	[tilespmem:s16+$0xFFFFFFE0] =	vst v0  }
0x19: {  	v0 =	vld [tilespmem:s7+$0xFFFFFFF0];
	_ =	sdelay $0x4  }
0x1a: {  	v1 =	vshra.s32 v0, $0x2;
	v0 =	vshll.u32 v0, $0x3  }
0x1b: {  	[tilespmem:s13+$0xFFFFFFF0] =	vst v1;
	v0 =	vand.u32 $0x18, v0  }
0x1c: {  	[tilespmem:s16+$0xFFFFFFF0] =	vst v0  }
0x1d: {  	v0 =	vld [tilespmem:s7+$0x0];
	_ =	sdelay $0x4  }
0x1e: {  	v1 =	vshra.s32 v0, $0x2;
	v0 =	vshll.u32 v0, $0x3  }
0x1f: {  	[tilespmem:s13+$0x0] =	vst v1;
	v0 =	vand.u32 $0x18, v0  }
0x20: {  	[tilespmem:s16+$0x0] =	vst v0  }
0x21: {  	v0 =	vld [tilespmem:s7+$0x10];
	_ =	sdelay $0x4  }
0x22: {  	v1 =	vshra.s32 v0, $0x2;
	v0 =	vshll.u32 v0, $0x3  }
0x23: {  	s23 =	simm.s32 $0x0;
	s24 =	simm.s32 $0x3860;
	[tilespmem:s13+$0x10] =	vst v1;
	v0 =	vand.u32 $0x18, v0  }
.LBB2_2:
0x24: {  	s23 =	sadd.s32 $0x4, s23;
	[tilespmem:s16+$0x10] =	vst v0;
	s7 =	sadd.s32 $0x40, s7;
	s13 =	sadd.s32 $0x40, s13  }
0x25: {  	s16 =	smov.u32 s24;
	v0 =	vld [tilespmem:s7+$0xFFFFFFE0];
	p0 =	slt.u32 s23, $0x18C;
	_ =	sdelay $0x4  }
0x26: {  	v1 =	vshra.s32 v0, $0x2;
	v0 =	vshll.u32 v0, $0x3  }
0x27: {  	[tilespmem:s13+$0xFFFFFFE0] =	vst v1;
	v0 =	vand.u32 $0x18, v0  }
0x28: {  	[tilespmem:s24+$0xFFFFFFE0] =	vst v0  }
0x29: {  	v0 =	vld [tilespmem:s7+$0xFFFFFFF0];
	_ =	sdelay $0x4  }
0x2a: {  	v1 =	vshra.s32 v0, $0x2;
	v0 =	vshll.u32 v0, $0x3  }
0x2b: {  	[tilespmem:s13+$0xFFFFFFF0] =	vst v1;
	v0 =	vand.u32 $0x18, v0  }
0x2c: {  	[tilespmem:s24+$0xFFFFFFF0] =	vst v0  }
0x2d: {  	v0 =	vld [tilespmem:s7+$0x0];
	_ =	sdelay $0x4  }
0x2e: {  	v1 =	vshra.s32 v0, $0x2;
	v0 =	vshll.u32 v0, $0x3  }
0x2f: {  	[tilespmem:s13+$0x0] =	vst v1;
	v0 =	vand.u32 $0x18, v0  }
0x30: {  	[tilespmem:s24+$0x0] =	vst v0  }
0x31: {  	v0 =	vld [tilespmem:s7+$0x10];
	_ =	sdelay $0x1  }
.Ltmp0:
0x32: {  	(pc) =	sbr.rel @p0 .LBB2_2-.Ltmp0, $3  }
0x33: {  	_ =	sdelay $0x1  }
0x34: {  	v1 =	vshra.s32 v0, $0x2;
	v0 =	vshll.u32 v0, $0x3  }
0x35: {  	s24 =	sadd.s32 $0x40, s24;
	[tilespmem:s13+$0x10] =	vst v1;
	v0 =	vand.u32 $0x18, v0  }
0x36: {  	[tilespmem:s16+$0x10] =	vst v0;
	s7 =	simm.s32 $0x1C00  }
0x37: {  	[tilespmem:s14], [sflag:$0x1] =	stream.indirect.gather [hbm4b:s1+s12], $0x80, s7, s12, $0xb8;
	[tilespmem:$0x11500] =	vst v63  }
0x38: {  	s13 =	simm.s32 $0x0  }
0x39: {  	[tilespmem:s15], [sflag:$0x3] =	stream.indirect.gather [hbm4b:s2+s12], $0x1, s13, s12, $0xb8;
	[tilespmem:$0x11500] =	vst v63  }
0x3a: {  	s30 =	simm.s32 $0x1C80  }
0x3b: {  	[tilespmem:s17], [sflag:$0x2] =	stream.indirect.gather [hbm4b:s1+s12], $0x80, s30, s12, $0xb8;
	[tilespmem:$0x11500] =	vst v63  }
0x3c: {  	_ = 	snop  }
0x3d: {  	[tilespmem:s18], [sflag:$0x4] =	stream.indirect.gather [hbm4b:s2+s12], $0x1, s12, s12, $0xb8;
	[tilespmem:$0x11500] =	vst v63  }
0x3e: {  	_ =	swait.ge [sflag:s19], $0x4000  }
0x3f: {  	[sflag:s19] =	ssyncset.done $0x0  }
0x40: {  	[sflag:s19] =	ssyncadd.s32 $0xFFFFC000  }
0x41: {  	_ =	swait.ge [sflag:s20], $0x80  }
0x42: {  	s16 =	simm.s32 $0x1C0;
	[sflag:s20] =	ssyncset.done $0x0  }
0x43: {  	s23 =	simm.s32 $0x5600;
	s24 =	simm.s32 $0xD600;
	[sflag:s20] =	ssyncadd.s32 $0xFFFFFF80  }
.LBB2_4:
0x44: {  	v0 =	vmov s13  }
0x45: {  	v0 =	vand.u32 $0xFFFFFFF8, v0  }
0x46: {  	v0 =	vbroadcast v0, $0x0;
	_ =	sdelay $0x4  }
0x47: {  	v2 =	vld [tilespmem:s23+$0xFFFFFE00]  }
0x48: {  	v1 =	vld.idx.msk [tilespmem:v0+s21+$0x0], $0xffff;
	_ =	sdelay $0x4  }
0x49: {  	v0 =	vld.idx.msk [tilespmem:v0+s15+$0x0], $0xffff;
	v2 =	vshra.s32 v2, v1  }
0x4a: {  	v2 =	vshll.u32 v2, $0x18  }
0x4b: {  	v2 =	vshra.s32 v2, $0x18  }
0x4c: {  	v2 =	vcvt.s32.f32 v2;
	_ =	sdelay $0x1  }
0x4d: {  	v2 =	vmul.f32 v2, v0;
	_ =	sdelay $0x1  }
0x4e: {  	[tilespmem:s24+$0xFFFFFF00] =	vst v2  }
0x4f: {  	v2 =	vld [tilespmem:s23+$0xFFFFFE10];
	_ =	sdelay $0x4  }
0x50: {  	v2 =	vshra.s32 v2, v1  }
0x51: {  	v2 =	vshll.u32 v2, $0x18  }
0x52: {  	v2 =	vshra.s32 v2, $0x18  }
0x53: {  	v2 =	vcvt.s32.f32 v2;
	_ =	sdelay $0x1  }
0x54: {  	v2 =	vmul.f32 v2, v0;
	_ =	sdelay $0x1  }
0x55: {  	[tilespmem:s24+$0xFFFFFF10] =	vst v2  }
0x56: {  	v2 =	vld [tilespmem:s23+$0xFFFFFE20];
	_ =	sdelay $0x4  }
0x57: {  	v2 =	vshra.s32 v2, v1  }
0x58: {  	v2 =	vshll.u32 v2, $0x18  }
0x59: {  	v2 =	vshra.s32 v2, $0x18  }
0x5a: {  	v2 =	vcvt.s32.f32 v2;
	_ =	sdelay $0x1  }
0x5b: {  	v2 =	vmul.f32 v2, v0;
	_ =	sdelay $0x1  }
0x5c: {  	[tilespmem:s24+$0xFFFFFF20] =	vst v2  }
0x5d: {  	v2 =	vld [tilespmem:s23+$0xFFFFFE30];
	_ =	sdelay $0x3  }
0x5e: {  	s7 =	sadd.s32 $0x1, s13  }
0x5f: {  	v50 =	vmov s7;
	v1 =	vshra.s32 v2, v1  }
0x60: {  	v2 =	vand.u32 $0xFFFFFFF9, v50;
	v1 =	vshll.u32 v1, $0x18  }
0x61: {  	v2 =	vbroadcast v2, $0x0;
	v1 =	vshra.s32 v1, $0x18  }
0x62: {  	v1 =	vcvt.s32.f32 v1;
	_ =	sdelay $0x1  }
0x63: {  	v0 =	vmul.f32 v1, v0;
	_ =	sdelay $0x1  }
0x64: {  	[tilespmem:s24+$0xFFFFFF30] =	vst v0  }
0x65: {  	v0 =	vld.idx.msk [tilespmem:v2+s21+$0x0], $0xffff  }
0x66: {  	v51 =	vld [tilespmem:s23+$0xFFFFFE80];
	_ =	sdelay $0x4  }
0x67: {  	v2 =	vld.idx.msk [tilespmem:v2+s15+$0x0], $0xffff;
	v1 =	vshra.s32 v51, v0  }
0x68: {  	v1 =	vshll.u32 v1, $0x18  }
0x69: {  	v1 =	vshra.s32 v1, $0x18  }
0x6a: {  	v1 =	vcvt.s32.f32 v1;
	_ =	sdelay $0x1  }
0x6b: {  	v1 =	vmul.f32 v1, v2;
	_ =	sdelay $0x1  }
0x6c: {  	[tilespmem:s24+$0xFFFFFF40] =	vst v1  }
0x6d: {  	v1 =	vld [tilespmem:s23+$0xFFFFFE90];
	_ =	sdelay $0x4  }
0x6e: {  	v1 =	vshra.s32 v1, v0  }
0x6f: {  	v1 =	vshll.u32 v1, $0x18  }
0x70: {  	v1 =	vshra.s32 v1, $0x18  }
0x71: {  	v1 =	vcvt.s32.f32 v1;
	_ =	sdelay $0x1  }
0x72: {  	v1 =	vmul.f32 v1, v2;
	_ =	sdelay $0x1  }
0x73: {  	[tilespmem:s24+$0xFFFFFF50] =	vst v1  }
0x74: {  	v1 =	vld [tilespmem:s23+$0xFFFFFEA0];
	_ =	sdelay $0x4  }
0x75: {  	v1 =	vshra.s32 v1, v0  }
0x76: {  	v1 =	vshll.u32 v1, $0x18  }
0x77: {  	v1 =	vshra.s32 v1, $0x18  }
0x78: {  	v1 =	vcvt.s32.f32 v1;
	_ =	sdelay $0x1  }
0x79: {  	v1 =	vmul.f32 v1, v2;
	_ =	sdelay $0x1  }
0x7a: {  	[tilespmem:s24+$0xFFFFFF60] =	vst v1  }
0x7b: {  	v1 =	vld [tilespmem:s23+$0xFFFFFEB0];
	_ =	sdelay $0x3  }
0x7c: {  	s10 =	sadd.s32 $0x2, s13  }
0x7d: {  	v52 =	vmov s10;
	v0 =	vshra.s32 v1, v0  }
0x7e: {  	v1 =	vand.u32 $0xFFFFFFFA, v52;
	v0 =	vshll.u32 v0, $0x18  }
0x7f: {  	v1 =	vbroadcast v1, $0x0;
	v0 =	vshra.s32 v0, $0x18  }
0x80: {  	v0 =	vcvt.s32.f32 v0;
	_ =	sdelay $0x1  }
0x81: {  	v0 =	vmul.f32 v0, v2;
	_ =	sdelay $0x1  }
0x82: {  	[tilespmem:s24+$0xFFFFFF70] =	vst v0  }
0x83: {  	v0 =	vld.idx.msk [tilespmem:v1+s21+$0x0], $0xffff  }
0x84: {  	v53 =	vld [tilespmem:s23+$0xFFFFFF00];
	_ =	sdelay $0x4  }
0x85: {  	v1 =	vld.idx.msk [tilespmem:v1+s15+$0x0], $0xffff;
	v2 =	vshra.s32 v53, v0  }
0x86: {  	v2 =	vshll.u32 v2, $0x18  }
0x87: {  	v2 =	vshra.s32 v2, $0x18  }
0x88: {  	v2 =	vcvt.s32.f32 v2;
	_ =	sdelay $0x1  }
0x89: {  	v2 =	vmul.f32 v2, v1;
	_ =	sdelay $0x1  }
0x8a: {  	[tilespmem:s24+$0xFFFFFF80] =	vst v2  }
0x8b: {  	v2 =	vld [tilespmem:s23+$0xFFFFFF10];
	_ =	sdelay $0x4  }
0x8c: {  	v2 =	vshra.s32 v2, v0  }
0x8d: {  	v2 =	vshll.u32 v2, $0x18  }
0x8e: {  	v2 =	vshra.s32 v2, $0x18  }
0x8f: {  	v2 =	vcvt.s32.f32 v2;
	_ =	sdelay $0x1  }
0x90: {  	v2 =	vmul.f32 v2, v1;
	_ =	sdelay $0x1  }
0x91: {  	[tilespmem:s24+$0xFFFFFF90] =	vst v2  }
0x92: {  	v2 =	vld [tilespmem:s23+$0xFFFFFF20];
	_ =	sdelay $0x4  }
0x93: {  	v2 =	vshra.s32 v2, v0  }
0x94: {  	v2 =	vshll.u32 v2, $0x18  }
0x95: {  	v2 =	vshra.s32 v2, $0x18  }
0x96: {  	v2 =	vcvt.s32.f32 v2;
	_ =	sdelay $0x1  }
0x97: {  	v2 =	vmul.f32 v2, v1;
	_ =	sdelay $0x1  }
0x98: {  	[tilespmem:s24+$0xFFFFFFA0] =	vst v2  }
0x99: {  	v2 =	vld [tilespmem:s23+$0xFFFFFF30];
	_ =	sdelay $0x3  }
0x9a: {  	s29 =	sadd.s32 $0x3, s13  }
0x9b: {  	v54 =	vmov s29;
	v0 =	vshra.s32 v2, v0  }
0x9c: {  	v2 =	vand.u32 $0xFFFFFFFB, v54;
	v0 =	vshll.u32 v0, $0x18  }
0x9d: {  	v2 =	vbroadcast v2, $0x0;
	v0 =	vshra.s32 v0, $0x18  }
0x9e: {  	v0 =	vcvt.s32.f32 v0;
	_ =	sdelay $0x1  }
0x9f: {  	v0 =	vmul.f32 v0, v1;
	_ =	sdelay $0x1  }
0xa0: {  	[tilespmem:s24+$0xFFFFFFB0] =	vst v0  }
0xa1: {  	v0 =	vld.idx.msk [tilespmem:v2+s21+$0x0], $0xffff  }
0xa2: {  	v55 =	vld [tilespmem:s23+$0xFFFFFF80];
	_ =	sdelay $0x4  }
0xa3: {  	v2 =	vld.idx.msk [tilespmem:v2+s15+$0x0], $0xffff;
	v1 =	vshra.s32 v55, v0  }
0xa4: {  	v1 =	vshll.u32 v1, $0x18  }
0xa5: {  	v1 =	vshra.s32 v1, $0x18  }
0xa6: {  	v1 =	vcvt.s32.f32 v1;
	_ =	sdelay $0x1  }
0xa7: {  	v1 =	vmul.f32 v1, v2;
	_ =	sdelay $0x1  }
0xa8: {  	[tilespmem:s24+$0xFFFFFFC0] =	vst v1  }
0xa9: {  	v1 =	vld [tilespmem:s23+$0xFFFFFF90];
	_ =	sdelay $0x4  }
0xaa: {  	v1 =	vshra.s32 v1, v0  }
0xab: {  	v1 =	vshll.u32 v1, $0x18  }
0xac: {  	v1 =	vshra.s32 v1, $0x18  }
0xad: {  	v1 =	vcvt.s32.f32 v1;
	_ =	sdelay $0x1  }
0xae: {  	s30 =	sadd.s32 $0xFFFFFF00, s16;
	v1 =	vmul.f32 v1, v2  }
0xaf: {  	s29 =	sor.u32 $0x50, s30  }
0xb0: {  	[tilespmem:s29+$0xD500] =	vst v1  }
0xb1: {  	v1 =	vld [tilespmem:s23+$0xFFFFFFA0];
	_ =	sdelay $0x4  }
0xb2: {  	v1 =	vshra.s32 v1, v0  }
0xb3: {  	v1 =	vshll.u32 v1, $0x18  }
0xb4: {  	v1 =	vshra.s32 v1, $0x18  }
0xb5: {  	v1 =	vcvt.s32.f32 v1;
	_ =	sdelay $0x1  }
0xb6: {  	v1 =	vmul.f32 v1, v2  }
0xb7: {  	s8 =	sor.u32 $0x60, s30  }
0xb8: {  	[tilespmem:s8+$0xD500] =	vst v1  }
0xb9: {  	v1 =	vld [tilespmem:s23+$0xFFFFFFB0];
	_ =	sdelay $0x3  }
0xba: {  	s10 =	sadd.s32 $0x4, s13  }
0xbb: {  	v56 =	vmov s10;
	v0 =	vshra.s32 v1, v0  }
0xbc: {  	v1 =	vand.u32 $0xFFFFFFFC, v56;
	v0 =	vshll.u32 v0, $0x18  }
0xbd: {  	v1 =	vbroadcast v1, $0x0;
	v0 =	vshra.s32 v0, $0x18  }
0xbe: {  	v0 =	vcvt.s32.f32 v0;
	_ =	sdelay $0x1  }
0xbf: {  	v0 =	vmul.f32 v0, v2  }
0xc0: {  	s7 =	sor.u32 $0x70, s30  }
0xc1: {  	[tilespmem:s7+$0xD500] =	vst v0  }
0xc2: {  	v0 =	vld.idx.msk [tilespmem:v1+s21+$0x0], $0xffff  }
0xc3: {  	v57 =	vld [tilespmem:s23+$0x0];
	_ =	sdelay $0x4  }
0xc4: {  	v1 =	vld.idx.msk [tilespmem:v1+s15+$0x0], $0xffff;
	v2 =	vshra.s32 v57, v0  }
0xc5: {  	v2 =	vshll.u32 v2, $0x18  }
0xc6: {  	v2 =	vshra.s32 v2, $0x18  }
0xc7: {  	v2 =	vcvt.s32.f32 v2;
	_ =	sdelay $0x1  }
0xc8: {  	v2 =	vmul.f32 v2, v1;
	_ =	sdelay $0x1  }
0xc9: {  	[tilespmem:s24+$0x0] =	vst v2  }
0xca: {  	v2 =	vld [tilespmem:s23+$0x10];
	_ =	sdelay $0x4  }
0xcb: {  	v2 =	vshra.s32 v2, v0  }
0xcc: {  	v2 =	vshll.u32 v2, $0x18  }
0xcd: {  	v2 =	vshra.s32 v2, $0x18  }
0xce: {  	v2 =	vcvt.s32.f32 v2;
	_ =	sdelay $0x1  }
0xcf: {  	v2 =	vmul.f32 v2, v1;
	_ =	sdelay $0x1  }
0xd0: {  	[tilespmem:s24+$0x10] =	vst v2  }
0xd1: {  	v2 =	vld [tilespmem:s23+$0x20];
	_ =	sdelay $0x4  }
0xd2: {  	v2 =	vshra.s32 v2, v0  }
0xd3: {  	v2 =	vshll.u32 v2, $0x18  }
0xd4: {  	v2 =	vshra.s32 v2, $0x18  }
0xd5: {  	v2 =	vcvt.s32.f32 v2;
	_ =	sdelay $0x1  }
0xd6: {  	v2 =	vmul.f32 v2, v1;
	_ =	sdelay $0x1  }
0xd7: {  	[tilespmem:s24+$0x20] =	vst v2  }
0xd8: {  	v2 =	vld [tilespmem:s23+$0x30];
	_ =	sdelay $0x3  }
0xd9: {  	s30 =	sadd.s32 $0x5, s13  }
0xda: {  	v58 =	vmov s30;
	v0 =	vshra.s32 v2, v0  }
0xdb: {  	v2 =	vand.u32 $0xFFFFFFFD, v58;
	v0 =	vshll.u32 v0, $0x18  }
0xdc: {  	v2 =	vbroadcast v2, $0x0;
	v0 =	vshra.s32 v0, $0x18  }
0xdd: {  	v0 =	vcvt.s32.f32 v0;
	_ =	sdelay $0x1  }
0xde: {  	v0 =	vmul.f32 v0, v1;
	_ =	sdelay $0x1  }
0xdf: {  	[tilespmem:s24+$0x30] =	vst v0  }
0xe0: {  	v0 =	vld.idx.msk [tilespmem:v2+s21+$0x0], $0xffff  }
0xe1: {  	v59 =	vld [tilespmem:s23+$0x80];
	_ =	sdelay $0x4  }
0xe2: {  	v2 =	vld.idx.msk [tilespmem:v2+s15+$0x0], $0xffff;
	v1 =	vshra.s32 v59, v0  }
0xe3: {  	v1 =	vshll.u32 v1, $0x18  }
0xe4: {  	v1 =	vshra.s32 v1, $0x18  }
0xe5: {  	v1 =	vcvt.s32.f32 v1;
	_ =	sdelay $0x1  }
0xe6: {  	v1 =	vmul.f32 v1, v2;
	_ =	sdelay $0x1  }
0xe7: {  	[tilespmem:s24+$0x40] =	vst v1  }
0xe8: {  	v1 =	vld [tilespmem:s23+$0x90];
	_ =	sdelay $0x4  }
0xe9: {  	v1 =	vshra.s32 v1, v0  }
0xea: {  	v1 =	vshll.u32 v1, $0x18  }
0xeb: {  	v1 =	vshra.s32 v1, $0x18  }
0xec: {  	v1 =	vcvt.s32.f32 v1;
	_ =	sdelay $0x1  }
0xed: {  	s7 =	sadd.s32 $0xFFFFFF80, s16;
	v1 =	vmul.f32 v1, v2  }
0xee: {  	s8 =	sor.u32 $0x50, s7  }
0xef: {  	[tilespmem:s8+$0xD500] =	vst v1  }
0xf0: {  	v1 =	vld [tilespmem:s23+$0xA0];
	_ =	sdelay $0x4  }
0xf1: {  	v1 =	vshra.s32 v1, v0  }
0xf2: {  	v1 =	vshll.u32 v1, $0x18  }
0xf3: {  	v1 =	vshra.s32 v1, $0x18  }
0xf4: {  	v1 =	vcvt.s32.f32 v1;
	_ =	sdelay $0x1  }
0xf5: {  	v1 =	vmul.f32 v1, v2  }
0xf6: {  	s10 =	sor.u32 $0x60, s7  }
0xf7: {  	[tilespmem:s10+$0xD500] =	vst v1  }
0xf8: {  	v1 =	vld [tilespmem:s23+$0xB0];
	_ =	sdelay $0x3  }
0xf9: {  	s30 =	sadd.s32 $0x6, s13  }
0xfa: {  	v60 =	vmov s30;
	v0 =	vshra.s32 v1, v0  }
0xfb: {  	v1 =	vand.u32 $0xFFFFFFFE, v60;
	v0 =	vshll.u32 v0, $0x18  }
0xfc: {  	v1 =	vbroadcast v1, $0x0;
	v0 =	vshra.s32 v0, $0x18  }
0xfd: {  	v0 =	vcvt.s32.f32 v0;
	_ =	sdelay $0x1  }
0xfe: {  	v0 =	vmul.f32 v0, v2  }
0xff: {  	s7 =	sor.u32 $0x70, s7  }
0x100: {  	[tilespmem:s7+$0xD500] =	vst v0  }
0x101: {  	v0 =	vld.idx.msk [tilespmem:v1+s21+$0x0], $0xffff  }
0x102: {  	v61 =	vld [tilespmem:s23+$0x100];
	_ =	sdelay $0x4  }
0x103: {  	v1 =	vld.idx.msk [tilespmem:v1+s15+$0x0], $0xffff;
	v2 =	vshra.s32 v61, v0  }
0x104: {  	v2 =	vshll.u32 v2, $0x18  }
0x105: {  	v2 =	vshra.s32 v2, $0x18  }
0x106: {  	v2 =	vcvt.s32.f32 v2;
	_ =	sdelay $0x1  }
0x107: {  	v2 =	vmul.f32 v2, v1;
	_ =	sdelay $0x1  }
0x108: {  	[tilespmem:s24+$0x80] =	vst v2  }
0x109: {  	v2 =	vld [tilespmem:s23+$0x110];
	_ =	sdelay $0x4  }
0x10a: {  	v2 =	vshra.s32 v2, v0  }
0x10b: {  	v2 =	vshll.u32 v2, $0x18  }
0x10c: {  	v2 =	vshra.s32 v2, $0x18  }
0x10d: {  	v2 =	vcvt.s32.f32 v2;
	_ =	sdelay $0x1  }
0x10e: {  	v2 =	vmul.f32 v2, v1;
	_ =	sdelay $0x1  }
0x10f: {  	[tilespmem:s24+$0x90] =	vst v2  }
0x110: {  	v2 =	vld [tilespmem:s23+$0x120];
	_ =	sdelay $0x4  }
0x111: {  	v2 =	vshra.s32 v2, v0  }
0x112: {  	v2 =	vshll.u32 v2, $0x18  }
0x113: {  	v2 =	vshra.s32 v2, $0x18  }
0x114: {  	v2 =	vcvt.s32.f32 v2;
	_ =	sdelay $0x1  }
0x115: {  	v2 =	vmul.f32 v2, v1;
	_ =	sdelay $0x1  }
0x116: {  	[tilespmem:s24+$0xA0] =	vst v2  }
0x117: {  	v2 =	vld [tilespmem:s23+$0x130];
	_ =	sdelay $0x4  }
0x118: {  	v0 =	vshra.s32 v2, v0  }
0x119: {  	v0 =	vshll.u32 v0, $0x18  }
0x11a: {  	s8 =	sadd.s32 $0x7, s13;
	v0 =	vshra.s32 v0, $0x18  }
0x11b: {  	v62 =	vmov s8;
	v0 =	vcvt.s32.f32 v0;
	_ =	sdelay $0x1  }
0x11c: {  	v0 =	vmul.f32 v0, v1;
	_ =	sdelay $0x1  }
0x11d: {  	[tilespmem:s24+$0xB0] =	vst v0  }
0x11e: {  	v0 =	vld.idx.msk [tilespmem:v62+s21+$0x0], $0xffff  }
0x11f: {  	v63 =	vld [tilespmem:s23+$0x180];
	_ =	sdelay $0x4  }
0x120: {  	v2 =	vld.idx.msk [tilespmem:v62+s15+$0x0], $0xffff;
	v1 =	vshra.s32 v63, v0  }
0x121: {  	v1 =	vshll.u32 v1, $0x18  }
0x122: {  	v1 =	vshra.s32 v1, $0x18  }
0x123: {  	v1 =	vcvt.s32.f32 v1;
	_ =	sdelay $0x1  }
0x124: {  	v1 =	vmul.f32 v1, v2;
	_ =	sdelay $0x1  }
0x125: {  	[tilespmem:s24+$0xC0] =	vst v1  }
0x126: {  	v1 =	vld [tilespmem:s23+$0x190];
	_ =	sdelay $0x4  }
0x127: {  	v1 =	vshra.s32 v1, v0  }
0x128: {  	v1 =	vshll.u32 v1, $0x18  }
0x129: {  	v1 =	vshra.s32 v1, $0x18  }
0x12a: {  	v1 =	vcvt.s32.f32 v1;
	_ =	sdelay $0x1  }
0x12b: {  	v1 =	vmul.f32 v1, v2  }
0x12c: {  	s10 =	sor.u32 $0x50, s16  }
0x12d: {  	[tilespmem:s10+$0xD500] =	vst v1  }
0x12e: {  	v1 =	vld [tilespmem:s23+$0x1A0];
	_ =	sdelay $0x4  }
0x12f: {  	v1 =	vshra.s32 v1, v0  }
0x130: {  	v1 =	vshll.u32 v1, $0x18  }
0x131: {  	v1 =	vshra.s32 v1, $0x18  }
0x132: {  	v1 =	vcvt.s32.f32 v1;
	_ =	sdelay $0x1  }
0x133: {  	v1 =	vmul.f32 v1, v2  }
0x134: {  	s29 =	sor.u32 $0x60, s16  }
0x135: {  	[tilespmem:s29+$0xD500] =	vst v1  }
0x136: {  	v1 =	vld [tilespmem:s23+$0x1B0];
	_ =	sdelay $0x4  }
0x137: {  	v0 =	vshra.s32 v1, v0  }
0x138: {  	v0 =	vshll.u32 v0, $0x18  }
0x139: {  	p0 =	slt.u32 s13, $0x78;
	v0 =	vshra.s32 v0, $0x18  }
.Ltmp1:
0x13a: {  	v0 =	vcvt.s32.f32 v0;
	(pc) =	sbr.rel @p0 .LBB2_4-.Ltmp1, $4  }
0x13b: {  	_ = 	snop  }
0x13c: {  	v0 =	vmul.f32 v0, v2  }
0x13d: {  	s30 =	sor.u32 $0x70, s16;
	s13 =	sadd.s32 $0x8, s13  }
0x13e: {  	s16 =	sadd.s32 $0x200, s16;
	s24 =	sadd.s32 $0x200, s24;
	s23 =	sadd.s32 $0x400, s23;
	[tilespmem:s30+$0xD500] =	vst v0  }
0x13f: {  	s13 =	simm.s32 $0x0  }
0x140: {  	[hbm4b:s6+s13] =	stream.linear.scatter [tilespmem:s22], [sflag:$0x5], $0x2000, $0x38;
	[tilespmem:$0x11500] =	vst v63  }
0x141: {  	s7 =	simm.s32 $0x1D00  }
0x142: {  	[tilespmem:s14], [sflag:$0x1] =	stream.indirect.gather [hbm4b:s1+s12], $0x80, s7, s12, $0xb8;
	[tilespmem:$0x11500] =	vst v63  }
0x143: {  	s30 =	simm.s32 $0x100  }
0x144: {  	[tilespmem:s15], [sflag:$0x3] =	stream.indirect.gather [hbm4b:s2+s12], $0x1, s30, s12, $0xb8;
	[tilespmem:$0x11500] =	vst v63  }
0x145: {  	_ =	swait.ge [sflag:s25], $0x4000  }
0x146: {  	[sflag:s25] =	ssyncset.done $0x0  }
0x147: {  	[sflag:s25] =	ssyncadd.s32 $0xFFFFC000  }
0x148: {  	_ =	swait.ge [sflag:s26], $0x80  }
0x149: {  	s16 =	simm.s32 $0x1C0;
	[sflag:s26] =	ssyncset.done $0x0  }
0x14a: {  	s23 =	simm.s32 $0x9600;
	s24 =	simm.s32 $0xF600;
	[sflag:s26] =	ssyncadd.s32 $0xFFFFFF80  }
.LBB2_6:
0x14b: {  	v0 =	vmov s13  }
0x14c: {  	v1 =	vor.u32 $0x80, v0;
	_ =	sdelay $0x3  }
0x14d: {  	v2 =	vld [tilespmem:s23+$0xFFFFFE00]  }
0x14e: {  	v1 =	vld.idx.msk [tilespmem:v1+s21+$0x0], $0xffff;
	_ =	sdelay $0x4  }
0x14f: {  	v0 =	vld.idx.msk [tilespmem:v0+s18+$0x0], $0xffff;
	v2 =	vshra.s32 v2, v1  }
0x150: {  	v2 =	vshll.u32 v2, $0x18  }
0x151: {  	v2 =	vshra.s32 v2, $0x18  }
0x152: {  	v2 =	vcvt.s32.f32 v2;
	_ =	sdelay $0x1  }
0x153: {  	v2 =	vmul.f32 v2, v0;
	_ =	sdelay $0x1  }
0x154: {  	[tilespmem:s24+$0xFFFFFF00] =	vst v2  }
0x155: {  	v2 =	vld [tilespmem:s23+$0xFFFFFE10];
	_ =	sdelay $0x4  }
0x156: {  	v2 =	vshra.s32 v2, v1  }
0x157: {  	v2 =	vshll.u32 v2, $0x18  }
0x158: {  	v2 =	vshra.s32 v2, $0x18  }
0x159: {  	v2 =	vcvt.s32.f32 v2;
	_ =	sdelay $0x1  }
0x15a: {  	v2 =	vmul.f32 v2, v0;
	_ =	sdelay $0x1  }
0x15b: {  	[tilespmem:s24+$0xFFFFFF10] =	vst v2  }
0x15c: {  	v2 =	vld [tilespmem:s23+$0xFFFFFE20];
	_ =	sdelay $0x4  }
0x15d: {  	v2 =	vshra.s32 v2, v1  }
0x15e: {  	v2 =	vshll.u32 v2, $0x18  }
0x15f: {  	v2 =	vshra.s32 v2, $0x18  }
0x160: {  	v2 =	vcvt.s32.f32 v2;
	_ =	sdelay $0x1  }
0x161: {  	v2 =	vmul.f32 v2, v0;
	_ =	sdelay $0x1  }
0x162: {  	[tilespmem:s24+$0xFFFFFF20] =	vst v2  }
0x163: {  	v2 =	vld [tilespmem:s23+$0xFFFFFE30];
	_ =	sdelay $0x4  }
0x164: {  	v1 =	vshra.s32 v2, v1  }
0x165: {  	s7 =	sadd.s32 $0x1, s13;
	v1 =	vshll.u32 v1, $0x18  }
0x166: {  	v44 =	vmov s7;
	v1 =	vshra.s32 v1, $0x18  }
0x167: {  	v3 =	vor.u32 $0x80, v44;
	v1 =	vcvt.s32.f32 v1;
	_ =	sdelay $0x1  }
0x168: {  	v0 =	vmul.f32 v1, v0;
	_ =	sdelay $0x1  }
0x169: {  	[tilespmem:s24+$0xFFFFFF30] =	vst v0  }
0x16a: {  	v0 =	vld.idx.msk [tilespmem:v3+s21+$0x0], $0xffff  }
0x16b: {  	v45 =	vld [tilespmem:s23+$0xFFFFFE80];
	_ =	sdelay $0x4  }
0x16c: {  	v2 =	vld.idx.msk [tilespmem:v44+s18+$0x0], $0xffff;
	v1 =	vshra.s32 v45, v0  }
0x16d: {  	v1 =	vshll.u32 v1, $0x18  }
0x16e: {  	v1 =	vshra.s32 v1, $0x18  }
0x16f: {  	v1 =	vcvt.s32.f32 v1;
	_ =	sdelay $0x1  }
0x170: {  	v1 =	vmul.f32 v1, v2;
	_ =	sdelay $0x1  }
0x171: {  	[tilespmem:s24+$0xFFFFFF40] =	vst v1  }
0x172: {  	v1 =	vld [tilespmem:s23+$0xFFFFFE90];
	_ =	sdelay $0x4  }
0x173: {  	v1 =	vshra.s32 v1, v0  }
0x174: {  	v1 =	vshll.u32 v1, $0x18  }
0x175: {  	v1 =	vshra.s32 v1, $0x18  }
0x176: {  	v1 =	vcvt.s32.f32 v1;
	_ =	sdelay $0x1  }
0x177: {  	v1 =	vmul.f32 v1, v2;
	_ =	sdelay $0x1  }
0x178: {  	[tilespmem:s24+$0xFFFFFF50] =	vst v1  }
0x179: {  	v1 =	vld [tilespmem:s23+$0xFFFFFEA0];
	_ =	sdelay $0x4  }
0x17a: {  	v1 =	vshra.s32 v1, v0  }
0x17b: {  	v1 =	vshll.u32 v1, $0x18  }
0x17c: {  	v1 =	vshra.s32 v1, $0x18  }
0x17d: {  	v1 =	vcvt.s32.f32 v1;
	_ =	sdelay $0x1  }
0x17e: {  	v1 =	vmul.f32 v1, v2;
	_ =	sdelay $0x1  }
0x17f: {  	[tilespmem:s24+$0xFFFFFF60] =	vst v1  }
0x180: {  	v1 =	vld [tilespmem:s23+$0xFFFFFEB0];
	_ =	sdelay $0x4  }
0x181: {  	v0 =	vshra.s32 v1, v0  }
0x182: {  	s10 =	sadd.s32 $0x2, s13;
	v0 =	vshll.u32 v0, $0x18  }
0x183: {  	v46 =	vmov s10;
	v0 =	vshra.s32 v0, $0x18  }
0x184: {  	v47 =	vor.u32 $0x80, v46;
	v0 =	vcvt.s32.f32 v0;
	_ =	sdelay $0x1  }
0x185: {  	v0 =	vmul.f32 v0, v2;
	_ =	sdelay $0x1  }
0x186: {  	[tilespmem:s24+$0xFFFFFF70] =	vst v0  }
0x187: {  	v0 =	vld.idx.msk [tilespmem:v47+s21+$0x0], $0xffff  }
0x188: {  	v48 =	vld [tilespmem:s23+$0xFFFFFF00];
	_ =	sdelay $0x4  }
0x189: {  	v1 =	vld.idx.msk [tilespmem:v46+s18+$0x0], $0xffff;
	v2 =	vshra.s32 v48, v0  }
0x18a: {  	v2 =	vshll.u32 v2, $0x18  }
0x18b: {  	v2 =	vshra.s32 v2, $0x18  }
0x18c: {  	v2 =	vcvt.s32.f32 v2;
	_ =	sdelay $0x1  }
0x18d: {  	v2 =	vmul.f32 v2, v1;
	_ =	sdelay $0x1  }
0x18e: {  	[tilespmem:s24+$0xFFFFFF80] =	vst v2  }
0x18f: {  	v2 =	vld [tilespmem:s23+$0xFFFFFF10];
	_ =	sdelay $0x4  }
0x190: {  	v2 =	vshra.s32 v2, v0  }
0x191: {  	v2 =	vshll.u32 v2, $0x18  }
0x192: {  	v2 =	vshra.s32 v2, $0x18  }
0x193: {  	v2 =	vcvt.s32.f32 v2;
	_ =	sdelay $0x1  }
0x194: {  	v2 =	vmul.f32 v2, v1;
	_ =	sdelay $0x1  }
0x195: {  	[tilespmem:s24+$0xFFFFFF90] =	vst v2  }
0x196: {  	v2 =	vld [tilespmem:s23+$0xFFFFFF20];
	_ =	sdelay $0x4  }
0x197: {  	v2 =	vshra.s32 v2, v0  }
0x198: {  	v2 =	vshll.u32 v2, $0x18  }
0x199: {  	v2 =	vshra.s32 v2, $0x18  }
0x19a: {  	v2 =	vcvt.s32.f32 v2;
	_ =	sdelay $0x1  }
0x19b: {  	v2 =	vmul.f32 v2, v1;
	_ =	sdelay $0x1  }
0x19c: {  	[tilespmem:s24+$0xFFFFFFA0] =	vst v2  }
0x19d: {  	v2 =	vld [tilespmem:s23+$0xFFFFFF30];
	_ =	sdelay $0x4  }
0x19e: {  	v0 =	vshra.s32 v2, v0  }
0x19f: {  	s29 =	sadd.s32 $0x3, s13;
	v0 =	vshll.u32 v0, $0x18  }
0x1a0: {  	v49 =	vmov s29;
	v0 =	vshra.s32 v0, $0x18  }
0x1a1: {  	v50 =	vor.u32 $0x80, v49;
	v0 =	vcvt.s32.f32 v0;
	_ =	sdelay $0x1  }
0x1a2: {  	v0 =	vmul.f32 v0, v1;
	_ =	sdelay $0x1  }
0x1a3: {  	[tilespmem:s24+$0xFFFFFFB0] =	vst v0  }
0x1a4: {  	v0 =	vld.idx.msk [tilespmem:v50+s21+$0x0], $0xffff  }
0x1a5: {  	v51 =	vld [tilespmem:s23+$0xFFFFFF80];
	_ =	sdelay $0x4  }
0x1a6: {  	v2 =	vld.idx.msk [tilespmem:v49+s18+$0x0], $0xffff;
	v1 =	vshra.s32 v51, v0  }
0x1a7: {  	v1 =	vshll.u32 v1, $0x18  }
0x1a8: {  	v1 =	vshra.s32 v1, $0x18  }
0x1a9: {  	v1 =	vcvt.s32.f32 v1;
	_ =	sdelay $0x1  }
0x1aa: {  	v1 =	vmul.f32 v1, v2;
	_ =	sdelay $0x1  }
0x1ab: {  	[tilespmem:s24+$0xFFFFFFC0] =	vst v1  }
0x1ac: {  	v1 =	vld [tilespmem:s23+$0xFFFFFF90];
	_ =	sdelay $0x4  }
0x1ad: {  	v1 =	vshra.s32 v1, v0  }
0x1ae: {  	v1 =	vshll.u32 v1, $0x18  }
0x1af: {  	v1 =	vshra.s32 v1, $0x18  }
0x1b0: {  	v1 =	vcvt.s32.f32 v1;
	_ =	sdelay $0x1  }
0x1b1: {  	s30 =	sadd.s32 $0xFFFFFF00, s16;
	v1 =	vmul.f32 v1, v2  }
0x1b2: {  	s29 =	sor.u32 $0x50, s30  }
0x1b3: {  	[tilespmem:s29+$0xF500] =	vst v1  }
0x1b4: {  	v1 =	vld [tilespmem:s23+$0xFFFFFFA0];
	_ =	sdelay $0x4  }
0x1b5: {  	v1 =	vshra.s32 v1, v0  }
0x1b6: {  	v1 =	vshll.u32 v1, $0x18  }
0x1b7: {  	v1 =	vshra.s32 v1, $0x18  }
0x1b8: {  	v1 =	vcvt.s32.f32 v1;
	_ =	sdelay $0x1  }
0x1b9: {  	v1 =	vmul.f32 v1, v2  }
0x1ba: {  	s8 =	sor.u32 $0x60, s30  }
0x1bb: {  	[tilespmem:s8+$0xF500] =	vst v1  }
0x1bc: {  	v1 =	vld [tilespmem:s23+$0xFFFFFFB0];
	_ =	sdelay $0x4  }
0x1bd: {  	v0 =	vshra.s32 v1, v0  }
0x1be: {  	s10 =	sadd.s32 $0x4, s13;
	v0 =	vshll.u32 v0, $0x18  }
0x1bf: {  	v52 =	vmov s10;
	v0 =	vshra.s32 v0, $0x18  }
0x1c0: {  	v53 =	vor.u32 $0x80, v52;
	v0 =	vcvt.s32.f32 v0;
	_ =	sdelay $0x1  }
0x1c1: {  	v0 =	vmul.f32 v0, v2  }
0x1c2: {  	s7 =	sor.u32 $0x70, s30  }
0x1c3: {  	[tilespmem:s7+$0xF500] =	vst v0  }
0x1c4: {  	v0 =	vld.idx.msk [tilespmem:v53+s21+$0x0], $0xffff  }
0x1c5: {  	v54 =	vld [tilespmem:s23+$0x0];
	_ =	sdelay $0x4  }
0x1c6: {  	v1 =	vld.idx.msk [tilespmem:v52+s18+$0x0], $0xffff;
	v2 =	vshra.s32 v54, v0  }
0x1c7: {  	v2 =	vshll.u32 v2, $0x18  }
0x1c8: {  	v2 =	vshra.s32 v2, $0x18  }
0x1c9: {  	v2 =	vcvt.s32.f32 v2;
	_ =	sdelay $0x1  }
0x1ca: {  	v2 =	vmul.f32 v2, v1;
	_ =	sdelay $0x1  }
0x1cb: {  	[tilespmem:s24+$0x0] =	vst v2  }
0x1cc: {  	v2 =	vld [tilespmem:s23+$0x10];
	_ =	sdelay $0x4  }
0x1cd: {  	v2 =	vshra.s32 v2, v0  }
0x1ce: {  	v2 =	vshll.u32 v2, $0x18  }
0x1cf: {  	v2 =	vshra.s32 v2, $0x18  }
0x1d0: {  	v2 =	vcvt.s32.f32 v2;
	_ =	sdelay $0x1  }
0x1d1: {  	v2 =	vmul.f32 v2, v1;
	_ =	sdelay $0x1  }
0x1d2: {  	[tilespmem:s24+$0x10] =	vst v2  }
0x1d3: {  	v2 =	vld [tilespmem:s23+$0x20];
	_ =	sdelay $0x4  }
0x1d4: {  	v2 =	vshra.s32 v2, v0  }
0x1d5: {  	v2 =	vshll.u32 v2, $0x18  }
0x1d6: {  	v2 =	vshra.s32 v2, $0x18  }
0x1d7: {  	v2 =	vcvt.s32.f32 v2;
	_ =	sdelay $0x1  }
0x1d8: {  	v2 =	vmul.f32 v2, v1;
	_ =	sdelay $0x1  }
0x1d9: {  	[tilespmem:s24+$0x20] =	vst v2  }
0x1da: {  	v2 =	vld [tilespmem:s23+$0x30];
	_ =	sdelay $0x4  }
0x1db: {  	v0 =	vshra.s32 v2, v0  }
0x1dc: {  	s30 =	sadd.s32 $0x5, s13;
	v0 =	vshll.u32 v0, $0x18  }
0x1dd: {  	v55 =	vmov s30;
	v0 =	vshra.s32 v0, $0x18  }
0x1de: {  	v56 =	vor.u32 $0x80, v55;
	v0 =	vcvt.s32.f32 v0;
	_ =	sdelay $0x1  }
0x1df: {  	v0 =	vmul.f32 v0, v1;
	_ =	sdelay $0x1  }
0x1e0: {  	[tilespmem:s24+$0x30] =	vst v0  }
0x1e1: {  	v0 =	vld.idx.msk [tilespmem:v56+s21+$0x0], $0xffff  }
0x1e2: {  	v57 =	vld [tilespmem:s23+$0x80];
	_ =	sdelay $0x4  }
0x1e3: {  	v2 =	vld.idx.msk [tilespmem:v55+s18+$0x0], $0xffff;
	v1 =	vshra.s32 v57, v0  }
0x1e4: {  	v1 =	vshll.u32 v1, $0x18  }
0x1e5: {  	v1 =	vshra.s32 v1, $0x18  }
0x1e6: {  	v1 =	vcvt.s32.f32 v1;
	_ =	sdelay $0x1  }
0x1e7: {  	v1 =	vmul.f32 v1, v2;
	_ =	sdelay $0x1  }
0x1e8: {  	[tilespmem:s24+$0x40] =	vst v1  }
0x1e9: {  	v1 =	vld [tilespmem:s23+$0x90];
	_ =	sdelay $0x4  }
0x1ea: {  	v1 =	vshra.s32 v1, v0  }
0x1eb: {  	v1 =	vshll.u32 v1, $0x18  }
0x1ec: {  	v1 =	vshra.s32 v1, $0x18  }
0x1ed: {  	v1 =	vcvt.s32.f32 v1;
	_ =	sdelay $0x1  }
0x1ee: {  	s7 =	sadd.s32 $0xFFFFFF80, s16;
	v1 =	vmul.f32 v1, v2  }
0x1ef: {  	s8 =	sor.u32 $0x50, s7  }
0x1f0: {  	[tilespmem:s8+$0xF500] =	vst v1  }
0x1f1: {  	v1 =	vld [tilespmem:s23+$0xA0];
	_ =	sdelay $0x4  }
0x1f2: {  	v1 =	vshra.s32 v1, v0  }
0x1f3: {  	v1 =	vshll.u32 v1, $0x18  }
0x1f4: {  	v1 =	vshra.s32 v1, $0x18  }
0x1f5: {  	v1 =	vcvt.s32.f32 v1;
	_ =	sdelay $0x1  }
0x1f6: {  	v1 =	vmul.f32 v1, v2  }
0x1f7: {  	s10 =	sor.u32 $0x60, s7  }
0x1f8: {  	[tilespmem:s10+$0xF500] =	vst v1  }
0x1f9: {  	v1 =	vld [tilespmem:s23+$0xB0];
	_ =	sdelay $0x4  }
0x1fa: {  	v0 =	vshra.s32 v1, v0  }
0x1fb: {  	s30 =	sadd.s32 $0x6, s13;
	v0 =	vshll.u32 v0, $0x18  }
0x1fc: {  	v58 =	vmov s30;
	v0 =	vshra.s32 v0, $0x18  }
0x1fd: {  	v59 =	vor.u32 $0x80, v58;
	v0 =	vcvt.s32.f32 v0;
	_ =	sdelay $0x1  }
0x1fe: {  	v0 =	vmul.f32 v0, v2  }
0x1ff: {  	s7 =	sor.u32 $0x70, s7  }
0x200: {  	[tilespmem:s7+$0xF500] =	vst v0  }
0x201: {  	v0 =	vld.idx.msk [tilespmem:v59+s21+$0x0], $0xffff  }
0x202: {  	v60 =	vld [tilespmem:s23+$0x100];
	_ =	sdelay $0x4  }
0x203: {  	v1 =	vld.idx.msk [tilespmem:v58+s18+$0x0], $0xffff;
	v2 =	vshra.s32 v60, v0  }
0x204: {  	v2 =	vshll.u32 v2, $0x18  }
0x205: {  	v2 =	vshra.s32 v2, $0x18  }
0x206: {  	v2 =	vcvt.s32.f32 v2;
	_ =	sdelay $0x1  }
0x207: {  	v2 =	vmul.f32 v2, v1;
	_ =	sdelay $0x1  }
0x208: {  	[tilespmem:s24+$0x80] =	vst v2  }
0x209: {  	v2 =	vld [tilespmem:s23+$0x110];
	_ =	sdelay $0x4  }
0x20a: {  	v2 =	vshra.s32 v2, v0  }
0x20b: {  	v2 =	vshll.u32 v2, $0x18  }
0x20c: {  	v2 =	vshra.s32 v2, $0x18  }
0x20d: {  	v2 =	vcvt.s32.f32 v2;
	_ =	sdelay $0x1  }
0x20e: {  	v2 =	vmul.f32 v2, v1;
	_ =	sdelay $0x1  }
0x20f: {  	[tilespmem:s24+$0x90] =	vst v2  }
0x210: {  	v2 =	vld [tilespmem:s23+$0x120];
	_ =	sdelay $0x4  }
0x211: {  	v2 =	vshra.s32 v2, v0  }
0x212: {  	v2 =	vshll.u32 v2, $0x18  }
0x213: {  	v2 =	vshra.s32 v2, $0x18  }
0x214: {  	v2 =	vcvt.s32.f32 v2;
	_ =	sdelay $0x1  }
0x215: {  	v2 =	vmul.f32 v2, v1;
	_ =	sdelay $0x1  }
0x216: {  	[tilespmem:s24+$0xA0] =	vst v2  }
0x217: {  	v2 =	vld [tilespmem:s23+$0x130];
	_ =	sdelay $0x4  }
0x218: {  	v0 =	vshra.s32 v2, v0  }
0x219: {  	s8 =	sadd.s32 $0x7, s13;
	v0 =	vshll.u32 v0, $0x18  }
0x21a: {  	v61 =	vmov s8;
	v0 =	vshra.s32 v0, $0x18  }
0x21b: {  	v62 =	vor.u32 $0x80, v61;
	v0 =	vcvt.s32.f32 v0;
	_ =	sdelay $0x1  }
0x21c: {  	v0 =	vmul.f32 v0, v1;
	_ =	sdelay $0x1  }
0x21d: {  	[tilespmem:s24+$0xB0] =	vst v0  }
0x21e: {  	v0 =	vld.idx.msk [tilespmem:v62+s21+$0x0], $0xffff  }
0x21f: {  	v63 =	vld [tilespmem:s23+$0x180];
	_ =	sdelay $0x4  }
0x220: {  	v2 =	vld.idx.msk [tilespmem:v61+s18+$0x0], $0xffff;
	v1 =	vshra.s32 v63, v0  }
0x221: {  	v1 =	vshll.u32 v1, $0x18  }
0x222: {  	v1 =	vshra.s32 v1, $0x18  }
0x223: {  	v1 =	vcvt.s32.f32 v1;
	_ =	sdelay $0x1  }
0x224: {  	v1 =	vmul.f32 v1, v2;
	_ =	sdelay $0x1  }
0x225: {  	[tilespmem:s24+$0xC0] =	vst v1  }
0x226: {  	v1 =	vld [tilespmem:s23+$0x190];
	_ =	sdelay $0x4  }
0x227: {  	v1 =	vshra.s32 v1, v0  }
0x228: {  	v1 =	vshll.u32 v1, $0x18  }
0x229: {  	v1 =	vshra.s32 v1, $0x18  }
0x22a: {  	v1 =	vcvt.s32.f32 v1;
	_ =	sdelay $0x1  }
0x22b: {  	v1 =	vmul.f32 v1, v2  }
0x22c: {  	s10 =	sor.u32 $0x50, s16  }
0x22d: {  	[tilespmem:s10+$0xF500] =	vst v1  }
0x22e: {  	v1 =	vld [tilespmem:s23+$0x1A0];
	_ =	sdelay $0x4  }
0x22f: {  	v1 =	vshra.s32 v1, v0  }
0x230: {  	v1 =	vshll.u32 v1, $0x18  }
0x231: {  	v1 =	vshra.s32 v1, $0x18  }
0x232: {  	v1 =	vcvt.s32.f32 v1;
	_ =	sdelay $0x1  }
0x233: {  	v1 =	vmul.f32 v1, v2  }
0x234: {  	s29 =	sor.u32 $0x60, s16  }
0x235: {  	[tilespmem:s29+$0xF500] =	vst v1  }
0x236: {  	v1 =	vld [tilespmem:s23+$0x1B0];
	_ =	sdelay $0x4  }
0x237: {  	v0 =	vshra.s32 v1, v0  }
0x238: {  	v0 =	vshll.u32 v0, $0x18  }
0x239: {  	p0 =	slt.u32 s13, $0x78;
	v0 =	vshra.s32 v0, $0x18  }
.Ltmp2:
0x23a: {  	v0 =	vcvt.s32.f32 v0;
	(pc) =	sbr.rel @p0 .LBB2_6-.Ltmp2, $4  }
0x23b: {  	_ = 	snop  }
0x23c: {  	v0 =	vmul.f32 v0, v2  }
0x23d: {  	s30 =	sor.u32 $0x70, s16;
	s13 =	sadd.s32 $0x8, s13  }
0x23e: {  	s16 =	sadd.s32 $0x200, s16;
	s24 =	sadd.s32 $0x200, s24;
	s23 =	sadd.s32 $0x400, s23;
	[tilespmem:s30+$0xF500] =	vst v0  }
0x23f: {  	s7 =	rddreg [dreg:$0x6]  }
0x240: {  	[hbm4b:s7+s5] =	stream.linear.scatter [tilespmem:s28], [sflag:$0x6], $0x2000, $0x38;
	[tilespmem:$0x11500] =	vst v63  }
0x241: {  	s29 =	simm.s32 $0x1D80  }
0x242: {  	[tilespmem:s17], [sflag:$0x2] =	stream.indirect.gather [hbm4b:s1+s12], $0x80, s29, s12, $0xb8;
	[tilespmem:$0x11500] =	vst v63  }
0x243: {  	s30 =	simm.s32 $0x180;
	s13 =	simm.s32 $0x1  }
0x244: {  	[tilespmem:s18], [sflag:$0x4] =	stream.indirect.gather [hbm4b:s2+s12], $0x1, s30, s12, $0xb8;
	[tilespmem:$0x11500] =	vst v63  }
.LBB2_8:
0x245: {  	_ =	swait.ge [sflag:s19], $0x4000  }
0x246: {  	[sflag:s19] =	ssyncset.done $0x0  }
0x247: {  	[sflag:s19] =	ssyncadd.s32 $0xFFFFC000  }
0x248: {  	_ =	swait.ge [sflag:s20], $0x80  }
0x249: {  	[sflag:s20] =	ssyncset.done $0x0  }
0x24a: {  	[sflag:s20] =	ssyncadd.s32 $0xFFFFFF80  }
0x24b: {  	s16 =	sshll.u32 s13, $0x1;
	s7 =	sshll.u32 s13, $0x8;
	_ =	swait.ge [sflag:s31], $0x2000  }
0x24c: {  	s23 =	simm.s32 $0x0;
	s24 =	simm.s32 $0x1C0;
	[sflag:s31] =	ssyncset.done $0x0  }
0x24d: {  	s29 =	simm.s32 $0x5600;
	s30 =	simm.s32 $0xD600;
	v0 =	vmov s7;
	[sflag:s31] =	ssyncadd.s32 $0xFFFFE000  }
.LBB2_9:
0x24e: {  	v1 =	vor.u32 s23, v0;
	_ =	sdelay $0x3  }
0x24f: {  	v3 =	vld [tilespmem:s29+$0xFFFFFE00]  }
0x250: {  	v2 =	vmov s23;
	v1 =	vld.idx.msk [tilespmem:v1+s21+$0x0], $0xffff;
	_ =	sdelay $0x4  }
0x251: {  	v2 =	vld.idx.msk [tilespmem:v2+s15+$0x0], $0xffff;
	v3 =	vshra.s32 v3, v1  }
0x252: {  	v3 =	vshll.u32 v3, $0x18  }
0x253: {  	v3 =	vshra.s32 v3, $0x18  }
0x254: {  	v3 =	vcvt.s32.f32 v3;
	_ =	sdelay $0x1  }
0x255: {  	v3 =	vmul.f32 v3, v2;
	_ =	sdelay $0x1  }
0x256: {  	[tilespmem:s30+$0xFFFFFF00] =	vst v3  }
0x257: {  	v3 =	vld [tilespmem:s29+$0xFFFFFE10];
	_ =	sdelay $0x4  }
0x258: {  	v3 =	vshra.s32 v3, v1  }
0x259: {  	v3 =	vshll.u32 v3, $0x18  }
0x25a: {  	v3 =	vshra.s32 v3, $0x18  }
0x25b: {  	v3 =	vcvt.s32.f32 v3;
	_ =	sdelay $0x1  }
0x25c: {  	v3 =	vmul.f32 v3, v2;
	_ =	sdelay $0x1  }
0x25d: {  	[tilespmem:s30+$0xFFFFFF10] =	vst v3  }
0x25e: {  	v3 =	vld [tilespmem:s29+$0xFFFFFE20];
	_ =	sdelay $0x4  }
0x25f: {  	v3 =	vshra.s32 v3, v1  }
0x260: {  	v3 =	vshll.u32 v3, $0x18  }
0x261: {  	v3 =	vshra.s32 v3, $0x18  }
0x262: {  	v3 =	vcvt.s32.f32 v3;
	_ =	sdelay $0x1  }
0x263: {  	v3 =	vmul.f32 v3, v2;
	_ =	sdelay $0x1  }
0x264: {  	[tilespmem:s30+$0xFFFFFF20] =	vst v3  }
0x265: {  	v3 =	vld [tilespmem:s29+$0xFFFFFE30];
	_ =	sdelay $0x4  }
0x266: {  	v1 =	vshra.s32 v3, v1  }
0x267: {  	v1 =	vshll.u32 v1, $0x18  }
0x268: {  	s7 =	sadd.s32 $0x1, s23;
	v1 =	vshra.s32 v1, $0x18  }
0x269: {  	v3 =	vor.u32 s7, v0;
	v1 =	vcvt.s32.f32 v1;
	_ =	sdelay $0x1  }
0x26a: {  	v1 =	vmul.f32 v1, v2;
	_ =	sdelay $0x1  }
0x26b: {  	[tilespmem:s30+$0xFFFFFF30] =	vst v1  }
0x26c: {  	v1 =	vld.idx.msk [tilespmem:v3+s21+$0x0], $0xffff  }
0x26d: {  	v2 =	vmov s7;
	v3 =	vld [tilespmem:s29+$0xFFFFFE80];
	_ =	sdelay $0x4  }
0x26e: {  	v2 =	vld.idx.msk [tilespmem:v2+s15+$0x0], $0xffff;
	v3 =	vshra.s32 v3, v1  }
0x26f: {  	v3 =	vshll.u32 v3, $0x18  }
0x270: {  	v3 =	vshra.s32 v3, $0x18  }
0x271: {  	v3 =	vcvt.s32.f32 v3;
	_ =	sdelay $0x1  }
0x272: {  	v3 =	vmul.f32 v3, v2;
	_ =	sdelay $0x1  }
0x273: {  	[tilespmem:s30+$0xFFFFFF40] =	vst v3  }
0x274: {  	v3 =	vld [tilespmem:s29+$0xFFFFFE90];
	_ =	sdelay $0x4  }
0x275: {  	v3 =	vshra.s32 v3, v1  }
0x276: {  	v3 =	vshll.u32 v3, $0x18  }
0x277: {  	v3 =	vshra.s32 v3, $0x18  }
0x278: {  	v3 =	vcvt.s32.f32 v3;
	_ =	sdelay $0x1  }
0x279: {  	v3 =	vmul.f32 v3, v2;
	_ =	sdelay $0x1  }
0x27a: {  	[tilespmem:s30+$0xFFFFFF50] =	vst v3  }
0x27b: {  	v3 =	vld [tilespmem:s29+$0xFFFFFEA0];
	_ =	sdelay $0x4  }
0x27c: {  	v3 =	vshra.s32 v3, v1  }
0x27d: {  	v3 =	vshll.u32 v3, $0x18  }
0x27e: {  	v3 =	vshra.s32 v3, $0x18  }
0x27f: {  	v3 =	vcvt.s32.f32 v3;
	_ =	sdelay $0x1  }
0x280: {  	v3 =	vmul.f32 v3, v2;
	_ =	sdelay $0x1  }
0x281: {  	[tilespmem:s30+$0xFFFFFF60] =	vst v3  }
0x282: {  	v3 =	vld [tilespmem:s29+$0xFFFFFEB0];
	_ =	sdelay $0x4  }
0x283: {  	v1 =	vshra.s32 v3, v1  }
0x284: {  	v1 =	vshll.u32 v1, $0x18  }
0x285: {  	s10 =	sadd.s32 $0x2, s23;
	v1 =	vshra.s32 v1, $0x18  }
0x286: {  	v3 =	vor.u32 s10, v0;
	v1 =	vcvt.s32.f32 v1;
	_ =	sdelay $0x1  }
0x287: {  	v1 =	vmul.f32 v1, v2;
	_ =	sdelay $0x1  }
0x288: {  	[tilespmem:s30+$0xFFFFFF70] =	vst v1  }
0x289: {  	v1 =	vld.idx.msk [tilespmem:v3+s21+$0x0], $0xffff  }
0x28a: {  	v2 =	vmov s10;
	v3 =	vld [tilespmem:s29+$0xFFFFFF00];
	_ =	sdelay $0x4  }
0x28b: {  	v2 =	vld.idx.msk [tilespmem:v2+s15+$0x0], $0xffff;
	v3 =	vshra.s32 v3, v1  }
0x28c: {  	v3 =	vshll.u32 v3, $0x18  }
0x28d: {  	v3 =	vshra.s32 v3, $0x18  }
0x28e: {  	v3 =	vcvt.s32.f32 v3;
	_ =	sdelay $0x1  }
0x28f: {  	v3 =	vmul.f32 v3, v2;
	_ =	sdelay $0x1  }
0x290: {  	[tilespmem:s30+$0xFFFFFF80] =	vst v3  }
0x291: {  	v3 =	vld [tilespmem:s29+$0xFFFFFF10];
	_ =	sdelay $0x4  }
0x292: {  	v3 =	vshra.s32 v3, v1  }
0x293: {  	v3 =	vshll.u32 v3, $0x18  }
0x294: {  	v3 =	vshra.s32 v3, $0x18  }
0x295: {  	v3 =	vcvt.s32.f32 v3;
	_ =	sdelay $0x1  }
0x296: {  	v3 =	vmul.f32 v3, v2;
	_ =	sdelay $0x1  }
0x297: {  	[tilespmem:s30+$0xFFFFFF90] =	vst v3  }
0x298: {  	v3 =	vld [tilespmem:s29+$0xFFFFFF20];
	_ =	sdelay $0x4  }
0x299: {  	v3 =	vshra.s32 v3, v1  }
0x29a: {  	v3 =	vshll.u32 v3, $0x18  }
0x29b: {  	v3 =	vshra.s32 v3, $0x18  }
0x29c: {  	v3 =	vcvt.s32.f32 v3;
	_ =	sdelay $0x1  }
0x29d: {  	v3 =	vmul.f32 v3, v2;
	_ =	sdelay $0x1  }
0x29e: {  	[tilespmem:s30+$0xFFFFFFA0] =	vst v3  }
0x29f: {  	v3 =	vld [tilespmem:s29+$0xFFFFFF30];
	_ =	sdelay $0x4  }
0x2a0: {  	v1 =	vshra.s32 v3, v1  }
0x2a1: {  	v1 =	vshll.u32 v1, $0x18  }
0x2a2: {  	s8 =	sadd.s32 $0x3, s23;
	v1 =	vshra.s32 v1, $0x18  }
0x2a3: {  	v3 =	vor.u32 s8, v0;
	v1 =	vcvt.s32.f32 v1;
	_ =	sdelay $0x1  }
0x2a4: {  	v1 =	vmul.f32 v1, v2;
	_ =	sdelay $0x1  }
0x2a5: {  	[tilespmem:s30+$0xFFFFFFB0] =	vst v1  }
0x2a6: {  	v1 =	vld.idx.msk [tilespmem:v3+s21+$0x0], $0xffff  }
0x2a7: {  	v2 =	vmov s8;
	v3 =	vld [tilespmem:s29+$0xFFFFFF80];
	_ =	sdelay $0x4  }
0x2a8: {  	v2 =	vld.idx.msk [tilespmem:v2+s15+$0x0], $0xffff;
	v3 =	vshra.s32 v3, v1  }
0x2a9: {  	v3 =	vshll.u32 v3, $0x18  }
0x2aa: {  	v3 =	vshra.s32 v3, $0x18  }
0x2ab: {  	v3 =	vcvt.s32.f32 v3;
	_ =	sdelay $0x1  }
0x2ac: {  	v3 =	vmul.f32 v3, v2;
	_ =	sdelay $0x1  }
0x2ad: {  	[tilespmem:s30+$0xFFFFFFC0] =	vst v3  }
0x2ae: {  	v3 =	vld [tilespmem:s29+$0xFFFFFF90];
	_ =	sdelay $0x4  }
0x2af: {  	v3 =	vshra.s32 v3, v1  }
0x2b0: {  	v3 =	vshll.u32 v3, $0x18  }
0x2b1: {  	v3 =	vshra.s32 v3, $0x18  }
0x2b2: {  	v3 =	vcvt.s32.f32 v3;
	_ =	sdelay $0x1  }
0x2b3: {  	s7 =	sadd.s32 $0xFFFFFF00, s24;
	v3 =	vmul.f32 v3, v2  }
0x2b4: {  	s8 =	sor.u32 $0x50, s7  }
0x2b5: {  	[tilespmem:s8+$0xD500] =	vst v3  }
0x2b6: {  	v3 =	vld [tilespmem:s29+$0xFFFFFFA0];
	_ =	sdelay $0x4  }
0x2b7: {  	v3 =	vshra.s32 v3, v1  }
0x2b8: {  	v3 =	vshll.u32 v3, $0x18  }
0x2b9: {  	v3 =	vshra.s32 v3, $0x18  }
0x2ba: {  	v3 =	vcvt.s32.f32 v3;
	_ =	sdelay $0x1  }
0x2bb: {  	v3 =	vmul.f32 v3, v2  }
0x2bc: {  	s10 =	sor.u32 $0x60, s7  }
0x2bd: {  	[tilespmem:s10+$0xD500] =	vst v3  }
0x2be: {  	v3 =	vld [tilespmem:s29+$0xFFFFFFB0];
	_ =	sdelay $0x4  }
0x2bf: {  	v1 =	vshra.s32 v3, v1  }
0x2c0: {  	v1 =	vshll.u32 v1, $0x18  }
0x2c1: {  	s10 =	sadd.s32 $0x4, s23;
	v1 =	vshra.s32 v1, $0x18  }
0x2c2: {  	v3 =	vor.u32 s10, v0;
	v1 =	vcvt.s32.f32 v1;
	_ =	sdelay $0x1  }
0x2c3: {  	v1 =	vmul.f32 v1, v2  }
0x2c4: {  	s7 =	sor.u32 $0x70, s7  }
0x2c5: {  	[tilespmem:s7+$0xD500] =	vst v1  }
0x2c6: {  	v1 =	vld.idx.msk [tilespmem:v3+s21+$0x0], $0xffff  }
0x2c7: {  	v2 =	vmov s10;
	v3 =	vld [tilespmem:s29+$0x0];
	_ =	sdelay $0x4  }
0x2c8: {  	v2 =	vld.idx.msk [tilespmem:v2+s15+$0x0], $0xffff;
	v3 =	vshra.s32 v3, v1  }
0x2c9: {  	v3 =	vshll.u32 v3, $0x18  }
0x2ca: {  	v3 =	vshra.s32 v3, $0x18  }
0x2cb: {  	v3 =	vcvt.s32.f32 v3;
	_ =	sdelay $0x1  }
0x2cc: {  	v3 =	vmul.f32 v3, v2;
	_ =	sdelay $0x1  }
0x2cd: {  	[tilespmem:s30+$0x0] =	vst v3  }
0x2ce: {  	v3 =	vld [tilespmem:s29+$0x10];
	_ =	sdelay $0x4  }
0x2cf: {  	v3 =	vshra.s32 v3, v1  }
0x2d0: {  	v3 =	vshll.u32 v3, $0x18  }
0x2d1: {  	v3 =	vshra.s32 v3, $0x18  }
0x2d2: {  	v3 =	vcvt.s32.f32 v3;
	_ =	sdelay $0x1  }
0x2d3: {  	v3 =	vmul.f32 v3, v2;
	_ =	sdelay $0x1  }
0x2d4: {  	[tilespmem:s30+$0x10] =	vst v3  }
0x2d5: {  	v3 =	vld [tilespmem:s29+$0x20];
	_ =	sdelay $0x4  }
0x2d6: {  	v3 =	vshra.s32 v3, v1  }
0x2d7: {  	v3 =	vshll.u32 v3, $0x18  }
0x2d8: {  	v3 =	vshra.s32 v3, $0x18  }
0x2d9: {  	v3 =	vcvt.s32.f32 v3;
	_ =	sdelay $0x1  }
0x2da: {  	v3 =	vmul.f32 v3, v2;
	_ =	sdelay $0x1  }
0x2db: {  	[tilespmem:s30+$0x20] =	vst v3  }
0x2dc: {  	v3 =	vld [tilespmem:s29+$0x30];
	_ =	sdelay $0x4  }
0x2dd: {  	v1 =	vshra.s32 v3, v1  }
0x2de: {  	v1 =	vshll.u32 v1, $0x18  }
0x2df: {  	s8 =	sadd.s32 $0x5, s23;
	v1 =	vshra.s32 v1, $0x18  }
0x2e0: {  	v3 =	vor.u32 s8, v0;
	v1 =	vcvt.s32.f32 v1;
	_ =	sdelay $0x1  }
0x2e1: {  	v1 =	vmul.f32 v1, v2;
	_ =	sdelay $0x1  }
0x2e2: {  	[tilespmem:s30+$0x30] =	vst v1  }
0x2e3: {  	v1 =	vld.idx.msk [tilespmem:v3+s21+$0x0], $0xffff  }
0x2e4: {  	v2 =	vmov s8;
	v3 =	vld [tilespmem:s29+$0x80];
	_ =	sdelay $0x4  }
0x2e5: {  	v2 =	vld.idx.msk [tilespmem:v2+s15+$0x0], $0xffff;
	v3 =	vshra.s32 v3, v1  }
0x2e6: {  	v3 =	vshll.u32 v3, $0x18  }
0x2e7: {  	v3 =	vshra.s32 v3, $0x18  }
0x2e8: {  	v3 =	vcvt.s32.f32 v3;
	_ =	sdelay $0x1  }
0x2e9: {  	v3 =	vmul.f32 v3, v2;
	_ =	sdelay $0x1  }
0x2ea: {  	[tilespmem:s30+$0x40] =	vst v3  }
0x2eb: {  	v3 =	vld [tilespmem:s29+$0x90];
	_ =	sdelay $0x4  }
0x2ec: {  	v3 =	vshra.s32 v3, v1  }
0x2ed: {  	v3 =	vshll.u32 v3, $0x18  }
0x2ee: {  	v3 =	vshra.s32 v3, $0x18  }
0x2ef: {  	v3 =	vcvt.s32.f32 v3;
	_ =	sdelay $0x1  }
0x2f0: {  	s7 =	sadd.s32 $0xFFFFFF80, s24;
	v3 =	vmul.f32 v3, v2  }
0x2f1: {  	s10 =	sor.u32 $0x50, s7  }
0x2f2: {  	[tilespmem:s10+$0xD500] =	vst v3  }
0x2f3: {  	v3 =	vld [tilespmem:s29+$0xA0];
	_ =	sdelay $0x4  }
0x2f4: {  	v3 =	vshra.s32 v3, v1  }
0x2f5: {  	v3 =	vshll.u32 v3, $0x18  }
0x2f6: {  	v3 =	vshra.s32 v3, $0x18  }
0x2f7: {  	v3 =	vcvt.s32.f32 v3;
	_ =	sdelay $0x1  }
0x2f8: {  	v3 =	vmul.f32 v3, v2  }
0x2f9: {  	s10 =	sor.u32 $0x60, s7  }
0x2fa: {  	[tilespmem:s10+$0xD500] =	vst v3  }
0x2fb: {  	v3 =	vld [tilespmem:s29+$0xB0];
	_ =	sdelay $0x4  }
0x2fc: {  	v1 =	vshra.s32 v3, v1  }
0x2fd: {  	v1 =	vshll.u32 v1, $0x18  }
0x2fe: {  	s10 =	sadd.s32 $0x6, s23;
	v1 =	vshra.s32 v1, $0x18  }
0x2ff: {  	v3 =	vor.u32 s10, v0;
	v1 =	vcvt.s32.f32 v1;
	_ =	sdelay $0x1  }
0x300: {  	v1 =	vmul.f32 v1, v2  }
0x301: {  	s7 =	sor.u32 $0x70, s7  }
0x302: {  	[tilespmem:s7+$0xD500] =	vst v1  }
0x303: {  	v1 =	vld.idx.msk [tilespmem:v3+s21+$0x0], $0xffff  }
0x304: {  	v2 =	vmov s10;
	v3 =	vld [tilespmem:s29+$0x100];
	_ =	sdelay $0x4  }
0x305: {  	v2 =	vld.idx.msk [tilespmem:v2+s15+$0x0], $0xffff;
	v3 =	vshra.s32 v3, v1  }
0x306: {  	v3 =	vshll.u32 v3, $0x18  }
0x307: {  	v3 =	vshra.s32 v3, $0x18  }
0x308: {  	v3 =	vcvt.s32.f32 v3;
	_ =	sdelay $0x1  }
0x309: {  	v3 =	vmul.f32 v3, v2;
	_ =	sdelay $0x1  }
0x30a: {  	[tilespmem:s30+$0x80] =	vst v3  }
0x30b: {  	v3 =	vld [tilespmem:s29+$0x110];
	_ =	sdelay $0x4  }
0x30c: {  	v3 =	vshra.s32 v3, v1  }
0x30d: {  	v3 =	vshll.u32 v3, $0x18  }
0x30e: {  	v3 =	vshra.s32 v3, $0x18  }
0x30f: {  	v3 =	vcvt.s32.f32 v3;
	_ =	sdelay $0x1  }
0x310: {  	v3 =	vmul.f32 v3, v2;
	_ =	sdelay $0x1  }
0x311: {  	[tilespmem:s30+$0x90] =	vst v3  }
0x312: {  	v3 =	vld [tilespmem:s29+$0x120];
	_ =	sdelay $0x4  }
0x313: {  	v3 =	vshra.s32 v3, v1  }
0x314: {  	v3 =	vshll.u32 v3, $0x18  }
0x315: {  	v3 =	vshra.s32 v3, $0x18  }
0x316: {  	v3 =	vcvt.s32.f32 v3;
	_ =	sdelay $0x1  }
0x317: {  	v3 =	vmul.f32 v3, v2;
	_ =	sdelay $0x1  }
0x318: {  	[tilespmem:s30+$0xA0] =	vst v3  }
0x319: {  	v3 =	vld [tilespmem:s29+$0x130];
	_ =	sdelay $0x4  }
0x31a: {  	v1 =	vshra.s32 v3, v1  }
0x31b: {  	v1 =	vshll.u32 v1, $0x18  }
0x31c: {  	s8 =	sadd.s32 $0x7, s23;
	v1 =	vshra.s32 v1, $0x18  }
0x31d: {  	v3 =	vor.u32 s8, v0;
	v1 =	vcvt.s32.f32 v1;
	_ =	sdelay $0x1  }
0x31e: {  	v1 =	vmul.f32 v1, v2;
	_ =	sdelay $0x1  }
0x31f: {  	[tilespmem:s30+$0xB0] =	vst v1  }
0x320: {  	v1 =	vld.idx.msk [tilespmem:v3+s21+$0x0], $0xffff  }
0x321: {  	v2 =	vmov s8;
	v3 =	vld [tilespmem:s29+$0x180];
	_ =	sdelay $0x4  }
0x322: {  	v2 =	vld.idx.msk [tilespmem:v2+s15+$0x0], $0xffff;
	v3 =	vshra.s32 v3, v1  }
0x323: {  	v3 =	vshll.u32 v3, $0x18  }
0x324: {  	v3 =	vshra.s32 v3, $0x18  }
0x325: {  	v3 =	vcvt.s32.f32 v3;
	_ =	sdelay $0x1  }
0x326: {  	v3 =	vmul.f32 v3, v2;
	_ =	sdelay $0x1  }
0x327: {  	[tilespmem:s30+$0xC0] =	vst v3  }
0x328: {  	v3 =	vld [tilespmem:s29+$0x190];
	_ =	sdelay $0x4  }
0x329: {  	v3 =	vshra.s32 v3, v1  }
0x32a: {  	v3 =	vshll.u32 v3, $0x18  }
0x32b: {  	v3 =	vshra.s32 v3, $0x18  }
0x32c: {  	v3 =	vcvt.s32.f32 v3;
	_ =	sdelay $0x1  }
0x32d: {  	v3 =	vmul.f32 v3, v2  }
0x32e: {  	s10 =	sor.u32 $0x50, s24  }
0x32f: {  	[tilespmem:s10+$0xD500] =	vst v3  }
0x330: {  	v3 =	vld [tilespmem:s29+$0x1A0];
	_ =	sdelay $0x4  }
0x331: {  	v3 =	vshra.s32 v3, v1  }
0x332: {  	v3 =	vshll.u32 v3, $0x18  }
0x333: {  	v3 =	vshra.s32 v3, $0x18  }
0x334: {  	v3 =	vcvt.s32.f32 v3;
	_ =	sdelay $0x1  }
0x335: {  	v3 =	vmul.f32 v3, v2  }
0x336: {  	s8 =	sor.u32 $0x60, s24  }
0x337: {  	[tilespmem:s8+$0xD500] =	vst v3  }
0x338: {  	v3 =	vld [tilespmem:s29+$0x1B0];
	_ =	sdelay $0x4  }
0x339: {  	v1 =	vshra.s32 v3, v1  }
0x33a: {  	v1 =	vshll.u32 v1, $0x18  }
0x33b: {  	p0 =	slt.u32 s23, $0x78;
	v1 =	vshra.s32 v1, $0x18  }
.Ltmp3:
0x33c: {  	v1 =	vcvt.s32.f32 v1;
	(pc) =	sbr.rel @p0 .LBB2_9-.Ltmp3, $4  }
0x33d: {  	_ = 	snop  }
0x33e: {  	v1 =	vmul.f32 v1, v2  }
0x33f: {  	s23 =	sadd.s32 $0x8, s23;
	s10 =	sor.u32 $0x70, s24  }
0x340: {  	s30 =	sadd.s32 $0x200, s30;
	s24 =	sadd.s32 $0x200, s24;
	s29 =	sadd.s32 $0x400, s29;
	[tilespmem:s10+$0xD500] =	vst v1  }
0x341: {  	s7 =	sshll.u32 s13, $0xE  }
0x342: {  	s7 =	sadd.s32 s9, s7  }
0x343: {  	s7 =	sshrl.u32 s7, $0x3  }
0x344: {  	s23 =	simm.s32 $0x0;
	s8 =	sadd.s32 $0x2, s16;
	s7 =	sadd.s32 s4, s7  }
0x345: {  	[hbm4b:s7+s23] =	stream.linear.scatter [tilespmem:s22], [sflag:$0x5], $0x2000, $0x38;
	[tilespmem:$0x11500] =	vst v63  }
0x346: {  	p0 =	seq.s32 s8, $0x32;
	s7 =	sshll.u32 s8, $0x7  }
0x347: {  	s7 =	simm.s32 @p0 $0x0  }
0x348: {  	s8 =	sadd.s32 $0x1C00, s7  }
0x349: {  	[tilespmem:s14], [sflag:$0x1] =	stream.indirect.gather [hbm4b:s1+s12], $0x80, s8, s12, $0xb8;
	[tilespmem:$0x11500] =	vst v63  }
0x34a: {  	_ = 	snop  }
0x34b: {  	[tilespmem:s15], [sflag:$0x3] =	stream.indirect.gather [hbm4b:s2+s12], $0x1, s7, s12, $0xb8;
	[tilespmem:$0x11500] =	vst v63  }
0x34c: {  	_ =	swait.ge [sflag:s25], $0x4000  }
0x34d: {  	[sflag:s25] =	ssyncset.done $0x0  }
0x34e: {  	[sflag:s25] =	ssyncadd.s32 $0xFFFFC000  }
0x34f: {  	_ =	swait.ge [sflag:s26], $0x80  }
0x350: {  	[sflag:s26] =	ssyncset.done $0x0  }
0x351: {  	[sflag:s26] =	ssyncadd.s32 $0xFFFFFF80  }
0x352: {  	s24 =	sor.u32 $0x1, s16;
	_ =	swait.ge [sflag:s3], $0x2000  }
0x353: {  	s29 =	simm.s32 $0x1C0;
	s10 =	sshll.u32 s24, $0x7;
	[sflag:s3] =	ssyncset.done $0x0  }
0x354: {  	s30 =	simm.s32 $0x9600;
	v0 =	vmov s10;
	s7 =	simm.s32 $0xF600;
	[sflag:s3] =	ssyncadd.s32 $0xFFFFE000  }
.LBB2_11:
0x355: {  	v1 =	vor.u32 s23, v0;
	_ =	sdelay $0x3  }
0x356: {  	v3 =	vld [tilespmem:s30+$0xFFFFFE00]  }
0x357: {  	v2 =	vmov s23;
	v1 =	vld.idx.msk [tilespmem:v1+s21+$0x0], $0xffff;
	_ =	sdelay $0x4  }
0x358: {  	v2 =	vld.idx.msk [tilespmem:v2+s18+$0x0], $0xffff;
	v3 =	vshra.s32 v3, v1  }
0x359: {  	v3 =	vshll.u32 v3, $0x18  }
0x35a: {  	v3 =	vshra.s32 v3, $0x18  }
0x35b: {  	v3 =	vcvt.s32.f32 v3;
	_ =	sdelay $0x1  }
0x35c: {  	v3 =	vmul.f32 v3, v2;
	_ =	sdelay $0x1  }
0x35d: {  	[tilespmem:s7+$0xFFFFFF00] =	vst v3  }
0x35e: {  	v3 =	vld [tilespmem:s30+$0xFFFFFE10];
	_ =	sdelay $0x4  }
0x35f: {  	v3 =	vshra.s32 v3, v1  }
0x360: {  	v3 =	vshll.u32 v3, $0x18  }
0x361: {  	v3 =	vshra.s32 v3, $0x18  }
0x362: {  	v3 =	vcvt.s32.f32 v3;
	_ =	sdelay $0x1  }
0x363: {  	v3 =	vmul.f32 v3, v2;
	_ =	sdelay $0x1  }
0x364: {  	[tilespmem:s7+$0xFFFFFF10] =	vst v3  }
0x365: {  	v3 =	vld [tilespmem:s30+$0xFFFFFE20];
	_ =	sdelay $0x4  }
0x366: {  	v3 =	vshra.s32 v3, v1  }
0x367: {  	v3 =	vshll.u32 v3, $0x18  }
0x368: {  	v3 =	vshra.s32 v3, $0x18  }
0x369: {  	v3 =	vcvt.s32.f32 v3;
	_ =	sdelay $0x1  }
0x36a: {  	v3 =	vmul.f32 v3, v2;
	_ =	sdelay $0x1  }
0x36b: {  	[tilespmem:s7+$0xFFFFFF20] =	vst v3  }
0x36c: {  	v3 =	vld [tilespmem:s30+$0xFFFFFE30];
	_ =	sdelay $0x4  }
0x36d: {  	v1 =	vshra.s32 v3, v1  }
0x36e: {  	v1 =	vshll.u32 v1, $0x18  }
0x36f: {  	s8 =	sadd.s32 $0x1, s23;
	v1 =	vshra.s32 v1, $0x18  }
0x370: {  	v3 =	vor.u32 s8, v0;
	v1 =	vcvt.s32.f32 v1;
	_ =	sdelay $0x1  }
0x371: {  	v1 =	vmul.f32 v1, v2;
	_ =	sdelay $0x1  }
0x372: {  	[tilespmem:s7+$0xFFFFFF30] =	vst v1  }
0x373: {  	v1 =	vld.idx.msk [tilespmem:v3+s21+$0x0], $0xffff  }
0x374: {  	v2 =	vmov s8;
	v3 =	vld [tilespmem:s30+$0xFFFFFE80];
	_ =	sdelay $0x4  }
0x375: {  	v2 =	vld.idx.msk [tilespmem:v2+s18+$0x0], $0xffff;
	v3 =	vshra.s32 v3, v1  }
0x376: {  	v3 =	vshll.u32 v3, $0x18  }
0x377: {  	v3 =	vshra.s32 v3, $0x18  }
0x378: {  	v3 =	vcvt.s32.f32 v3;
	_ =	sdelay $0x1  }
0x379: {  	v3 =	vmul.f32 v3, v2;
	_ =	sdelay $0x1  }
0x37a: {  	[tilespmem:s7+$0xFFFFFF40] =	vst v3  }
0x37b: {  	v3 =	vld [tilespmem:s30+$0xFFFFFE90];
	_ =	sdelay $0x4  }
0x37c: {  	v3 =	vshra.s32 v3, v1  }
0x37d: {  	v3 =	vshll.u32 v3, $0x18  }
0x37e: {  	v3 =	vshra.s32 v3, $0x18  }
0x37f: {  	v3 =	vcvt.s32.f32 v3;
	_ =	sdelay $0x1  }
0x380: {  	v3 =	vmul.f32 v3, v2;
	_ =	sdelay $0x1  }
0x381: {  	[tilespmem:s7+$0xFFFFFF50] =	vst v3  }
0x382: {  	v3 =	vld [tilespmem:s30+$0xFFFFFEA0];
	_ =	sdelay $0x4  }
0x383: {  	v3 =	vshra.s32 v3, v1  }
0x384: {  	v3 =	vshll.u32 v3, $0x18  }
0x385: {  	v3 =	vshra.s32 v3, $0x18  }
0x386: {  	v3 =	vcvt.s32.f32 v3;
	_ =	sdelay $0x1  }
0x387: {  	v3 =	vmul.f32 v3, v2;
	_ =	sdelay $0x1  }
0x388: {  	[tilespmem:s7+$0xFFFFFF60] =	vst v3  }
0x389: {  	v3 =	vld [tilespmem:s30+$0xFFFFFEB0];
	_ =	sdelay $0x4  }
0x38a: {  	v1 =	vshra.s32 v3, v1  }
0x38b: {  	v1 =	vshll.u32 v1, $0x18  }
0x38c: {  	s10 =	sadd.s32 $0x2, s23;
	v1 =	vshra.s32 v1, $0x18  }
0x38d: {  	v3 =	vor.u32 s10, v0;
	v1 =	vcvt.s32.f32 v1;
	_ =	sdelay $0x1  }
0x38e: {  	v1 =	vmul.f32 v1, v2;
	_ =	sdelay $0x1  }
0x38f: {  	[tilespmem:s7+$0xFFFFFF70] =	vst v1  }
0x390: {  	v1 =	vld.idx.msk [tilespmem:v3+s21+$0x0], $0xffff  }
0x391: {  	v2 =	vmov s10;
	v3 =	vld [tilespmem:s30+$0xFFFFFF00];
	_ =	sdelay $0x4  }
0x392: {  	v2 =	vld.idx.msk [tilespmem:v2+s18+$0x0], $0xffff;
	v3 =	vshra.s32 v3, v1  }
0x393: {  	v3 =	vshll.u32 v3, $0x18  }
0x394: {  	v3 =	vshra.s32 v3, $0x18  }
0x395: {  	v3 =	vcvt.s32.f32 v3;
	_ =	sdelay $0x1  }
0x396: {  	v3 =	vmul.f32 v3, v2;
	_ =	sdelay $0x1  }
0x397: {  	[tilespmem:s7+$0xFFFFFF80] =	vst v3  }
0x398: {  	v3 =	vld [tilespmem:s30+$0xFFFFFF10];
	_ =	sdelay $0x4  }
0x399: {  	v3 =	vshra.s32 v3, v1  }
0x39a: {  	v3 =	vshll.u32 v3, $0x18  }
0x39b: {  	v3 =	vshra.s32 v3, $0x18  }
0x39c: {  	v3 =	vcvt.s32.f32 v3;
	_ =	sdelay $0x1  }
0x39d: {  	v3 =	vmul.f32 v3, v2;
	_ =	sdelay $0x1  }
0x39e: {  	[tilespmem:s7+$0xFFFFFF90] =	vst v3  }
0x39f: {  	v3 =	vld [tilespmem:s30+$0xFFFFFF20];
	_ =	sdelay $0x4  }
0x3a0: {  	v3 =	vshra.s32 v3, v1  }
0x3a1: {  	v3 =	vshll.u32 v3, $0x18  }
0x3a2: {  	v3 =	vshra.s32 v3, $0x18  }
0x3a3: {  	v3 =	vcvt.s32.f32 v3;
	_ =	sdelay $0x1  }
0x3a4: {  	v3 =	vmul.f32 v3, v2;
	_ =	sdelay $0x1  }
0x3a5: {  	[tilespmem:s7+$0xFFFFFFA0] =	vst v3  }
0x3a6: {  	v3 =	vld [tilespmem:s30+$0xFFFFFF30];
	_ =	sdelay $0x4  }
0x3a7: {  	v1 =	vshra.s32 v3, v1  }
0x3a8: {  	v1 =	vshll.u32 v1, $0x18  }
0x3a9: {  	s10 =	sadd.s32 $0x3, s23;
	v1 =	vshra.s32 v1, $0x18  }
0x3aa: {  	v3 =	vor.u32 s10, v0;
	v1 =	vcvt.s32.f32 v1;
	_ =	sdelay $0x1  }
0x3ab: {  	v1 =	vmul.f32 v1, v2;
	_ =	sdelay $0x1  }
0x3ac: {  	[tilespmem:s7+$0xFFFFFFB0] =	vst v1  }
0x3ad: {  	v1 =	vld.idx.msk [tilespmem:v3+s21+$0x0], $0xffff  }
0x3ae: {  	v2 =	vmov s10;
	v3 =	vld [tilespmem:s30+$0xFFFFFF80];
	_ =	sdelay $0x4  }
0x3af: {  	v2 =	vld.idx.msk [tilespmem:v2+s18+$0x0], $0xffff;
	v3 =	vshra.s32 v3, v1  }
0x3b0: {  	v3 =	vshll.u32 v3, $0x18  }
0x3b1: {  	v3 =	vshra.s32 v3, $0x18  }
0x3b2: {  	v3 =	vcvt.s32.f32 v3;
	_ =	sdelay $0x1  }
0x3b3: {  	v3 =	vmul.f32 v3, v2;
	_ =	sdelay $0x1  }
0x3b4: {  	[tilespmem:s7+$0xFFFFFFC0] =	vst v3  }
0x3b5: {  	v3 =	vld [tilespmem:s30+$0xFFFFFF90];
	_ =	sdelay $0x4  }
0x3b6: {  	v3 =	vshra.s32 v3, v1  }
0x3b7: {  	v3 =	vshll.u32 v3, $0x18  }
0x3b8: {  	v3 =	vshra.s32 v3, $0x18  }
0x3b9: {  	v3 =	vcvt.s32.f32 v3;
	_ =	sdelay $0x1  }
0x3ba: {  	s8 =	sadd.s32 $0xFFFFFF00, s29;
	v3 =	vmul.f32 v3, v2  }
0x3bb: {  	s10 =	sor.u32 $0x50, s8  }
0x3bc: {  	[tilespmem:s10+$0xF500] =	vst v3  }
0x3bd: {  	v3 =	vld [tilespmem:s30+$0xFFFFFFA0];
	_ =	sdelay $0x4  }
0x3be: {  	v3 =	vshra.s32 v3, v1  }
0x3bf: {  	v3 =	vshll.u32 v3, $0x18  }
0x3c0: {  	v3 =	vshra.s32 v3, $0x18  }
0x3c1: {  	v3 =	vcvt.s32.f32 v3;
	_ =	sdelay $0x1  }
0x3c2: {  	v3 =	vmul.f32 v3, v2  }
0x3c3: {  	s10 =	sor.u32 $0x60, s8  }
0x3c4: {  	[tilespmem:s10+$0xF500] =	vst v3  }
0x3c5: {  	v3 =	vld [tilespmem:s30+$0xFFFFFFB0];
	_ =	sdelay $0x4  }
0x3c6: {  	v1 =	vshra.s32 v3, v1  }
0x3c7: {  	v1 =	vshll.u32 v1, $0x18  }
0x3c8: {  	s10 =	sadd.s32 $0x4, s23;
	v1 =	vshra.s32 v1, $0x18  }
0x3c9: {  	v3 =	vor.u32 s10, v0;
	v1 =	vcvt.s32.f32 v1;
	_ =	sdelay $0x1  }
0x3ca: {  	v1 =	vmul.f32 v1, v2  }
0x3cb: {  	s8 =	sor.u32 $0x70, s8  }
0x3cc: {  	[tilespmem:s8+$0xF500] =	vst v1  }
0x3cd: {  	v1 =	vld.idx.msk [tilespmem:v3+s21+$0x0], $0xffff  }
0x3ce: {  	v2 =	vmov s10;
	v3 =	vld [tilespmem:s30+$0x0];
	_ =	sdelay $0x4  }
0x3cf: {  	v2 =	vld.idx.msk [tilespmem:v2+s18+$0x0], $0xffff;
	v3 =	vshra.s32 v3, v1  }
0x3d0: {  	v3 =	vshll.u32 v3, $0x18  }
0x3d1: {  	v3 =	vshra.s32 v3, $0x18  }
0x3d2: {  	v3 =	vcvt.s32.f32 v3;
	_ =	sdelay $0x1  }
0x3d3: {  	v3 =	vmul.f32 v3, v2;
	_ =	sdelay $0x1  }
0x3d4: {  	[tilespmem:s7+$0x0] =	vst v3  }
0x3d5: {  	v3 =	vld [tilespmem:s30+$0x10];
	_ =	sdelay $0x4  }
0x3d6: {  	v3 =	vshra.s32 v3, v1  }
0x3d7: {  	v3 =	vshll.u32 v3, $0x18  }
0x3d8: {  	v3 =	vshra.s32 v3, $0x18  }
0x3d9: {  	v3 =	vcvt.s32.f32 v3;
	_ =	sdelay $0x1  }
0x3da: {  	v3 =	vmul.f32 v3, v2;
	_ =	sdelay $0x1  }
0x3db: {  	[tilespmem:s7+$0x10] =	vst v3  }
0x3dc: {  	v3 =	vld [tilespmem:s30+$0x20];
	_ =	sdelay $0x4  }
0x3dd: {  	v3 =	vshra.s32 v3, v1  }
0x3de: {  	v3 =	vshll.u32 v3, $0x18  }
0x3df: {  	v3 =	vshra.s32 v3, $0x18  }
0x3e0: {  	v3 =	vcvt.s32.f32 v3;
	_ =	sdelay $0x1  }
0x3e1: {  	v3 =	vmul.f32 v3, v2;
	_ =	sdelay $0x1  }
0x3e2: {  	[tilespmem:s7+$0x20] =	vst v3  }
0x3e3: {  	v3 =	vld [tilespmem:s30+$0x30];
	_ =	sdelay $0x4  }
0x3e4: {  	v1 =	vshra.s32 v3, v1  }
0x3e5: {  	v1 =	vshll.u32 v1, $0x18  }
0x3e6: {  	s10 =	sadd.s32 $0x5, s23;
	v1 =	vshra.s32 v1, $0x18  }
0x3e7: {  	v3 =	vor.u32 s10, v0;
	v1 =	vcvt.s32.f32 v1;
	_ =	sdelay $0x1  }
0x3e8: {  	v1 =	vmul.f32 v1, v2;
	_ =	sdelay $0x1  }
0x3e9: {  	[tilespmem:s7+$0x30] =	vst v1  }
0x3ea: {  	v1 =	vld.idx.msk [tilespmem:v3+s21+$0x0], $0xffff  }
0x3eb: {  	v2 =	vmov s10;
	v3 =	vld [tilespmem:s30+$0x80];
	_ =	sdelay $0x4  }
0x3ec: {  	v2 =	vld.idx.msk [tilespmem:v2+s18+$0x0], $0xffff;
	v3 =	vshra.s32 v3, v1  }
0x3ed: {  	v3 =	vshll.u32 v3, $0x18  }
0x3ee: {  	v3 =	vshra.s32 v3, $0x18  }
0x3ef: {  	v3 =	vcvt.s32.f32 v3;
	_ =	sdelay $0x1  }
0x3f0: {  	v3 =	vmul.f32 v3, v2;
	_ =	sdelay $0x1  }
0x3f1: {  	[tilespmem:s7+$0x40] =	vst v3  }
0x3f2: {  	v3 =	vld [tilespmem:s30+$0x90];
	_ =	sdelay $0x4  }
0x3f3: {  	v3 =	vshra.s32 v3, v1  }
0x3f4: {  	v3 =	vshll.u32 v3, $0x18  }
0x3f5: {  	v3 =	vshra.s32 v3, $0x18  }
0x3f6: {  	v3 =	vcvt.s32.f32 v3;
	_ =	sdelay $0x1  }
0x3f7: {  	s8 =	sadd.s32 $0xFFFFFF80, s29;
	v3 =	vmul.f32 v3, v2  }
0x3f8: {  	s10 =	sor.u32 $0x50, s8  }
0x3f9: {  	[tilespmem:s10+$0xF500] =	vst v3  }
0x3fa: {  	v3 =	vld [tilespmem:s30+$0xA0];
	_ =	sdelay $0x4  }
0x3fb: {  	v3 =	vshra.s32 v3, v1  }
0x3fc: {  	v3 =	vshll.u32 v3, $0x18  }
0x3fd: {  	v3 =	vshra.s32 v3, $0x18  }
0x3fe: {  	v3 =	vcvt.s32.f32 v3;
	_ =	sdelay $0x1  }
0x3ff: {  	v3 =	vmul.f32 v3, v2  }
0x400: {  	s10 =	sor.u32 $0x60, s8  }
0x401: {  	[tilespmem:s10+$0xF500] =	vst v3  }
0x402: {  	v3 =	vld [tilespmem:s30+$0xB0];
	_ =	sdelay $0x4  }
0x403: {  	v1 =	vshra.s32 v3, v1  }
0x404: {  	v1 =	vshll.u32 v1, $0x18  }
0x405: {  	s10 =	sadd.s32 $0x6, s23;
	v1 =	vshra.s32 v1, $0x18  }
0x406: {  	v3 =	vor.u32 s10, v0;
	v1 =	vcvt.s32.f32 v1;
	_ =	sdelay $0x1  }
0x407: {  	v1 =	vmul.f32 v1, v2  }
0x408: {  	s8 =	sor.u32 $0x70, s8  }
0x409: {  	[tilespmem:s8+$0xF500] =	vst v1  }
0x40a: {  	v1 =	vld.idx.msk [tilespmem:v3+s21+$0x0], $0xffff  }
0x40b: {  	v2 =	vmov s10;
	v3 =	vld [tilespmem:s30+$0x100];
	_ =	sdelay $0x4  }
0x40c: {  	v2 =	vld.idx.msk [tilespmem:v2+s18+$0x0], $0xffff;
	v3 =	vshra.s32 v3, v1  }
0x40d: {  	v3 =	vshll.u32 v3, $0x18  }
0x40e: {  	v3 =	vshra.s32 v3, $0x18  }
0x40f: {  	v3 =	vcvt.s32.f32 v3;
	_ =	sdelay $0x1  }
0x410: {  	v3 =	vmul.f32 v3, v2;
	_ =	sdelay $0x1  }
0x411: {  	[tilespmem:s7+$0x80] =	vst v3  }
0x412: {  	v3 =	vld [tilespmem:s30+$0x110];
	_ =	sdelay $0x4  }
0x413: {  	v3 =	vshra.s32 v3, v1  }
0x414: {  	v3 =	vshll.u32 v3, $0x18  }
0x415: {  	v3 =	vshra.s32 v3, $0x18  }
0x416: {  	v3 =	vcvt.s32.f32 v3;
	_ =	sdelay $0x1  }
0x417: {  	v3 =	vmul.f32 v3, v2;
	_ =	sdelay $0x1  }
0x418: {  	[tilespmem:s7+$0x90] =	vst v3  }
0x419: {  	v3 =	vld [tilespmem:s30+$0x120];
	_ =	sdelay $0x4  }
0x41a: {  	v3 =	vshra.s32 v3, v1  }
0x41b: {  	v3 =	vshll.u32 v3, $0x18  }
0x41c: {  	v3 =	vshra.s32 v3, $0x18  }
0x41d: {  	v3 =	vcvt.s32.f32 v3;
	_ =	sdelay $0x1  }
0x41e: {  	v3 =	vmul.f32 v3, v2;
	_ =	sdelay $0x1  }
0x41f: {  	[tilespmem:s7+$0xA0] =	vst v3  }
0x420: {  	v3 =	vld [tilespmem:s30+$0x130];
	_ =	sdelay $0x4  }
0x421: {  	v1 =	vshra.s32 v3, v1  }
0x422: {  	v1 =	vshll.u32 v1, $0x18  }
0x423: {  	s10 =	sadd.s32 $0x7, s23;
	v1 =	vshra.s32 v1, $0x18  }
0x424: {  	v3 =	vor.u32 s10, v0;
	v1 =	vcvt.s32.f32 v1;
	_ =	sdelay $0x1  }
0x425: {  	v1 =	vmul.f32 v1, v2;
	_ =	sdelay $0x1  }
0x426: {  	[tilespmem:s7+$0xB0] =	vst v1  }
0x427: {  	v1 =	vld.idx.msk [tilespmem:v3+s21+$0x0], $0xffff  }
0x428: {  	v2 =	vmov s10;
	v3 =	vld [tilespmem:s30+$0x180];
	_ =	sdelay $0x4  }
0x429: {  	v2 =	vld.idx.msk [tilespmem:v2+s18+$0x0], $0xffff;
	v3 =	vshra.s32 v3, v1  }
0x42a: {  	v3 =	vshll.u32 v3, $0x18  }
0x42b: {  	v3 =	vshra.s32 v3, $0x18  }
0x42c: {  	v3 =	vcvt.s32.f32 v3;
	_ =	sdelay $0x1  }
0x42d: {  	v3 =	vmul.f32 v3, v2;
	_ =	sdelay $0x1  }
0x42e: {  	[tilespmem:s7+$0xC0] =	vst v3  }
0x42f: {  	v3 =	vld [tilespmem:s30+$0x190];
	_ =	sdelay $0x4  }
0x430: {  	v3 =	vshra.s32 v3, v1  }
0x431: {  	v3 =	vshll.u32 v3, $0x18  }
0x432: {  	v3 =	vshra.s32 v3, $0x18  }
0x433: {  	v3 =	vcvt.s32.f32 v3;
	_ =	sdelay $0x1  }
0x434: {  	v3 =	vmul.f32 v3, v2  }
0x435: {  	s10 =	sor.u32 $0x50, s29  }
0x436: {  	[tilespmem:s10+$0xF500] =	vst v3  }
0x437: {  	v3 =	vld [tilespmem:s30+$0x1A0];
	_ =	sdelay $0x4  }
0x438: {  	v3 =	vshra.s32 v3, v1  }
0x439: {  	v3 =	vshll.u32 v3, $0x18  }
0x43a: {  	v3 =	vshra.s32 v3, $0x18  }
0x43b: {  	v3 =	vcvt.s32.f32 v3;
	_ =	sdelay $0x1  }
0x43c: {  	v3 =	vmul.f32 v3, v2  }
0x43d: {  	s10 =	sor.u32 $0x60, s29  }
0x43e: {  	[tilespmem:s10+$0xF500] =	vst v3  }
0x43f: {  	v3 =	vld [tilespmem:s30+$0x1B0];
	_ =	sdelay $0x4  }
0x440: {  	v1 =	vshra.s32 v3, v1  }
0x441: {  	v1 =	vshll.u32 v1, $0x18  }
0x442: {  	p0 =	slt.u32 s23, $0x78;
	v1 =	vshra.s32 v1, $0x18  }
.Ltmp4:
0x443: {  	v1 =	vcvt.s32.f32 v1;
	(pc) =	sbr.rel @p0 .LBB2_11-.Ltmp4, $4  }
0x444: {  	_ = 	snop  }
0x445: {  	v1 =	vmul.f32 v1, v2  }
0x446: {  	s23 =	sadd.s32 $0x8, s23;
	s10 =	sor.u32 $0x70, s29  }
0x447: {  	s7 =	sadd.s32 $0x200, s7;
	s29 =	sadd.s32 $0x200, s29;
	s30 =	sadd.s32 $0x400, s30;
	[tilespmem:s10+$0xF500] =	vst v1  }
0x448: {  	s7 =	sadd.s32 $0x3, s16  }
0x449: {  	s8 =	sshll.u32 s24, $0xD;
	s10 =	smulhi.u32 $0x51EB851F, s7  }
0x44a: {  	s8 =	sadd.s32 s9, s8  }
0x44b: {  	s8 =	sshrl.u32 s8, $0x3;
	s10 =	sshrl.u32 s10, $0x4  }
0x44c: {  	s13 =	sadd.s32 $0x1, s13;
	s8 =	sadd.s32 s4, s8;
	s10 =	smul.u32 $0x32, s10  }
0x44d: {  	[hbm4b:s8+s5] =	stream.linear.scatter [tilespmem:s28], [sflag:$0x6], $0x2000, $0x38;
	[tilespmem:$0x11500] =	vst v63  }
0x44e: {  	p0 =	sne.s32 s13, $0x19;
	s7 =	ssub.s32 s7, s10  }
.Ltmp5:
0x44f: {  	s7 =	sshll.u32 s7, $0x7;
	(pc) =	sbr.rel @p0 .LBB2_8-.Ltmp5, $4  }
0x450: {  	s30 =	sadd.s32 $0x1C00, s7  }
0x451: {  	[tilespmem:s17], [sflag:$0x2] =	stream.indirect.gather [hbm4b:s1+s12], $0x80, s30, s12, $0xb8;
	[tilespmem:$0x11500] =	vst v63  }
0x452: {  	_ = 	snop  }
0x453: {  	[tilespmem:s18], [sflag:$0x4] =	stream.indirect.gather [hbm4b:s2+s12], $0x1, s7, s12, $0xb8;
	[tilespmem:$0x11500] =	vst v63  }
0x454: {  	_ =	swait.ge [sflag:s19], $0x4000  }
0x455: {  	[sflag:s19] =	ssyncset.done $0x0  }
0x456: {  	[sflag:s19] =	ssyncadd.s32 $0xFFFFC000  }
0x457: {  	_ =	swait.ge [sflag:s20], $0x80  }
0x458: {  	[sflag:s20] =	ssyncset.done $0x0  }
0x459: {  	[sflag:s20] =	ssyncadd.s32 $0xFFFFFF80  }
0x45a: {  	_ =	swait.ge [sflag:s25], $0x4000  }
0x45b: {  	[sflag:s25] =	ssyncset.done $0x0  }
0x45c: {  	[sflag:s25] =	ssyncadd.s32 $0xFFFFC000  }
0x45d: {  	_ =	swait.ge [sflag:s26], $0x80  }
0x45e: {  	[sflag:s26] =	ssyncset.done $0x0  }
0x45f: {  	[sflag:s26] =	ssyncadd.s32 $0xFFFFFF80  }
0x460: {  	_ =	swait.ge [sflag:s31], $0x2000  }
0x461: {  	[sflag:s31] =	ssyncset.done $0x0  }
0x462: {  	[sflag:s31] =	ssyncadd.s32 $0xFFFFE000  }
0x463: {  	_ =	swait.ge [sflag:s3], $0x2000  }
0x464: {  	s0 =	sadd.s32 $0x1, s0;
	s7 =	rddreg [dreg:$0x7]  }
0x465: {  	p0 =	sne.s32 s0, s7  }
.Ltmp6:
0x466: {  	_ = 	snop;
	(pc) =	sbr.rel @p0 .LBB2_1-.Ltmp6, $3  }
0x467: {  	_ =	sdelay $0x1  }
0x468: {  	[sflag:s3] =	ssyncset.done $0x0  }
0x469: {  	[sflag:s3] =	ssyncadd.s32 $0xFFFFE000  }
0x46a: {  	_ =	sfence.sel $0x180000  }
0x46b: {  	[bflag:$0x0] =	sbarrier.arrive $0xFFFF  }
0x46c: {  	_ =	strace $0x90000047  }
0x46d: {  	s0 =	stileid.u32;
	[bflag:$0x2] =	sbarrier.arrive $0xFFFF  }
0x46e: {  	p0 =	sne.s32 s0, $0x0;
	s0 =	rddreg [dreg:$0x4]  }
0x46f: {  	s0 =	sadd.s32 @!p0 $0x100000, s0  }
0x470: {  	[sflag:s0] =	ssyncadd.tile.s32 @!p0 $0x1;
	_ =	shalt  }
.Lfunc_end2:
_tile_overlayer_lowered:
.L_overlay_start_2:
0x471: {  	(tag) =	ssettag $0x2  }
0x472: {  	s0 =	rddreg [dreg:$0x0];
	s2 =	stileid.u32  }
0x473: {  	s1 =	rddreg [dreg:$0x1];
	p0 =	sne.s32 s2, $0x0  }
0x474: {  	s3 =	rddreg [dreg:$0x2];
	[bflag:$0x3] =	sbarrier.arrive $0xFFFF;
	s2 =	simm.s32 @!p0 $0x1C07  }
0x475: {  	[timem:s3], [sflag:s2] =	dma.local @!p0 [hbm:s0], s1  }
0x476: {  	s0 =	simm.s32 @!p0 $0x7  }
0x477: {  	_ =	swait.ge @!p0 [sflag:s0], s1  }
0x478: {  	s1 =	ssub.s32 @!p0 $0x0, s1;
	[sflag:s0] =	ssyncset.done @!p0 $0x0  }
0x479: {  	[sflag:s0] =	ssyncadd.s32 @!p0 s1  }
0x47a: {  	[bflag:$0x3] =	sbarrier.arrive $0xFFFF  }
0x47b: {  	_ =	shalt  }

</sc_bundles>
